<compile_context>
chip_gen: v7x
topology: tpu7x:2x2x1
jax: 0.10.2.dev20260603
libtpu: 0.0.44.dev20260713+nightly
codegen_flags: <defaults>
</compile_context>

<pallas_src>
import functools

import jax
import jax.numpy as jnp
from jax import lax
from jax.experimental import pallas as pl
from jax.experimental.pallas import tpu as pltpu
from jax.experimental.pallas import tpu_sc as plsc

_B = 1024
_NS1 = 10
_NS0 = 25
_D = 128
_NC, _NS = 2, 16
_NW = _NC * _NS
_NB = _B // _NW
_S1 = _NB * _NS1
_CH = 8
_ROWS = _CH * _NS0
_NCHUNK = _S1 // _CH



def _sc_body(feat, adjv, bat, h0_o, h1_o, s2_o,
             ids_v, h0r, adj1, s1, adj2, adj2b, s2,
             rb0, rb1, rb2, rb3, st0, st1,
             sem_a, sg0, sg1, sg2, sg3, ss0, ss1):
    wid = lax.axis_index("s") * _NC + lax.axis_index("c")
    base_b = pl.multiple_of(wid * _NB, 8)
    lane = lax.iota(jnp.int32, 16)
    c25 = jnp.full((16,), _NS0, jnp.int32)

    pltpu.sync_copy(bat.at[pl.ds(base_b, _NB)], ids_v)
    cp1 = pltpu.async_copy(adjv.at[ids_v], adj1, sem_a)
    cp2 = pltpu.async_copy(feat.at[ids_v], h0r, sem_a)
    cp1.wait()
    cp2.wait()
    pltpu.sync_copy(h0r, h0_o.at[pl.ds(base_b, _NB)])

    for g in range(_S1 // 16):
        k = lane + g * 16
        li = k & 31
        j = lax.shift_right_logical(k, 5)
        s1[pl.ds(g * 16, 16)] = plsc.load_gather(adj1, [li, j])

    cps = []
    for off, n, dst, doff in ((0, 128, rb0, 0), (128, 64, rb0, 128),
                              (192, 128, rb1, 0)):
        cps.append(pltpu.async_copy(feat.at[s1.at[pl.ds(off, n)]],
                                    dst.at[pl.ds(doff, n)], sem_a))

    adjs, asems = (adj2, adj2b), (sg0, sg1)
    acps = [pltpu.async_copy(adjv.at[s1.at[pl.ds(0, 80)]], adj2, sg0), None]

    for c in cps:
        c.wait()
    hcps = []
    for j in range(_NS1):
        srcbuf = rb0 if j < 6 else rb1
        soff = j * _NB if j < 6 else (j - 6) * _NB
        hcps.append(pltpu.async_copy(srcbuf.at[pl.ds(soff, _NB)],
                                     h1_o.at[pl.ds(j * _B + base_b, _NB)],
                                     sem_a))

    for q in range(4):
        if q + 1 < 4:
            acps[(q + 1) % 2] = pltpu.async_copy(
                adjv.at[s1.at[pl.ds((q + 1) * 80, 80)]],
                adjs[(q + 1) % 2], asems[(q + 1) % 2])
        acps[q % 2].wait()
        a2 = adjs[q % 2]

        def ext_body(g, _, q=q, a2=a2):
            k = lane + g * 16
            slot = lax.div(k, c25)
            j = k - slot * _NS0
            vals = plsc.load_gather(a2, [slot, j])
            s2[pl.ds(pl.multiple_of(q * 2000 + g * 16, 8), 16)] = vals
            return 0
        lax.fori_loop(0, 2000 // 16, ext_body, 0)

    for c in hcps:
        c.wait()

    rbs = (rb0, rb1, rb2, rb3)
    sts, sgs, sss = (st0, st1), (sg0, sg1, sg2, sg3), (ss0, ss1)

    def start_gather(c, b):
        for doff, n in ((0, 64), (64, 64), (128, 72)):
            off = pl.multiple_of(c * _ROWS + doff, 8)
            pltpu.async_copy(feat.at[s2.at[pl.ds(off, n)]],
                             rbs[b].at[pl.ds(doff, n)], sgs[b])

    def wait_gather(b):
        pltpu.make_async_copy(feat.at[pl.ds(0, _ROWS)], rbs[b], sgs[b]).wait()

    def wait_store(b):
        pltpu.make_async_copy(sts[b], s2_o.at[pl.ds(0, _CH)], sss[b]).wait()

    def acc_chunk(rb, st):
        def seg_body(sl, _):
            rbase = sl * _NS0

            def row5_body(r5, accs):
                row = rbase + r5 * 5
                for r in range(5):
                    accs = tuple(accs[v] + rb[row + r, pl.ds(v * 16, 16)]
                                 for v in range(8))
                return accs

            accs = lax.fori_loop(
                0, _NS0 // 5, row5_body,
                tuple(jnp.zeros((16,), jnp.float32) for _ in range(8)))
            for v in range(8):
                st[sl, pl.ds(v * 16, 16)] = accs[v]
            return 0
        lax.fori_loop(0, _CH, seg_body, 0)

    start_gather(0, 0)
    start_gather(1, 1)
    start_gather(2, 2)

    def quad_body(p, _):
        for b in range(4):
            c = p * 4 + b

            @pl.when(c + 3 < _NCHUNK)
            def _():
                start_gather(c + 3, (b + 3) % 4)

            wait_gather(b)

            @pl.when(c >= 2)
            def _():
                wait_store(b % 2)

            acc_chunk(rbs[b], sts[b % 2])
            row0 = (lax.shift_right_logical(c, 2) * _B + base_b
                    + lax.shift_left(c & 3, 3))
            pltpu.async_copy(
                sts[b % 2], s2_o.at[pl.ds(pl.multiple_of(row0, 8), _CH)],
                sss[b % 2])
        return 0

    lax.fori_loop(0, _NCHUNK // 4, quad_body, 0)
    wait_store(0)
    wait_store(1)


def _sc_stage(features, adj, batch1):
    f32, i32 = jnp.float32, jnp.int32
    fn = functools.partial(
        pl.kernel,
        out_type=[
            jax.ShapeDtypeStruct((_B, _D), f32),
            jax.ShapeDtypeStruct((_B * _NS1, _D), f32),
            jax.ShapeDtypeStruct((_B * _NS1, _D), f32),
        ],
        mesh=plsc.VectorSubcoreMesh(core_axis_name="c", subcore_axis_name="s"),
        compiler_params=pltpu.CompilerParams(needs_layout_passes=False, use_tc_tiling_on_sc=False),
        scratch_types=[
            pltpu.VMEM((_NB,), i32),
            pltpu.VMEM((_NB, _D), f32),
            pltpu.VMEM((_NB, 32), i32),
            pltpu.VMEM((_S1,), i32),
            pltpu.VMEM((80, 32), i32),
            pltpu.VMEM((80, 32), i32),
            pltpu.VMEM((_S1 * _NS0,), i32),
            pltpu.VMEM((_ROWS, _D), f32),
            pltpu.VMEM((_ROWS, _D), f32),
            pltpu.VMEM((_ROWS, _D), f32),
            pltpu.VMEM((_ROWS, _D), f32),
            pltpu.VMEM((_CH, _D), f32),
            pltpu.VMEM((_CH, _D), f32),
            pltpu.SemaphoreType.DMA,
            pltpu.SemaphoreType.DMA,
            pltpu.SemaphoreType.DMA,
            pltpu.SemaphoreType.DMA,
            pltpu.SemaphoreType.DMA,
            pltpu.SemaphoreType.DMA,
            pltpu.SemaphoreType.DMA,
        ],
    )(_sc_body)
    return fn(features, adj, batch1)



def _tc_body(h0_ref, h1_ref, s2sum_ref, ws0_ref, wn0_ref, ws1_ref, wn1_ref,
             out_ref):
    ws0 = ws0_ref[...]
    wn0 = wn0_ref[...]
    h0 = h0_ref[...]
    h1 = h1_ref[...]
    nm0 = h1[:_B]
    for j in range(1, _NS1):
        nm0 = nm0 + h1[j * _B:(j + 1) * _B]
    nm0 = nm0 * (1.0 / _NS1)
    a00 = jax.nn.relu(jnp.dot(h0, ws0, preferred_element_type=jnp.float32))
    b00 = jax.nn.relu(jnp.dot(nm0, wn0, preferred_element_type=jnp.float32))
    nm1 = s2sum_ref[...] * (1.0 / _NS0)
    a01 = jax.nn.relu(jnp.dot(h1, ws0, preferred_element_type=jnp.float32))
    b01 = jax.nn.relu(jnp.dot(nm1, wn0, preferred_element_type=jnp.float32))
    nma = a01[:_B]
    nmb = b01[:_B]
    for j in range(1, _NS1):
        nma = nma + a01[j * _B:(j + 1) * _B]
        nmb = nmb + b01[j * _B:(j + 1) * _B]
    nma = nma * (1.0 / _NS1)
    nmb = nmb * (1.0 / _NS1)
    ws1 = ws1_ref[...]
    wn1 = wn1_ref[...]
    fs = (jnp.dot(a00, ws1[:_D], preferred_element_type=jnp.float32)
          + jnp.dot(b00, ws1[_D:], preferred_element_type=jnp.float32))
    fn = (jnp.dot(nma, wn1[:_D], preferred_element_type=jnp.float32)
          + jnp.dot(nmb, wn1[_D:], preferred_element_type=jnp.float32))
    out = jnp.concatenate([fs, fn], axis=1)
    norm2 = jnp.sum(out * out, axis=1, keepdims=True)
    out_ref[...] = out * jax.lax.rsqrt(jnp.maximum(norm2, 1e-24))


def _dense_stage(h0, h1, s2sum, ws0, wn0, ws1, wn1):
    return pl.pallas_call(
        _tc_body,
        out_shape=jax.ShapeDtypeStruct((_B, 2 * _D), jnp.float32),
    )(h0, h1, s2sum, ws0, wn0, ws1, wn1)


def kernel(features, adj, batch1, W_self_0, W_neigh_0, W_self_1, W_neigh_1):
    h0, h1, s2sum = _sc_stage(features, adj, batch1)
    return _dense_stage(h0, h1, s2sum, W_self_0, W_neigh_0, W_self_1, W_neigh_1)

# --- scband reference (transcript-rebuilt; emitter-appended) ---
"""Pipeline reference for scband-sample-and-aggregate-51419348467782 (READ-ONLY COPY).

The authoritative reference and input builder live on the scoring server;
editing this copy changes nothing except your own understanding.
"""

import jax, jax.numpy as jnp
import numpy as np

N_NODES = 50000
D_FEAT = 128
MAX_DEG = 32
BATCH = 1024
NUM_SAMPLES = [25, 10]  # layer_infos[0].num_samples, layer_infos[1].num_samples
DIMS = [128, 128, 128]


def setup_inputs(seed: int = 0) -> dict:
    key = jax.random.key(seed)
    k1, k2, k3, k4, k5, k6, k7 = jax.random.split(key, 7)
    features = jax.random.normal(k1, (N_NODES, D_FEAT), dtype=jnp.float32)
    adj = jax.random.randint(k2, (N_NODES, MAX_DEG), 0, N_NODES, dtype=jnp.int32)
    batch1 = jax.random.randint(k3, (BATCH,), 0, N_NODES, dtype=jnp.int32)
    g0 = 1.0 / np.sqrt(D_FEAT)
    W_self_0 = jax.random.normal(k4, (D_FEAT, DIMS[1]), dtype=jnp.float32) * g0
    W_neigh_0 = jax.random.normal(k5, (D_FEAT, DIMS[1]), dtype=jnp.float32) * g0
    g1 = 1.0 / np.sqrt(2 * DIMS[1])
    W_self_1 = jax.random.normal(k6, (2 * DIMS[1], DIMS[2]), dtype=jnp.float32) * g1
    W_neigh_1 = jax.random.normal(k7, (2 * DIMS[1], DIMS[2]), dtype=jnp.float32) * g1
    return {
        "features": features,
        "adj": adj,
        "batch1": batch1,
        "W_self_0": W_self_0,
        "W_neigh_0": W_neigh_0,
        "W_self_1": W_self_1,
        "W_neigh_1": W_neigh_1,
    }


def reference(features, adj, batch1, W_self_0, W_neigh_0, W_self_1, W_neigh_1):
    batch_size = batch1.shape[0]
    L = len(NUM_SAMPLES)
    # ---- sample(): uniform neighbor sampler via adjacency-table gather ----
    samples = [batch1]
    support_size = 1
    support_sizes = [1]
    for k in range(L):
        t = L - k - 1
        ns = NUM_SAMPLES[t]
        support_size *= ns
        neigh = jnp.take(adj, samples[k], axis=0)[:, :ns]
        samples.append(neigh.reshape(support_size * batch_size))
        support_sizes.append(support_size)
    # ---- aggregate(): embedding lookups + MeanAggregator per hop ----
    hidden = [jnp.take(features, s, axis=0) for s in samples]
    Ws = [(W_self_0, W_neigh_0), (W_self_1, W_neigh_1)]
    for layer in range(L):
        W_self, W_neigh = Ws[layer]
        next_hidden = []
        for hop in range(L - layer):
            dim_mult = 2 if layer != 0 else 1
            neigh_dims = (batch_size * support_sizes[hop], NUM_SAMPLES[L - hop - 1], dim_mult * DIMS[layer])
            self_vecs = hidden[hop]
            neigh_vecs = hidden[hop + 1].reshape(neigh_dims)
            neigh_means = jnp.mean(neigh_vecs, axis=1)
            from_self = self_vecs @ W_self
            from_neighs = neigh_means @ W_neigh
            h = jnp.concatenate([from_self, from_neighs], axis=1)  # concat=True
            if layer < L - 1:
                h = jax.nn.relu(h)  # act=relu except last layer (identity)
            next_hidden.append(h)
        hidden = next_hidden
    out = hidden[0]
    # GraphSAGE unsupervised: l2-normalize final node embeddings
    out = out / jnp.maximum(jnp.linalg.norm(out, axis=1, keepdims=True), 1e-12)
    return out

if __name__ == "__main__":
    import jax
    _d = setup_inputs()
    print(jax.jit(kernel)(*tuple(_d.values())))

</pallas_src>

<mosaic_0001>
#map = affine_map<(d0, d1) -> (0, 0)>
#map1 = affine_map<(d0, d1) -> (0)>
module attributes {stable_mosaic.version = 14 : i64} {
  func.func @_sc_body(%arg0: i32, %arg1: i32, %arg2: memref<50000x128xf32, #tpu.memory_space<hbm>>, %arg3: memref<50000x32xi32, #tpu.memory_space<hbm>>, %arg4: memref<1024xi32, #tpu.memory_space<hbm>>, %arg5: memref<1024x128xf32, #tpu.memory_space<hbm>>, %arg6: memref<10240x128xf32, #tpu.memory_space<hbm>>, %arg7: memref<10240x128xf32, #tpu.memory_space<hbm>>, %arg8: memref<32xi32, #tpu.memory_space<vmem>>, %arg9: memref<32x128xf32, #tpu.memory_space<vmem>>, %arg10: memref<32x32xi32, #tpu.memory_space<vmem>>, %arg11: memref<320xi32, #tpu.memory_space<vmem>>, %arg12: memref<80x32xi32, #tpu.memory_space<vmem>>, %arg13: memref<80x32xi32, #tpu.memory_space<vmem>>, %arg14: memref<8000xi32, #tpu.memory_space<vmem>>, %arg15: memref<200x128xf32, #tpu.memory_space<vmem>>, %arg16: memref<200x128xf32, #tpu.memory_space<vmem>>, %arg17: memref<200x128xf32, #tpu.memory_space<vmem>>, %arg18: memref<200x128xf32, #tpu.memory_space<vmem>>, %arg19: memref<8x128xf32, #tpu.memory_space<vmem>>, %arg20: memref<8x128xf32, #tpu.memory_space<vmem>>, %arg21: memref<!tpu.dma_semaphore, #tpu.memory_space<semaphore_mem>>, %arg22: memref<!tpu.dma_semaphore, #tpu.memory_space<semaphore_mem>>, %arg23: memref<!tpu.dma_semaphore, #tpu.memory_space<semaphore_mem>>, %arg24: memref<!tpu.dma_semaphore, #tpu.memory_space<semaphore_mem>>, %arg25: memref<!tpu.dma_semaphore, #tpu.memory_space<semaphore_mem>>, %arg26: memref<!tpu.dma_semaphore, #tpu.memory_space<semaphore_mem>>, %arg27: memref<!tpu.dma_semaphore, #tpu.memory_space<semaphore_mem>>) attributes {dimension_semantics = [#tpu.dimension_semantics<core_parallel>, #tpu.dimension_semantics<subcore_parallel>], iteration_bounds = array<i64: 2, 16>, scalar_prefetch = 0 : i64, scratch_operands = 20 : i64, tpu.core_type = #tpu.core_type<sc_vector_subcore>, window_params = [{transform_indices = #map}, {transform_indices = #map}, {transform_indices = #map1}, {transform_indices = #map}, {transform_indices = #map}, {transform_indices = #map}]} {
    %mul3A = arith.constant 2 : i32
    %mul3A_0 = arith.muli %arg1, %mul3A : i32
    %add3A = arith.addi %mul3A_0, %arg0 : i32
    %mul3A_1 = arith.constant 32 : i32
    %mul3A_2 = arith.muli %add3A, %mul3A_1 : i32
    %multiple_of3A = tpu.assume_multiple %mul3A_2, 8 : i32
    %iota3A = tpu.iota {dimensions = array<i32: 0>} : vector<16xi32>
    %broadcast_in_dim3A = arith.constant 25 : i32
    %broadcast_in_dim3A_3 = vector.broadcast %broadcast_in_dim3A : i32 to vector<16xi32>
    "tpu.region"() ({
      %run_scoped3A = tpu.sem_alloc : memref<!tpu.dma_semaphore, #tpu.memory_space<semaphore_mem>>
      %dma_start3A_685 = tpu.memref_slice %arg4[%multiple_of3A] : memref<1024xi32, #tpu.memory_space<hbm>> -> memref<32xi32, #tpu.memory_space<hbm>>
      %dma_start3A_686 = tpu.memref_slice %arg4[%multiple_of3A] : memref<1024xi32, #tpu.memory_space<hbm>> -> memref<32xi32, #tpu.memory_space<hbm>>
      tpu.enqueue_dma source(%dma_start3A_686 : memref<32xi32, #tpu.memory_space<hbm>>) target(%arg8 : memref<32xi32, #tpu.memory_space<vmem>>) target_semaphore(%run_scoped3A : memref<!tpu.dma_semaphore, #tpu.memory_space<semaphore_mem>>)
      %dma_wait3A_687 = tpu.memref_slice %arg4[%multiple_of3A] : memref<1024xi32, #tpu.memory_space<hbm>> -> memref<32xi32, #tpu.memory_space<hbm>>
      %dma_wait3A_688 = tpu.memref_slice %arg4[%multiple_of3A] : memref<1024xi32, #tpu.memory_space<hbm>> -> memref<32xi32, #tpu.memory_space<hbm>>
      tpu.wait_dma2 semaphore(%run_scoped3A : memref<!tpu.dma_semaphore, #tpu.memory_space<semaphore_mem>>) src(%dma_wait3A_688 : memref<32xi32, #tpu.memory_space<hbm>>) dst(%arg8 : memref<32xi32, #tpu.memory_space<vmem>>)
      tpu.yield
    }) : () -> ()
    %dma_start3A = arith.constant 0 : i32
    %dma_start3A_4 = arith.constant 0 : i32
    %dma_start3A_5 = tpu.memref_slice %arg3[%dma_start3A, %dma_start3A_4] : memref<50000x32xi32, #tpu.memory_space<hbm>> -> memref<50000x32xi32, #tpu.memory_space<hbm>>
    tpu.enqueue_indirect_dma source(%dma_start3A_5 : memref<50000x32xi32, #tpu.memory_space<hbm>>) target(%arg10 : memref<32x32xi32, #tpu.memory_space<vmem>>) offsets(%arg8 : memref<32xi32, #tpu.memory_space<vmem>>) semaphore(%arg21 : memref<!tpu.dma_semaphore, #tpu.memory_space<semaphore_mem>>)
    %dma_start3A_6 = arith.constant 0 : i32
    %dma_start3A_7 = arith.constant 0 : i32
    %dma_start3A_8 = tpu.memref_slice %arg2[%dma_start3A_6, %dma_start3A_7] : memref<50000x128xf32, #tpu.memory_space<hbm>> -> memref<50000x128xf32, #tpu.memory_space<hbm>>
    tpu.enqueue_indirect_dma source(%dma_start3A_8 : memref<50000x128xf32, #tpu.memory_space<hbm>>) target(%arg9 : memref<32x128xf32, #tpu.memory_space<vmem>>) offsets(%arg8 : memref<32xi32, #tpu.memory_space<vmem>>) semaphore(%arg21 : memref<!tpu.dma_semaphore, #tpu.memory_space<semaphore_mem>>)
    %dma_wait3A = arith.constant 0 : i32
    %dma_wait3A_9 = arith.constant 0 : i32
    %dma_wait3A_10 = tpu.memref_slice %arg3[%dma_wait3A, %dma_wait3A_9] : memref<50000x32xi32, #tpu.memory_space<hbm>> -> memref<50000x32xi32, #tpu.memory_space<hbm>>
    tpu.wait_indirect_dma semaphore(%arg21 : memref<!tpu.dma_semaphore, #tpu.memory_space<semaphore_mem>>) src(%dma_wait3A_10 : memref<50000x32xi32, #tpu.memory_space<hbm>>) dst(%arg10 : memref<32x32xi32, #tpu.memory_space<vmem>>)
    %dma_wait3A_11 = arith.constant 0 : i32
    %dma_wait3A_12 = arith.constant 0 : i32
    %dma_wait3A_13 = tpu.memref_slice %arg2[%dma_wait3A_11, %dma_wait3A_12] : memref<50000x128xf32, #tpu.memory_space<hbm>> -> memref<50000x128xf32, #tpu.memory_space<hbm>>
    tpu.wait_indirect_dma semaphore(%arg21 : memref<!tpu.dma_semaphore, #tpu.memory_space<semaphore_mem>>) src(%dma_wait3A_13 : memref<50000x128xf32, #tpu.memory_space<hbm>>) dst(%arg9 : memref<32x128xf32, #tpu.memory_space<vmem>>)
    "tpu.region"() ({
      %run_scoped3A = tpu.sem_alloc : memref<!tpu.dma_semaphore, #tpu.memory_space<semaphore_mem>>
      %dma_start3A_685 = arith.constant 0 : i32
      %dma_start3A_686 = tpu.memref_slice %arg5[%multiple_of3A, %dma_start3A_685] : memref<1024x128xf32, #tpu.memory_space<hbm>> -> memref<32x128xf32, #tpu.memory_space<hbm>>
      %dma_start3A_687 = arith.constant 0 : i32
      %dma_start3A_688 = tpu.memref_slice %arg5[%multiple_of3A, %dma_start3A_687] : memref<1024x128xf32, #tpu.memory_space<hbm>> -> memref<32x128xf32, #tpu.memory_space<hbm>>
      tpu.enqueue_dma source(%arg9 : memref<32x128xf32, #tpu.memory_space<vmem>>) target(%dma_start3A_688 : memref<32x128xf32, #tpu.memory_space<hbm>>) target_semaphore(%run_scoped3A : memref<!tpu.dma_semaphore, #tpu.memory_space<semaphore_mem>>)
      %dma_wait3A_689 = arith.constant 0 : i32
      %dma_wait3A_690 = tpu.memref_slice %arg5[%multiple_of3A, %dma_wait3A_689] : memref<1024x128xf32, #tpu.memory_space<hbm>> -> memref<32x128xf32, #tpu.memory_space<hbm>>
      %dma_wait3A_691 = arith.constant 0 : i32
      %dma_wait3A_692 = tpu.memref_slice %arg5[%multiple_of3A, %dma_wait3A_691] : memref<1024x128xf32, #tpu.memory_space<hbm>> -> memref<32x128xf32, #tpu.memory_space<hbm>>
      tpu.wait_dma2 semaphore(%run_scoped3A : memref<!tpu.dma_semaphore, #tpu.memory_space<semaphore_mem>>) src(%arg9 : memref<32x128xf32, #tpu.memory_space<vmem>>) dst(%dma_wait3A_692 : memref<32x128xf32, #tpu.memory_space<hbm>>)
      tpu.yield
    }) : () -> ()
    %add3A_14 = arith.constant 0 : i32
    %add3A_15 = vector.broadcast %add3A_14 : i32 to vector<16xi32>
    %add3A_16 = arith.addi %iota3A, %add3A_15 : vector<16xi32>
    %and3A = arith.constant 31 : i32
    %and3A_17 = vector.broadcast %and3A : i32 to vector<16xi32>
    %and3A_18 = arith.andi %add3A_16, %and3A_17 : vector<16xi32>
    %shift_right_logical3A = arith.constant 5 : i32
    %shift_right_logical3A_19 = vector.broadcast %shift_right_logical3A : i32 to vector<16xi32>
    %shift_right_logical3A_20 = arith.shrui %add3A_16, %shift_right_logical3A_19 : vector<16xi32>
    %gather3A = tpu.vector_load_idx %arg10[%and3A_18, %shift_right_logical3A_20] : memref<32x32xi32, #tpu.memory_space<vmem>>[vector<16xi32>, vector<16xi32>], vector<16xi32>,
    %swap3A = arith.constant 0 : index
    %swap3A_21 = tpu.vector_load %arg11[%swap3A] {strides = array<i32>} : memref<320xi32, #tpu.memory_space<vmem>>, vector<16xi32>,
    tpu.vector_store %arg11[%swap3A], %gather3A {strides = array<i32>} : memref<320xi32, #tpu.memory_space<vmem>>, vector<16xi32>,
    %add3A_22 = arith.constant 16 : i32
    %add3A_23 = vector.broadcast %add3A_22 : i32 to vector<16xi32>
    %add3A_24 = arith.addi %iota3A, %add3A_23 : vector<16xi32>
    %and3A_25 = arith.constant 31 : i32
    %and3A_26 = vector.broadcast %and3A_25 : i32 to vector<16xi32>
    %and3A_27 = arith.andi %add3A_24, %and3A_26 : vector<16xi32>
    %shift_right_logical3A_28 = arith.constant 5 : i32
    %shift_right_logical3A_29 = vector.broadcast %shift_right_logical3A_28 : i32 to vector<16xi32>
    %shift_right_logical3A_30 = arith.shrui %add3A_24, %shift_right_logical3A_29 : vector<16xi32>
    %gather3A_31 = tpu.vector_load_idx %arg10[%and3A_27, %shift_right_logical3A_30] : memref<32x32xi32, #tpu.memory_space<vmem>>[vector<16xi32>, vector<16xi32>], vector<16xi32>,
    %swap3A_32 = arith.constant 16 : index
    %swap3A_33 = tpu.vector_load %arg11[%swap3A_32] {strides = array<i32>} : memref<320xi32, #tpu.memory_space<vmem>>, vector<16xi32>,
    tpu.vector_store %arg11[%swap3A_32], %gather3A_31 {strides = array<i32>} : memref<320xi32, #tpu.memory_space<vmem>>, vector<16xi32>,
    %add3A_34 = arith.constant 32 : i32
    %add3A_35 = vector.broadcast %add3A_34 : i32 to vector<16xi32>
    %add3A_36 = arith.addi %iota3A, %add3A_35 : vector<16xi32>
    %and3A_37 = arith.constant 31 : i32
    %and3A_38 = vector.broadcast %and3A_37 : i32 to vector<16xi32>
    %and3A_39 = arith.andi %add3A_36, %and3A_38 : vector<16xi32>
    %shift_right_logical3A_40 = arith.constant 5 : i32
    %shift_right_logical3A_41 = vector.broadcast %shift_right_logical3A_40 : i32 to vector<16xi32>
    %shift_right_logical3A_42 = arith.shrui %add3A_36, %shift_right_logical3A_41 : vector<16xi32>
    %gather3A_43 = tpu.vector_load_idx %arg10[%and3A_39, %shift_right_logical3A_42] : memref<32x32xi32, #tpu.memory_space<vmem>>[vector<16xi32>, vector<16xi32>], vector<16xi32>,
    %swap3A_44 = arith.constant 32 : index
    %swap3A_45 = tpu.vector_load %arg11[%swap3A_44] {strides = array<i32>} : memref<320xi32, #tpu.memory_space<vmem>>, vector<16xi32>,
    tpu.vector_store %arg11[%swap3A_44], %gather3A_43 {strides = array<i32>} : memref<320xi32, #tpu.memory_space<vmem>>, vector<16xi32>,
    %add3A_46 = arith.constant 48 : i32
    %add3A_47 = vector.broadcast %add3A_46 : i32 to vector<16xi32>
    %add3A_48 = arith.addi %iota3A, %add3A_47 : vector<16xi32>
    %and3A_49 = arith.constant 31 : i32
    %and3A_50 = vector.broadcast %and3A_49 : i32 to vector<16xi32>
    %and3A_51 = arith.andi %add3A_48, %and3A_50 : vector<16xi32>
    %shift_right_logical3A_52 = arith.constant 5 : i32
    %shift_right_logical3A_53 = vector.broadcast %shift_right_logical3A_52 : i32 to vector<16xi32>
    %shift_right_logical3A_54 = arith.shrui %add3A_48, %shift_right_logical3A_53 : vector<16xi32>
    %gather3A_55 = tpu.vector_load_idx %arg10[%and3A_51, %shift_right_logical3A_54] : memref<32x32xi32, #tpu.memory_space<vmem>>[vector<16xi32>, vector<16xi32>], vector<16xi32>,
    %swap3A_56 = arith.constant 48 : index
    %swap3A_57 = tpu.vector_load %arg11[%swap3A_56] {strides = array<i32>} : memref<320xi32, #tpu.memory_space<vmem>>, vector<16xi32>,
    tpu.vector_store %arg11[%swap3A_56], %gather3A_55 {strides = array<i32>} : memref<320xi32, #tpu.memory_space<vmem>>, vector<16xi32>,
    %add3A_58 = arith.constant 64 : i32
    %add3A_59 = vector.broadcast %add3A_58 : i32 to vector<16xi32>
    %add3A_60 = arith.addi %iota3A, %add3A_59 : vector<16xi32>
    %and3A_61 = arith.constant 31 : i32
    %and3A_62 = vector.broadcast %and3A_61 : i32 to vector<16xi32>
    %and3A_63 = arith.andi %add3A_60, %and3A_62 : vector<16xi32>
    %shift_right_logical3A_64 = arith.constant 5 : i32
    %shift_right_logical3A_65 = vector.broadcast %shift_right_logical3A_64 : i32 to vector<16xi32>
    %shift_right_logical3A_66 = arith.shrui %add3A_60, %shift_right_logical3A_65 : vector<16xi32>
    %gather3A_67 = tpu.vector_load_idx %arg10[%and3A_63, %shift_right_logical3A_66] : memref<32x32xi32, #tpu.memory_space<vmem>>[vector<16xi32>, vector<16xi32>], vector<16xi32>,
    %swap3A_68 = arith.constant 64 : index
    %swap3A_69 = tpu.vector_load %arg11[%swap3A_68] {strides = array<i32>} : memref<320xi32, #tpu.memory_space<vmem>>, vector<16xi32>,
    tpu.vector_store %arg11[%swap3A_68], %gather3A_67 {strides = array<i32>} : memref<320xi32, #tpu.memory_space<vmem>>, vector<16xi32>,
    %add3A_70 = arith.constant 80 : i32
    %add3A_71 = vector.broadcast %add3A_70 : i32 to vector<16xi32>
    %add3A_72 = arith.addi %iota3A, %add3A_71 : vector<16xi32>
    %and3A_73 = arith.constant 31 : i32
    %and3A_74 = vector.broadcast %and3A_73 : i32 to vector<16xi32>
    %and3A_75 = arith.andi %add3A_72, %and3A_74 : vector<16xi32>
    %shift_right_logical3A_76 = arith.constant 5 : i32
    %shift_right_logical3A_77 = vector.broadcast %shift_right_logical3A_76 : i32 to vector<16xi32>
    %shift_right_logical3A_78 = arith.shrui %add3A_72, %shift_right_logical3A_77 : vector<16xi32>
    %gather3A_79 = tpu.vector_load_idx %arg10[%and3A_75, %shift_right_logical3A_78] : memref<32x32xi32, #tpu.memory_space<vmem>>[vector<16xi32>, vector<16xi32>], vector<16xi32>,
    %swap3A_80 = arith.constant 80 : index
    %swap3A_81 = tpu.vector_load %arg11[%swap3A_80] {strides = array<i32>} : memref<320xi32, #tpu.memory_space<vmem>>, vector<16xi32>,
    tpu.vector_store %arg11[%swap3A_80], %gather3A_79 {strides = array<i32>} : memref<320xi32, #tpu.memory_space<vmem>>, vector<16xi32>,
    %add3A_82 = arith.constant 96 : i32
    %add3A_83 = vector.broadcast %add3A_82 : i32 to vector<16xi32>
    %add3A_84 = arith.addi %iota3A, %add3A_83 : vector<16xi32>
    %and3A_85 = arith.constant 31 : i32
    %and3A_86 = vector.broadcast %and3A_85 : i32 to vector<16xi32>
    %and3A_87 = arith.andi %add3A_84, %and3A_86 : vector<16xi32>
    %shift_right_logical3A_88 = arith.constant 5 : i32
    %shift_right_logical3A_89 = vector.broadcast %shift_right_logical3A_88 : i32 to vector<16xi32>
    %shift_right_logical3A_90 = arith.shrui %add3A_84, %shift_right_logical3A_89 : vector<16xi32>
    %gather3A_91 = tpu.vector_load_idx %arg10[%and3A_87, %shift_right_logical3A_90] : memref<32x32xi32, #tpu.memory_space<vmem>>[vector<16xi32>, vector<16xi32>], vector<16xi32>,
    %swap3A_92 = arith.constant 96 : index
    %swap3A_93 = tpu.vector_load %arg11[%swap3A_92] {strides = array<i32>} : memref<320xi32, #tpu.memory_space<vmem>>, vector<16xi32>,
    tpu.vector_store %arg11[%swap3A_92], %gather3A_91 {strides = array<i32>} : memref<320xi32, #tpu.memory_space<vmem>>, vector<16xi32>,
    %add3A_94 = arith.constant 112 : i32
    %add3A_95 = vector.broadcast %add3A_94 : i32 to vector<16xi32>
    %add3A_96 = arith.addi %iota3A, %add3A_95 : vector<16xi32>
    %and3A_97 = arith.constant 31 : i32
    %and3A_98 = vector.broadcast %and3A_97 : i32 to vector<16xi32>
    %and3A_99 = arith.andi %add3A_96, %and3A_98 : vector<16xi32>
    %shift_right_logical3A_100 = arith.constant 5 : i32
    %shift_right_logical3A_101 = vector.broadcast %shift_right_logical3A_100 : i32 to vector<16xi32>
    %shift_right_logical3A_102 = arith.shrui %add3A_96, %shift_right_logical3A_101 : vector<16xi32>
    %gather3A_103 = tpu.vector_load_idx %arg10[%and3A_99, %shift_right_logical3A_102] : memref<32x32xi32, #tpu.memory_space<vmem>>[vector<16xi32>, vector<16xi32>], vector<16xi32>,
    %swap3A_104 = arith.constant 112 : index
    %swap3A_105 = tpu.vector_load %arg11[%swap3A_104] {strides = array<i32>} : memref<320xi32, #tpu.memory_space<vmem>>, vector<16xi32>,
    tpu.vector_store %arg11[%swap3A_104], %gather3A_103 {strides = array<i32>} : memref<320xi32, #tpu.memory_space<vmem>>, vector<16xi32>,
    %add3A_106 = arith.constant 128 : i32
    %add3A_107 = vector.broadcast %add3A_106 : i32 to vector<16xi32>
    %add3A_108 = arith.addi %iota3A, %add3A_107 : vector<16xi32>
    %and3A_109 = arith.constant 31 : i32
    %and3A_110 = vector.broadcast %and3A_109 : i32 to vector<16xi32>
    %and3A_111 = arith.andi %add3A_108, %and3A_110 : vector<16xi32>
    %shift_right_logical3A_112 = arith.constant 5 : i32
    %shift_right_logical3A_113 = vector.broadcast %shift_right_logical3A_112 : i32 to vector<16xi32>
    %shift_right_logical3A_114 = arith.shrui %add3A_108, %shift_right_logical3A_113 : vector<16xi32>
    %gather3A_115 = tpu.vector_load_idx %arg10[%and3A_111, %shift_right_logical3A_114] : memref<32x32xi32, #tpu.memory_space<vmem>>[vector<16xi32>, vector<16xi32>], vector<16xi32>,
    %swap3A_116 = arith.constant 128 : index
    %swap3A_117 = tpu.vector_load %arg11[%swap3A_116] {strides = array<i32>} : memref<320xi32, #tpu.memory_space<vmem>>, vector<16xi32>,
    tpu.vector_store %arg11[%swap3A_116], %gather3A_115 {strides = array<i32>} : memref<320xi32, #tpu.memory_space<vmem>>, vector<16xi32>,
    %add3A_118 = arith.constant 144 : i32
    %add3A_119 = vector.broadcast %add3A_118 : i32 to vector<16xi32>
    %add3A_120 = arith.addi %iota3A, %add3A_119 : vector<16xi32>
    %and3A_121 = arith.constant 31 : i32
    %and3A_122 = vector.broadcast %and3A_121 : i32 to vector<16xi32>
    %and3A_123 = arith.andi %add3A_120, %and3A_122 : vector<16xi32>
    %shift_right_logical3A_124 = arith.constant 5 : i32
    %shift_right_logical3A_125 = vector.broadcast %shift_right_logical3A_124 : i32 to vector<16xi32>
    %shift_right_logical3A_126 = arith.shrui %add3A_120, %shift_right_logical3A_125 : vector<16xi32>
    %gather3A_127 = tpu.vector_load_idx %arg10[%and3A_123, %shift_right_logical3A_126] : memref<32x32xi32, #tpu.memory_space<vmem>>[vector<16xi32>, vector<16xi32>], vector<16xi32>,
    %swap3A_128 = arith.constant 144 : index
    %swap3A_129 = tpu.vector_load %arg11[%swap3A_128] {strides = array<i32>} : memref<320xi32, #tpu.memory_space<vmem>>, vector<16xi32>,
    tpu.vector_store %arg11[%swap3A_128], %gather3A_127 {strides = array<i32>} : memref<320xi32, #tpu.memory_space<vmem>>, vector<16xi32>,
    %add3A_130 = arith.constant 160 : i32
    %add3A_131 = vector.broadcast %add3A_130 : i32 to vector<16xi32>
    %add3A_132 = arith.addi %iota3A, %add3A_131 : vector<16xi32>
    %and3A_133 = arith.constant 31 : i32
    %and3A_134 = vector.broadcast %and3A_133 : i32 to vector<16xi32>
    %and3A_135 = arith.andi %add3A_132, %and3A_134 : vector<16xi32>
    %shift_right_logical3A_136 = arith.constant 5 : i32
    %shift_right_logical3A_137 = vector.broadcast %shift_right_logical3A_136 : i32 to vector<16xi32>
    %shift_right_logical3A_138 = arith.shrui %add3A_132, %shift_right_logical3A_137 : vector<16xi32>
    %gather3A_139 = tpu.vector_load_idx %arg10[%and3A_135, %shift_right_logical3A_138] : memref<32x32xi32, #tpu.memory_space<vmem>>[vector<16xi32>, vector<16xi32>], vector<16xi32>,
    %swap3A_140 = arith.constant 160 : index
    %swap3A_141 = tpu.vector_load %arg11[%swap3A_140] {strides = array<i32>} : memref<320xi32, #tpu.memory_space<vmem>>, vector<16xi32>,
    tpu.vector_store %arg11[%swap3A_140], %gather3A_139 {strides = array<i32>} : memref<320xi32, #tpu.memory_space<vmem>>, vector<16xi32>,
    %add3A_142 = arith.constant 176 : i32
    %add3A_143 = vector.broadcast %add3A_142 : i32 to vector<16xi32>
    %add3A_144 = arith.addi %iota3A, %add3A_143 : vector<16xi32>
    %and3A_145 = arith.constant 31 : i32
    %and3A_146 = vector.broadcast %and3A_145 : i32 to vector<16xi32>
    %and3A_147 = arith.andi %add3A_144, %and3A_146 : vector<16xi32>
    %shift_right_logical3A_148 = arith.constant 5 : i32
    %shift_right_logical3A_149 = vector.broadcast %shift_right_logical3A_148 : i32 to vector<16xi32>
    %shift_right_logical3A_150 = arith.shrui %add3A_144, %shift_right_logical3A_149 : vector<16xi32>
    %gather3A_151 = tpu.vector_load_idx %arg10[%and3A_147, %shift_right_logical3A_150] : memref<32x32xi32, #tpu.memory_space<vmem>>[vector<16xi32>, vector<16xi32>], vector<16xi32>,
    %swap3A_152 = arith.constant 176 : index
    %swap3A_153 = tpu.vector_load %arg11[%swap3A_152] {strides = array<i32>} : memref<320xi32, #tpu.memory_space<vmem>>, vector<16xi32>,
    tpu.vector_store %arg11[%swap3A_152], %gather3A_151 {strides = array<i32>} : memref<320xi32, #tpu.memory_space<vmem>>, vector<16xi32>,
    %add3A_154 = arith.constant 192 : i32
    %add3A_155 = vector.broadcast %add3A_154 : i32 to vector<16xi32>
    %add3A_156 = arith.addi %iota3A, %add3A_155 : vector<16xi32>
    %and3A_157 = arith.constant 31 : i32
    %and3A_158 = vector.broadcast %and3A_157 : i32 to vector<16xi32>
    %and3A_159 = arith.andi %add3A_156, %and3A_158 : vector<16xi32>
    %shift_right_logical3A_160 = arith.constant 5 : i32
    %shift_right_logical3A_161 = vector.broadcast %shift_right_logical3A_160 : i32 to vector<16xi32>
    %shift_right_logical3A_162 = arith.shrui %add3A_156, %shift_right_logical3A_161 : vector<16xi32>
    %gather3A_163 = tpu.vector_load_idx %arg10[%and3A_159, %shift_right_logical3A_162] : memref<32x32xi32, #tpu.memory_space<vmem>>[vector<16xi32>, vector<16xi32>], vector<16xi32>,
    %swap3A_164 = arith.constant 192 : index
    %swap3A_165 = tpu.vector_load %arg11[%swap3A_164] {strides = array<i32>} : memref<320xi32, #tpu.memory_space<vmem>>, vector<16xi32>,
    tpu.vector_store %arg11[%swap3A_164], %gather3A_163 {strides = array<i32>} : memref<320xi32, #tpu.memory_space<vmem>>, vector<16xi32>,
    %add3A_166 = arith.constant 208 : i32
    %add3A_167 = vector.broadcast %add3A_166 : i32 to vector<16xi32>
    %add3A_168 = arith.addi %iota3A, %add3A_167 : vector<16xi32>
    %and3A_169 = arith.constant 31 : i32
    %and3A_170 = vector.broadcast %and3A_169 : i32 to vector<16xi32>
    %and3A_171 = arith.andi %add3A_168, %and3A_170 : vector<16xi32>
    %shift_right_logical3A_172 = arith.constant 5 : i32
    %shift_right_logical3A_173 = vector.broadcast %shift_right_logical3A_172 : i32 to vector<16xi32>
    %shift_right_logical3A_174 = arith.shrui %add3A_168, %shift_right_logical3A_173 : vector<16xi32>
    %gather3A_175 = tpu.vector_load_idx %arg10[%and3A_171, %shift_right_logical3A_174] : memref<32x32xi32, #tpu.memory_space<vmem>>[vector<16xi32>, vector<16xi32>], vector<16xi32>,
    %swap3A_176 = arith.constant 208 : index
    %swap3A_177 = tpu.vector_load %arg11[%swap3A_176] {strides = array<i32>} : memref<320xi32, #tpu.memory_space<vmem>>, vector<16xi32>,
    tpu.vector_store %arg11[%swap3A_176], %gather3A_175 {strides = array<i32>} : memref<320xi32, #tpu.memory_space<vmem>>, vector<16xi32>,
    %add3A_178 = arith.constant 224 : i32
    %add3A_179 = vector.broadcast %add3A_178 : i32 to vector<16xi32>
    %add3A_180 = arith.addi %iota3A, %add3A_179 : vector<16xi32>
    %and3A_181 = arith.constant 31 : i32
    %and3A_182 = vector.broadcast %and3A_181 : i32 to vector<16xi32>
    %and3A_183 = arith.andi %add3A_180, %and3A_182 : vector<16xi32>
    %shift_right_logical3A_184 = arith.constant 5 : i32
    %shift_right_logical3A_185 = vector.broadcast %shift_right_logical3A_184 : i32 to vector<16xi32>
    %shift_right_logical3A_186 = arith.shrui %add3A_180, %shift_right_logical3A_185 : vector<16xi32>
    %gather3A_187 = tpu.vector_load_idx %arg10[%and3A_183, %shift_right_logical3A_186] : memref<32x32xi32, #tpu.memory_space<vmem>>[vector<16xi32>, vector<16xi32>], vector<16xi32>,
    %swap3A_188 = arith.constant 224 : index
    %swap3A_189 = tpu.vector_load %arg11[%swap3A_188] {strides = array<i32>} : memref<320xi32, #tpu.memory_space<vmem>>, vector<16xi32>,
    tpu.vector_store %arg11[%swap3A_188], %gather3A_187 {strides = array<i32>} : memref<320xi32, #tpu.memory_space<vmem>>, vector<16xi32>,
    %add3A_190 = arith.constant 240 : i32
    %add3A_191 = vector.broadcast %add3A_190 : i32 to vector<16xi32>
    %add3A_192 = arith.addi %iota3A, %add3A_191 : vector<16xi32>
    %and3A_193 = arith.constant 31 : i32
    %and3A_194 = vector.broadcast %and3A_193 : i32 to vector<16xi32>
    %and3A_195 = arith.andi %add3A_192, %and3A_194 : vector<16xi32>
    %shift_right_logical3A_196 = arith.constant 5 : i32
    %shift_right_logical3A_197 = vector.broadcast %shift_right_logical3A_196 : i32 to vector<16xi32>
    %shift_right_logical3A_198 = arith.shrui %add3A_192, %shift_right_logical3A_197 : vector<16xi32>
    %gather3A_199 = tpu.vector_load_idx %arg10[%and3A_195, %shift_right_logical3A_198] : memref<32x32xi32, #tpu.memory_space<vmem>>[vector<16xi32>, vector<16xi32>], vector<16xi32>,
    %swap3A_200 = arith.constant 240 : index
    %swap3A_201 = tpu.vector_load %arg11[%swap3A_200] {strides = array<i32>} : memref<320xi32, #tpu.memory_space<vmem>>, vector<16xi32>,
    tpu.vector_store %arg11[%swap3A_200], %gather3A_199 {strides = array<i32>} : memref<320xi32, #tpu.memory_space<vmem>>, vector<16xi32>,
    %add3A_202 = arith.constant 256 : i32
    %add3A_203 = vector.broadcast %add3A_202 : i32 to vector<16xi32>
    %add3A_204 = arith.addi %iota3A, %add3A_203 : vector<16xi32>
    %and3A_205 = arith.constant 31 : i32
    %and3A_206 = vector.broadcast %and3A_205 : i32 to vector<16xi32>
    %and3A_207 = arith.andi %add3A_204, %and3A_206 : vector<16xi32>
    %shift_right_logical3A_208 = arith.constant 5 : i32
    %shift_right_logical3A_209 = vector.broadcast %shift_right_logical3A_208 : i32 to vector<16xi32>
    %shift_right_logical3A_210 = arith.shrui %add3A_204, %shift_right_logical3A_209 : vector<16xi32>
    %gather3A_211 = tpu.vector_load_idx %arg10[%and3A_207, %shift_right_logical3A_210] : memref<32x32xi32, #tpu.memory_space<vmem>>[vector<16xi32>, vector<16xi32>], vector<16xi32>,
    %swap3A_212 = arith.constant 256 : index
    %swap3A_213 = tpu.vector_load %arg11[%swap3A_212] {strides = array<i32>} : memref<320xi32, #tpu.memory_space<vmem>>, vector<16xi32>,
    tpu.vector_store %arg11[%swap3A_212], %gather3A_211 {strides = array<i32>} : memref<320xi32, #tpu.memory_space<vmem>>, vector<16xi32>,
    %add3A_214 = arith.constant 272 : i32
    %add3A_215 = vector.broadcast %add3A_214 : i32 to vector<16xi32>
    %add3A_216 = arith.addi %iota3A, %add3A_215 : vector<16xi32>
    %and3A_217 = arith.constant 31 : i32
    %and3A_218 = vector.broadcast %and3A_217 : i32 to vector<16xi32>
    %and3A_219 = arith.andi %add3A_216, %and3A_218 : vector<16xi32>
    %shift_right_logical3A_220 = arith.constant 5 : i32
    %shift_right_logical3A_221 = vector.broadcast %shift_right_logical3A_220 : i32 to vector<16xi32>
    %shift_right_logical3A_222 = arith.shrui %add3A_216, %shift_right_logical3A_221 : vector<16xi32>
    %gather3A_223 = tpu.vector_load_idx %arg10[%and3A_219, %shift_right_logical3A_222] : memref<32x32xi32, #tpu.memory_space<vmem>>[vector<16xi32>, vector<16xi32>], vector<16xi32>,
    %swap3A_224 = arith.constant 272 : index
    %swap3A_225 = tpu.vector_load %arg11[%swap3A_224] {strides = array<i32>} : memref<320xi32, #tpu.memory_space<vmem>>, vector<16xi32>,
    tpu.vector_store %arg11[%swap3A_224], %gather3A_223 {strides = array<i32>} : memref<320xi32, #tpu.memory_space<vmem>>, vector<16xi32>,
    %add3A_226 = arith.constant 288 : i32
    %add3A_227 = vector.broadcast %add3A_226 : i32 to vector<16xi32>
    %add3A_228 = arith.addi %iota3A, %add3A_227 : vector<16xi32>
    %and3A_229 = arith.constant 31 : i32
    %and3A_230 = vector.broadcast %and3A_229 : i32 to vector<16xi32>
    %and3A_231 = arith.andi %add3A_228, %and3A_230 : vector<16xi32>
    %shift_right_logical3A_232 = arith.constant 5 : i32
    %shift_right_logical3A_233 = vector.broadcast %shift_right_logical3A_232 : i32 to vector<16xi32>
    %shift_right_logical3A_234 = arith.shrui %add3A_228, %shift_right_logical3A_233 : vector<16xi32>
    %gather3A_235 = tpu.vector_load_idx %arg10[%and3A_231, %shift_right_logical3A_234] : memref<32x32xi32, #tpu.memory_space<vmem>>[vector<16xi32>, vector<16xi32>], vector<16xi32>,
    %swap3A_236 = arith.constant 288 : index
    %swap3A_237 = tpu.vector_load %arg11[%swap3A_236] {strides = array<i32>} : memref<320xi32, #tpu.memory_space<vmem>>, vector<16xi32>,
    tpu.vector_store %arg11[%swap3A_236], %gather3A_235 {strides = array<i32>} : memref<320xi32, #tpu.memory_space<vmem>>, vector<16xi32>,
    %add3A_238 = arith.constant 304 : i32
    %add3A_239 = vector.broadcast %add3A_238 : i32 to vector<16xi32>
    %add3A_240 = arith.addi %iota3A, %add3A_239 : vector<16xi32>
    %and3A_241 = arith.constant 31 : i32
    %and3A_242 = vector.broadcast %and3A_241 : i32 to vector<16xi32>
    %and3A_243 = arith.andi %add3A_240, %and3A_242 : vector<16xi32>
    %shift_right_logical3A_244 = arith.constant 5 : i32
    %shift_right_logical3A_245 = vector.broadcast %shift_right_logical3A_244 : i32 to vector<16xi32>
    %shift_right_logical3A_246 = arith.shrui %add3A_240, %shift_right_logical3A_245 : vector<16xi32>
    %gather3A_247 = tpu.vector_load_idx %arg10[%and3A_243, %shift_right_logical3A_246] : memref<32x32xi32, #tpu.memory_space<vmem>>[vector<16xi32>, vector<16xi32>], vector<16xi32>,
    %swap3A_248 = arith.constant 304 : index
    %swap3A_249 = tpu.vector_load %arg11[%swap3A_248] {strides = array<i32>} : memref<320xi32, #tpu.memory_space<vmem>>, vector<16xi32>,
    tpu.vector_store %arg11[%swap3A_248], %gather3A_247 {strides = array<i32>} : memref<320xi32, #tpu.memory_space<vmem>>, vector<16xi32>,
    %dma_start3A_250 = arith.constant 0 : i32
    %dma_start3A_251 = arith.constant 0 : i32
    %dma_start3A_252 = tpu.memref_slice %arg15[%dma_start3A_250, %dma_start3A_251] : memref<200x128xf32, #tpu.memory_space<vmem>> -> memref<128x128xf32, #tpu.memory_space<vmem>>
    %dma_start3A_253 = arith.constant 0 : i32
    %dma_start3A_254 = tpu.memref_slice %arg11[%dma_start3A_253] : memref<320xi32, #tpu.memory_space<vmem>> -> memref<128xi32, #tpu.memory_space<vmem>>
    %dma_start3A_255 = arith.constant 0 : i32
    %dma_start3A_256 = arith.constant 0 : i32
    %dma_start3A_257 = tpu.memref_slice %arg2[%dma_start3A_255, %dma_start3A_256] : memref<50000x128xf32, #tpu.memory_space<hbm>> -> memref<50000x128xf32, #tpu.memory_space<hbm>>
    tpu.enqueue_indirect_dma source(%dma_start3A_257 : memref<50000x128xf32, #tpu.memory_space<hbm>>) target(%dma_start3A_252 : memref<128x128xf32, #tpu.memory_space<vmem>>) offsets(%dma_start3A_254 : memref<128xi32, #tpu.memory_space<vmem>>) semaphore(%arg21 : memref<!tpu.dma_semaphore, #tpu.memory_space<semaphore_mem>>)
    %dma_start3A_258 = arith.constant 128 : i32
    %dma_start3A_259 = arith.constant 0 : i32
    %dma_start3A_260 = tpu.memref_slice %arg15[%dma_start3A_258, %dma_start3A_259] : memref<200x128xf32, #tpu.memory_space<vmem>> -> memref<64x128xf32, #tpu.memory_space<vmem>>
    %dma_start3A_261 = arith.constant 128 : i32
    %dma_start3A_262 = tpu.memref_slice %arg11[%dma_start3A_261] : memref<320xi32, #tpu.memory_space<vmem>> -> memref<64xi32, #tpu.memory_space<vmem>>
    %dma_start3A_263 = arith.constant 0 : i32
    %dma_start3A_264 = arith.constant 0 : i32
    %dma_start3A_265 = tpu.memref_slice %arg2[%dma_start3A_263, %dma_start3A_264] : memref<50000x128xf32, #tpu.memory_space<hbm>> -> memref<50000x128xf32, #tpu.memory_space<hbm>>
    tpu.enqueue_indirect_dma source(%dma_start3A_265 : memref<50000x128xf32, #tpu.memory_space<hbm>>) target(%dma_start3A_260 : memref<64x128xf32, #tpu.memory_space<vmem>>) offsets(%dma_start3A_262 : memref<64xi32, #tpu.memory_space<vmem>>) semaphore(%arg21 : memref<!tpu.dma_semaphore, #tpu.memory_space<semaphore_mem>>)
    %dma_start3A_266 = arith.constant 0 : i32
    %dma_start3A_267 = arith.constant 0 : i32
    %dma_start3A_268 = tpu.memref_slice %arg16[%dma_start3A_266, %dma_start3A_267] : memref<200x128xf32, #tpu.memory_space<vmem>> -> memref<128x128xf32, #tpu.memory_space<vmem>>
    %dma_start3A_269 = arith.constant 192 : i32
    %dma_start3A_270 = tpu.memref_slice %arg11[%dma_start3A_269] : memref<320xi32, #tpu.memory_space<vmem>> -> memref<128xi32, #tpu.memory_space<vmem>>
    %dma_start3A_271 = arith.constant 0 : i32
    %dma_start3A_272 = arith.constant 0 : i32
    %dma_start3A_273 = tpu.memref_slice %arg2[%dma_start3A_271, %dma_start3A_272] : memref<50000x128xf32, #tpu.memory_space<hbm>> -> memref<50000x128xf32, #tpu.memory_space<hbm>>
    tpu.enqueue_indirect_dma source(%dma_start3A_273 : memref<50000x128xf32, #tpu.memory_space<hbm>>) target(%dma_start3A_268 : memref<128x128xf32, #tpu.memory_space<vmem>>) offsets(%dma_start3A_270 : memref<128xi32, #tpu.memory_space<vmem>>) semaphore(%arg21 : memref<!tpu.dma_semaphore, #tpu.memory_space<semaphore_mem>>)
    %dma_start3A_274 = arith.constant 0 : i32
    %dma_start3A_275 = tpu.memref_slice %arg11[%dma_start3A_274] : memref<320xi32, #tpu.memory_space<vmem>> -> memref<80xi32, #tpu.memory_space<vmem>>
    %dma_start3A_276 = arith.constant 0 : i32
    %dma_start3A_277 = arith.constant 0 : i32
    %dma_start3A_278 = tpu.memref_slice %arg3[%dma_start3A_276, %dma_start3A_277] : memref<50000x32xi32, #tpu.memory_space<hbm>> -> memref<50000x32xi32, #tpu.memory_space<hbm>>
    tpu.enqueue_indirect_dma source(%dma_start3A_278 : memref<50000x32xi32, #tpu.memory_space<hbm>>) target(%arg12 : memref<80x32xi32, #tpu.memory_space<vmem>>) offsets(%dma_start3A_275 : memref<80xi32, #tpu.memory_space<vmem>>) semaphore(%arg22 : memref<!tpu.dma_semaphore, #tpu.memory_space<semaphore_mem>>)
    %dma_wait3A_279 = arith.constant 0 : i32
    %dma_wait3A_280 = arith.constant 0 : i32
    %dma_wait3A_281 = tpu.memref_slice %arg15[%dma_wait3A_279, %dma_wait3A_280] : memref<200x128xf32, #tpu.memory_space<vmem>> -> memref<128x128xf32, #tpu.memory_space<vmem>>
    %dma_wait3A_282 = arith.constant 0 : i32
    %dma_wait3A_283 = tpu.memref_slice %arg11[%dma_wait3A_282] : memref<320xi32, #tpu.memory_space<vmem>> -> memref<128xi32, #tpu.memory_space<vmem>>
    %dma_wait3A_284 = arith.constant 0 : i32
    %dma_wait3A_285 = arith.constant 0 : i32
    %dma_wait3A_286 = tpu.memref_slice %arg2[%dma_wait3A_284, %dma_wait3A_285] : memref<50000x128xf32, #tpu.memory_space<hbm>> -> memref<50000x128xf32, #tpu.memory_space<hbm>>
    tpu.wait_indirect_dma semaphore(%arg21 : memref<!tpu.dma_semaphore, #tpu.memory_space<semaphore_mem>>) src(%dma_wait3A_286 : memref<50000x128xf32, #tpu.memory_space<hbm>>) dst(%dma_wait3A_281 : memref<128x128xf32, #tpu.memory_space<vmem>>)
    %dma_wait3A_287 = arith.constant 128 : i32
    %dma_wait3A_288 = arith.constant 0 : i32
    %dma_wait3A_289 = tpu.memref_slice %arg15[%dma_wait3A_287, %dma_wait3A_288] : memref<200x128xf32, #tpu.memory_space<vmem>> -> memref<64x128xf32, #tpu.memory_space<vmem>>
    %dma_wait3A_290 = arith.constant 128 : i32
    %dma_wait3A_291 = tpu.memref_slice %arg11[%dma_wait3A_290] : memref<320xi32, #tpu.memory_space<vmem>> -> memref<64xi32, #tpu.memory_space<vmem>>
    %dma_wait3A_292 = arith.constant 0 : i32
    %dma_wait3A_293 = arith.constant 0 : i32
    %dma_wait3A_294 = tpu.memref_slice %arg2[%dma_wait3A_292, %dma_wait3A_293] : memref<50000x128xf32, #tpu.memory_space<hbm>> -> memref<50000x128xf32, #tpu.memory_space<hbm>>
    tpu.wait_indirect_dma semaphore(%arg21 : memref<!tpu.dma_semaphore, #tpu.memory_space<semaphore_mem>>) src(%dma_wait3A_294 : memref<50000x128xf32, #tpu.memory_space<hbm>>) dst(%dma_wait3A_289 : memref<64x128xf32, #tpu.memory_space<vmem>>)
    %dma_wait3A_295 = arith.constant 0 : i32
    %dma_wait3A_296 = arith.constant 0 : i32
    %dma_wait3A_297 = tpu.memref_slice %arg16[%dma_wait3A_295, %dma_wait3A_296] : memref<200x128xf32, #tpu.memory_space<vmem>> -> memref<128x128xf32, #tpu.memory_space<vmem>>
    %dma_wait3A_298 = arith.constant 192 : i32
    %dma_wait3A_299 = tpu.memref_slice %arg11[%dma_wait3A_298] : memref<320xi32, #tpu.memory_space<vmem>> -> memref<128xi32, #tpu.memory_space<vmem>>
    %dma_wait3A_300 = arith.constant 0 : i32
    %dma_wait3A_301 = arith.constant 0 : i32
    %dma_wait3A_302 = tpu.memref_slice %arg2[%dma_wait3A_300, %dma_wait3A_301] : memref<50000x128xf32, #tpu.memory_space<hbm>> -> memref<50000x128xf32, #tpu.memory_space<hbm>>
    tpu.wait_indirect_dma semaphore(%arg21 : memref<!tpu.dma_semaphore, #tpu.memory_space<semaphore_mem>>) src(%dma_wait3A_302 : memref<50000x128xf32, #tpu.memory_space<hbm>>) dst(%dma_wait3A_297 : memref<128x128xf32, #tpu.memory_space<vmem>>)
    %add3A_303 = arith.constant 0 : i32
    %add3A_304 = arith.addi %add3A_303, %multiple_of3A : i32
    %dma_start3A_305 = arith.constant 0 : i32
    %dma_start3A_306 = arith.constant 0 : i32
    %dma_start3A_307 = tpu.memref_slice %arg15[%dma_start3A_305, %dma_start3A_306] : memref<200x128xf32, #tpu.memory_space<vmem>> -> memref<32x128xf32, #tpu.memory_space<vmem>>
    %dma_start3A_308 = arith.constant 0 : i32
    %dma_start3A_309 = tpu.memref_slice %arg6[%add3A_304, %dma_start3A_308] : memref<10240x128xf32, #tpu.memory_space<hbm>> -> memref<32x128xf32, #tpu.memory_space<hbm>>
    %dma_start3A_310 = arith.constant 0 : i32
    %dma_start3A_311 = tpu.memref_slice %arg6[%add3A_304, %dma_start3A_310] : memref<10240x128xf32, #tpu.memory_space<hbm>> -> memref<32x128xf32, #tpu.memory_space<hbm>>
    %dma_start3A_312 = arith.constant 0 : i32
    %dma_start3A_313 = arith.constant 0 : i32
    %dma_start3A_314 = tpu.memref_slice %arg15[%dma_start3A_312, %dma_start3A_313] : memref<200x128xf32, #tpu.memory_space<vmem>> -> memref<32x128xf32, #tpu.memory_space<vmem>>
    tpu.enqueue_dma source(%dma_start3A_314 : memref<32x128xf32, #tpu.memory_space<vmem>>) target(%dma_start3A_311 : memref<32x128xf32, #tpu.memory_space<hbm>>) target_semaphore(%arg21 : memref<!tpu.dma_semaphore, #tpu.memory_space<semaphore_mem>>)
    %add3A_315 = arith.constant 1024 : i32
    %add3A_316 = arith.addi %add3A_315, %multiple_of3A : i32
    %dma_start3A_317 = arith.constant 32 : i32
    %dma_start3A_318 = arith.constant 0 : i32
    %dma_start3A_319 = tpu.memref_slice %arg15[%dma_start3A_317, %dma_start3A_318] : memref<200x128xf32, #tpu.memory_space<vmem>> -> memref<32x128xf32, #tpu.memory_space<vmem>>
    %dma_start3A_320 = arith.constant 0 : i32
    %dma_start3A_321 = tpu.memref_slice %arg6[%add3A_316, %dma_start3A_320] : memref<10240x128xf32, #tpu.memory_space<hbm>> -> memref<32x128xf32, #tpu.memory_space<hbm>>
    %dma_start3A_322 = arith.constant 0 : i32
    %dma_start3A_323 = tpu.memref_slice %arg6[%add3A_316, %dma_start3A_322] : memref<10240x128xf32, #tpu.memory_space<hbm>> -> memref<32x128xf32, #tpu.memory_space<hbm>>
    %dma_start3A_324 = arith.constant 32 : i32
    %dma_start3A_325 = arith.constant 0 : i32
    %dma_start3A_326 = tpu.memref_slice %arg15[%dma_start3A_324, %dma_start3A_325] : memref<200x128xf32, #tpu.memory_space<vmem>> -> memref<32x128xf32, #tpu.memory_space<vmem>>
    tpu.enqueue_dma source(%dma_start3A_326 : memref<32x128xf32, #tpu.memory_space<vmem>>) target(%dma_start3A_323 : memref<32x128xf32, #tpu.memory_space<hbm>>) target_semaphore(%arg21 : memref<!tpu.dma_semaphore, #tpu.memory_space<semaphore_mem>>)
    %add3A_327 = arith.constant 2048 : i32
    %add3A_328 = arith.addi %add3A_327, %multiple_of3A : i32
    %dma_start3A_329 = arith.constant 64 : i32
    %dma_start3A_330 = arith.constant 0 : i32
    %dma_start3A_331 = tpu.memref_slice %arg15[%dma_start3A_329, %dma_start3A_330] : memref<200x128xf32, #tpu.memory_space<vmem>> -> memref<32x128xf32, #tpu.memory_space<vmem>>
    %dma_start3A_332 = arith.constant 0 : i32
    %dma_start3A_333 = tpu.memref_slice %arg6[%add3A_328, %dma_start3A_332] : memref<10240x128xf32, #tpu.memory_space<hbm>> -> memref<32x128xf32, #tpu.memory_space<hbm>>
    %dma_start3A_334 = arith.constant 0 : i32
    %dma_start3A_335 = tpu.memref_slice %arg6[%add3A_328, %dma_start3A_334] : memref<10240x128xf32, #tpu.memory_space<hbm>> -> memref<32x128xf32, #tpu.memory_space<hbm>>
    %dma_start3A_336 = arith.constant 64 : i32
    %dma_start3A_337 = arith.constant 0 : i32
    %dma_start3A_338 = tpu.memref_slice %arg15[%dma_start3A_336, %dma_start3A_337] : memref<200x128xf32, #tpu.memory_space<vmem>> -> memref<32x128xf32, #tpu.memory_space<vmem>>
    tpu.enqueue_dma source(%dma_start3A_338 : memref<32x128xf32, #tpu.memory_space<vmem>>) target(%dma_start3A_335 : memref<32x128xf32, #tpu.memory_space<hbm>>) target_semaphore(%arg21 : memref<!tpu.dma_semaphore, #tpu.memory_space<semaphore_mem>>)
    %add3A_339 = arith.constant 3072 : i32
    %add3A_340 = arith.addi %add3A_339, %multiple_of3A : i32
    %dma_start3A_341 = arith.constant 96 : i32
    %dma_start3A_342 = arith.constant 0 : i32
    %dma_start3A_343 = tpu.memref_slice %arg15[%dma_start3A_341, %dma_start3A_342] : memref<200x128xf32, #tpu.memory_space<vmem>> -> memref<32x128xf32, #tpu.memory_space<vmem>>
    %dma_start3A_344 = arith.constant 0 : i32
    %dma_start3A_345 = tpu.memref_slice %arg6[%add3A_340, %dma_start3A_344] : memref<10240x128xf32, #tpu.memory_space<hbm>> -> memref<32x128xf32, #tpu.memory_space<hbm>>
    %dma_start3A_346 = arith.constant 0 : i32
    %dma_start3A_347 = tpu.memref_slice %arg6[%add3A_340, %dma_start3A_346] : memref<10240x128xf32, #tpu.memory_space<hbm>> -> memref<32x128xf32, #tpu.memory_space<hbm>>
    %dma_start3A_348 = arith.constant 96 : i32
    %dma_start3A_349 = arith.constant 0 : i32
    %dma_start3A_350 = tpu.memref_slice %arg15[%dma_start3A_348, %dma_start3A_349] : memref<200x128xf32, #tpu.memory_space<vmem>> -> memref<32x128xf32, #tpu.memory_space<vmem>>
    tpu.enqueue_dma source(%dma_start3A_350 : memref<32x128xf32, #tpu.memory_space<vmem>>) target(%dma_start3A_347 : memref<32x128xf32, #tpu.memory_space<hbm>>) target_semaphore(%arg21 : memref<!tpu.dma_semaphore, #tpu.memory_space<semaphore_mem>>)
    %add3A_351 = arith.constant 4096 : i32
    %add3A_352 = arith.addi %add3A_351, %multiple_of3A : i32
    %dma_start3A_353 = arith.constant 128 : i32
    %dma_start3A_354 = arith.constant 0 : i32
    %dma_start3A_355 = tpu.memref_slice %arg15[%dma_start3A_353, %dma_start3A_354] : memref<200x128xf32, #tpu.memory_space<vmem>> -> memref<32x128xf32, #tpu.memory_space<vmem>>
    %dma_start3A_356 = arith.constant 0 : i32
    %dma_start3A_357 = tpu.memref_slice %arg6[%add3A_352, %dma_start3A_356] : memref<10240x128xf32, #tpu.memory_space<hbm>> -> memref<32x128xf32, #tpu.memory_space<hbm>>
    %dma_start3A_358 = arith.constant 0 : i32
    %dma_start3A_359 = tpu.memref_slice %arg6[%add3A_352, %dma_start3A_358] : memref<10240x128xf32, #tpu.memory_space<hbm>> -> memref<32x128xf32, #tpu.memory_space<hbm>>
    %dma_start3A_360 = arith.constant 128 : i32
    %dma_start3A_361 = arith.constant 0 : i32
    %dma_start3A_362 = tpu.memref_slice %arg15[%dma_start3A_360, %dma_start3A_361] : memref<200x128xf32, #tpu.memory_space<vmem>> -> memref<32x128xf32, #tpu.memory_space<vmem>>
    tpu.enqueue_dma source(%dma_start3A_362 : memref<32x128xf32, #tpu.memory_space<vmem>>) target(%dma_start3A_359 : memref<32x128xf32, #tpu.memory_space<hbm>>) target_semaphore(%arg21 : memref<!tpu.dma_semaphore, #tpu.memory_space<semaphore_mem>>)
    %add3A_363 = arith.constant 5120 : i32
    %add3A_364 = arith.addi %add3A_363, %multiple_of3A : i32
    %dma_start3A_365 = arith.constant 160 : i32
    %dma_start3A_366 = arith.constant 0 : i32
    %dma_start3A_367 = tpu.memref_slice %arg15[%dma_start3A_365, %dma_start3A_366] : memref<200x128xf32, #tpu.memory_space<vmem>> -> memref<32x128xf32, #tpu.memory_space<vmem>>
    %dma_start3A_368 = arith.constant 0 : i32
    %dma_start3A_369 = tpu.memref_slice %arg6[%add3A_364, %dma_start3A_368] : memref<10240x128xf32, #tpu.memory_space<hbm>> -> memref<32x128xf32, #tpu.memory_space<hbm>>
    %dma_start3A_370 = arith.constant 0 : i32
    %dma_start3A_371 = tpu.memref_slice %arg6[%add3A_364, %dma_start3A_370] : memref<10240x128xf32, #tpu.memory_space<hbm>> -> memref<32x128xf32, #tpu.memory_space<hbm>>
    %dma_start3A_372 = arith.constant 160 : i32
    %dma_start3A_373 = arith.constant 0 : i32
    %dma_start3A_374 = tpu.memref_slice %arg15[%dma_start3A_372, %dma_start3A_373] : memref<200x128xf32, #tpu.memory_space<vmem>> -> memref<32x128xf32, #tpu.memory_space<vmem>>
    tpu.enqueue_dma source(%dma_start3A_374 : memref<32x128xf32, #tpu.memory_space<vmem>>) target(%dma_start3A_371 : memref<32x128xf32, #tpu.memory_space<hbm>>) target_semaphore(%arg21 : memref<!tpu.dma_semaphore, #tpu.memory_space<semaphore_mem>>)
    %add3A_375 = arith.constant 6144 : i32
    %add3A_376 = arith.addi %add3A_375, %multiple_of3A : i32
    %dma_start3A_377 = arith.constant 0 : i32
    %dma_start3A_378 = arith.constant 0 : i32
    %dma_start3A_379 = tpu.memref_slice %arg16[%dma_start3A_377, %dma_start3A_378] : memref<200x128xf32, #tpu.memory_space<vmem>> -> memref<32x128xf32, #tpu.memory_space<vmem>>
    %dma_start3A_380 = arith.constant 0 : i32
    %dma_start3A_381 = tpu.memref_slice %arg6[%add3A_376, %dma_start3A_380] : memref<10240x128xf32, #tpu.memory_space<hbm>> -> memref<32x128xf32, #tpu.memory_space<hbm>>
    %dma_start3A_382 = arith.constant 0 : i32
    %dma_start3A_383 = tpu.memref_slice %arg6[%add3A_376, %dma_start3A_382] : memref<10240x128xf32, #tpu.memory_space<hbm>> -> memref<32x128xf32, #tpu.memory_space<hbm>>
    %dma_start3A_384 = arith.constant 0 : i32
    %dma_start3A_385 = arith.constant 0 : i32
    %dma_start3A_386 = tpu.memref_slice %arg16[%dma_start3A_384, %dma_start3A_385] : memref<200x128xf32, #tpu.memory_space<vmem>> -> memref<32x128xf32, #tpu.memory_space<vmem>>
    tpu.enqueue_dma source(%dma_start3A_386 : memref<32x128xf32, #tpu.memory_space<vmem>>) target(%dma_start3A_383 : memref<32x128xf32, #tpu.memory_space<hbm>>) target_semaphore(%arg21 : memref<!tpu.dma_semaphore, #tpu.memory_space<semaphore_mem>>)
    %add3A_387 = arith.constant 7168 : i32
    %add3A_388 = arith.addi %add3A_387, %multiple_of3A : i32
    %dma_start3A_389 = arith.constant 32 : i32
    %dma_start3A_390 = arith.constant 0 : i32
    %dma_start3A_391 = tpu.memref_slice %arg16[%dma_start3A_389, %dma_start3A_390] : memref<200x128xf32, #tpu.memory_space<vmem>> -> memref<32x128xf32, #tpu.memory_space<vmem>>
    %dma_start3A_392 = arith.constant 0 : i32
    %dma_start3A_393 = tpu.memref_slice %arg6[%add3A_388, %dma_start3A_392] : memref<10240x128xf32, #tpu.memory_space<hbm>> -> memref<32x128xf32, #tpu.memory_space<hbm>>
    %dma_start3A_394 = arith.constant 0 : i32
    %dma_start3A_395 = tpu.memref_slice %arg6[%add3A_388, %dma_start3A_394] : memref<10240x128xf32, #tpu.memory_space<hbm>> -> memref<32x128xf32, #tpu.memory_space<hbm>>
    %dma_start3A_396 = arith.constant 32 : i32
    %dma_start3A_397 = arith.constant 0 : i32
    %dma_start3A_398 = tpu.memref_slice %arg16[%dma_start3A_396, %dma_start3A_397] : memref<200x128xf32, #tpu.memory_space<vmem>> -> memref<32x128xf32, #tpu.memory_space<vmem>>
    tpu.enqueue_dma source(%dma_start3A_398 : memref<32x128xf32, #tpu.memory_space<vmem>>) target(%dma_start3A_395 : memref<32x128xf32, #tpu.memory_space<hbm>>) target_semaphore(%arg21 : memref<!tpu.dma_semaphore, #tpu.memory_space<semaphore_mem>>)
    %add3A_399 = arith.constant 8192 : i32
    %add3A_400 = arith.addi %add3A_399, %multiple_of3A : i32
    %dma_start3A_401 = arith.constant 64 : i32
    %dma_start3A_402 = arith.constant 0 : i32
    %dma_start3A_403 = tpu.memref_slice %arg16[%dma_start3A_401, %dma_start3A_402] : memref<200x128xf32, #tpu.memory_space<vmem>> -> memref<32x128xf32, #tpu.memory_space<vmem>>
    %dma_start3A_404 = arith.constant 0 : i32
    %dma_start3A_405 = tpu.memref_slice %arg6[%add3A_400, %dma_start3A_404] : memref<10240x128xf32, #tpu.memory_space<hbm>> -> memref<32x128xf32, #tpu.memory_space<hbm>>
    %dma_start3A_406 = arith.constant 0 : i32
    %dma_start3A_407 = tpu.memref_slice %arg6[%add3A_400, %dma_start3A_406] : memref<10240x128xf32, #tpu.memory_space<hbm>> -> memref<32x128xf32, #tpu.memory_space<hbm>>
    %dma_start3A_408 = arith.constant 64 : i32
    %dma_start3A_409 = arith.constant 0 : i32
    %dma_start3A_410 = tpu.memref_slice %arg16[%dma_start3A_408, %dma_start3A_409] : memref<200x128xf32, #tpu.memory_space<vmem>> -> memref<32x128xf32, #tpu.memory_space<vmem>>
    tpu.enqueue_dma source(%dma_start3A_410 : memref<32x128xf32, #tpu.memory_space<vmem>>) target(%dma_start3A_407 : memref<32x128xf32, #tpu.memory_space<hbm>>) target_semaphore(%arg21 : memref<!tpu.dma_semaphore, #tpu.memory_space<semaphore_mem>>)
    %add3A_411 = arith.constant 9216 : i32
    %add3A_412 = arith.addi %add3A_411, %multiple_of3A : i32
    %dma_start3A_413 = arith.constant 96 : i32
    %dma_start3A_414 = arith.constant 0 : i32
    %dma_start3A_415 = tpu.memref_slice %arg16[%dma_start3A_413, %dma_start3A_414] : memref<200x128xf32, #tpu.memory_space<vmem>> -> memref<32x128xf32, #tpu.memory_space<vmem>>
    %dma_start3A_416 = arith.constant 0 : i32
    %dma_start3A_417 = tpu.memref_slice %arg6[%add3A_412, %dma_start3A_416] : memref<10240x128xf32, #tpu.memory_space<hbm>> -> memref<32x128xf32, #tpu.memory_space<hbm>>
    %dma_start3A_418 = arith.constant 0 : i32
    %dma_start3A_419 = tpu.memref_slice %arg6[%add3A_412, %dma_start3A_418] : memref<10240x128xf32, #tpu.memory_space<hbm>> -> memref<32x128xf32, #tpu.memory_space<hbm>>
    %dma_start3A_420 = arith.constant 96 : i32
    %dma_start3A_421 = arith.constant 0 : i32
    %dma_start3A_422 = tpu.memref_slice %arg16[%dma_start3A_420, %dma_start3A_421] : memref<200x128xf32, #tpu.memory_space<vmem>> -> memref<32x128xf32, #tpu.memory_space<vmem>>
    tpu.enqueue_dma source(%dma_start3A_422 : memref<32x128xf32, #tpu.memory_space<vmem>>) target(%dma_start3A_419 : memref<32x128xf32, #tpu.memory_space<hbm>>) target_semaphore(%arg21 : memref<!tpu.dma_semaphore, #tpu.memory_space<semaphore_mem>>)
    %dma_start3A_423 = arith.constant 80 : i32
    %dma_start3A_424 = tpu.memref_slice %arg11[%dma_start3A_423] : memref<320xi32, #tpu.memory_space<vmem>> -> memref<80xi32, #tpu.memory_space<vmem>>
    %dma_start3A_425 = arith.constant 0 : i32
    %dma_start3A_426 = arith.constant 0 : i32
    %dma_start3A_427 = tpu.memref_slice %arg3[%dma_start3A_425, %dma_start3A_426] : memref<50000x32xi32, #tpu.memory_space<hbm>> -> memref<50000x32xi32, #tpu.memory_space<hbm>>
    tpu.enqueue_indirect_dma source(%dma_start3A_427 : memref<50000x32xi32, #tpu.memory_space<hbm>>) target(%arg13 : memref<80x32xi32, #tpu.memory_space<vmem>>) offsets(%dma_start3A_424 : memref<80xi32, #tpu.memory_space<vmem>>) semaphore(%arg23 : memref<!tpu.dma_semaphore, #tpu.memory_space<semaphore_mem>>)
    %dma_wait3A_428 = arith.constant 0 : i32
    %dma_wait3A_429 = tpu.memref_slice %arg11[%dma_wait3A_428] : memref<320xi32, #tpu.memory_space<vmem>> -> memref<80xi32, #tpu.memory_space<vmem>>
    %dma_wait3A_430 = arith.constant 0 : i32
    %dma_wait3A_431 = arith.constant 0 : i32
    %dma_wait3A_432 = tpu.memref_slice %arg3[%dma_wait3A_430, %dma_wait3A_431] : memref<50000x32xi32, #tpu.memory_space<hbm>> -> memref<50000x32xi32, #tpu.memory_space<hbm>>
    tpu.wait_indirect_dma semaphore(%arg22 : memref<!tpu.dma_semaphore, #tpu.memory_space<semaphore_mem>>) src(%dma_wait3A_432 : memref<50000x32xi32, #tpu.memory_space<hbm>>) dst(%arg12 : memref<80x32xi32, #tpu.memory_space<vmem>>)
    %scan3A = arith.constant 0 : i32
    %scan3A_433 = arith.constant 0 : i32
    %scan3A_434 = arith.constant 125 : i32
    %scan3A_435 = arith.addi %scan3A_433, %scan3A_434 : i32
    %scan3A_436 = arith.constant 1 : i32
    %scan3A_437 = scf.for %scan3A_685 = %scan3A_433 to %scan3A_435 step %scan3A_436 iter_args(%scan3A_686 = %scan3A) -> (i32)  : i32 {
      %mul3A_687 = arith.constant 16 : i32
      %mul3A_688 = arith.muli %scan3A_685, %mul3A_687 : i32
      %add3A_689 = vector.broadcast %mul3A_688 : i32 to vector<16xi32>
      %add3A_690 = arith.addi %iota3A, %add3A_689 : vector<16xi32>
      %div3A = arith.divsi %add3A_690, %broadcast_in_dim3A_3 : vector<16xi32>
      %mul3A_691 = arith.constant 25 : i32
      %mul3A_692 = vector.broadcast %mul3A_691 : i32 to vector<16xi32>
      %mul3A_693 = arith.muli %div3A, %mul3A_692 : vector<16xi32>
      %sub3A = arith.subi %add3A_690, %mul3A_693 : vector<16xi32>
      %gather3A_694 = tpu.vector_load_idx %arg12[%div3A, %sub3A] : memref<80x32xi32, #tpu.memory_space<vmem>>[vector<16xi32>, vector<16xi32>], vector<16xi32>,
      %mul3A_695 = arith.constant 16 : i32
      %mul3A_696 = arith.muli %scan3A_685, %mul3A_695 : i32
      %add3A_697 = arith.constant 0 : i32
      %add3A_698 = arith.addi %add3A_697, %mul3A_696 : i32
      %multiple_of3A_699 = tpu.assume_multiple %add3A_698, 8 : i32
      %swap3A_700 = arith.index_cast %multiple_of3A_699 : i32 to index
      %swap3A_701 = tpu.vector_load %arg14[%swap3A_700] {strides = array<i32>} : memref<8000xi32, #tpu.memory_space<vmem>>, vector<16xi32>,
      tpu.vector_store %arg14[%swap3A_700], %gather3A_694 {strides = array<i32>} : memref<8000xi32, #tpu.memory_space<vmem>>, vector<16xi32>,
      %scan3A_702 = arith.constant 0 : i32
      scf.yield %scan3A_702 : i32
    }
    %scan3A_438 = arith.constant 125 : i32
    %dma_start3A_439 = arith.constant 160 : i32
    %dma_start3A_440 = tpu.memref_slice %arg11[%dma_start3A_439] : memref<320xi32, #tpu.memory_space<vmem>> -> memref<80xi32, #tpu.memory_space<vmem>>
    %dma_start3A_441 = arith.constant 0 : i32
    %dma_start3A_442 = arith.constant 0 : i32
    %dma_start3A_443 = tpu.memref_slice %arg3[%dma_start3A_441, %dma_start3A_442] : memref<50000x32xi32, #tpu.memory_space<hbm>> -> memref<50000x32xi32, #tpu.memory_space<hbm>>
    tpu.enqueue_indirect_dma source(%dma_start3A_443 : memref<50000x32xi32, #tpu.memory_space<hbm>>) target(%arg12 : memref<80x32xi32, #tpu.memory_space<vmem>>) offsets(%dma_start3A_440 : memref<80xi32, #tpu.memory_space<vmem>>) semaphore(%arg22 : memref<!tpu.dma_semaphore, #tpu.memory_space<semaphore_mem>>)
    %dma_wait3A_444 = arith.constant 80 : i32
    %dma_wait3A_445 = tpu.memref_slice %arg11[%dma_wait3A_444] : memref<320xi32, #tpu.memory_space<vmem>> -> memref<80xi32, #tpu.memory_space<vmem>>
    %dma_wait3A_446 = arith.constant 0 : i32
    %dma_wait3A_447 = arith.constant 0 : i32
    %dma_wait3A_448 = tpu.memref_slice %arg3[%dma_wait3A_446, %dma_wait3A_447] : memref<50000x32xi32, #tpu.memory_space<hbm>> -> memref<50000x32xi32, #tpu.memory_space<hbm>>
    tpu.wait_indirect_dma semaphore(%arg23 : memref<!tpu.dma_semaphore, #tpu.memory_space<semaphore_mem>>) src(%dma_wait3A_448 : memref<50000x32xi32, #tpu.memory_space<hbm>>) dst(%arg13 : memref<80x32xi32, #tpu.memory_space<vmem>>)
    %scan3A_449 = arith.constant 0 : i32
    %scan3A_450 = arith.constant 0 : i32
    %scan3A_451 = arith.constant 125 : i32
    %scan3A_452 = arith.addi %scan3A_450, %scan3A_451 : i32
    %scan3A_453 = arith.constant 1 : i32
    %scan3A_454 = scf.for %scan3A_685 = %scan3A_450 to %scan3A_452 step %scan3A_453 iter_args(%scan3A_686 = %scan3A_449) -> (i32)  : i32 {
      %mul3A_687 = arith.constant 16 : i32
      %mul3A_688 = arith.muli %scan3A_685, %mul3A_687 : i32
      %add3A_689 = vector.broadcast %mul3A_688 : i32 to vector<16xi32>
      %add3A_690 = arith.addi %iota3A, %add3A_689 : vector<16xi32>
      %div3A = arith.divsi %add3A_690, %broadcast_in_dim3A_3 : vector<16xi32>
      %mul3A_691 = arith.constant 25 : i32
      %mul3A_692 = vector.broadcast %mul3A_691 : i32 to vector<16xi32>
      %mul3A_693 = arith.muli %div3A, %mul3A_692 : vector<16xi32>
      %sub3A = arith.subi %add3A_690, %mul3A_693 : vector<16xi32>
      %gather3A_694 = tpu.vector_load_idx %arg13[%div3A, %sub3A] : memref<80x32xi32, #tpu.memory_space<vmem>>[vector<16xi32>, vector<16xi32>], vector<16xi32>,
      %mul3A_695 = arith.constant 16 : i32
      %mul3A_696 = arith.muli %scan3A_685, %mul3A_695 : i32
      %add3A_697 = arith.constant 2000 : i32
      %add3A_698 = arith.addi %add3A_697, %mul3A_696 : i32
      %multiple_of3A_699 = tpu.assume_multiple %add3A_698, 8 : i32
      %swap3A_700 = arith.index_cast %multiple_of3A_699 : i32 to index
      %swap3A_701 = tpu.vector_load %arg14[%swap3A_700] {strides = array<i32>} : memref<8000xi32, #tpu.memory_space<vmem>>, vector<16xi32>,
      tpu.vector_store %arg14[%swap3A_700], %gather3A_694 {strides = array<i32>} : memref<8000xi32, #tpu.memory_space<vmem>>, vector<16xi32>,
      %scan3A_702 = arith.constant 0 : i32
      scf.yield %scan3A_702 : i32
    }
    %scan3A_455 = arith.constant 125 : i32
    %dma_start3A_456 = arith.constant 240 : i32
    %dma_start3A_457 = tpu.memref_slice %arg11[%dma_start3A_456] : memref<320xi32, #tpu.memory_space<vmem>> -> memref<80xi32, #tpu.memory_space<vmem>>
    %dma_start3A_458 = arith.constant 0 : i32
    %dma_start3A_459 = arith.constant 0 : i32
    %dma_start3A_460 = tpu.memref_slice %arg3[%dma_start3A_458, %dma_start3A_459] : memref<50000x32xi32, #tpu.memory_space<hbm>> -> memref<50000x32xi32, #tpu.memory_space<hbm>>
    tpu.enqueue_indirect_dma source(%dma_start3A_460 : memref<50000x32xi32, #tpu.memory_space<hbm>>) target(%arg13 : memref<80x32xi32, #tpu.memory_space<vmem>>) offsets(%dma_start3A_457 : memref<80xi32, #tpu.memory_space<vmem>>) semaphore(%arg23 : memref<!tpu.dma_semaphore, #tpu.memory_space<semaphore_mem>>)
    %dma_wait3A_461 = arith.constant 160 : i32
    %dma_wait3A_462 = tpu.memref_slice %arg11[%dma_wait3A_461] : memref<320xi32, #tpu.memory_space<vmem>> -> memref<80xi32, #tpu.memory_space<vmem>>
    %dma_wait3A_463 = arith.constant 0 : i32
    %dma_wait3A_464 = arith.constant 0 : i32
    %dma_wait3A_465 = tpu.memref_slice %arg3[%dma_wait3A_463, %dma_wait3A_464] : memref<50000x32xi32, #tpu.memory_space<hbm>> -> memref<50000x32xi32, #tpu.memory_space<hbm>>
    tpu.wait_indirect_dma semaphore(%arg22 : memref<!tpu.dma_semaphore, #tpu.memory_space<semaphore_mem>>) src(%dma_wait3A_465 : memref<50000x32xi32, #tpu.memory_space<hbm>>) dst(%arg12 : memref<80x32xi32, #tpu.memory_space<vmem>>)
    %scan3A_466 = arith.constant 0 : i32
    %scan3A_467 = arith.constant 0 : i32
    %scan3A_468 = arith.constant 125 : i32
    %scan3A_469 = arith.addi %scan3A_467, %scan3A_468 : i32
    %scan3A_470 = arith.constant 1 : i32
    %scan3A_471 = scf.for %scan3A_685 = %scan3A_467 to %scan3A_469 step %scan3A_470 iter_args(%scan3A_686 = %scan3A_466) -> (i32)  : i32 {
      %mul3A_687 = arith.constant 16 : i32
      %mul3A_688 = arith.muli %scan3A_685, %mul3A_687 : i32
      %add3A_689 = vector.broadcast %mul3A_688 : i32 to vector<16xi32>
      %add3A_690 = arith.addi %iota3A, %add3A_689 : vector<16xi32>
      %div3A = arith.divsi %add3A_690, %broadcast_in_dim3A_3 : vector<16xi32>
      %mul3A_691 = arith.constant 25 : i32
      %mul3A_692 = vector.broadcast %mul3A_691 : i32 to vector<16xi32>
      %mul3A_693 = arith.muli %div3A, %mul3A_692 : vector<16xi32>
      %sub3A = arith.subi %add3A_690, %mul3A_693 : vector<16xi32>
      %gather3A_694 = tpu.vector_load_idx %arg12[%div3A, %sub3A] : memref<80x32xi32, #tpu.memory_space<vmem>>[vector<16xi32>, vector<16xi32>], vector<16xi32>,
      %mul3A_695 = arith.constant 16 : i32
      %mul3A_696 = arith.muli %scan3A_685, %mul3A_695 : i32
      %add3A_697 = arith.constant 4000 : i32
      %add3A_698 = arith.addi %add3A_697, %mul3A_696 : i32
      %multiple_of3A_699 = tpu.assume_multiple %add3A_698, 8 : i32
      %swap3A_700 = arith.index_cast %multiple_of3A_699 : i32 to index
      %swap3A_701 = tpu.vector_load %arg14[%swap3A_700] {strides = array<i32>} : memref<8000xi32, #tpu.memory_space<vmem>>, vector<16xi32>,
      tpu.vector_store %arg14[%swap3A_700], %gather3A_694 {strides = array<i32>} : memref<8000xi32, #tpu.memory_space<vmem>>, vector<16xi32>,
      %scan3A_702 = arith.constant 0 : i32
      scf.yield %scan3A_702 : i32
    }
    %scan3A_472 = arith.constant 125 : i32
    %dma_wait3A_473 = arith.constant 240 : i32
    %dma_wait3A_474 = tpu.memref_slice %arg11[%dma_wait3A_473] : memref<320xi32, #tpu.memory_space<vmem>> -> memref<80xi32, #tpu.memory_space<vmem>>
    %dma_wait3A_475 = arith.constant 0 : i32
    %dma_wait3A_476 = arith.constant 0 : i32
    %dma_wait3A_477 = tpu.memref_slice %arg3[%dma_wait3A_475, %dma_wait3A_476] : memref<50000x32xi32, #tpu.memory_space<hbm>> -> memref<50000x32xi32, #tpu.memory_space<hbm>>
    tpu.wait_indirect_dma semaphore(%arg23 : memref<!tpu.dma_semaphore, #tpu.memory_space<semaphore_mem>>) src(%dma_wait3A_477 : memref<50000x32xi32, #tpu.memory_space<hbm>>) dst(%arg13 : memref<80x32xi32, #tpu.memory_space<vmem>>)
    %scan3A_478 = arith.constant 0 : i32
    %scan3A_479 = arith.constant 0 : i32
    %scan3A_480 = arith.constant 125 : i32
    %scan3A_481 = arith.addi %scan3A_479, %scan3A_480 : i32
    %scan3A_482 = arith.constant 1 : i32
    %scan3A_483 = scf.for %scan3A_685 = %scan3A_479 to %scan3A_481 step %scan3A_482 iter_args(%scan3A_686 = %scan3A_478) -> (i32)  : i32 {
      %mul3A_687 = arith.constant 16 : i32
      %mul3A_688 = arith.muli %scan3A_685, %mul3A_687 : i32
      %add3A_689 = vector.broadcast %mul3A_688 : i32 to vector<16xi32>
      %add3A_690 = arith.addi %iota3A, %add3A_689 : vector<16xi32>
      %div3A = arith.divsi %add3A_690, %broadcast_in_dim3A_3 : vector<16xi32>
      %mul3A_691 = arith.constant 25 : i32
      %mul3A_692 = vector.broadcast %mul3A_691 : i32 to vector<16xi32>
      %mul3A_693 = arith.muli %div3A, %mul3A_692 : vector<16xi32>
      %sub3A = arith.subi %add3A_690, %mul3A_693 : vector<16xi32>
      %gather3A_694 = tpu.vector_load_idx %arg13[%div3A, %sub3A] : memref<80x32xi32, #tpu.memory_space<vmem>>[vector<16xi32>, vector<16xi32>], vector<16xi32>,
      %mul3A_695 = arith.constant 16 : i32
      %mul3A_696 = arith.muli %scan3A_685, %mul3A_695 : i32
      %add3A_697 = arith.constant 6000 : i32
      %add3A_698 = arith.addi %add3A_697, %mul3A_696 : i32
      %multiple_of3A_699 = tpu.assume_multiple %add3A_698, 8 : i32
      %swap3A_700 = arith.index_cast %multiple_of3A_699 : i32 to index
      %swap3A_701 = tpu.vector_load %arg14[%swap3A_700] {strides = array<i32>} : memref<8000xi32, #tpu.memory_space<vmem>>, vector<16xi32>,
      tpu.vector_store %arg14[%swap3A_700], %gather3A_694 {strides = array<i32>} : memref<8000xi32, #tpu.memory_space<vmem>>, vector<16xi32>,
      %scan3A_702 = arith.constant 0 : i32
      scf.yield %scan3A_702 : i32
    }
    %scan3A_484 = arith.constant 125 : i32
    %dma_wait3A_485 = arith.constant 0 : i32
    %dma_wait3A_486 = arith.constant 0 : i32
    %dma_wait3A_487 = tpu.memref_slice %arg15[%dma_wait3A_485, %dma_wait3A_486] : memref<200x128xf32, #tpu.memory_space<vmem>> -> memref<32x128xf32, #tpu.memory_space<vmem>>
    %dma_wait3A_488 = arith.constant 0 : i32
    %dma_wait3A_489 = tpu.memref_slice %arg6[%add3A_304, %dma_wait3A_488] : memref<10240x128xf32, #tpu.memory_space<hbm>> -> memref<32x128xf32, #tpu.memory_space<hbm>>
    %dma_wait3A_490 = arith.constant 0 : i32
    %dma_wait3A_491 = tpu.memref_slice %arg6[%add3A_304, %dma_wait3A_490] : memref<10240x128xf32, #tpu.memory_space<hbm>> -> memref<32x128xf32, #tpu.memory_space<hbm>>
    %dma_wait3A_492 = arith.constant 0 : i32
    %dma_wait3A_493 = arith.constant 0 : i32
    %dma_wait3A_494 = tpu.memref_slice %arg15[%dma_wait3A_492, %dma_wait3A_493] : memref<200x128xf32, #tpu.memory_space<vmem>> -> memref<32x128xf32, #tpu.memory_space<vmem>>
    tpu.wait_dma2 semaphore(%arg21 : memref<!tpu.dma_semaphore, #tpu.memory_space<semaphore_mem>>) src(%dma_wait3A_494 : memref<32x128xf32, #tpu.memory_space<vmem>>) dst(%dma_wait3A_491 : memref<32x128xf32, #tpu.memory_space<hbm>>)
    %dma_wait3A_495 = arith.constant 32 : i32
    %dma_wait3A_496 = arith.constant 0 : i32
    %dma_wait3A_497 = tpu.memref_slice %arg15[%dma_wait3A_495, %dma_wait3A_496] : memref<200x128xf32, #tpu.memory_space<vmem>> -> memref<32x128xf32, #tpu.memory_space<vmem>>
    %dma_wait3A_498 = arith.constant 0 : i32
    %dma_wait3A_499 = tpu.memref_slice %arg6[%add3A_316, %dma_wait3A_498] : memref<10240x128xf32, #tpu.memory_space<hbm>> -> memref<32x128xf32, #tpu.memory_space<hbm>>
    %dma_wait3A_500 = arith.constant 0 : i32
    %dma_wait3A_501 = tpu.memref_slice %arg6[%add3A_316, %dma_wait3A_500] : memref<10240x128xf32, #tpu.memory_space<hbm>> -> memref<32x128xf32, #tpu.memory_space<hbm>>
    %dma_wait3A_502 = arith.constant 32 : i32
    %dma_wait3A_503 = arith.constant 0 : i32
    %dma_wait3A_504 = tpu.memref_slice %arg15[%dma_wait3A_502, %dma_wait3A_503] : memref<200x128xf32, #tpu.memory_space<vmem>> -> memref<32x128xf32, #tpu.memory_space<vmem>>
    tpu.wait_dma2 semaphore(%arg21 : memref<!tpu.dma_semaphore, #tpu.memory_space<semaphore_mem>>) src(%dma_wait3A_504 : memref<32x128xf32, #tpu.memory_space<vmem>>) dst(%dma_wait3A_501 : memref<32x128xf32, #tpu.memory_space<hbm>>)
    %dma_wait3A_505 = arith.constant 64 : i32
    %dma_wait3A_506 = arith.constant 0 : i32
    %dma_wait3A_507 = tpu.memref_slice %arg15[%dma_wait3A_505, %dma_wait3A_506] : memref<200x128xf32, #tpu.memory_space<vmem>> -> memref<32x128xf32, #tpu.memory_space<vmem>>
    %dma_wait3A_508 = arith.constant 0 : i32
    %dma_wait3A_509 = tpu.memref_slice %arg6[%add3A_328, %dma_wait3A_508] : memref<10240x128xf32, #tpu.memory_space<hbm>> -> memref<32x128xf32, #tpu.memory_space<hbm>>
    %dma_wait3A_510 = arith.constant 0 : i32
    %dma_wait3A_511 = tpu.memref_slice %arg6[%add3A_328, %dma_wait3A_510] : memref<10240x128xf32, #tpu.memory_space<hbm>> -> memref<32x128xf32, #tpu.memory_space<hbm>>
    %dma_wait3A_512 = arith.constant 64 : i32
    %dma_wait3A_513 = arith.constant 0 : i32
    %dma_wait3A_514 = tpu.memref_slice %arg15[%dma_wait3A_512, %dma_wait3A_513] : memref<200x128xf32, #tpu.memory_space<vmem>> -> memref<32x128xf32, #tpu.memory_space<vmem>>
    tpu.wait_dma2 semaphore(%arg21 : memref<!tpu.dma_semaphore, #tpu.memory_space<semaphore_mem>>) src(%dma_wait3A_514 : memref<32x128xf32, #tpu.memory_space<vmem>>) dst(%dma_wait3A_511 : memref<32x128xf32, #tpu.memory_space<hbm>>)
    %dma_wait3A_515 = arith.constant 96 : i32
    %dma_wait3A_516 = arith.constant 0 : i32
    %dma_wait3A_517 = tpu.memref_slice %arg15[%dma_wait3A_515, %dma_wait3A_516] : memref<200x128xf32, #tpu.memory_space<vmem>> -> memref<32x128xf32, #tpu.memory_space<vmem>>
    %dma_wait3A_518 = arith.constant 0 : i32
    %dma_wait3A_519 = tpu.memref_slice %arg6[%add3A_340, %dma_wait3A_518] : memref<10240x128xf32, #tpu.memory_space<hbm>> -> memref<32x128xf32, #tpu.memory_space<hbm>>
    %dma_wait3A_520 = arith.constant 0 : i32
    %dma_wait3A_521 = tpu.memref_slice %arg6[%add3A_340, %dma_wait3A_520] : memref<10240x128xf32, #tpu.memory_space<hbm>> -> memref<32x128xf32, #tpu.memory_space<hbm>>
    %dma_wait3A_522 = arith.constant 96 : i32
    %dma_wait3A_523 = arith.constant 0 : i32
    %dma_wait3A_524 = tpu.memref_slice %arg15[%dma_wait3A_522, %dma_wait3A_523] : memref<200x128xf32, #tpu.memory_space<vmem>> -> memref<32x128xf32, #tpu.memory_space<vmem>>
    tpu.wait_dma2 semaphore(%arg21 : memref<!tpu.dma_semaphore, #tpu.memory_space<semaphore_mem>>) src(%dma_wait3A_524 : memref<32x128xf32, #tpu.memory_space<vmem>>) dst(%dma_wait3A_521 : memref<32x128xf32, #tpu.memory_space<hbm>>)
    %dma_wait3A_525 = arith.constant 128 : i32
    %dma_wait3A_526 = arith.constant 0 : i32
    %dma_wait3A_527 = tpu.memref_slice %arg15[%dma_wait3A_525, %dma_wait3A_526] : memref<200x128xf32, #tpu.memory_space<vmem>> -> memref<32x128xf32, #tpu.memory_space<vmem>>
    %dma_wait3A_528 = arith.constant 0 : i32
    %dma_wait3A_529 = tpu.memref_slice %arg6[%add3A_352, %dma_wait3A_528] : memref<10240x128xf32, #tpu.memory_space<hbm>> -> memref<32x128xf32, #tpu.memory_space<hbm>>
    %dma_wait3A_530 = arith.constant 0 : i32
    %dma_wait3A_531 = tpu.memref_slice %arg6[%add3A_352, %dma_wait3A_530] : memref<10240x128xf32, #tpu.memory_space<hbm>> -> memref<32x128xf32, #tpu.memory_space<hbm>>
    %dma_wait3A_532 = arith.constant 128 : i32
    %dma_wait3A_533 = arith.constant 0 : i32
    %dma_wait3A_534 = tpu.memref_slice %arg15[%dma_wait3A_532, %dma_wait3A_533] : memref<200x128xf32, #tpu.memory_space<vmem>> -> memref<32x128xf32, #tpu.memory_space<vmem>>
    tpu.wait_dma2 semaphore(%arg21 : memref<!tpu.dma_semaphore, #tpu.memory_space<semaphore_mem>>) src(%dma_wait3A_534 : memref<32x128xf32, #tpu.memory_space<vmem>>) dst(%dma_wait3A_531 : memref<32x128xf32, #tpu.memory_space<hbm>>)
    %dma_wait3A_535 = arith.constant 160 : i32
    %dma_wait3A_536 = arith.constant 0 : i32
    %dma_wait3A_537 = tpu.memref_slice %arg15[%dma_wait3A_535, %dma_wait3A_536] : memref<200x128xf32, #tpu.memory_space<vmem>> -> memref<32x128xf32, #tpu.memory_space<vmem>>
    %dma_wait3A_538 = arith.constant 0 : i32
    %dma_wait3A_539 = tpu.memref_slice %arg6[%add3A_364, %dma_wait3A_538] : memref<10240x128xf32, #tpu.memory_space<hbm>> -> memref<32x128xf32, #tpu.memory_space<hbm>>
    %dma_wait3A_540 = arith.constant 0 : i32
    %dma_wait3A_541 = tpu.memref_slice %arg6[%add3A_364, %dma_wait3A_540] : memref<10240x128xf32, #tpu.memory_space<hbm>> -> memref<32x128xf32, #tpu.memory_space<hbm>>
    %dma_wait3A_542 = arith.constant 160 : i32
    %dma_wait3A_543 = arith.constant 0 : i32
    %dma_wait3A_544 = tpu.memref_slice %arg15[%dma_wait3A_542, %dma_wait3A_543] : memref<200x128xf32, #tpu.memory_space<vmem>> -> memref<32x128xf32, #tpu.memory_space<vmem>>
    tpu.wait_dma2 semaphore(%arg21 : memref<!tpu.dma_semaphore, #tpu.memory_space<semaphore_mem>>) src(%dma_wait3A_544 : memref<32x128xf32, #tpu.memory_space<vmem>>) dst(%dma_wait3A_541 : memref<32x128xf32, #tpu.memory_space<hbm>>)
    %dma_wait3A_545 = arith.constant 0 : i32
    %dma_wait3A_546 = arith.constant 0 : i32
    %dma_wait3A_547 = tpu.memref_slice %arg16[%dma_wait3A_545, %dma_wait3A_546] : memref<200x128xf32, #tpu.memory_space<vmem>> -> memref<32x128xf32, #tpu.memory_space<vmem>>
    %dma_wait3A_548 = arith.constant 0 : i32
    %dma_wait3A_549 = tpu.memref_slice %arg6[%add3A_376, %dma_wait3A_548] : memref<10240x128xf32, #tpu.memory_space<hbm>> -> memref<32x128xf32, #tpu.memory_space<hbm>>
    %dma_wait3A_550 = arith.constant 0 : i32
    %dma_wait3A_551 = tpu.memref_slice %arg6[%add3A_376, %dma_wait3A_550] : memref<10240x128xf32, #tpu.memory_space<hbm>> -> memref<32x128xf32, #tpu.memory_space<hbm>>
    %dma_wait3A_552 = arith.constant 0 : i32
    %dma_wait3A_553 = arith.constant 0 : i32
    %dma_wait3A_554 = tpu.memref_slice %arg16[%dma_wait3A_552, %dma_wait3A_553] : memref<200x128xf32, #tpu.memory_space<vmem>> -> memref<32x128xf32, #tpu.memory_space<vmem>>
    tpu.wait_dma2 semaphore(%arg21 : memref<!tpu.dma_semaphore, #tpu.memory_space<semaphore_mem>>) src(%dma_wait3A_554 : memref<32x128xf32, #tpu.memory_space<vmem>>) dst(%dma_wait3A_551 : memref<32x128xf32, #tpu.memory_space<hbm>>)
    %dma_wait3A_555 = arith.constant 32 : i32
    %dma_wait3A_556 = arith.constant 0 : i32
    %dma_wait3A_557 = tpu.memref_slice %arg16[%dma_wait3A_555, %dma_wait3A_556] : memref<200x128xf32, #tpu.memory_space<vmem>> -> memref<32x128xf32, #tpu.memory_space<vmem>>
    %dma_wait3A_558 = arith.constant 0 : i32
    %dma_wait3A_559 = tpu.memref_slice %arg6[%add3A_388, %dma_wait3A_558] : memref<10240x128xf32, #tpu.memory_space<hbm>> -> memref<32x128xf32, #tpu.memory_space<hbm>>
    %dma_wait3A_560 = arith.constant 0 : i32
    %dma_wait3A_561 = tpu.memref_slice %arg6[%add3A_388, %dma_wait3A_560] : memref<10240x128xf32, #tpu.memory_space<hbm>> -> memref<32x128xf32, #tpu.memory_space<hbm>>
    %dma_wait3A_562 = arith.constant 32 : i32
    %dma_wait3A_563 = arith.constant 0 : i32
    %dma_wait3A_564 = tpu.memref_slice %arg16[%dma_wait3A_562, %dma_wait3A_563] : memref<200x128xf32, #tpu.memory_space<vmem>> -> memref<32x128xf32, #tpu.memory_space<vmem>>
    tpu.wait_dma2 semaphore(%arg21 : memref<!tpu.dma_semaphore, #tpu.memory_space<semaphore_mem>>) src(%dma_wait3A_564 : memref<32x128xf32, #tpu.memory_space<vmem>>) dst(%dma_wait3A_561 : memref<32x128xf32, #tpu.memory_space<hbm>>)
    %dma_wait3A_565 = arith.constant 64 : i32
    %dma_wait3A_566 = arith.constant 0 : i32
    %dma_wait3A_567 = tpu.memref_slice %arg16[%dma_wait3A_565, %dma_wait3A_566] : memref<200x128xf32, #tpu.memory_space<vmem>> -> memref<32x128xf32, #tpu.memory_space<vmem>>
    %dma_wait3A_568 = arith.constant 0 : i32
    %dma_wait3A_569 = tpu.memref_slice %arg6[%add3A_400, %dma_wait3A_568] : memref<10240x128xf32, #tpu.memory_space<hbm>> -> memref<32x128xf32, #tpu.memory_space<hbm>>
    %dma_wait3A_570 = arith.constant 0 : i32
    %dma_wait3A_571 = tpu.memref_slice %arg6[%add3A_400, %dma_wait3A_570] : memref<10240x128xf32, #tpu.memory_space<hbm>> -> memref<32x128xf32, #tpu.memory_space<hbm>>
    %dma_wait3A_572 = arith.constant 64 : i32
    %dma_wait3A_573 = arith.constant 0 : i32
    %dma_wait3A_574 = tpu.memref_slice %arg16[%dma_wait3A_572, %dma_wait3A_573] : memref<200x128xf32, #tpu.memory_space<vmem>> -> memref<32x128xf32, #tpu.memory_space<vmem>>
    tpu.wait_dma2 semaphore(%arg21 : memref<!tpu.dma_semaphore, #tpu.memory_space<semaphore_mem>>) src(%dma_wait3A_574 : memref<32x128xf32, #tpu.memory_space<vmem>>) dst(%dma_wait3A_571 : memref<32x128xf32, #tpu.memory_space<hbm>>)
    %dma_wait3A_575 = arith.constant 96 : i32
    %dma_wait3A_576 = arith.constant 0 : i32
    %dma_wait3A_577 = tpu.memref_slice %arg16[%dma_wait3A_575, %dma_wait3A_576] : memref<200x128xf32, #tpu.memory_space<vmem>> -> memref<32x128xf32, #tpu.memory_space<vmem>>
    %dma_wait3A_578 = arith.constant 0 : i32
    %dma_wait3A_579 = tpu.memref_slice %arg6[%add3A_412, %dma_wait3A_578] : memref<10240x128xf32, #tpu.memory_space<hbm>> -> memref<32x128xf32, #tpu.memory_space<hbm>>
    %dma_wait3A_580 = arith.constant 0 : i32
    %dma_wait3A_581 = tpu.memref_slice %arg6[%add3A_412, %dma_wait3A_580] : memref<10240x128xf32, #tpu.memory_space<hbm>> -> memref<32x128xf32, #tpu.memory_space<hbm>>
    %dma_wait3A_582 = arith.constant 96 : i32
    %dma_wait3A_583 = arith.constant 0 : i32
    %dma_wait3A_584 = tpu.memref_slice %arg16[%dma_wait3A_582, %dma_wait3A_583] : memref<200x128xf32, #tpu.memory_space<vmem>> -> memref<32x128xf32, #tpu.memory_space<vmem>>
    tpu.wait_dma2 semaphore(%arg21 : memref<!tpu.dma_semaphore, #tpu.memory_space<semaphore_mem>>) src(%dma_wait3A_584 : memref<32x128xf32, #tpu.memory_space<vmem>>) dst(%dma_wait3A_581 : memref<32x128xf32, #tpu.memory_space<hbm>>)
    %multiple_of3A_585 = arith.constant 0 : i32
    %multiple_of3A_586 = tpu.assume_multiple %multiple_of3A_585, 8 : i32
    %dma_start3A_587 = arith.constant 0 : i32
    %dma_start3A_588 = arith.constant 0 : i32
    %dma_start3A_589 = tpu.memref_slice %arg15[%dma_start3A_587, %dma_start3A_588] : memref<200x128xf32, #tpu.memory_space<vmem>> -> memref<64x128xf32, #tpu.memory_space<vmem>>
    %dma_start3A_590 = tpu.memref_slice %arg14[%multiple_of3A_586] : memref<8000xi32, #tpu.memory_space<vmem>> -> memref<64xi32, #tpu.memory_space<vmem>>
    %dma_start3A_591 = arith.constant 0 : i32
    %dma_start3A_592 = arith.constant 0 : i32
    %dma_start3A_593 = tpu.memref_slice %arg2[%dma_start3A_591, %dma_start3A_592] : memref<50000x128xf32, #tpu.memory_space<hbm>> -> memref<50000x128xf32, #tpu.memory_space<hbm>>
    tpu.enqueue_indirect_dma source(%dma_start3A_593 : memref<50000x128xf32, #tpu.memory_space<hbm>>) target(%dma_start3A_589 : memref<64x128xf32, #tpu.memory_space<vmem>>) offsets(%dma_start3A_590 : memref<64xi32, #tpu.memory_space<vmem>>) semaphore(%arg22 : memref<!tpu.dma_semaphore, #tpu.memory_space<semaphore_mem>>)
    %multiple_of3A_594 = arith.constant 64 : i32
    %multiple_of3A_595 = tpu.assume_multiple %multiple_of3A_594, 8 : i32
    %dma_start3A_596 = arith.constant 64 : i32
    %dma_start3A_597 = arith.constant 0 : i32
    %dma_start3A_598 = tpu.memref_slice %arg15[%dma_start3A_596, %dma_start3A_597] : memref<200x128xf32, #tpu.memory_space<vmem>> -> memref<64x128xf32, #tpu.memory_space<vmem>>
    %dma_start3A_599 = tpu.memref_slice %arg14[%multiple_of3A_595] : memref<8000xi32, #tpu.memory_space<vmem>> -> memref<64xi32, #tpu.memory_space<vmem>>
    %dma_start3A_600 = arith.constant 0 : i32
    %dma_start3A_601 = arith.constant 0 : i32
    %dma_start3A_602 = tpu.memref_slice %arg2[%dma_start3A_600, %dma_start3A_601] : memref<50000x128xf32, #tpu.memory_space<hbm>> -> memref<50000x128xf32, #tpu.memory_space<hbm>>
    tpu.enqueue_indirect_dma source(%dma_start3A_602 : memref<50000x128xf32, #tpu.memory_space<hbm>>) target(%dma_start3A_598 : memref<64x128xf32, #tpu.memory_space<vmem>>) offsets(%dma_start3A_599 : memref<64xi32, #tpu.memory_space<vmem>>) semaphore(%arg22 : memref<!tpu.dma_semaphore, #tpu.memory_space<semaphore_mem>>)
    %multiple_of3A_603 = arith.constant 128 : i32
    %multiple_of3A_604 = tpu.assume_multiple %multiple_of3A_603, 8 : i32
    %dma_start3A_605 = arith.constant 128 : i32
    %dma_start3A_606 = arith.constant 0 : i32
    %dma_start3A_607 = tpu.memref_slice %arg15[%dma_start3A_605, %dma_start3A_606] : memref<200x128xf32, #tpu.memory_space<vmem>> -> memref<72x128xf32, #tpu.memory_space<vmem>>
    %dma_start3A_608 = tpu.memref_slice %arg14[%multiple_of3A_604] : memref<8000xi32, #tpu.memory_space<vmem>> -> memref<72xi32, #tpu.memory_space<vmem>>
    %dma_start3A_609 = arith.constant 0 : i32
    %dma_start3A_610 = arith.constant 0 : i32
    %dma_start3A_611 = tpu.memref_slice %arg2[%dma_start3A_609, %dma_start3A_610] : memref<50000x128xf32, #tpu.memory_space<hbm>> -> memref<50000x128xf32, #tpu.memory_space<hbm>>
    tpu.enqueue_indirect_dma source(%dma_start3A_611 : memref<50000x128xf32, #tpu.memory_space<hbm>>) target(%dma_start3A_607 : memref<72x128xf32, #tpu.memory_space<vmem>>) offsets(%dma_start3A_608 : memref<72xi32, #tpu.memory_space<vmem>>) semaphore(%arg22 : memref<!tpu.dma_semaphore, #tpu.memory_space<semaphore_mem>>)
    %multiple_of3A_612 = arith.constant 200 : i32
    %multiple_of3A_613 = tpu.assume_multiple %multiple_of3A_612, 8 : i32
    %dma_start3A_614 = arith.constant 0 : i32
    %dma_start3A_615 = arith.constant 0 : i32
    %dma_start3A_616 = tpu.memref_slice %arg16[%dma_start3A_614, %dma_start3A_615] : memref<200x128xf32, #tpu.memory_space<vmem>> -> memref<64x128xf32, #tpu.memory_space<vmem>>
    %dma_start3A_617 = tpu.memref_slice %arg14[%multiple_of3A_613] : memref<8000xi32, #tpu.memory_space<vmem>> -> memref<64xi32, #tpu.memory_space<vmem>>
    %dma_start3A_618 = arith.constant 0 : i32
    %dma_start3A_619 = arith.constant 0 : i32
    %dma_start3A_620 = tpu.memref_slice %arg2[%dma_start3A_618, %dma_start3A_619] : memref<50000x128xf32, #tpu.memory_space<hbm>> -> memref<50000x128xf32, #tpu.memory_space<hbm>>
    tpu.enqueue_indirect_dma source(%dma_start3A_620 : memref<50000x128xf32, #tpu.memory_space<hbm>>) target(%dma_start3A_616 : memref<64x128xf32, #tpu.memory_space<vmem>>) offsets(%dma_start3A_617 : memref<64xi32, #tpu.memory_space<vmem>>) semaphore(%arg23 : memref<!tpu.dma_semaphore, #tpu.memory_space<semaphore_mem>>)
    %multiple_of3A_621 = arith.constant 264 : i32
    %multiple_of3A_622 = tpu.assume_multiple %multiple_of3A_621, 8 : i32
    %dma_start3A_623 = arith.constant 64 : i32
    %dma_start3A_624 = arith.constant 0 : i32
    %dma_start3A_625 = tpu.memref_slice %arg16[%dma_start3A_623, %dma_start3A_624] : memref<200x128xf32, #tpu.memory_space<vmem>> -> memref<64x128xf32, #tpu.memory_space<vmem>>
    %dma_start3A_626 = tpu.memref_slice %arg14[%multiple_of3A_622] : memref<8000xi32, #tpu.memory_space<vmem>> -> memref<64xi32, #tpu.memory_space<vmem>>
    %dma_start3A_627 = arith.constant 0 : i32
    %dma_start3A_628 = arith.constant 0 : i32
    %dma_start3A_629 = tpu.memref_slice %arg2[%dma_start3A_627, %dma_start3A_628] : memref<50000x128xf32, #tpu.memory_space<hbm>> -> memref<50000x128xf32, #tpu.memory_space<hbm>>
    tpu.enqueue_indirect_dma source(%dma_start3A_629 : memref<50000x128xf32, #tpu.memory_space<hbm>>) target(%dma_start3A_625 : memref<64x128xf32, #tpu.memory_space<vmem>>) offsets(%dma_start3A_626 : memref<64xi32, #tpu.memory_space<vmem>>) semaphore(%arg23 : memref<!tpu.dma_semaphore, #tpu.memory_space<semaphore_mem>>)
    %multiple_of3A_630 = arith.constant 328 : i32
    %multiple_of3A_631 = tpu.assume_multiple %multiple_of3A_630, 8 : i32
    %dma_start3A_632 = arith.constant 128 : i32
    %dma_start3A_633 = arith.constant 0 : i32
    %dma_start3A_634 = tpu.memref_slice %arg16[%dma_start3A_632, %dma_start3A_633] : memref<200x128xf32, #tpu.memory_space<vmem>> -> memref<72x128xf32, #tpu.memory_space<vmem>>
    %dma_start3A_635 = tpu.memref_slice %arg14[%multiple_of3A_631] : memref<8000xi32, #tpu.memory_space<vmem>> -> memref<72xi32, #tpu.memory_space<vmem>>
    %dma_start3A_636 = arith.constant 0 : i32
    %dma_start3A_637 = arith.constant 0 : i32
    %dma_start3A_638 = tpu.memref_slice %arg2[%dma_start3A_636, %dma_start3A_637] : memref<50000x128xf32, #tpu.memory_space<hbm>> -> memref<50000x128xf32, #tpu.memory_space<hbm>>
    tpu.enqueue_indirect_dma source(%dma_start3A_638 : memref<50000x128xf32, #tpu.memory_space<hbm>>) target(%dma_start3A_634 : memref<72x128xf32, #tpu.memory_space<vmem>>) offsets(%dma_start3A_635 : memref<72xi32, #tpu.memory_space<vmem>>) semaphore(%arg23 : memref<!tpu.dma_semaphore, #tpu.memory_space<semaphore_mem>>)
    %multiple_of3A_639 = arith.constant 400 : i32
    %multiple_of3A_640 = tpu.assume_multiple %multiple_of3A_639, 8 : i32
    %dma_start3A_641 = arith.constant 0 : i32
    %dma_start3A_642 = arith.constant 0 : i32
    %dma_start3A_643 = tpu.memref_slice %arg17[%dma_start3A_641, %dma_start3A_642] : memref<200x128xf32, #tpu.memory_space<vmem>> -> memref<64x128xf32, #tpu.memory_space<vmem>>
    %dma_start3A_644 = tpu.memref_slice %arg14[%multiple_of3A_640] : memref<8000xi32, #tpu.memory_space<vmem>> -> memref<64xi32, #tpu.memory_space<vmem>>
    %dma_start3A_645 = arith.constant 0 : i32
    %dma_start3A_646 = arith.constant 0 : i32
    %dma_start3A_647 = tpu.memref_slice %arg2[%dma_start3A_645, %dma_start3A_646] : memref<50000x128xf32, #tpu.memory_space<hbm>> -> memref<50000x128xf32, #tpu.memory_space<hbm>>
    tpu.enqueue_indirect_dma source(%dma_start3A_647 : memref<50000x128xf32, #tpu.memory_space<hbm>>) target(%dma_start3A_643 : memref<64x128xf32, #tpu.memory_space<vmem>>) offsets(%dma_start3A_644 : memref<64xi32, #tpu.memory_space<vmem>>) semaphore(%arg24 : memref<!tpu.dma_semaphore, #tpu.memory_space<semaphore_mem>>)
    %multiple_of3A_648 = arith.constant 464 : i32
    %multiple_of3A_649 = tpu.assume_multiple %multiple_of3A_648, 8 : i32
    %dma_start3A_650 = arith.constant 64 : i32
    %dma_start3A_651 = arith.constant 0 : i32
    %dma_start3A_652 = tpu.memref_slice %arg17[%dma_start3A_650, %dma_start3A_651] : memref<200x128xf32, #tpu.memory_space<vmem>> -> memref<64x128xf32, #tpu.memory_space<vmem>>
    %dma_start3A_653 = tpu.memref_slice %arg14[%multiple_of3A_649] : memref<8000xi32, #tpu.memory_space<vmem>> -> memref<64xi32, #tpu.memory_space<vmem>>
    %dma_start3A_654 = arith.constant 0 : i32
    %dma_start3A_655 = arith.constant 0 : i32
    %dma_start3A_656 = tpu.memref_slice %arg2[%dma_start3A_654, %dma_start3A_655] : memref<50000x128xf32, #tpu.memory_space<hbm>> -> memref<50000x128xf32, #tpu.memory_space<hbm>>
    tpu.enqueue_indirect_dma source(%dma_start3A_656 : memref<50000x128xf32, #tpu.memory_space<hbm>>) target(%dma_start3A_652 : memref<64x128xf32, #tpu.memory_space<vmem>>) offsets(%dma_start3A_653 : memref<64xi32, #tpu.memory_space<vmem>>) semaphore(%arg24 : memref<!tpu.dma_semaphore, #tpu.memory_space<semaphore_mem>>)
    %multiple_of3A_657 = arith.constant 528 : i32
    %multiple_of3A_658 = tpu.assume_multiple %multiple_of3A_657, 8 : i32
    %dma_start3A_659 = arith.constant 128 : i32
    %dma_start3A_660 = arith.constant 0 : i32
    %dma_start3A_661 = tpu.memref_slice %arg17[%dma_start3A_659, %dma_start3A_660] : memref<200x128xf32, #tpu.memory_space<vmem>> -> memref<72x128xf32, #tpu.memory_space<vmem>>
    %dma_start3A_662 = tpu.memref_slice %arg14[%multiple_of3A_658] : memref<8000xi32, #tpu.memory_space<vmem>> -> memref<72xi32, #tpu.memory_space<vmem>>
    %dma_start3A_663 = arith.constant 0 : i32
    %dma_start3A_664 = arith.constant 0 : i32
    %dma_start3A_665 = tpu.memref_slice %arg2[%dma_start3A_663, %dma_start3A_664] : memref<50000x128xf32, #tpu.memory_space<hbm>> -> memref<50000x128xf32, #tpu.memory_space<hbm>>
    tpu.enqueue_indirect_dma source(%dma_start3A_665 : memref<50000x128xf32, #tpu.memory_space<hbm>>) target(%dma_start3A_661 : memref<72x128xf32, #tpu.memory_space<vmem>>) offsets(%dma_start3A_662 : memref<72xi32, #tpu.memory_space<vmem>>) semaphore(%arg24 : memref<!tpu.dma_semaphore, #tpu.memory_space<semaphore_mem>>)
    %scan3A_666 = arith.constant 0 : i32
    %scan3A_667 = arith.constant 0 : i32
    %scan3A_668 = arith.constant 10 : i32
    %scan3A_669 = arith.addi %scan3A_667, %scan3A_668 : i32
    %scan3A_670 = arith.constant 1 : i32
    %scan3A_671 = scf.for %scan3A_685 = %scan3A_667 to %scan3A_669 step %scan3A_670 iter_args(%scan3A_686 = %scan3A_666) -> (i32)  : i32 {
      %mul3A_687 = arith.constant 4 : i32
      %mul3A_688 = arith.muli %scan3A_685, %mul3A_687 : i32
      %add3A_689 = arith.constant 0 : i32
      %add3A_690 = arith.addi %mul3A_688, %add3A_689 : i32
      %add3A_691 = arith.constant 3 : i32
      %add3A_692 = arith.addi %add3A_690, %add3A_691 : i32
      %lt3A = arith.constant 40 : i32
      %lt3A_693 = arith.cmpi slt, %add3A_692, %lt3A : i32
      %convert_element_type3A = arith.extui %lt3A_693 : i1 to i32
      %cond3A = arith.constant 0 : i32
      %cond3A_694 = arith.cmpi ne, %convert_element_type3A, %cond3A : i32
      scf.if %cond3A_694 {
        %add3A_859 = arith.constant 3 : i32
        %add3A_860 = arith.addi %add3A_690, %add3A_859 : i32
        %mul3A_861 = arith.constant 200 : i32
        %mul3A_862 = arith.muli %add3A_860, %mul3A_861 : i32
        %add3A_863 = arith.constant 0 : i32
        %add3A_864 = arith.addi %mul3A_862, %add3A_863 : i32
        %multiple_of3A_865 = tpu.assume_multiple %add3A_864, 8 : i32
        %dma_start3A_866 = arith.constant 0 : i32
        %dma_start3A_867 = arith.constant 0 : i32
        %dma_start3A_868 = tpu.memref_slice %arg18[%dma_start3A_866, %dma_start3A_867] : memref<200x128xf32, #tpu.memory_space<vmem>> -> memref<64x128xf32, #tpu.memory_space<vmem>>
        %dma_start3A_869 = tpu.memref_slice %arg14[%multiple_of3A_865] : memref<8000xi32, #tpu.memory_space<vmem>> -> memref<64xi32, #tpu.memory_space<vmem>>
        %dma_start3A_870 = arith.constant 0 : i32
        %dma_start3A_871 = arith.constant 0 : i32
        %dma_start3A_872 = tpu.memref_slice %arg2[%dma_start3A_870, %dma_start3A_871] : memref<50000x128xf32, #tpu.memory_space<hbm>> -> memref<50000x128xf32, #tpu.memory_space<hbm>>
        tpu.enqueue_indirect_dma source(%dma_start3A_872 : memref<50000x128xf32, #tpu.memory_space<hbm>>) target(%dma_start3A_868 : memref<64x128xf32, #tpu.memory_space<vmem>>) offsets(%dma_start3A_869 : memref<64xi32, #tpu.memory_space<vmem>>) semaphore(%arg25 : memref<!tpu.dma_semaphore, #tpu.memory_space<semaphore_mem>>)
        %mul3A_873 = arith.constant 200 : i32
        %mul3A_874 = arith.muli %add3A_860, %mul3A_873 : i32
        %add3A_875 = arith.constant 64 : i32
        %add3A_876 = arith.addi %mul3A_874, %add3A_875 : i32
        %multiple_of3A_877 = tpu.assume_multiple %add3A_876, 8 : i32
        %dma_start3A_878 = arith.constant 64 : i32
        %dma_start3A_879 = arith.constant 0 : i32
        %dma_start3A_880 = tpu.memref_slice %arg18[%dma_start3A_878, %dma_start3A_879] : memref<200x128xf32, #tpu.memory_space<vmem>> -> memref<64x128xf32, #tpu.memory_space<vmem>>
        %dma_start3A_881 = tpu.memref_slice %arg14[%multiple_of3A_877] : memref<8000xi32, #tpu.memory_space<vmem>> -> memref<64xi32, #tpu.memory_space<vmem>>
        %dma_start3A_882 = arith.constant 0 : i32
        %dma_start3A_883 = arith.constant 0 : i32
        %dma_start3A_884 = tpu.memref_slice %arg2[%dma_start3A_882, %dma_start3A_883] : memref<50000x128xf32, #tpu.memory_space<hbm>> -> memref<50000x128xf32, #tpu.memory_space<hbm>>
        tpu.enqueue_indirect_dma source(%dma_start3A_884 : memref<50000x128xf32, #tpu.memory_space<hbm>>) target(%dma_start3A_880 : memref<64x128xf32, #tpu.memory_space<vmem>>) offsets(%dma_start3A_881 : memref<64xi32, #tpu.memory_space<vmem>>) semaphore(%arg25 : memref<!tpu.dma_semaphore, #tpu.memory_space<semaphore_mem>>)
        %mul3A_885 = arith.constant 200 : i32
        %mul3A_886 = arith.muli %add3A_860, %mul3A_885 : i32
        %add3A_887 = arith.constant 128 : i32
        %add3A_888 = arith.addi %mul3A_886, %add3A_887 : i32
        %multiple_of3A_889 = tpu.assume_multiple %add3A_888, 8 : i32
        %dma_start3A_890 = arith.constant 128 : i32
        %dma_start3A_891 = arith.constant 0 : i32
        %dma_start3A_892 = tpu.memref_slice %arg18[%dma_start3A_890, %dma_start3A_891] : memref<200x128xf32, #tpu.memory_space<vmem>> -> memref<72x128xf32, #tpu.memory_space<vmem>>
        %dma_start3A_893 = tpu.memref_slice %arg14[%multiple_of3A_889] : memref<8000xi32, #tpu.memory_space<vmem>> -> memref<72xi32, #tpu.memory_space<vmem>>
        %dma_start3A_894 = arith.constant 0 : i32
        %dma_start3A_895 = arith.constant 0 : i32
        %dma_start3A_896 = tpu.memref_slice %arg2[%dma_start3A_894, %dma_start3A_895] : memref<50000x128xf32, #tpu.memory_space<hbm>> -> memref<50000x128xf32, #tpu.memory_space<hbm>>
        tpu.enqueue_indirect_dma source(%dma_start3A_896 : memref<50000x128xf32, #tpu.memory_space<hbm>>) target(%dma_start3A_892 : memref<72x128xf32, #tpu.memory_space<vmem>>) offsets(%dma_start3A_893 : memref<72xi32, #tpu.memory_space<vmem>>) semaphore(%arg25 : memref<!tpu.dma_semaphore, #tpu.memory_space<semaphore_mem>>)
      } else {
      }
      %dma_wait3A_695 = arith.constant 0 : i32
      %dma_wait3A_696 = arith.constant 0 : i32
      %dma_wait3A_697 = tpu.memref_slice %arg2[%dma_wait3A_695, %dma_wait3A_696] : memref<50000x128xf32, #tpu.memory_space<hbm>> -> memref<200x128xf32, #tpu.memory_space<hbm>>
      %dma_wait3A_698 = arith.constant 0 : i32
      %dma_wait3A_699 = arith.constant 0 : i32
      %dma_wait3A_700 = tpu.memref_slice %arg2[%dma_wait3A_698, %dma_wait3A_699] : memref<50000x128xf32, #tpu.memory_space<hbm>> -> memref<200x128xf32, #tpu.memory_space<hbm>>
      tpu.wait_dma2 semaphore(%arg22 : memref<!tpu.dma_semaphore, #tpu.memory_space<semaphore_mem>>) src(%dma_wait3A_700 : memref<200x128xf32, #tpu.memory_space<hbm>>) dst(%arg15 : memref<200x128xf32, #tpu.memory_space<vmem>>)
      %ge3A = arith.constant 2 : i32
      %ge3A_701 = arith.cmpi sge, %add3A_690, %ge3A : i32
      %convert_element_type3A_702 = arith.extui %ge3A_701 : i1 to i32
      %cond3A_703 = arith.constant 0 : i32
      %cond3A_704 = arith.cmpi ne, %convert_element_type3A_702, %cond3A_703 : i32
      scf.if %cond3A_704 {
        %dma_wait3A_859 = arith.constant 0 : i32
        %dma_wait3A_860 = arith.constant 0 : i32
        %dma_wait3A_861 = tpu.memref_slice %arg7[%dma_wait3A_859, %dma_wait3A_860] : memref<10240x128xf32, #tpu.memory_space<hbm>> -> memref<8x128xf32, #tpu.memory_space<hbm>>
        %dma_wait3A_862 = arith.constant 0 : i32
        %dma_wait3A_863 = arith.constant 0 : i32
        %dma_wait3A_864 = tpu.memref_slice %arg7[%dma_wait3A_862, %dma_wait3A_863] : memref<10240x128xf32, #tpu.memory_space<hbm>> -> memref<8x128xf32, #tpu.memory_space<hbm>>
        tpu.wait_dma2 semaphore(%arg26 : memref<!tpu.dma_semaphore, #tpu.memory_space<semaphore_mem>>) src(%arg19 : memref<8x128xf32, #tpu.memory_space<vmem>>) dst(%dma_wait3A_864 : memref<8x128xf32, #tpu.memory_space<hbm>>)
      } else {
      }
      %scan3A_705 = arith.constant 0 : i32
      %scan3A_706 = arith.constant 0 : i32
      %scan3A_707 = arith.constant 8 : i32
      %scan3A_708 = arith.addi %scan3A_706, %scan3A_707 : i32
      %scan3A_709 = arith.constant 1 : i32
      %scan3A_710 = scf.for %scan3A_859 = %scan3A_706 to %scan3A_708 step %scan3A_709 iter_args(%scan3A_860 = %scan3A_705) -> (i32)  : i32 {
        %mul3A_861 = arith.constant 25 : i32
        %mul3A_862 = arith.muli %scan3A_859, %mul3A_861 : i32
        %broadcast_in_dim3A_863 = arith.constant 0.000000e+00 : f32
        %broadcast_in_dim3A_864 = vector.broadcast %broadcast_in_dim3A_863 : f32 to vector<16xf32>
        %broadcast_in_dim3A_865 = arith.constant 0.000000e+00 : f32
        %broadcast_in_dim3A_866 = vector.broadcast %broadcast_in_dim3A_865 : f32 to vector<16xf32>
        %broadcast_in_dim3A_867 = arith.constant 0.000000e+00 : f32
        %broadcast_in_dim3A_868 = vector.broadcast %broadcast_in_dim3A_867 : f32 to vector<16xf32>
        %broadcast_in_dim3A_869 = arith.constant 0.000000e+00 : f32
        %broadcast_in_dim3A_870 = vector.broadcast %broadcast_in_dim3A_869 : f32 to vector<16xf32>
        %broadcast_in_dim3A_871 = arith.constant 0.000000e+00 : f32
        %broadcast_in_dim3A_872 = vector.broadcast %broadcast_in_dim3A_871 : f32 to vector<16xf32>
        %broadcast_in_dim3A_873 = arith.constant 0.000000e+00 : f32
        %broadcast_in_dim3A_874 = vector.broadcast %broadcast_in_dim3A_873 : f32 to vector<16xf32>
        %broadcast_in_dim3A_875 = arith.constant 0.000000e+00 : f32
        %broadcast_in_dim3A_876 = vector.broadcast %broadcast_in_dim3A_875 : f32 to vector<16xf32>
        %broadcast_in_dim3A_877 = arith.constant 0.000000e+00 : f32
        %broadcast_in_dim3A_878 = vector.broadcast %broadcast_in_dim3A_877 : f32 to vector<16xf32>
        %scan3A_879 = arith.constant 0 : i32
        %scan3A_880 = arith.constant 5 : i32
        %scan3A_881 = arith.addi %scan3A_879, %scan3A_880 : i32
        %scan3A_882 = arith.constant 1 : i32
        %scan3A_883:8 = scf.for %scan3A_910 = %scan3A_879 to %scan3A_881 step %scan3A_882 iter_args(%scan3A_911 = %broadcast_in_dim3A_864, %scan3A_912 = %broadcast_in_dim3A_866, %scan3A_913 = %broadcast_in_dim3A_868, %scan3A_914 = %broadcast_in_dim3A_870, %scan3A_915 = %broadcast_in_dim3A_872, %scan3A_916 = %broadcast_in_dim3A_874, %scan3A_917 = %broadcast_in_dim3A_876, %scan3A_918 = %broadcast_in_dim3A_878) -> (vector<16xf32>, vector<16xf32>, vector<16xf32>, vector<16xf32>, vector<16xf32>, vector<16xf32>, vector<16xf32>, vector<16xf32>)  : i32 {
          %mul3A_919 = arith.constant 5 : i32
          %mul3A_920 = arith.muli %scan3A_910, %mul3A_919 : i32
          %add3A_921 = arith.addi %mul3A_862, %mul3A_920 : i32
          %add3A_922 = arith.constant 0 : i32
          %add3A_923 = arith.addi %add3A_921, %add3A_922 : i32
          %get3A = arith.index_cast %add3A_923 : i32 to index
          %get3A_924 = arith.constant 0 : index
          %get3A_925 = tpu.vector_load %arg15[%get3A, %get3A_924] {strides = array<i32>} : memref<200x128xf32, #tpu.memory_space<vmem>>, vector<16xf32>,
          %add3A_926 = arith.addf %scan3A_911, %get3A_925 : vector<16xf32>
          %add3A_927 = arith.constant 0 : i32
          %add3A_928 = arith.addi %add3A_921, %add3A_927 : i32
          %get3A_929 = arith.index_cast %add3A_928 : i32 to index
          %get3A_930 = arith.constant 16 : index
          %get3A_931 = tpu.vector_load %arg15[%get3A_929, %get3A_930] {strides = array<i32>} : memref<200x128xf32, #tpu.memory_space<vmem>>, vector<16xf32>,
          %add3A_932 = arith.addf %scan3A_912, %get3A_931 : vector<16xf32>
          %add3A_933 = arith.constant 0 : i32
          %add3A_934 = arith.addi %add3A_921, %add3A_933 : i32
          %get3A_935 = arith.index_cast %add3A_934 : i32 to index
          %get3A_936 = arith.constant 32 : index
          %get3A_937 = tpu.vector_load %arg15[%get3A_935, %get3A_936] {strides = array<i32>} : memref<200x128xf32, #tpu.memory_space<vmem>>, vector<16xf32>,
          %add3A_938 = arith.addf %scan3A_913, %get3A_937 : vector<16xf32>
          %add3A_939 = arith.constant 0 : i32
          %add3A_940 = arith.addi %add3A_921, %add3A_939 : i32
          %get3A_941 = arith.index_cast %add3A_940 : i32 to index
          %get3A_942 = arith.constant 48 : index
          %get3A_943 = tpu.vector_load %arg15[%get3A_941, %get3A_942] {strides = array<i32>} : memref<200x128xf32, #tpu.memory_space<vmem>>, vector<16xf32>,
          %add3A_944 = arith.addf %scan3A_914, %get3A_943 : vector<16xf32>
          %add3A_945 = arith.constant 0 : i32
          %add3A_946 = arith.addi %add3A_921, %add3A_945 : i32
          %get3A_947 = arith.index_cast %add3A_946 : i32 to index
          %get3A_948 = arith.constant 64 : index
          %get3A_949 = tpu.vector_load %arg15[%get3A_947, %get3A_948] {strides = array<i32>} : memref<200x128xf32, #tpu.memory_space<vmem>>, vector<16xf32>,
          %add3A_950 = arith.addf %scan3A_915, %get3A_949 : vector<16xf32>
          %add3A_951 = arith.constant 0 : i32
          %add3A_952 = arith.addi %add3A_921, %add3A_951 : i32
          %get3A_953 = arith.index_cast %add3A_952 : i32 to index
          %get3A_954 = arith.constant 80 : index
          %get3A_955 = tpu.vector_load %arg15[%get3A_953, %get3A_954] {strides = array<i32>} : memref<200x128xf32, #tpu.memory_space<vmem>>, vector<16xf32>,
          %add3A_956 = arith.addf %scan3A_916, %get3A_955 : vector<16xf32>
          %add3A_957 = arith.constant 0 : i32
          %add3A_958 = arith.addi %add3A_921, %add3A_957 : i32
          %get3A_959 = arith.index_cast %add3A_958 : i32 to index
          %get3A_960 = arith.constant 96 : index
          %get3A_961 = tpu.vector_load %arg15[%get3A_959, %get3A_960] {strides = array<i32>} : memref<200x128xf32, #tpu.memory_space<vmem>>, vector<16xf32>,
          %add3A_962 = arith.addf %scan3A_917, %get3A_961 : vector<16xf32>
          %add3A_963 = arith.constant 0 : i32
          %add3A_964 = arith.addi %add3A_921, %add3A_963 : i32
          %get3A_965 = arith.index_cast %add3A_964 : i32 to index
          %get3A_966 = arith.constant 112 : index
          %get3A_967 = tpu.vector_load %arg15[%get3A_965, %get3A_966] {strides = array<i32>} : memref<200x128xf32, #tpu.memory_space<vmem>>, vector<16xf32>,
          %add3A_968 = arith.addf %scan3A_918, %get3A_967 : vector<16xf32>
          %add3A_969 = arith.constant 1 : i32
          %add3A_970 = arith.addi %add3A_921, %add3A_969 : i32
          %get3A_971 = arith.index_cast %add3A_970 : i32 to index
          %get3A_972 = arith.constant 0 : index
          %get3A_973 = tpu.vector_load %arg15[%get3A_971, %get3A_972] {strides = array<i32>} : memref<200x128xf32, #tpu.memory_space<vmem>>, vector<16xf32>,
          %add3A_974 = arith.addf %add3A_926, %get3A_973 : vector<16xf32>
          %add3A_975 = arith.constant 1 : i32
          %add3A_976 = arith.addi %add3A_921, %add3A_975 : i32
          %get3A_977 = arith.index_cast %add3A_976 : i32 to index
          %get3A_978 = arith.constant 16 : index
          %get3A_979 = tpu.vector_load %arg15[%get3A_977, %get3A_978] {strides = array<i32>} : memref<200x128xf32, #tpu.memory_space<vmem>>, vector<16xf32>,
          %add3A_980 = arith.addf %add3A_932, %get3A_979 : vector<16xf32>
          %add3A_981 = arith.constant 1 : i32
          %add3A_982 = arith.addi %add3A_921, %add3A_981 : i32
          %get3A_983 = arith.index_cast %add3A_982 : i32 to index
          %get3A_984 = arith.constant 32 : index
          %get3A_985 = tpu.vector_load %arg15[%get3A_983, %get3A_984] {strides = array<i32>} : memref<200x128xf32, #tpu.memory_space<vmem>>, vector<16xf32>,
          %add3A_986 = arith.addf %add3A_938, %get3A_985 : vector<16xf32>
          %add3A_987 = arith.constant 1 : i32
          %add3A_988 = arith.addi %add3A_921, %add3A_987 : i32
          %get3A_989 = arith.index_cast %add3A_988 : i32 to index
          %get3A_990 = arith.constant 48 : index
          %get3A_991 = tpu.vector_load %arg15[%get3A_989, %get3A_990] {strides = array<i32>} : memref<200x128xf32, #tpu.memory_space<vmem>>, vector<16xf32>,
          %add3A_992 = arith.addf %add3A_944, %get3A_991 : vector<16xf32>
          %add3A_993 = arith.constant 1 : i32
          %add3A_994 = arith.addi %add3A_921, %add3A_993 : i32
          %get3A_995 = arith.index_cast %add3A_994 : i32 to index
          %get3A_996 = arith.constant 64 : index
          %get3A_997 = tpu.vector_load %arg15[%get3A_995, %get3A_996] {strides = array<i32>} : memref<200x128xf32, #tpu.memory_space<vmem>>, vector<16xf32>,
          %add3A_998 = arith.addf %add3A_950, %get3A_997 : vector<16xf32>
          %add3A_999 = arith.constant 1 : i32
          %add3A_1000 = arith.addi %add3A_921, %add3A_999 : i32
          %get3A_1001 = arith.index_cast %add3A_1000 : i32 to index
          %get3A_1002 = arith.constant 80 : index
          %get3A_1003 = tpu.vector_load %arg15[%get3A_1001, %get3A_1002] {strides = array<i32>} : memref<200x128xf32, #tpu.memory_space<vmem>>, vector<16xf32>,
          %add3A_1004 = arith.addf %add3A_956, %get3A_1003 : vector<16xf32>
          %add3A_1005 = arith.constant 1 : i32
          %add3A_1006 = arith.addi %add3A_921, %add3A_1005 : i32
          %get3A_1007 = arith.index_cast %add3A_1006 : i32 to index
          %get3A_1008 = arith.constant 96 : index
          %get3A_1009 = tpu.vector_load %arg15[%get3A_1007, %get3A_1008] {strides = array<i32>} : memref<200x128xf32, #tpu.memory_space<vmem>>, vector<16xf32>,
          %add3A_1010 = arith.addf %add3A_962, %get3A_1009 : vector<16xf32>
          %add3A_1011 = arith.constant 1 : i32
          %add3A_1012 = arith.addi %add3A_921, %add3A_1011 : i32
          %get3A_1013 = arith.index_cast %add3A_1012 : i32 to index
          %get3A_1014 = arith.constant 112 : index
          %get3A_1015 = tpu.vector_load %arg15[%get3A_1013, %get3A_1014] {strides = array<i32>} : memref<200x128xf32, #tpu.memory_space<vmem>>, vector<16xf32>,
          %add3A_1016 = arith.addf %add3A_968, %get3A_1015 : vector<16xf32>
          %add3A_1017 = arith.constant 2 : i32
          %add3A_1018 = arith.addi %add3A_921, %add3A_1017 : i32
          %get3A_1019 = arith.index_cast %add3A_1018 : i32 to index
          %get3A_1020 = arith.constant 0 : index
          %get3A_1021 = tpu.vector_load %arg15[%get3A_1019, %get3A_1020] {strides = array<i32>} : memref<200x128xf32, #tpu.memory_space<vmem>>, vector<16xf32>,
          %add3A_1022 = arith.addf %add3A_974, %get3A_1021 : vector<16xf32>
          %add3A_1023 = arith.constant 2 : i32
          %add3A_1024 = arith.addi %add3A_921, %add3A_1023 : i32
          %get3A_1025 = arith.index_cast %add3A_1024 : i32 to index
          %get3A_1026 = arith.constant 16 : index
          %get3A_1027 = tpu.vector_load %arg15[%get3A_1025, %get3A_1026] {strides = array<i32>} : memref<200x128xf32, #tpu.memory_space<vmem>>, vector<16xf32>,
          %add3A_1028 = arith.addf %add3A_980, %get3A_1027 : vector<16xf32>
          %add3A_1029 = arith.constant 2 : i32
          %add3A_1030 = arith.addi %add3A_921, %add3A_1029 : i32
          %get3A_1031 = arith.index_cast %add3A_1030 : i32 to index
          %get3A_1032 = arith.constant 32 : index
          %get3A_1033 = tpu.vector_load %arg15[%get3A_1031, %get3A_1032] {strides = array<i32>} : memref<200x128xf32, #tpu.memory_space<vmem>>, vector<16xf32>,
          %add3A_1034 = arith.addf %add3A_986, %get3A_1033 : vector<16xf32>
          %add3A_1035 = arith.constant 2 : i32
          %add3A_1036 = arith.addi %add3A_921, %add3A_1035 : i32
          %get3A_1037 = arith.index_cast %add3A_1036 : i32 to index
          %get3A_1038 = arith.constant 48 : index
          %get3A_1039 = tpu.vector_load %arg15[%get3A_1037, %get3A_1038] {strides = array<i32>} : memref<200x128xf32, #tpu.memory_space<vmem>>, vector<16xf32>,
          %add3A_1040 = arith.addf %add3A_992, %get3A_1039 : vector<16xf32>
          %add3A_1041 = arith.constant 2 : i32
          %add3A_1042 = arith.addi %add3A_921, %add3A_1041 : i32
          %get3A_1043 = arith.index_cast %add3A_1042 : i32 to index
          %get3A_1044 = arith.constant 64 : index
          %get3A_1045 = tpu.vector_load %arg15[%get3A_1043, %get3A_1044] {strides = array<i32>} : memref<200x128xf32, #tpu.memory_space<vmem>>, vector<16xf32>,
          %add3A_1046 = arith.addf %add3A_998, %get3A_1045 : vector<16xf32>
          %add3A_1047 = arith.constant 2 : i32
          %add3A_1048 = arith.addi %add3A_921, %add3A_1047 : i32
          %get3A_1049 = arith.index_cast %add3A_1048 : i32 to index
          %get3A_1050 = arith.constant 80 : index
          %get3A_1051 = tpu.vector_load %arg15[%get3A_1049, %get3A_1050] {strides = array<i32>} : memref<200x128xf32, #tpu.memory_space<vmem>>, vector<16xf32>,
          %add3A_1052 = arith.addf %add3A_1004, %get3A_1051 : vector<16xf32>
          %add3A_1053 = arith.constant 2 : i32
          %add3A_1054 = arith.addi %add3A_921, %add3A_1053 : i32
          %get3A_1055 = arith.index_cast %add3A_1054 : i32 to index
          %get3A_1056 = arith.constant 96 : index
          %get3A_1057 = tpu.vector_load %arg15[%get3A_1055, %get3A_1056] {strides = array<i32>} : memref<200x128xf32, #tpu.memory_space<vmem>>, vector<16xf32>,
          %add3A_1058 = arith.addf %add3A_1010, %get3A_1057 : vector<16xf32>
          %add3A_1059 = arith.constant 2 : i32
          %add3A_1060 = arith.addi %add3A_921, %add3A_1059 : i32
          %get3A_1061 = arith.index_cast %add3A_1060 : i32 to index
          %get3A_1062 = arith.constant 112 : index
          %get3A_1063 = tpu.vector_load %arg15[%get3A_1061, %get3A_1062] {strides = array<i32>} : memref<200x128xf32, #tpu.memory_space<vmem>>, vector<16xf32>,
          %add3A_1064 = arith.addf %add3A_1016, %get3A_1063 : vector<16xf32>
          %add3A_1065 = arith.constant 3 : i32
          %add3A_1066 = arith.addi %add3A_921, %add3A_1065 : i32
          %get3A_1067 = arith.index_cast %add3A_1066 : i32 to index
          %get3A_1068 = arith.constant 0 : index
          %get3A_1069 = tpu.vector_load %arg15[%get3A_1067, %get3A_1068] {strides = array<i32>} : memref<200x128xf32, #tpu.memory_space<vmem>>, vector<16xf32>,
          %add3A_1070 = arith.addf %add3A_1022, %get3A_1069 : vector<16xf32>
          %add3A_1071 = arith.constant 3 : i32
          %add3A_1072 = arith.addi %add3A_921, %add3A_1071 : i32
          %get3A_1073 = arith.index_cast %add3A_1072 : i32 to index
          %get3A_1074 = arith.constant 16 : index
          %get3A_1075 = tpu.vector_load %arg15[%get3A_1073, %get3A_1074] {strides = array<i32>} : memref<200x128xf32, #tpu.memory_space<vmem>>, vector<16xf32>,
          %add3A_1076 = arith.addf %add3A_1028, %get3A_1075 : vector<16xf32>
          %add3A_1077 = arith.constant 3 : i32
          %add3A_1078 = arith.addi %add3A_921, %add3A_1077 : i32
          %get3A_1079 = arith.index_cast %add3A_1078 : i32 to index
          %get3A_1080 = arith.constant 32 : index
          %get3A_1081 = tpu.vector_load %arg15[%get3A_1079, %get3A_1080] {strides = array<i32>} : memref<200x128xf32, #tpu.memory_space<vmem>>, vector<16xf32>,
          %add3A_1082 = arith.addf %add3A_1034, %get3A_1081 : vector<16xf32>
          %add3A_1083 = arith.constant 3 : i32
          %add3A_1084 = arith.addi %add3A_921, %add3A_1083 : i32
          %get3A_1085 = arith.index_cast %add3A_1084 : i32 to index
          %get3A_1086 = arith.constant 48 : index
          %get3A_1087 = tpu.vector_load %arg15[%get3A_1085, %get3A_1086] {strides = array<i32>} : memref<200x128xf32, #tpu.memory_space<vmem>>, vector<16xf32>,
          %add3A_1088 = arith.addf %add3A_1040, %get3A_1087 : vector<16xf32>
          %add3A_1089 = arith.constant 3 : i32
          %add3A_1090 = arith.addi %add3A_921, %add3A_1089 : i32
          %get3A_1091 = arith.index_cast %add3A_1090 : i32 to index
          %get3A_1092 = arith.constant 64 : index
          %get3A_1093 = tpu.vector_load %arg15[%get3A_1091, %get3A_1092] {strides = array<i32>} : memref<200x128xf32, #tpu.memory_space<vmem>>, vector<16xf32>,
          %add3A_1094 = arith.addf %add3A_1046, %get3A_1093 : vector<16xf32>
          %add3A_1095 = arith.constant 3 : i32
          %add3A_1096 = arith.addi %add3A_921, %add3A_1095 : i32
          %get3A_1097 = arith.index_cast %add3A_1096 : i32 to index
          %get3A_1098 = arith.constant 80 : index
          %get3A_1099 = tpu.vector_load %arg15[%get3A_1097, %get3A_1098] {strides = array<i32>} : memref<200x128xf32, #tpu.memory_space<vmem>>, vector<16xf32>,
          %add3A_1100 = arith.addf %add3A_1052, %get3A_1099 : vector<16xf32>
          %add3A_1101 = arith.constant 3 : i32
          %add3A_1102 = arith.addi %add3A_921, %add3A_1101 : i32
          %get3A_1103 = arith.index_cast %add3A_1102 : i32 to index
          %get3A_1104 = arith.constant 96 : index
          %get3A_1105 = tpu.vector_load %arg15[%get3A_1103, %get3A_1104] {strides = array<i32>} : memref<200x128xf32, #tpu.memory_space<vmem>>, vector<16xf32>,
          %add3A_1106 = arith.addf %add3A_1058, %get3A_1105 : vector<16xf32>
          %add3A_1107 = arith.constant 3 : i32
          %add3A_1108 = arith.addi %add3A_921, %add3A_1107 : i32
          %get3A_1109 = arith.index_cast %add3A_1108 : i32 to index
          %get3A_1110 = arith.constant 112 : index
          %get3A_1111 = tpu.vector_load %arg15[%get3A_1109, %get3A_1110] {strides = array<i32>} : memref<200x128xf32, #tpu.memory_space<vmem>>, vector<16xf32>,
          %add3A_1112 = arith.addf %add3A_1064, %get3A_1111 : vector<16xf32>
          %add3A_1113 = arith.constant 4 : i32
          %add3A_1114 = arith.addi %add3A_921, %add3A_1113 : i32
          %get3A_1115 = arith.index_cast %add3A_1114 : i32 to index
          %get3A_1116 = arith.constant 0 : index
          %get3A_1117 = tpu.vector_load %arg15[%get3A_1115, %get3A_1116] {strides = array<i32>} : memref<200x128xf32, #tpu.memory_space<vmem>>, vector<16xf32>,
          %add3A_1118 = arith.addf %add3A_1070, %get3A_1117 : vector<16xf32>
          %add3A_1119 = arith.constant 4 : i32
          %add3A_1120 = arith.addi %add3A_921, %add3A_1119 : i32
          %get3A_1121 = arith.index_cast %add3A_1120 : i32 to index
          %get3A_1122 = arith.constant 16 : index
          %get3A_1123 = tpu.vector_load %arg15[%get3A_1121, %get3A_1122] {strides = array<i32>} : memref<200x128xf32, #tpu.memory_space<vmem>>, vector<16xf32>,
          %add3A_1124 = arith.addf %add3A_1076, %get3A_1123 : vector<16xf32>
          %add3A_1125 = arith.constant 4 : i32
          %add3A_1126 = arith.addi %add3A_921, %add3A_1125 : i32
          %get3A_1127 = arith.index_cast %add3A_1126 : i32 to index
          %get3A_1128 = arith.constant 32 : index
          %get3A_1129 = tpu.vector_load %arg15[%get3A_1127, %get3A_1128] {strides = array<i32>} : memref<200x128xf32, #tpu.memory_space<vmem>>, vector<16xf32>,
          %add3A_1130 = arith.addf %add3A_1082, %get3A_1129 : vector<16xf32>
          %add3A_1131 = arith.constant 4 : i32
          %add3A_1132 = arith.addi %add3A_921, %add3A_1131 : i32
          %get3A_1133 = arith.index_cast %add3A_1132 : i32 to index
          %get3A_1134 = arith.constant 48 : index
          %get3A_1135 = tpu.vector_load %arg15[%get3A_1133, %get3A_1134] {strides = array<i32>} : memref<200x128xf32, #tpu.memory_space<vmem>>, vector<16xf32>,
          %add3A_1136 = arith.addf %add3A_1088, %get3A_1135 : vector<16xf32>
          %add3A_1137 = arith.constant 4 : i32
          %add3A_1138 = arith.addi %add3A_921, %add3A_1137 : i32
          %get3A_1139 = arith.index_cast %add3A_1138 : i32 to index
          %get3A_1140 = arith.constant 64 : index
          %get3A_1141 = tpu.vector_load %arg15[%get3A_1139, %get3A_1140] {strides = array<i32>} : memref<200x128xf32, #tpu.memory_space<vmem>>, vector<16xf32>,
          %add3A_1142 = arith.addf %add3A_1094, %get3A_1141 : vector<16xf32>
          %add3A_1143 = arith.constant 4 : i32
          %add3A_1144 = arith.addi %add3A_921, %add3A_1143 : i32
          %get3A_1145 = arith.index_cast %add3A_1144 : i32 to index
          %get3A_1146 = arith.constant 80 : index
          %get3A_1147 = tpu.vector_load %arg15[%get3A_1145, %get3A_1146] {strides = array<i32>} : memref<200x128xf32, #tpu.memory_space<vmem>>, vector<16xf32>,
          %add3A_1148 = arith.addf %add3A_1100, %get3A_1147 : vector<16xf32>
          %add3A_1149 = arith.constant 4 : i32
          %add3A_1150 = arith.addi %add3A_921, %add3A_1149 : i32
          %get3A_1151 = arith.index_cast %add3A_1150 : i32 to index
          %get3A_1152 = arith.constant 96 : index
          %get3A_1153 = tpu.vector_load %arg15[%get3A_1151, %get3A_1152] {strides = array<i32>} : memref<200x128xf32, #tpu.memory_space<vmem>>, vector<16xf32>,
          %add3A_1154 = arith.addf %add3A_1106, %get3A_1153 : vector<16xf32>
          %add3A_1155 = arith.constant 4 : i32
          %add3A_1156 = arith.addi %add3A_921, %add3A_1155 : i32
          %get3A_1157 = arith.index_cast %add3A_1156 : i32 to index
          %get3A_1158 = arith.constant 112 : index
          %get3A_1159 = tpu.vector_load %arg15[%get3A_1157, %get3A_1158] {strides = array<i32>} : memref<200x128xf32, #tpu.memory_space<vmem>>, vector<16xf32>,
          %add3A_1160 = arith.addf %add3A_1112, %get3A_1159 : vector<16xf32>
          scf.yield %add3A_1118, %add3A_1124, %add3A_1130, %add3A_1136, %add3A_1142, %add3A_1148, %add3A_1154, %add3A_1160 : vector<16xf32>, vector<16xf32>, vector<16xf32>, vector<16xf32>, vector<16xf32>, vector<16xf32>, vector<16xf32>, vector<16xf32>
        }
        %scan3A_884 = arith.constant 5 : i32
        %swap3A_885 = arith.index_cast %scan3A_859 : i32 to index
        %swap3A_886 = arith.constant 0 : index
        %swap3A_887 = tpu.vector_load %arg19[%swap3A_885, %swap3A_886] {strides = array<i32>} : memref<8x128xf32, #tpu.memory_space<vmem>>, vector<16xf32>,
        tpu.vector_store %arg19[%swap3A_885, %swap3A_886], %scan3A_883#0 {strides = array<i32>} : memref<8x128xf32, #tpu.memory_space<vmem>>, vector<16xf32>,
        %swap3A_888 = arith.index_cast %scan3A_859 : i32 to index
        %swap3A_889 = arith.constant 16 : index
        %swap3A_890 = tpu.vector_load %arg19[%swap3A_888, %swap3A_889] {strides = array<i32>} : memref<8x128xf32, #tpu.memory_space<vmem>>, vector<16xf32>,
        tpu.vector_store %arg19[%swap3A_888, %swap3A_889], %scan3A_883#1 {strides = array<i32>} : memref<8x128xf32, #tpu.memory_space<vmem>>, vector<16xf32>,
        %swap3A_891 = arith.index_cast %scan3A_859 : i32 to index
        %swap3A_892 = arith.constant 32 : index
        %swap3A_893 = tpu.vector_load %arg19[%swap3A_891, %swap3A_892] {strides = array<i32>} : memref<8x128xf32, #tpu.memory_space<vmem>>, vector<16xf32>,
        tpu.vector_store %arg19[%swap3A_891, %swap3A_892], %scan3A_883#2 {strides = array<i32>} : memref<8x128xf32, #tpu.memory_space<vmem>>, vector<16xf32>,
        %swap3A_894 = arith.index_cast %scan3A_859 : i32 to index
        %swap3A_895 = arith.constant 48 : index
        %swap3A_896 = tpu.vector_load %arg19[%swap3A_894, %swap3A_895] {strides = array<i32>} : memref<8x128xf32, #tpu.memory_space<vmem>>, vector<16xf32>,
        tpu.vector_store %arg19[%swap3A_894, %swap3A_895], %scan3A_883#3 {strides = array<i32>} : memref<8x128xf32, #tpu.memory_space<vmem>>, vector<16xf32>,
        %swap3A_897 = arith.index_cast %scan3A_859 : i32 to index
        %swap3A_898 = arith.constant 64 : index
        %swap3A_899 = tpu.vector_load %arg19[%swap3A_897, %swap3A_898] {strides = array<i32>} : memref<8x128xf32, #tpu.memory_space<vmem>>, vector<16xf32>,
        tpu.vector_store %arg19[%swap3A_897, %swap3A_898], %scan3A_883#4 {strides = array<i32>} : memref<8x128xf32, #tpu.memory_space<vmem>>, vector<16xf32>,
        %swap3A_900 = arith.index_cast %scan3A_859 : i32 to index
        %swap3A_901 = arith.constant 80 : index
        %swap3A_902 = tpu.vector_load %arg19[%swap3A_900, %swap3A_901] {strides = array<i32>} : memref<8x128xf32, #tpu.memory_space<vmem>>, vector<16xf32>,
        tpu.vector_store %arg19[%swap3A_900, %swap3A_901], %scan3A_883#5 {strides = array<i32>} : memref<8x128xf32, #tpu.memory_space<vmem>>, vector<16xf32>,
        %swap3A_903 = arith.index_cast %scan3A_859 : i32 to index
        %swap3A_904 = arith.constant 96 : index
        %swap3A_905 = tpu.vector_load %arg19[%swap3A_903, %swap3A_904] {strides = array<i32>} : memref<8x128xf32, #tpu.memory_space<vmem>>, vector<16xf32>,
        tpu.vector_store %arg19[%swap3A_903, %swap3A_904], %scan3A_883#6 {strides = array<i32>} : memref<8x128xf32, #tpu.memory_space<vmem>>, vector<16xf32>,
        %swap3A_906 = arith.index_cast %scan3A_859 : i32 to index
        %swap3A_907 = arith.constant 112 : index
        %swap3A_908 = tpu.vector_load %arg19[%swap3A_906, %swap3A_907] {strides = array<i32>} : memref<8x128xf32, #tpu.memory_space<vmem>>, vector<16xf32>,
        tpu.vector_store %arg19[%swap3A_906, %swap3A_907], %scan3A_883#7 {strides = array<i32>} : memref<8x128xf32, #tpu.memory_space<vmem>>, vector<16xf32>,
        %scan3A_909 = arith.constant 0 : i32
        scf.yield %scan3A_909 : i32
      }
      %scan3A_711 = arith.constant 8 : i32
      %shift_right_logical3A_712 = arith.constant 2 : i32
      %shift_right_logical3A_713 = arith.shrui %add3A_690, %shift_right_logical3A_712 : i32
      %mul3A_714 = arith.constant 1024 : i32
      %mul3A_715 = arith.muli %shift_right_logical3A_713, %mul3A_714 : i32
      %add3A_716 = arith.addi %mul3A_715, %multiple_of3A : i32
      %and3A_717 = arith.constant 3 : i32
      %and3A_718 = arith.andi %add3A_690, %and3A_717 : i32
      %shift_left3A = arith.constant 3 : i32
      %shift_left3A_719 = arith.shli %and3A_718, %shift_left3A : i32
      %add3A_720 = arith.addi %add3A_716, %shift_left3A_719 : i32
      %multiple_of3A_721 = tpu.assume_multiple %add3A_720, 8 : i32
      %dma_start3A_722 = arith.constant 0 : i32
      %dma_start3A_723 = tpu.memref_slice %arg7[%multiple_of3A_721, %dma_start3A_722] : memref<10240x128xf32, #tpu.memory_space<hbm>> -> memref<8x128xf32, #tpu.memory_space<hbm>>
      %dma_start3A_724 = arith.constant 0 : i32
      %dma_start3A_725 = tpu.memref_slice %arg7[%multiple_of3A_721, %dma_start3A_724] : memref<10240x128xf32, #tpu.memory_space<hbm>> -> memref<8x128xf32, #tpu.memory_space<hbm>>
      tpu.enqueue_dma source(%arg19 : memref<8x128xf32, #tpu.memory_space<vmem>>) target(%dma_start3A_725 : memref<8x128xf32, #tpu.memory_space<hbm>>) target_semaphore(%arg26 : memref<!tpu.dma_semaphore, #tpu.memory_space<semaphore_mem>>)
      %mul3A_726 = arith.constant 4 : i32
      %mul3A_727 = arith.muli %scan3A_685, %mul3A_726 : i32
      %add3A_728 = arith.constant 1 : i32
      %add3A_729 = arith.addi %mul3A_727, %add3A_728 : i32
      %add3A_730 = arith.constant 3 : i32
      %add3A_731 = arith.addi %add3A_729, %add3A_730 : i32
      %lt3A_732 = arith.constant 40 : i32
      %lt3A_733 = arith.cmpi slt, %add3A_731, %lt3A_732 : i32
      %convert_element_type3A_734 = arith.extui %lt3A_733 : i1 to i32
      %cond3A_735 = arith.constant 0 : i32
      %cond3A_736 = arith.cmpi ne, %convert_element_type3A_734, %cond3A_735 : i32
      scf.if %cond3A_736 {
        %add3A_859 = arith.constant 3 : i32
        %add3A_860 = arith.addi %add3A_729, %add3A_859 : i32
        %mul3A_861 = arith.constant 200 : i32
        %mul3A_862 = arith.muli %add3A_860, %mul3A_861 : i32
        %add3A_863 = arith.constant 0 : i32
        %add3A_864 = arith.addi %mul3A_862, %add3A_863 : i32
        %multiple_of3A_865 = tpu.assume_multiple %add3A_864, 8 : i32
        %dma_start3A_866 = arith.constant 0 : i32
        %dma_start3A_867 = arith.constant 0 : i32
        %dma_start3A_868 = tpu.memref_slice %arg15[%dma_start3A_866, %dma_start3A_867] : memref<200x128xf32, #tpu.memory_space<vmem>> -> memref<64x128xf32, #tpu.memory_space<vmem>>
        %dma_start3A_869 = tpu.memref_slice %arg14[%multiple_of3A_865] : memref<8000xi32, #tpu.memory_space<vmem>> -> memref<64xi32, #tpu.memory_space<vmem>>
        %dma_start3A_870 = arith.constant 0 : i32
        %dma_start3A_871 = arith.constant 0 : i32
        %dma_start3A_872 = tpu.memref_slice %arg2[%dma_start3A_870, %dma_start3A_871] : memref<50000x128xf32, #tpu.memory_space<hbm>> -> memref<50000x128xf32, #tpu.memory_space<hbm>>
        tpu.enqueue_indirect_dma source(%dma_start3A_872 : memref<50000x128xf32, #tpu.memory_space<hbm>>) target(%dma_start3A_868 : memref<64x128xf32, #tpu.memory_space<vmem>>) offsets(%dma_start3A_869 : memref<64xi32, #tpu.memory_space<vmem>>) semaphore(%arg22 : memref<!tpu.dma_semaphore, #tpu.memory_space<semaphore_mem>>)
        %mul3A_873 = arith.constant 200 : i32
        %mul3A_874 = arith.muli %add3A_860, %mul3A_873 : i32
        %add3A_875 = arith.constant 64 : i32
        %add3A_876 = arith.addi %mul3A_874, %add3A_875 : i32
        %multiple_of3A_877 = tpu.assume_multiple %add3A_876, 8 : i32
        %dma_start3A_878 = arith.constant 64 : i32
        %dma_start3A_879 = arith.constant 0 : i32
        %dma_start3A_880 = tpu.memref_slice %arg15[%dma_start3A_878, %dma_start3A_879] : memref<200x128xf32, #tpu.memory_space<vmem>> -> memref<64x128xf32, #tpu.memory_space<vmem>>
        %dma_start3A_881 = tpu.memref_slice %arg14[%multiple_of3A_877] : memref<8000xi32, #tpu.memory_space<vmem>> -> memref<64xi32, #tpu.memory_space<vmem>>
        %dma_start3A_882 = arith.constant 0 : i32
        %dma_start3A_883 = arith.constant 0 : i32
        %dma_start3A_884 = tpu.memref_slice %arg2[%dma_start3A_882, %dma_start3A_883] : memref<50000x128xf32, #tpu.memory_space<hbm>> -> memref<50000x128xf32, #tpu.memory_space<hbm>>
        tpu.enqueue_indirect_dma source(%dma_start3A_884 : memref<50000x128xf32, #tpu.memory_space<hbm>>) target(%dma_start3A_880 : memref<64x128xf32, #tpu.memory_space<vmem>>) offsets(%dma_start3A_881 : memref<64xi32, #tpu.memory_space<vmem>>) semaphore(%arg22 : memref<!tpu.dma_semaphore, #tpu.memory_space<semaphore_mem>>)
        %mul3A_885 = arith.constant 200 : i32
        %mul3A_886 = arith.muli %add3A_860, %mul3A_885 : i32
        %add3A_887 = arith.constant 128 : i32
        %add3A_888 = arith.addi %mul3A_886, %add3A_887 : i32
        %multiple_of3A_889 = tpu.assume_multiple %add3A_888, 8 : i32
        %dma_start3A_890 = arith.constant 128 : i32
        %dma_start3A_891 = arith.constant 0 : i32
        %dma_start3A_892 = tpu.memref_slice %arg15[%dma_start3A_890, %dma_start3A_891] : memref<200x128xf32, #tpu.memory_space<vmem>> -> memref<72x128xf32, #tpu.memory_space<vmem>>
        %dma_start3A_893 = tpu.memref_slice %arg14[%multiple_of3A_889] : memref<8000xi32, #tpu.memory_space<vmem>> -> memref<72xi32, #tpu.memory_space<vmem>>
        %dma_start3A_894 = arith.constant 0 : i32
        %dma_start3A_895 = arith.constant 0 : i32
        %dma_start3A_896 = tpu.memref_slice %arg2[%dma_start3A_894, %dma_start3A_895] : memref<50000x128xf32, #tpu.memory_space<hbm>> -> memref<50000x128xf32, #tpu.memory_space<hbm>>
        tpu.enqueue_indirect_dma source(%dma_start3A_896 : memref<50000x128xf32, #tpu.memory_space<hbm>>) target(%dma_start3A_892 : memref<72x128xf32, #tpu.memory_space<vmem>>) offsets(%dma_start3A_893 : memref<72xi32, #tpu.memory_space<vmem>>) semaphore(%arg22 : memref<!tpu.dma_semaphore, #tpu.memory_space<semaphore_mem>>)
      } else {
      }
      %dma_wait3A_737 = arith.constant 0 : i32
      %dma_wait3A_738 = arith.constant 0 : i32
      %dma_wait3A_739 = tpu.memref_slice %arg2[%dma_wait3A_737, %dma_wait3A_738] : memref<50000x128xf32, #tpu.memory_space<hbm>> -> memref<200x128xf32, #tpu.memory_space<hbm>>
      %dma_wait3A_740 = arith.constant 0 : i32
      %dma_wait3A_741 = arith.constant 0 : i32
      %dma_wait3A_742 = tpu.memref_slice %arg2[%dma_wait3A_740, %dma_wait3A_741] : memref<50000x128xf32, #tpu.memory_space<hbm>> -> memref<200x128xf32, #tpu.memory_space<hbm>>
      tpu.wait_dma2 semaphore(%arg23 : memref<!tpu.dma_semaphore, #tpu.memory_space<semaphore_mem>>) src(%dma_wait3A_742 : memref<200x128xf32, #tpu.memory_space<hbm>>) dst(%arg16 : memref<200x128xf32, #tpu.memory_space<vmem>>)
      %ge3A_743 = arith.constant 2 : i32
      %ge3A_744 = arith.cmpi sge, %add3A_729, %ge3A_743 : i32
      %convert_element_type3A_745 = arith.extui %ge3A_744 : i1 to i32
      %cond3A_746 = arith.constant 0 : i32
      %cond3A_747 = arith.cmpi ne, %convert_element_type3A_745, %cond3A_746 : i32
      scf.if %cond3A_747 {
        %dma_wait3A_859 = arith.constant 0 : i32
        %dma_wait3A_860 = arith.constant 0 : i32
        %dma_wait3A_861 = tpu.memref_slice %arg7[%dma_wait3A_859, %dma_wait3A_860] : memref<10240x128xf32, #tpu.memory_space<hbm>> -> memref<8x128xf32, #tpu.memory_space<hbm>>
        %dma_wait3A_862 = arith.constant 0 : i32
        %dma_wait3A_863 = arith.constant 0 : i32
        %dma_wait3A_864 = tpu.memref_slice %arg7[%dma_wait3A_862, %dma_wait3A_863] : memref<10240x128xf32, #tpu.memory_space<hbm>> -> memref<8x128xf32, #tpu.memory_space<hbm>>
        tpu.wait_dma2 semaphore(%arg27 : memref<!tpu.dma_semaphore, #tpu.memory_space<semaphore_mem>>) src(%arg20 : memref<8x128xf32, #tpu.memory_space<vmem>>) dst(%dma_wait3A_864 : memref<8x128xf32, #tpu.memory_space<hbm>>)
      } else {
      }
      %scan3A_748 = arith.constant 0 : i32
      %scan3A_749 = arith.constant 0 : i32
      %scan3A_750 = arith.constant 8 : i32
      %scan3A_751 = arith.addi %scan3A_749, %scan3A_750 : i32
      %scan3A_752 = arith.constant 1 : i32
      %scan3A_753 = scf.for %scan3A_859 = %scan3A_749 to %scan3A_751 step %scan3A_752 iter_args(%scan3A_860 = %scan3A_748) -> (i32)  : i32 {
        %mul3A_861 = arith.constant 25 : i32
        %mul3A_862 = arith.muli %scan3A_859, %mul3A_861 : i32
        %broadcast_in_dim3A_863 = arith.constant 0.000000e+00 : f32
        %broadcast_in_dim3A_864 = vector.broadcast %broadcast_in_dim3A_863 : f32 to vector<16xf32>
        %broadcast_in_dim3A_865 = arith.constant 0.000000e+00 : f32
        %broadcast_in_dim3A_866 = vector.broadcast %broadcast_in_dim3A_865 : f32 to vector<16xf32>
        %broadcast_in_dim3A_867 = arith.constant 0.000000e+00 : f32
        %broadcast_in_dim3A_868 = vector.broadcast %broadcast_in_dim3A_867 : f32 to vector<16xf32>
        %broadcast_in_dim3A_869 = arith.constant 0.000000e+00 : f32
        %broadcast_in_dim3A_870 = vector.broadcast %broadcast_in_dim3A_869 : f32 to vector<16xf32>
        %broadcast_in_dim3A_871 = arith.constant 0.000000e+00 : f32
        %broadcast_in_dim3A_872 = vector.broadcast %broadcast_in_dim3A_871 : f32 to vector<16xf32>
        %broadcast_in_dim3A_873 = arith.constant 0.000000e+00 : f32
        %broadcast_in_dim3A_874 = vector.broadcast %broadcast_in_dim3A_873 : f32 to vector<16xf32>
        %broadcast_in_dim3A_875 = arith.constant 0.000000e+00 : f32
        %broadcast_in_dim3A_876 = vector.broadcast %broadcast_in_dim3A_875 : f32 to vector<16xf32>
        %broadcast_in_dim3A_877 = arith.constant 0.000000e+00 : f32
        %broadcast_in_dim3A_878 = vector.broadcast %broadcast_in_dim3A_877 : f32 to vector<16xf32>
        %scan3A_879 = arith.constant 0 : i32
        %scan3A_880 = arith.constant 5 : i32
        %scan3A_881 = arith.addi %scan3A_879, %scan3A_880 : i32
        %scan3A_882 = arith.constant 1 : i32
        %scan3A_883:8 = scf.for %scan3A_910 = %scan3A_879 to %scan3A_881 step %scan3A_882 iter_args(%scan3A_911 = %broadcast_in_dim3A_864, %scan3A_912 = %broadcast_in_dim3A_866, %scan3A_913 = %broadcast_in_dim3A_868, %scan3A_914 = %broadcast_in_dim3A_870, %scan3A_915 = %broadcast_in_dim3A_872, %scan3A_916 = %broadcast_in_dim3A_874, %scan3A_917 = %broadcast_in_dim3A_876, %scan3A_918 = %broadcast_in_dim3A_878) -> (vector<16xf32>, vector<16xf32>, vector<16xf32>, vector<16xf32>, vector<16xf32>, vector<16xf32>, vector<16xf32>, vector<16xf32>)  : i32 {
          %mul3A_919 = arith.constant 5 : i32
          %mul3A_920 = arith.muli %scan3A_910, %mul3A_919 : i32
          %add3A_921 = arith.addi %mul3A_862, %mul3A_920 : i32
          %add3A_922 = arith.constant 0 : i32
          %add3A_923 = arith.addi %add3A_921, %add3A_922 : i32
          %get3A = arith.index_cast %add3A_923 : i32 to index
          %get3A_924 = arith.constant 0 : index
          %get3A_925 = tpu.vector_load %arg16[%get3A, %get3A_924] {strides = array<i32>} : memref<200x128xf32, #tpu.memory_space<vmem>>, vector<16xf32>,
          %add3A_926 = arith.addf %scan3A_911, %get3A_925 : vector<16xf32>
          %add3A_927 = arith.constant 0 : i32
          %add3A_928 = arith.addi %add3A_921, %add3A_927 : i32
          %get3A_929 = arith.index_cast %add3A_928 : i32 to index
          %get3A_930 = arith.constant 16 : index
          %get3A_931 = tpu.vector_load %arg16[%get3A_929, %get3A_930] {strides = array<i32>} : memref<200x128xf32, #tpu.memory_space<vmem>>, vector<16xf32>,
          %add3A_932 = arith.addf %scan3A_912, %get3A_931 : vector<16xf32>
          %add3A_933 = arith.constant 0 : i32
          %add3A_934 = arith.addi %add3A_921, %add3A_933 : i32
          %get3A_935 = arith.index_cast %add3A_934 : i32 to index
          %get3A_936 = arith.constant 32 : index
          %get3A_937 = tpu.vector_load %arg16[%get3A_935, %get3A_936] {strides = array<i32>} : memref<200x128xf32, #tpu.memory_space<vmem>>, vector<16xf32>,
          %add3A_938 = arith.addf %scan3A_913, %get3A_937 : vector<16xf32>
          %add3A_939 = arith.constant 0 : i32
          %add3A_940 = arith.addi %add3A_921, %add3A_939 : i32
          %get3A_941 = arith.index_cast %add3A_940 : i32 to index
          %get3A_942 = arith.constant 48 : index
          %get3A_943 = tpu.vector_load %arg16[%get3A_941, %get3A_942] {strides = array<i32>} : memref<200x128xf32, #tpu.memory_space<vmem>>, vector<16xf32>,
          %add3A_944 = arith.addf %scan3A_914, %get3A_943 : vector<16xf32>
          %add3A_945 = arith.constant 0 : i32
          %add3A_946 = arith.addi %add3A_921, %add3A_945 : i32
          %get3A_947 = arith.index_cast %add3A_946 : i32 to index
          %get3A_948 = arith.constant 64 : index
          %get3A_949 = tpu.vector_load %arg16[%get3A_947, %get3A_948] {strides = array<i32>} : memref<200x128xf32, #tpu.memory_space<vmem>>, vector<16xf32>,
          %add3A_950 = arith.addf %scan3A_915, %get3A_949 : vector<16xf32>
          %add3A_951 = arith.constant 0 : i32
          %add3A_952 = arith.addi %add3A_921, %add3A_951 : i32
          %get3A_953 = arith.index_cast %add3A_952 : i32 to index
          %get3A_954 = arith.constant 80 : index
          %get3A_955 = tpu.vector_load %arg16[%get3A_953, %get3A_954] {strides = array<i32>} : memref<200x128xf32, #tpu.memory_space<vmem>>, vector<16xf32>,
          %add3A_956 = arith.addf %scan3A_916, %get3A_955 : vector<16xf32>
          %add3A_957 = arith.constant 0 : i32
          %add3A_958 = arith.addi %add3A_921, %add3A_957 : i32
          %get3A_959 = arith.index_cast %add3A_958 : i32 to index
          %get3A_960 = arith.constant 96 : index
          %get3A_961 = tpu.vector_load %arg16[%get3A_959, %get3A_960] {strides = array<i32>} : memref<200x128xf32, #tpu.memory_space<vmem>>, vector<16xf32>,
          %add3A_962 = arith.addf %scan3A_917, %get3A_961 : vector<16xf32>
          %add3A_963 = arith.constant 0 : i32
          %add3A_964 = arith.addi %add3A_921, %add3A_963 : i32
          %get3A_965 = arith.index_cast %add3A_964 : i32 to index
          %get3A_966 = arith.constant 112 : index
          %get3A_967 = tpu.vector_load %arg16[%get3A_965, %get3A_966] {strides = array<i32>} : memref<200x128xf32, #tpu.memory_space<vmem>>, vector<16xf32>,
          %add3A_968 = arith.addf %scan3A_918, %get3A_967 : vector<16xf32>
          %add3A_969 = arith.constant 1 : i32
          %add3A_970 = arith.addi %add3A_921, %add3A_969 : i32
          %get3A_971 = arith.index_cast %add3A_970 : i32 to index
          %get3A_972 = arith.constant 0 : index
          %get3A_973 = tpu.vector_load %arg16[%get3A_971, %get3A_972] {strides = array<i32>} : memref<200x128xf32, #tpu.memory_space<vmem>>, vector<16xf32>,
          %add3A_974 = arith.addf %add3A_926, %get3A_973 : vector<16xf32>
          %add3A_975 = arith.constant 1 : i32
          %add3A_976 = arith.addi %add3A_921, %add3A_975 : i32
          %get3A_977 = arith.index_cast %add3A_976 : i32 to index
          %get3A_978 = arith.constant 16 : index
          %get3A_979 = tpu.vector_load %arg16[%get3A_977, %get3A_978] {strides = array<i32>} : memref<200x128xf32, #tpu.memory_space<vmem>>, vector<16xf32>,
          %add3A_980 = arith.addf %add3A_932, %get3A_979 : vector<16xf32>
          %add3A_981 = arith.constant 1 : i32
          %add3A_982 = arith.addi %add3A_921, %add3A_981 : i32
          %get3A_983 = arith.index_cast %add3A_982 : i32 to index
          %get3A_984 = arith.constant 32 : index
          %get3A_985 = tpu.vector_load %arg16[%get3A_983, %get3A_984] {strides = array<i32>} : memref<200x128xf32, #tpu.memory_space<vmem>>, vector<16xf32>,
          %add3A_986 = arith.addf %add3A_938, %get3A_985 : vector<16xf32>
          %add3A_987 = arith.constant 1 : i32
          %add3A_988 = arith.addi %add3A_921, %add3A_987 : i32
          %get3A_989 = arith.index_cast %add3A_988 : i32 to index
          %get3A_990 = arith.constant 48 : index
          %get3A_991 = tpu.vector_load %arg16[%get3A_989, %get3A_990] {strides = array<i32>} : memref<200x128xf32, #tpu.memory_space<vmem>>, vector<16xf32>,
          %add3A_992 = arith.addf %add3A_944, %get3A_991 : vector<16xf32>
          %add3A_993 = arith.constant 1 : i32
          %add3A_994 = arith.addi %add3A_921, %add3A_993 : i32
          %get3A_995 = arith.index_cast %add3A_994 : i32 to index
          %get3A_996 = arith.constant 64 : index
          %get3A_997 = tpu.vector_load %arg16[%get3A_995, %get3A_996] {strides = array<i32>} : memref<200x128xf32, #tpu.memory_space<vmem>>, vector<16xf32>,
          %add3A_998 = arith.addf %add3A_950, %get3A_997 : vector<16xf32>
          %add3A_999 = arith.constant 1 : i32
          %add3A_1000 = arith.addi %add3A_921, %add3A_999 : i32
          %get3A_1001 = arith.index_cast %add3A_1000 : i32 to index
          %get3A_1002 = arith.constant 80 : index
          %get3A_1003 = tpu.vector_load %arg16[%get3A_1001, %get3A_1002] {strides = array<i32>} : memref<200x128xf32, #tpu.memory_space<vmem>>, vector<16xf32>,
          %add3A_1004 = arith.addf %add3A_956, %get3A_1003 : vector<16xf32>
          %add3A_1005 = arith.constant 1 : i32
          %add3A_1006 = arith.addi %add3A_921, %add3A_1005 : i32
          %get3A_1007 = arith.index_cast %add3A_1006 : i32 to index
          %get3A_1008 = arith.constant 96 : index
          %get3A_1009 = tpu.vector_load %arg16[%get3A_1007, %get3A_1008] {strides = array<i32>} : memref<200x128xf32, #tpu.memory_space<vmem>>, vector<16xf32>,
          %add3A_1010 = arith.addf %add3A_962, %get3A_1009 : vector<16xf32>
          %add3A_1011 = arith.constant 1 : i32
          %add3A_1012 = arith.addi %add3A_921, %add3A_1011 : i32
          %get3A_1013 = arith.index_cast %add3A_1012 : i32 to index
          %get3A_1014 = arith.constant 112 : index
          %get3A_1015 = tpu.vector_load %arg16[%get3A_1013, %get3A_1014] {strides = array<i32>} : memref<200x128xf32, #tpu.memory_space<vmem>>, vector<16xf32>,
          %add3A_1016 = arith.addf %add3A_968, %get3A_1015 : vector<16xf32>
          %add3A_1017 = arith.constant 2 : i32
          %add3A_1018 = arith.addi %add3A_921, %add3A_1017 : i32
          %get3A_1019 = arith.index_cast %add3A_1018 : i32 to index
          %get3A_1020 = arith.constant 0 : index
          %get3A_1021 = tpu.vector_load %arg16[%get3A_1019, %get3A_1020] {strides = array<i32>} : memref<200x128xf32, #tpu.memory_space<vmem>>, vector<16xf32>,
          %add3A_1022 = arith.addf %add3A_974, %get3A_1021 : vector<16xf32>
          %add3A_1023 = arith.constant 2 : i32
          %add3A_1024 = arith.addi %add3A_921, %add3A_1023 : i32
          %get3A_1025 = arith.index_cast %add3A_1024 : i32 to index
          %get3A_1026 = arith.constant 16 : index
          %get3A_1027 = tpu.vector_load %arg16[%get3A_1025, %get3A_1026] {strides = array<i32>} : memref<200x128xf32, #tpu.memory_space<vmem>>, vector<16xf32>,
          %add3A_1028 = arith.addf %add3A_980, %get3A_1027 : vector<16xf32>
          %add3A_1029 = arith.constant 2 : i32
          %add3A_1030 = arith.addi %add3A_921, %add3A_1029 : i32
          %get3A_1031 = arith.index_cast %add3A_1030 : i32 to index
          %get3A_1032 = arith.constant 32 : index
          %get3A_1033 = tpu.vector_load %arg16[%get3A_1031, %get3A_1032] {strides = array<i32>} : memref<200x128xf32, #tpu.memory_space<vmem>>, vector<16xf32>,
          %add3A_1034 = arith.addf %add3A_986, %get3A_1033 : vector<16xf32>
          %add3A_1035 = arith.constant 2 : i32
          %add3A_1036 = arith.addi %add3A_921, %add3A_1035 : i32
          %get3A_1037 = arith.index_cast %add3A_1036 : i32 to index
          %get3A_1038 = arith.constant 48 : index
          %get3A_1039 = tpu.vector_load %arg16[%get3A_1037, %get3A_1038] {strides = array<i32>} : memref<200x128xf32, #tpu.memory_space<vmem>>, vector<16xf32>,
          %add3A_1040 = arith.addf %add3A_992, %get3A_1039 : vector<16xf32>
          %add3A_1041 = arith.constant 2 : i32
          %add3A_1042 = arith.addi %add3A_921, %add3A_1041 : i32
          %get3A_1043 = arith.index_cast %add3A_1042 : i32 to index
          %get3A_1044 = arith.constant 64 : index
          %get3A_1045 = tpu.vector_load %arg16[%get3A_1043, %get3A_1044] {strides = array<i32>} : memref<200x128xf32, #tpu.memory_space<vmem>>, vector<16xf32>,
          %add3A_1046 = arith.addf %add3A_998, %get3A_1045 : vector<16xf32>
          %add3A_1047 = arith.constant 2 : i32
          %add3A_1048 = arith.addi %add3A_921, %add3A_1047 : i32
          %get3A_1049 = arith.index_cast %add3A_1048 : i32 to index
          %get3A_1050 = arith.constant 80 : index
          %get3A_1051 = tpu.vector_load %arg16[%get3A_1049, %get3A_1050] {strides = array<i32>} : memref<200x128xf32, #tpu.memory_space<vmem>>, vector<16xf32>,
          %add3A_1052 = arith.addf %add3A_1004, %get3A_1051 : vector<16xf32>
          %add3A_1053 = arith.constant 2 : i32
          %add3A_1054 = arith.addi %add3A_921, %add3A_1053 : i32
          %get3A_1055 = arith.index_cast %add3A_1054 : i32 to index
          %get3A_1056 = arith.constant 96 : index
          %get3A_1057 = tpu.vector_load %arg16[%get3A_1055, %get3A_1056] {strides = array<i32>} : memref<200x128xf32, #tpu.memory_space<vmem>>, vector<16xf32>,
          %add3A_1058 = arith.addf %add3A_1010, %get3A_1057 : vector<16xf32>
          %add3A_1059 = arith.constant 2 : i32
          %add3A_1060 = arith.addi %add3A_921, %add3A_1059 : i32
          %get3A_1061 = arith.index_cast %add3A_1060 : i32 to index
          %get3A_1062 = arith.constant 112 : index
          %get3A_1063 = tpu.vector_load %arg16[%get3A_1061, %get3A_1062] {strides = array<i32>} : memref<200x128xf32, #tpu.memory_space<vmem>>, vector<16xf32>,
          %add3A_1064 = arith.addf %add3A_1016, %get3A_1063 : vector<16xf32>
          %add3A_1065 = arith.constant 3 : i32
          %add3A_1066 = arith.addi %add3A_921, %add3A_1065 : i32
          %get3A_1067 = arith.index_cast %add3A_1066 : i32 to index
          %get3A_1068 = arith.constant 0 : index
          %get3A_1069 = tpu.vector_load %arg16[%get3A_1067, %get3A_1068] {strides = array<i32>} : memref<200x128xf32, #tpu.memory_space<vmem>>, vector<16xf32>,
          %add3A_1070 = arith.addf %add3A_1022, %get3A_1069 : vector<16xf32>
          %add3A_1071 = arith.constant 3 : i32
          %add3A_1072 = arith.addi %add3A_921, %add3A_1071 : i32
          %get3A_1073 = arith.index_cast %add3A_1072 : i32 to index
          %get3A_1074 = arith.constant 16 : index
          %get3A_1075 = tpu.vector_load %arg16[%get3A_1073, %get3A_1074] {strides = array<i32>} : memref<200x128xf32, #tpu.memory_space<vmem>>, vector<16xf32>,
          %add3A_1076 = arith.addf %add3A_1028, %get3A_1075 : vector<16xf32>
          %add3A_1077 = arith.constant 3 : i32
          %add3A_1078 = arith.addi %add3A_921, %add3A_1077 : i32
          %get3A_1079 = arith.index_cast %add3A_1078 : i32 to index
          %get3A_1080 = arith.constant 32 : index
          %get3A_1081 = tpu.vector_load %arg16[%get3A_1079, %get3A_1080] {strides = array<i32>} : memref<200x128xf32, #tpu.memory_space<vmem>>, vector<16xf32>,
          %add3A_1082 = arith.addf %add3A_1034, %get3A_1081 : vector<16xf32>
          %add3A_1083 = arith.constant 3 : i32
          %add3A_1084 = arith.addi %add3A_921, %add3A_1083 : i32
          %get3A_1085 = arith.index_cast %add3A_1084 : i32 to index
          %get3A_1086 = arith.constant 48 : index
          %get3A_1087 = tpu.vector_load %arg16[%get3A_1085, %get3A_1086] {strides = array<i32>} : memref<200x128xf32, #tpu.memory_space<vmem>>, vector<16xf32>,
          %add3A_1088 = arith.addf %add3A_1040, %get3A_1087 : vector<16xf32>
          %add3A_1089 = arith.constant 3 : i32
          %add3A_1090 = arith.addi %add3A_921, %add3A_1089 : i32
          %get3A_1091 = arith.index_cast %add3A_1090 : i32 to index
          %get3A_1092 = arith.constant 64 : index
          %get3A_1093 = tpu.vector_load %arg16[%get3A_1091, %get3A_1092] {strides = array<i32>} : memref<200x128xf32, #tpu.memory_space<vmem>>, vector<16xf32>,
          %add3A_1094 = arith.addf %add3A_1046, %get3A_1093 : vector<16xf32>
          %add3A_1095 = arith.constant 3 : i32
          %add3A_1096 = arith.addi %add3A_921, %add3A_1095 : i32
          %get3A_1097 = arith.index_cast %add3A_1096 : i32 to index
          %get3A_1098 = arith.constant 80 : index
          %get3A_1099 = tpu.vector_load %arg16[%get3A_1097, %get3A_1098] {strides = array<i32>} : memref<200x128xf32, #tpu.memory_space<vmem>>, vector<16xf32>,
          %add3A_1100 = arith.addf %add3A_1052, %get3A_1099 : vector<16xf32>
          %add3A_1101 = arith.constant 3 : i32
          %add3A_1102 = arith.addi %add3A_921, %add3A_1101 : i32
          %get3A_1103 = arith.index_cast %add3A_1102 : i32 to index
          %get3A_1104 = arith.constant 96 : index
          %get3A_1105 = tpu.vector_load %arg16[%get3A_1103, %get3A_1104] {strides = array<i32>} : memref<200x128xf32, #tpu.memory_space<vmem>>, vector<16xf32>,
          %add3A_1106 = arith.addf %add3A_1058, %get3A_1105 : vector<16xf32>
          %add3A_1107 = arith.constant 3 : i32
          %add3A_1108 = arith.addi %add3A_921, %add3A_1107 : i32
          %get3A_1109 = arith.index_cast %add3A_1108 : i32 to index
          %get3A_1110 = arith.constant 112 : index
          %get3A_1111 = tpu.vector_load %arg16[%get3A_1109, %get3A_1110] {strides = array<i32>} : memref<200x128xf32, #tpu.memory_space<vmem>>, vector<16xf32>,
          %add3A_1112 = arith.addf %add3A_1064, %get3A_1111 : vector<16xf32>
          %add3A_1113 = arith.constant 4 : i32
          %add3A_1114 = arith.addi %add3A_921, %add3A_1113 : i32
          %get3A_1115 = arith.index_cast %add3A_1114 : i32 to index
          %get3A_1116 = arith.constant 0 : index
          %get3A_1117 = tpu.vector_load %arg16[%get3A_1115, %get3A_1116] {strides = array<i32>} : memref<200x128xf32, #tpu.memory_space<vmem>>, vector<16xf32>,
          %add3A_1118 = arith.addf %add3A_1070, %get3A_1117 : vector<16xf32>
          %add3A_1119 = arith.constant 4 : i32
          %add3A_1120 = arith.addi %add3A_921, %add3A_1119 : i32
          %get3A_1121 = arith.index_cast %add3A_1120 : i32 to index
          %get3A_1122 = arith.constant 16 : index
          %get3A_1123 = tpu.vector_load %arg16[%get3A_1121, %get3A_1122] {strides = array<i32>} : memref<200x128xf32, #tpu.memory_space<vmem>>, vector<16xf32>,
          %add3A_1124 = arith.addf %add3A_1076, %get3A_1123 : vector<16xf32>
          %add3A_1125 = arith.constant 4 : i32
          %add3A_1126 = arith.addi %add3A_921, %add3A_1125 : i32
          %get3A_1127 = arith.index_cast %add3A_1126 : i32 to index
          %get3A_1128 = arith.constant 32 : index
          %get3A_1129 = tpu.vector_load %arg16[%get3A_1127, %get3A_1128] {strides = array<i32>} : memref<200x128xf32, #tpu.memory_space<vmem>>, vector<16xf32>,
          %add3A_1130 = arith.addf %add3A_1082, %get3A_1129 : vector<16xf32>
          %add3A_1131 = arith.constant 4 : i32
          %add3A_1132 = arith.addi %add3A_921, %add3A_1131 : i32
          %get3A_1133 = arith.index_cast %add3A_1132 : i32 to index
          %get3A_1134 = arith.constant 48 : index
          %get3A_1135 = tpu.vector_load %arg16[%get3A_1133, %get3A_1134] {strides = array<i32>} : memref<200x128xf32, #tpu.memory_space<vmem>>, vector<16xf32>,
          %add3A_1136 = arith.addf %add3A_1088, %get3A_1135 : vector<16xf32>
          %add3A_1137 = arith.constant 4 : i32
          %add3A_1138 = arith.addi %add3A_921, %add3A_1137 : i32
          %get3A_1139 = arith.index_cast %add3A_1138 : i32 to index
          %get3A_1140 = arith.constant 64 : index
          %get3A_1141 = tpu.vector_load %arg16[%get3A_1139, %get3A_1140] {strides = array<i32>} : memref<200x128xf32, #tpu.memory_space<vmem>>, vector<16xf32>,
          %add3A_1142 = arith.addf %add3A_1094, %get3A_1141 : vector<16xf32>
          %add3A_1143 = arith.constant 4 : i32
          %add3A_1144 = arith.addi %add3A_921, %add3A_1143 : i32
          %get3A_1145 = arith.index_cast %add3A_1144 : i32 to index
          %get3A_1146 = arith.constant 80 : index
          %get3A_1147 = tpu.vector_load %arg16[%get3A_1145, %get3A_1146] {strides = array<i32>} : memref<200x128xf32, #tpu.memory_space<vmem>>, vector<16xf32>,
          %add3A_1148 = arith.addf %add3A_1100, %get3A_1147 : vector<16xf32>
          %add3A_1149 = arith.constant 4 : i32
          %add3A_1150 = arith.addi %add3A_921, %add3A_1149 : i32
          %get3A_1151 = arith.index_cast %add3A_1150 : i32 to index
          %get3A_1152 = arith.constant 96 : index
          %get3A_1153 = tpu.vector_load %arg16[%get3A_1151, %get3A_1152] {strides = array<i32>} : memref<200x128xf32, #tpu.memory_space<vmem>>, vector<16xf32>,
          %add3A_1154 = arith.addf %add3A_1106, %get3A_1153 : vector<16xf32>
          %add3A_1155 = arith.constant 4 : i32
          %add3A_1156 = arith.addi %add3A_921, %add3A_1155 : i32
          %get3A_1157 = arith.index_cast %add3A_1156 : i32 to index
          %get3A_1158 = arith.constant 112 : index
          %get3A_1159 = tpu.vector_load %arg16[%get3A_1157, %get3A_1158] {strides = array<i32>} : memref<200x128xf32, #tpu.memory_space<vmem>>, vector<16xf32>,
          %add3A_1160 = arith.addf %add3A_1112, %get3A_1159 : vector<16xf32>
          scf.yield %add3A_1118, %add3A_1124, %add3A_1130, %add3A_1136, %add3A_1142, %add3A_1148, %add3A_1154, %add3A_1160 : vector<16xf32>, vector<16xf32>, vector<16xf32>, vector<16xf32>, vector<16xf32>, vector<16xf32>, vector<16xf32>, vector<16xf32>
        }
        %scan3A_884 = arith.constant 5 : i32
        %swap3A_885 = arith.index_cast %scan3A_859 : i32 to index
        %swap3A_886 = arith.constant 0 : index
        %swap3A_887 = tpu.vector_load %arg20[%swap3A_885, %swap3A_886] {strides = array<i32>} : memref<8x128xf32, #tpu.memory_space<vmem>>, vector<16xf32>,
        tpu.vector_store %arg20[%swap3A_885, %swap3A_886], %scan3A_883#0 {strides = array<i32>} : memref<8x128xf32, #tpu.memory_space<vmem>>, vector<16xf32>,
        %swap3A_888 = arith.index_cast %scan3A_859 : i32 to index
        %swap3A_889 = arith.constant 16 : index
        %swap3A_890 = tpu.vector_load %arg20[%swap3A_888, %swap3A_889] {strides = array<i32>} : memref<8x128xf32, #tpu.memory_space<vmem>>, vector<16xf32>,
        tpu.vector_store %arg20[%swap3A_888, %swap3A_889], %scan3A_883#1 {strides = array<i32>} : memref<8x128xf32, #tpu.memory_space<vmem>>, vector<16xf32>,
        %swap3A_891 = arith.index_cast %scan3A_859 : i32 to index
        %swap3A_892 = arith.constant 32 : index
        %swap3A_893 = tpu.vector_load %arg20[%swap3A_891, %swap3A_892] {strides = array<i32>} : memref<8x128xf32, #tpu.memory_space<vmem>>, vector<16xf32>,
        tpu.vector_store %arg20[%swap3A_891, %swap3A_892], %scan3A_883#2 {strides = array<i32>} : memref<8x128xf32, #tpu.memory_space<vmem>>, vector<16xf32>,
        %swap3A_894 = arith.index_cast %scan3A_859 : i32 to index
        %swap3A_895 = arith.constant 48 : index
        %swap3A_896 = tpu.vector_load %arg20[%swap3A_894, %swap3A_895] {strides = array<i32>} : memref<8x128xf32, #tpu.memory_space<vmem>>, vector<16xf32>,
        tpu.vector_store %arg20[%swap3A_894, %swap3A_895], %scan3A_883#3 {strides = array<i32>} : memref<8x128xf32, #tpu.memory_space<vmem>>, vector<16xf32>,
        %swap3A_897 = arith.index_cast %scan3A_859 : i32 to index
        %swap3A_898 = arith.constant 64 : index
        %swap3A_899 = tpu.vector_load %arg20[%swap3A_897, %swap3A_898] {strides = array<i32>} : memref<8x128xf32, #tpu.memory_space<vmem>>, vector<16xf32>,
        tpu.vector_store %arg20[%swap3A_897, %swap3A_898], %scan3A_883#4 {strides = array<i32>} : memref<8x128xf32, #tpu.memory_space<vmem>>, vector<16xf32>,
        %swap3A_900 = arith.index_cast %scan3A_859 : i32 to index
        %swap3A_901 = arith.constant 80 : index
        %swap3A_902 = tpu.vector_load %arg20[%swap3A_900, %swap3A_901] {strides = array<i32>} : memref<8x128xf32, #tpu.memory_space<vmem>>, vector<16xf32>,
        tpu.vector_store %arg20[%swap3A_900, %swap3A_901], %scan3A_883#5 {strides = array<i32>} : memref<8x128xf32, #tpu.memory_space<vmem>>, vector<16xf32>,
        %swap3A_903 = arith.index_cast %scan3A_859 : i32 to index
        %swap3A_904 = arith.constant 96 : index
        %swap3A_905 = tpu.vector_load %arg20[%swap3A_903, %swap3A_904] {strides = array<i32>} : memref<8x128xf32, #tpu.memory_space<vmem>>, vector<16xf32>,
        tpu.vector_store %arg20[%swap3A_903, %swap3A_904], %scan3A_883#6 {strides = array<i32>} : memref<8x128xf32, #tpu.memory_space<vmem>>, vector<16xf32>,
        %swap3A_906 = arith.index_cast %scan3A_859 : i32 to index
        %swap3A_907 = arith.constant 112 : index
        %swap3A_908 = tpu.vector_load %arg20[%swap3A_906, %swap3A_907] {strides = array<i32>} : memref<8x128xf32, #tpu.memory_space<vmem>>, vector<16xf32>,
        tpu.vector_store %arg20[%swap3A_906, %swap3A_907], %scan3A_883#7 {strides = array<i32>} : memref<8x128xf32, #tpu.memory_space<vmem>>, vector<16xf32>,
        %scan3A_909 = arith.constant 0 : i32
        scf.yield %scan3A_909 : i32
      }
      %scan3A_754 = arith.constant 8 : i32
      %shift_right_logical3A_755 = arith.constant 2 : i32
      %shift_right_logical3A_756 = arith.shrui %add3A_729, %shift_right_logical3A_755 : i32
      %mul3A_757 = arith.constant 1024 : i32
      %mul3A_758 = arith.muli %shift_right_logical3A_756, %mul3A_757 : i32
      %add3A_759 = arith.addi %mul3A_758, %multiple_of3A : i32
      %and3A_760 = arith.constant 3 : i32
      %and3A_761 = arith.andi %add3A_729, %and3A_760 : i32
      %shift_left3A_762 = arith.constant 3 : i32
      %shift_left3A_763 = arith.shli %and3A_761, %shift_left3A_762 : i32
      %add3A_764 = arith.addi %add3A_759, %shift_left3A_763 : i32
      %multiple_of3A_765 = tpu.assume_multiple %add3A_764, 8 : i32
      %dma_start3A_766 = arith.constant 0 : i32
      %dma_start3A_767 = tpu.memref_slice %arg7[%multiple_of3A_765, %dma_start3A_766] : memref<10240x128xf32, #tpu.memory_space<hbm>> -> memref<8x128xf32, #tpu.memory_space<hbm>>
      %dma_start3A_768 = arith.constant 0 : i32
      %dma_start3A_769 = tpu.memref_slice %arg7[%multiple_of3A_765, %dma_start3A_768] : memref<10240x128xf32, #tpu.memory_space<hbm>> -> memref<8x128xf32, #tpu.memory_space<hbm>>
      tpu.enqueue_dma source(%arg20 : memref<8x128xf32, #tpu.memory_space<vmem>>) target(%dma_start3A_769 : memref<8x128xf32, #tpu.memory_space<hbm>>) target_semaphore(%arg27 : memref<!tpu.dma_semaphore, #tpu.memory_space<semaphore_mem>>)
      %mul3A_770 = arith.constant 4 : i32
      %mul3A_771 = arith.muli %scan3A_685, %mul3A_770 : i32
      %add3A_772 = arith.constant 2 : i32
      %add3A_773 = arith.addi %mul3A_771, %add3A_772 : i32
      %add3A_774 = arith.constant 3 : i32
      %add3A_775 = arith.addi %add3A_773, %add3A_774 : i32
      %lt3A_776 = arith.constant 40 : i32
      %lt3A_777 = arith.cmpi slt, %add3A_775, %lt3A_776 : i32
      %convert_element_type3A_778 = arith.extui %lt3A_777 : i1 to i32
      %cond3A_779 = arith.constant 0 : i32
      %cond3A_780 = arith.cmpi ne, %convert_element_type3A_778, %cond3A_779 : i32
      scf.if %cond3A_780 {
        %add3A_859 = arith.constant 3 : i32
        %add3A_860 = arith.addi %add3A_773, %add3A_859 : i32
        %mul3A_861 = arith.constant 200 : i32
        %mul3A_862 = arith.muli %add3A_860, %mul3A_861 : i32
        %add3A_863 = arith.constant 0 : i32
        %add3A_864 = arith.addi %mul3A_862, %add3A_863 : i32
        %multiple_of3A_865 = tpu.assume_multiple %add3A_864, 8 : i32
        %dma_start3A_866 = arith.constant 0 : i32
        %dma_start3A_867 = arith.constant 0 : i32
        %dma_start3A_868 = tpu.memref_slice %arg16[%dma_start3A_866, %dma_start3A_867] : memref<200x128xf32, #tpu.memory_space<vmem>> -> memref<64x128xf32, #tpu.memory_space<vmem>>
        %dma_start3A_869 = tpu.memref_slice %arg14[%multiple_of3A_865] : memref<8000xi32, #tpu.memory_space<vmem>> -> memref<64xi32, #tpu.memory_space<vmem>>
        %dma_start3A_870 = arith.constant 0 : i32
        %dma_start3A_871 = arith.constant 0 : i32
        %dma_start3A_872 = tpu.memref_slice %arg2[%dma_start3A_870, %dma_start3A_871] : memref<50000x128xf32, #tpu.memory_space<hbm>> -> memref<50000x128xf32, #tpu.memory_space<hbm>>
        tpu.enqueue_indirect_dma source(%dma_start3A_872 : memref<50000x128xf32, #tpu.memory_space<hbm>>) target(%dma_start3A_868 : memref<64x128xf32, #tpu.memory_space<vmem>>) offsets(%dma_start3A_869 : memref<64xi32, #tpu.memory_space<vmem>>) semaphore(%arg23 : memref<!tpu.dma_semaphore, #tpu.memory_space<semaphore_mem>>)
        %mul3A_873 = arith.constant 200 : i32
        %mul3A_874 = arith.muli %add3A_860, %mul3A_873 : i32
        %add3A_875 = arith.constant 64 : i32
        %add3A_876 = arith.addi %mul3A_874, %add3A_875 : i32
        %multiple_of3A_877 = tpu.assume_multiple %add3A_876, 8 : i32
        %dma_start3A_878 = arith.constant 64 : i32
        %dma_start3A_879 = arith.constant 0 : i32
        %dma_start3A_880 = tpu.memref_slice %arg16[%dma_start3A_878, %dma_start3A_879] : memref<200x128xf32, #tpu.memory_space<vmem>> -> memref<64x128xf32, #tpu.memory_space<vmem>>
        %dma_start3A_881 = tpu.memref_slice %arg14[%multiple_of3A_877] : memref<8000xi32, #tpu.memory_space<vmem>> -> memref<64xi32, #tpu.memory_space<vmem>>
        %dma_start3A_882 = arith.constant 0 : i32
        %dma_start3A_883 = arith.constant 0 : i32
        %dma_start3A_884 = tpu.memref_slice %arg2[%dma_start3A_882, %dma_start3A_883] : memref<50000x128xf32, #tpu.memory_space<hbm>> -> memref<50000x128xf32, #tpu.memory_space<hbm>>
        tpu.enqueue_indirect_dma source(%dma_start3A_884 : memref<50000x128xf32, #tpu.memory_space<hbm>>) target(%dma_start3A_880 : memref<64x128xf32, #tpu.memory_space<vmem>>) offsets(%dma_start3A_881 : memref<64xi32, #tpu.memory_space<vmem>>) semaphore(%arg23 : memref<!tpu.dma_semaphore, #tpu.memory_space<semaphore_mem>>)
        %mul3A_885 = arith.constant 200 : i32
        %mul3A_886 = arith.muli %add3A_860, %mul3A_885 : i32
        %add3A_887 = arith.constant 128 : i32
        %add3A_888 = arith.addi %mul3A_886, %add3A_887 : i32
        %multiple_of3A_889 = tpu.assume_multiple %add3A_888, 8 : i32
        %dma_start3A_890 = arith.constant 128 : i32
        %dma_start3A_891 = arith.constant 0 : i32
        %dma_start3A_892 = tpu.memref_slice %arg16[%dma_start3A_890, %dma_start3A_891] : memref<200x128xf32, #tpu.memory_space<vmem>> -> memref<72x128xf32, #tpu.memory_space<vmem>>
        %dma_start3A_893 = tpu.memref_slice %arg14[%multiple_of3A_889] : memref<8000xi32, #tpu.memory_space<vmem>> -> memref<72xi32, #tpu.memory_space<vmem>>
        %dma_start3A_894 = arith.constant 0 : i32
        %dma_start3A_895 = arith.constant 0 : i32
        %dma_start3A_896 = tpu.memref_slice %arg2[%dma_start3A_894, %dma_start3A_895] : memref<50000x128xf32, #tpu.memory_space<hbm>> -> memref<50000x128xf32, #tpu.memory_space<hbm>>
        tpu.enqueue_indirect_dma source(%dma_start3A_896 : memref<50000x128xf32, #tpu.memory_space<hbm>>) target(%dma_start3A_892 : memref<72x128xf32, #tpu.memory_space<vmem>>) offsets(%dma_start3A_893 : memref<72xi32, #tpu.memory_space<vmem>>) semaphore(%arg23 : memref<!tpu.dma_semaphore, #tpu.memory_space<semaphore_mem>>)
      } else {
      }
      %dma_wait3A_781 = arith.constant 0 : i32
      %dma_wait3A_782 = arith.constant 0 : i32
      %dma_wait3A_783 = tpu.memref_slice %arg2[%dma_wait3A_781, %dma_wait3A_782] : memref<50000x128xf32, #tpu.memory_space<hbm>> -> memref<200x128xf32, #tpu.memory_space<hbm>>
      %dma_wait3A_784 = arith.constant 0 : i32
      %dma_wait3A_785 = arith.constant 0 : i32
      %dma_wait3A_786 = tpu.memref_slice %arg2[%dma_wait3A_784, %dma_wait3A_785] : memref<50000x128xf32, #tpu.memory_space<hbm>> -> memref<200x128xf32, #tpu.memory_space<hbm>>
      tpu.wait_dma2 semaphore(%arg24 : memref<!tpu.dma_semaphore, #tpu.memory_space<semaphore_mem>>) src(%dma_wait3A_786 : memref<200x128xf32, #tpu.memory_space<hbm>>) dst(%arg17 : memref<200x128xf32, #tpu.memory_space<vmem>>)
      %ge3A_787 = arith.constant 2 : i32
      %ge3A_788 = arith.cmpi sge, %add3A_773, %ge3A_787 : i32
      %convert_element_type3A_789 = arith.extui %ge3A_788 : i1 to i32
      %cond3A_790 = arith.constant 0 : i32
      %cond3A_791 = arith.cmpi ne, %convert_element_type3A_789, %cond3A_790 : i32
      scf.if %cond3A_791 {
        %dma_wait3A_859 = arith.constant 0 : i32
        %dma_wait3A_860 = arith.constant 0 : i32
        %dma_wait3A_861 = tpu.memref_slice %arg7[%dma_wait3A_859, %dma_wait3A_860] : memref<10240x128xf32, #tpu.memory_space<hbm>> -> memref<8x128xf32, #tpu.memory_space<hbm>>
        %dma_wait3A_862 = arith.constant 0 : i32
        %dma_wait3A_863 = arith.constant 0 : i32
        %dma_wait3A_864 = tpu.memref_slice %arg7[%dma_wait3A_862, %dma_wait3A_863] : memref<10240x128xf32, #tpu.memory_space<hbm>> -> memref<8x128xf32, #tpu.memory_space<hbm>>
        tpu.wait_dma2 semaphore(%arg26 : memref<!tpu.dma_semaphore, #tpu.memory_space<semaphore_mem>>) src(%arg19 : memref<8x128xf32, #tpu.memory_space<vmem>>) dst(%dma_wait3A_864 : memref<8x128xf32, #tpu.memory_space<hbm>>)
      } else {
      }
      %scan3A_792 = arith.constant 0 : i32
      %scan3A_793 = arith.constant 0 : i32
      %scan3A_794 = arith.constant 8 : i32
      %scan3A_795 = arith.addi %scan3A_793, %scan3A_794 : i32
      %scan3A_796 = arith.constant 1 : i32
      %scan3A_797 = scf.for %scan3A_859 = %scan3A_793 to %scan3A_795 step %scan3A_796 iter_args(%scan3A_860 = %scan3A_792) -> (i32)  : i32 {
        %mul3A_861 = arith.constant 25 : i32
        %mul3A_862 = arith.muli %scan3A_859, %mul3A_861 : i32
        %broadcast_in_dim3A_863 = arith.constant 0.000000e+00 : f32
        %broadcast_in_dim3A_864 = vector.broadcast %broadcast_in_dim3A_863 : f32 to vector<16xf32>
        %broadcast_in_dim3A_865 = arith.constant 0.000000e+00 : f32
        %broadcast_in_dim3A_866 = vector.broadcast %broadcast_in_dim3A_865 : f32 to vector<16xf32>
        %broadcast_in_dim3A_867 = arith.constant 0.000000e+00 : f32
        %broadcast_in_dim3A_868 = vector.broadcast %broadcast_in_dim3A_867 : f32 to vector<16xf32>
        %broadcast_in_dim3A_869 = arith.constant 0.000000e+00 : f32
        %broadcast_in_dim3A_870 = vector.broadcast %broadcast_in_dim3A_869 : f32 to vector<16xf32>
        %broadcast_in_dim3A_871 = arith.constant 0.000000e+00 : f32
        %broadcast_in_dim3A_872 = vector.broadcast %broadcast_in_dim3A_871 : f32 to vector<16xf32>
        %broadcast_in_dim3A_873 = arith.constant 0.000000e+00 : f32
        %broadcast_in_dim3A_874 = vector.broadcast %broadcast_in_dim3A_873 : f32 to vector<16xf32>
        %broadcast_in_dim3A_875 = arith.constant 0.000000e+00 : f32
        %broadcast_in_dim3A_876 = vector.broadcast %broadcast_in_dim3A_875 : f32 to vector<16xf32>
        %broadcast_in_dim3A_877 = arith.constant 0.000000e+00 : f32
        %broadcast_in_dim3A_878 = vector.broadcast %broadcast_in_dim3A_877 : f32 to vector<16xf32>
        %scan3A_879 = arith.constant 0 : i32
        %scan3A_880 = arith.constant 5 : i32
        %scan3A_881 = arith.addi %scan3A_879, %scan3A_880 : i32
        %scan3A_882 = arith.constant 1 : i32
        %scan3A_883:8 = scf.for %scan3A_910 = %scan3A_879 to %scan3A_881 step %scan3A_882 iter_args(%scan3A_911 = %broadcast_in_dim3A_864, %scan3A_912 = %broadcast_in_dim3A_866, %scan3A_913 = %broadcast_in_dim3A_868, %scan3A_914 = %broadcast_in_dim3A_870, %scan3A_915 = %broadcast_in_dim3A_872, %scan3A_916 = %broadcast_in_dim3A_874, %scan3A_917 = %broadcast_in_dim3A_876, %scan3A_918 = %broadcast_in_dim3A_878) -> (vector<16xf32>, vector<16xf32>, vector<16xf32>, vector<16xf32>, vector<16xf32>, vector<16xf32>, vector<16xf32>, vector<16xf32>)  : i32 {
          %mul3A_919 = arith.constant 5 : i32
          %mul3A_920 = arith.muli %scan3A_910, %mul3A_919 : i32
          %add3A_921 = arith.addi %mul3A_862, %mul3A_920 : i32
          %add3A_922 = arith.constant 0 : i32
          %add3A_923 = arith.addi %add3A_921, %add3A_922 : i32
          %get3A = arith.index_cast %add3A_923 : i32 to index
          %get3A_924 = arith.constant 0 : index
          %get3A_925 = tpu.vector_load %arg17[%get3A, %get3A_924] {strides = array<i32>} : memref<200x128xf32, #tpu.memory_space<vmem>>, vector<16xf32>,
          %add3A_926 = arith.addf %scan3A_911, %get3A_925 : vector<16xf32>
          %add3A_927 = arith.constant 0 : i32
          %add3A_928 = arith.addi %add3A_921, %add3A_927 : i32
          %get3A_929 = arith.index_cast %add3A_928 : i32 to index
          %get3A_930 = arith.constant 16 : index
          %get3A_931 = tpu.vector_load %arg17[%get3A_929, %get3A_930] {strides = array<i32>} : memref<200x128xf32, #tpu.memory_space<vmem>>, vector<16xf32>,
          %add3A_932 = arith.addf %scan3A_912, %get3A_931 : vector<16xf32>
          %add3A_933 = arith.constant 0 : i32
          %add3A_934 = arith.addi %add3A_921, %add3A_933 : i32
          %get3A_935 = arith.index_cast %add3A_934 : i32 to index
          %get3A_936 = arith.constant 32 : index
          %get3A_937 = tpu.vector_load %arg17[%get3A_935, %get3A_936] {strides = array<i32>} : memref<200x128xf32, #tpu.memory_space<vmem>>, vector<16xf32>,
          %add3A_938 = arith.addf %scan3A_913, %get3A_937 : vector<16xf32>
          %add3A_939 = arith.constant 0 : i32
          %add3A_940 = arith.addi %add3A_921, %add3A_939 : i32
          %get3A_941 = arith.index_cast %add3A_940 : i32 to index
          %get3A_942 = arith.constant 48 : index
          %get3A_943 = tpu.vector_load %arg17[%get3A_941, %get3A_942] {strides = array<i32>} : memref<200x128xf32, #tpu.memory_space<vmem>>, vector<16xf32>,
          %add3A_944 = arith.addf %scan3A_914, %get3A_943 : vector<16xf32>
          %add3A_945 = arith.constant 0 : i32
          %add3A_946 = arith.addi %add3A_921, %add3A_945 : i32
          %get3A_947 = arith.index_cast %add3A_946 : i32 to index
          %get3A_948 = arith.constant 64 : index
          %get3A_949 = tpu.vector_load %arg17[%get3A_947, %get3A_948] {strides = array<i32>} : memref<200x128xf32, #tpu.memory_space<vmem>>, vector<16xf32>,
          %add3A_950 = arith.addf %scan3A_915, %get3A_949 : vector<16xf32>
          %add3A_951 = arith.constant 0 : i32
          %add3A_952 = arith.addi %add3A_921, %add3A_951 : i32
          %get3A_953 = arith.index_cast %add3A_952 : i32 to index
          %get3A_954 = arith.constant 80 : index
          %get3A_955 = tpu.vector_load %arg17[%get3A_953, %get3A_954] {strides = array<i32>} : memref<200x128xf32, #tpu.memory_space<vmem>>, vector<16xf32>,
          %add3A_956 = arith.addf %scan3A_916, %get3A_955 : vector<16xf32>
          %add3A_957 = arith.constant 0 : i32
          %add3A_958 = arith.addi %add3A_921, %add3A_957 : i32
          %get3A_959 = arith.index_cast %add3A_958 : i32 to index
          %get3A_960 = arith.constant 96 : index
          %get3A_961 = tpu.vector_load %arg17[%get3A_959, %get3A_960] {strides = array<i32>} : memref<200x128xf32, #tpu.memory_space<vmem>>, vector<16xf32>,
          %add3A_962 = arith.addf %scan3A_917, %get3A_961 : vector<16xf32>
          %add3A_963 = arith.constant 0 : i32
          %add3A_964 = arith.addi %add3A_921, %add3A_963 : i32
          %get3A_965 = arith.index_cast %add3A_964 : i32 to index
          %get3A_966 = arith.constant 112 : index
          %get3A_967 = tpu.vector_load %arg17[%get3A_965, %get3A_966] {strides = array<i32>} : memref<200x128xf32, #tpu.memory_space<vmem>>, vector<16xf32>,
          %add3A_968 = arith.addf %scan3A_918, %get3A_967 : vector<16xf32>
          %add3A_969 = arith.constant 1 : i32
          %add3A_970 = arith.addi %add3A_921, %add3A_969 : i32
          %get3A_971 = arith.index_cast %add3A_970 : i32 to index
          %get3A_972 = arith.constant 0 : index
          %get3A_973 = tpu.vector_load %arg17[%get3A_971, %get3A_972] {strides = array<i32>} : memref<200x128xf32, #tpu.memory_space<vmem>>, vector<16xf32>,
          %add3A_974 = arith.addf %add3A_926, %get3A_973 : vector<16xf32>
          %add3A_975 = arith.constant 1 : i32
          %add3A_976 = arith.addi %add3A_921, %add3A_975 : i32
          %get3A_977 = arith.index_cast %add3A_976 : i32 to index
          %get3A_978 = arith.constant 16 : index
          %get3A_979 = tpu.vector_load %arg17[%get3A_977, %get3A_978] {strides = array<i32>} : memref<200x128xf32, #tpu.memory_space<vmem>>, vector<16xf32>,
          %add3A_980 = arith.addf %add3A_932, %get3A_979 : vector<16xf32>
          %add3A_981 = arith.constant 1 : i32
          %add3A_982 = arith.addi %add3A_921, %add3A_981 : i32
          %get3A_983 = arith.index_cast %add3A_982 : i32 to index
          %get3A_984 = arith.constant 32 : index
          %get3A_985 = tpu.vector_load %arg17[%get3A_983, %get3A_984] {strides = array<i32>} : memref<200x128xf32, #tpu.memory_space<vmem>>, vector<16xf32>,
          %add3A_986 = arith.addf %add3A_938, %get3A_985 : vector<16xf32>
          %add3A_987 = arith.constant 1 : i32
          %add3A_988 = arith.addi %add3A_921, %add3A_987 : i32
          %get3A_989 = arith.index_cast %add3A_988 : i32 to index
          %get3A_990 = arith.constant 48 : index
          %get3A_991 = tpu.vector_load %arg17[%get3A_989, %get3A_990] {strides = array<i32>} : memref<200x128xf32, #tpu.memory_space<vmem>>, vector<16xf32>,
          %add3A_992 = arith.addf %add3A_944, %get3A_991 : vector<16xf32>
          %add3A_993 = arith.constant 1 : i32
          %add3A_994 = arith.addi %add3A_921, %add3A_993 : i32
          %get3A_995 = arith.index_cast %add3A_994 : i32 to index
          %get3A_996 = arith.constant 64 : index
          %get3A_997 = tpu.vector_load %arg17[%get3A_995, %get3A_996] {strides = array<i32>} : memref<200x128xf32, #tpu.memory_space<vmem>>, vector<16xf32>,
          %add3A_998 = arith.addf %add3A_950, %get3A_997 : vector<16xf32>
          %add3A_999 = arith.constant 1 : i32
          %add3A_1000 = arith.addi %add3A_921, %add3A_999 : i32
          %get3A_1001 = arith.index_cast %add3A_1000 : i32 to index
          %get3A_1002 = arith.constant 80 : index
          %get3A_1003 = tpu.vector_load %arg17[%get3A_1001, %get3A_1002] {strides = array<i32>} : memref<200x128xf32, #tpu.memory_space<vmem>>, vector<16xf32>,
          %add3A_1004 = arith.addf %add3A_956, %get3A_1003 : vector<16xf32>
          %add3A_1005 = arith.constant 1 : i32
          %add3A_1006 = arith.addi %add3A_921, %add3A_1005 : i32
          %get3A_1007 = arith.index_cast %add3A_1006 : i32 to index
          %get3A_1008 = arith.constant 96 : index
          %get3A_1009 = tpu.vector_load %arg17[%get3A_1007, %get3A_1008] {strides = array<i32>} : memref<200x128xf32, #tpu.memory_space<vmem>>, vector<16xf32>,
          %add3A_1010 = arith.addf %add3A_962, %get3A_1009 : vector<16xf32>
          %add3A_1011 = arith.constant 1 : i32
          %add3A_1012 = arith.addi %add3A_921, %add3A_1011 : i32
          %get3A_1013 = arith.index_cast %add3A_1012 : i32 to index
          %get3A_1014 = arith.constant 112 : index
          %get3A_1015 = tpu.vector_load %arg17[%get3A_1013, %get3A_1014] {strides = array<i32>} : memref<200x128xf32, #tpu.memory_space<vmem>>, vector<16xf32>,
          %add3A_1016 = arith.addf %add3A_968, %get3A_1015 : vector<16xf32>
          %add3A_1017 = arith.constant 2 : i32
          %add3A_1018 = arith.addi %add3A_921, %add3A_1017 : i32
          %get3A_1019 = arith.index_cast %add3A_1018 : i32 to index
          %get3A_1020 = arith.constant 0 : index
          %get3A_1021 = tpu.vector_load %arg17[%get3A_1019, %get3A_1020] {strides = array<i32>} : memref<200x128xf32, #tpu.memory_space<vmem>>, vector<16xf32>,
          %add3A_1022 = arith.addf %add3A_974, %get3A_1021 : vector<16xf32>
          %add3A_1023 = arith.constant 2 : i32
          %add3A_1024 = arith.addi %add3A_921, %add3A_1023 : i32
          %get3A_1025 = arith.index_cast %add3A_1024 : i32 to index
          %get3A_1026 = arith.constant 16 : index
          %get3A_1027 = tpu.vector_load %arg17[%get3A_1025, %get3A_1026] {strides = array<i32>} : memref<200x128xf32, #tpu.memory_space<vmem>>, vector<16xf32>,
          %add3A_1028 = arith.addf %add3A_980, %get3A_1027 : vector<16xf32>
          %add3A_1029 = arith.constant 2 : i32
          %add3A_1030 = arith.addi %add3A_921, %add3A_1029 : i32
          %get3A_1031 = arith.index_cast %add3A_1030 : i32 to index
          %get3A_1032 = arith.constant 32 : index
          %get3A_1033 = tpu.vector_load %arg17[%get3A_1031, %get3A_1032] {strides = array<i32>} : memref<200x128xf32, #tpu.memory_space<vmem>>, vector<16xf32>,
          %add3A_1034 = arith.addf %add3A_986, %get3A_1033 : vector<16xf32>
          %add3A_1035 = arith.constant 2 : i32
          %add3A_1036 = arith.addi %add3A_921, %add3A_1035 : i32
          %get3A_1037 = arith.index_cast %add3A_1036 : i32 to index
          %get3A_1038 = arith.constant 48 : index
          %get3A_1039 = tpu.vector_load %arg17[%get3A_1037, %get3A_1038] {strides = array<i32>} : memref<200x128xf32, #tpu.memory_space<vmem>>, vector<16xf32>,
          %add3A_1040 = arith.addf %add3A_992, %get3A_1039 : vector<16xf32>
          %add3A_1041 = arith.constant 2 : i32
          %add3A_1042 = arith.addi %add3A_921, %add3A_1041 : i32
          %get3A_1043 = arith.index_cast %add3A_1042 : i32 to index
          %get3A_1044 = arith.constant 64 : index
          %get3A_1045 = tpu.vector_load %arg17[%get3A_1043, %get3A_1044] {strides = array<i32>} : memref<200x128xf32, #tpu.memory_space<vmem>>, vector<16xf32>,
          %add3A_1046 = arith.addf %add3A_998, %get3A_1045 : vector<16xf32>
          %add3A_1047 = arith.constant 2 : i32
          %add3A_1048 = arith.addi %add3A_921, %add3A_1047 : i32
          %get3A_1049 = arith.index_cast %add3A_1048 : i32 to index
          %get3A_1050 = arith.constant 80 : index
          %get3A_1051 = tpu.vector_load %arg17[%get3A_1049, %get3A_1050] {strides = array<i32>} : memref<200x128xf32, #tpu.memory_space<vmem>>, vector<16xf32>,
          %add3A_1052 = arith.addf %add3A_1004, %get3A_1051 : vector<16xf32>
          %add3A_1053 = arith.constant 2 : i32
          %add3A_1054 = arith.addi %add3A_921, %add3A_1053 : i32
          %get3A_1055 = arith.index_cast %add3A_1054 : i32 to index
          %get3A_1056 = arith.constant 96 : index
          %get3A_1057 = tpu.vector_load %arg17[%get3A_1055, %get3A_1056] {strides = array<i32>} : memref<200x128xf32, #tpu.memory_space<vmem>>, vector<16xf32>,
          %add3A_1058 = arith.addf %add3A_1010, %get3A_1057 : vector<16xf32>
          %add3A_1059 = arith.constant 2 : i32
          %add3A_1060 = arith.addi %add3A_921, %add3A_1059 : i32
          %get3A_1061 = arith.index_cast %add3A_1060 : i32 to index
          %get3A_1062 = arith.constant 112 : index
          %get3A_1063 = tpu.vector_load %arg17[%get3A_1061, %get3A_1062] {strides = array<i32>} : memref<200x128xf32, #tpu.memory_space<vmem>>, vector<16xf32>,
          %add3A_1064 = arith.addf %add3A_1016, %get3A_1063 : vector<16xf32>
          %add3A_1065 = arith.constant 3 : i32
          %add3A_1066 = arith.addi %add3A_921, %add3A_1065 : i32
          %get3A_1067 = arith.index_cast %add3A_1066 : i32 to index
          %get3A_1068 = arith.constant 0 : index
          %get3A_1069 = tpu.vector_load %arg17[%get3A_1067, %get3A_1068] {strides = array<i32>} : memref<200x128xf32, #tpu.memory_space<vmem>>, vector<16xf32>,
          %add3A_1070 = arith.addf %add3A_1022, %get3A_1069 : vector<16xf32>
          %add3A_1071 = arith.constant 3 : i32
          %add3A_1072 = arith.addi %add3A_921, %add3A_1071 : i32
          %get3A_1073 = arith.index_cast %add3A_1072 : i32 to index
          %get3A_1074 = arith.constant 16 : index
          %get3A_1075 = tpu.vector_load %arg17[%get3A_1073, %get3A_1074] {strides = array<i32>} : memref<200x128xf32, #tpu.memory_space<vmem>>, vector<16xf32>,
          %add3A_1076 = arith.addf %add3A_1028, %get3A_1075 : vector<16xf32>
          %add3A_1077 = arith.constant 3 : i32
          %add3A_1078 = arith.addi %add3A_921, %add3A_1077 : i32
          %get3A_1079 = arith.index_cast %add3A_1078 : i32 to index
          %get3A_1080 = arith.constant 32 : index
          %get3A_1081 = tpu.vector_load %arg17[%get3A_1079, %get3A_1080] {strides = array<i32>} : memref<200x128xf32, #tpu.memory_space<vmem>>, vector<16xf32>,
          %add3A_1082 = arith.addf %add3A_1034, %get3A_1081 : vector<16xf32>
          %add3A_1083 = arith.constant 3 : i32
          %add3A_1084 = arith.addi %add3A_921, %add3A_1083 : i32
          %get3A_1085 = arith.index_cast %add3A_1084 : i32 to index
          %get3A_1086 = arith.constant 48 : index
          %get3A_1087 = tpu.vector_load %arg17[%get3A_1085, %get3A_1086] {strides = array<i32>} : memref<200x128xf32, #tpu.memory_space<vmem>>, vector<16xf32>,
          %add3A_1088 = arith.addf %add3A_1040, %get3A_1087 : vector<16xf32>
          %add3A_1089 = arith.constant 3 : i32
          %add3A_1090 = arith.addi %add3A_921, %add3A_1089 : i32
          %get3A_1091 = arith.index_cast %add3A_1090 : i32 to index
          %get3A_1092 = arith.constant 64 : index
          %get3A_1093 = tpu.vector_load %arg17[%get3A_1091, %get3A_1092] {strides = array<i32>} : memref<200x128xf32, #tpu.memory_space<vmem>>, vector<16xf32>,
          %add3A_1094 = arith.addf %add3A_1046, %get3A_1093 : vector<16xf32>
          %add3A_1095 = arith.constant 3 : i32
          %add3A_1096 = arith.addi %add3A_921, %add3A_1095 : i32
          %get3A_1097 = arith.index_cast %add3A_1096 : i32 to index
          %get3A_1098 = arith.constant 80 : index
          %get3A_1099 = tpu.vector_load %arg17[%get3A_1097, %get3A_1098] {strides = array<i32>} : memref<200x128xf32, #tpu.memory_space<vmem>>, vector<16xf32>,
          %add3A_1100 = arith.addf %add3A_1052, %get3A_1099 : vector<16xf32>
          %add3A_1101 = arith.constant 3 : i32
          %add3A_1102 = arith.addi %add3A_921, %add3A_1101 : i32
          %get3A_1103 = arith.index_cast %add3A_1102 : i32 to index
          %get3A_1104 = arith.constant 96 : index
          %get3A_1105 = tpu.vector_load %arg17[%get3A_1103, %get3A_1104] {strides = array<i32>} : memref<200x128xf32, #tpu.memory_space<vmem>>, vector<16xf32>,
          %add3A_1106 = arith.addf %add3A_1058, %get3A_1105 : vector<16xf32>
          %add3A_1107 = arith.constant 3 : i32
          %add3A_1108 = arith.addi %add3A_921, %add3A_1107 : i32
          %get3A_1109 = arith.index_cast %add3A_1108 : i32 to index
          %get3A_1110 = arith.constant 112 : index
          %get3A_1111 = tpu.vector_load %arg17[%get3A_1109, %get3A_1110] {strides = array<i32>} : memref<200x128xf32, #tpu.memory_space<vmem>>, vector<16xf32>,
          %add3A_1112 = arith.addf %add3A_1064, %get3A_1111 : vector<16xf32>
          %add3A_1113 = arith.constant 4 : i32
          %add3A_1114 = arith.addi %add3A_921, %add3A_1113 : i32
          %get3A_1115 = arith.index_cast %add3A_1114 : i32 to index
          %get3A_1116 = arith.constant 0 : index
          %get3A_1117 = tpu.vector_load %arg17[%get3A_1115, %get3A_1116] {strides = array<i32>} : memref<200x128xf32, #tpu.memory_space<vmem>>, vector<16xf32>,
          %add3A_1118 = arith.addf %add3A_1070, %get3A_1117 : vector<16xf32>
          %add3A_1119 = arith.constant 4 : i32
          %add3A_1120 = arith.addi %add3A_921, %add3A_1119 : i32
          %get3A_1121 = arith.index_cast %add3A_1120 : i32 to index
          %get3A_1122 = arith.constant 16 : index
          %get3A_1123 = tpu.vector_load %arg17[%get3A_1121, %get3A_1122] {strides = array<i32>} : memref<200x128xf32, #tpu.memory_space<vmem>>, vector<16xf32>,
          %add3A_1124 = arith.addf %add3A_1076, %get3A_1123 : vector<16xf32>
          %add3A_1125 = arith.constant 4 : i32
          %add3A_1126 = arith.addi %add3A_921, %add3A_1125 : i32
          %get3A_1127 = arith.index_cast %add3A_1126 : i32 to index
          %get3A_1128 = arith.constant 32 : index
          %get3A_1129 = tpu.vector_load %arg17[%get3A_1127, %get3A_1128] {strides = array<i32>} : memref<200x128xf32, #tpu.memory_space<vmem>>, vector<16xf32>,
          %add3A_1130 = arith.addf %add3A_1082, %get3A_1129 : vector<16xf32>
          %add3A_1131 = arith.constant 4 : i32
          %add3A_1132 = arith.addi %add3A_921, %add3A_1131 : i32
          %get3A_1133 = arith.index_cast %add3A_1132 : i32 to index
          %get3A_1134 = arith.constant 48 : index
          %get3A_1135 = tpu.vector_load %arg17[%get3A_1133, %get3A_1134] {strides = array<i32>} : memref<200x128xf32, #tpu.memory_space<vmem>>, vector<16xf32>,
          %add3A_1136 = arith.addf %add3A_1088, %get3A_1135 : vector<16xf32>
          %add3A_1137 = arith.constant 4 : i32
          %add3A_1138 = arith.addi %add3A_921, %add3A_1137 : i32
          %get3A_1139 = arith.index_cast %add3A_1138 : i32 to index
          %get3A_1140 = arith.constant 64 : index
          %get3A_1141 = tpu.vector_load %arg17[%get3A_1139, %get3A_1140] {strides = array<i32>} : memref<200x128xf32, #tpu.memory_space<vmem>>, vector<16xf32>,
          %add3A_1142 = arith.addf %add3A_1094, %get3A_1141 : vector<16xf32>
          %add3A_1143 = arith.constant 4 : i32
          %add3A_1144 = arith.addi %add3A_921, %add3A_1143 : i32
          %get3A_1145 = arith.index_cast %add3A_1144 : i32 to index
          %get3A_1146 = arith.constant 80 : index
          %get3A_1147 = tpu.vector_load %arg17[%get3A_1145, %get3A_1146] {strides = array<i32>} : memref<200x128xf32, #tpu.memory_space<vmem>>, vector<16xf32>,
          %add3A_1148 = arith.addf %add3A_1100, %get3A_1147 : vector<16xf32>
          %add3A_1149 = arith.constant 4 : i32
          %add3A_1150 = arith.addi %add3A_921, %add3A_1149 : i32
          %get3A_1151 = arith.index_cast %add3A_1150 : i32 to index
          %get3A_1152 = arith.constant 96 : index
          %get3A_1153 = tpu.vector_load %arg17[%get3A_1151, %get3A_1152] {strides = array<i32>} : memref<200x128xf32, #tpu.memory_space<vmem>>, vector<16xf32>,
          %add3A_1154 = arith.addf %add3A_1106, %get3A_1153 : vector<16xf32>
          %add3A_1155 = arith.constant 4 : i32
          %add3A_1156 = arith.addi %add3A_921, %add3A_1155 : i32
          %get3A_1157 = arith.index_cast %add3A_1156 : i32 to index
          %get3A_1158 = arith.constant 112 : index
          %get3A_1159 = tpu.vector_load %arg17[%get3A_1157, %get3A_1158] {strides = array<i32>} : memref<200x128xf32, #tpu.memory_space<vmem>>, vector<16xf32>,
          %add3A_1160 = arith.addf %add3A_1112, %get3A_1159 : vector<16xf32>
          scf.yield %add3A_1118, %add3A_1124, %add3A_1130, %add3A_1136, %add3A_1142, %add3A_1148, %add3A_1154, %add3A_1160 : vector<16xf32>, vector<16xf32>, vector<16xf32>, vector<16xf32>, vector<16xf32>, vector<16xf32>, vector<16xf32>, vector<16xf32>
        }
        %scan3A_884 = arith.constant 5 : i32
        %swap3A_885 = arith.index_cast %scan3A_859 : i32 to index
        %swap3A_886 = arith.constant 0 : index
        %swap3A_887 = tpu.vector_load %arg19[%swap3A_885, %swap3A_886] {strides = array<i32>} : memref<8x128xf32, #tpu.memory_space<vmem>>, vector<16xf32>,
        tpu.vector_store %arg19[%swap3A_885, %swap3A_886], %scan3A_883#0 {strides = array<i32>} : memref<8x128xf32, #tpu.memory_space<vmem>>, vector<16xf32>,
        %swap3A_888 = arith.index_cast %scan3A_859 : i32 to index
        %swap3A_889 = arith.constant 16 : index
        %swap3A_890 = tpu.vector_load %arg19[%swap3A_888, %swap3A_889] {strides = array<i32>} : memref<8x128xf32, #tpu.memory_space<vmem>>, vector<16xf32>,
        tpu.vector_store %arg19[%swap3A_888, %swap3A_889], %scan3A_883#1 {strides = array<i32>} : memref<8x128xf32, #tpu.memory_space<vmem>>, vector<16xf32>,
        %swap3A_891 = arith.index_cast %scan3A_859 : i32 to index
        %swap3A_892 = arith.constant 32 : index
        %swap3A_893 = tpu.vector_load %arg19[%swap3A_891, %swap3A_892] {strides = array<i32>} : memref<8x128xf32, #tpu.memory_space<vmem>>, vector<16xf32>,
        tpu.vector_store %arg19[%swap3A_891, %swap3A_892], %scan3A_883#2 {strides = array<i32>} : memref<8x128xf32, #tpu.memory_space<vmem>>, vector<16xf32>,
        %swap3A_894 = arith.index_cast %scan3A_859 : i32 to index
        %swap3A_895 = arith.constant 48 : index
        %swap3A_896 = tpu.vector_load %arg19[%swap3A_894, %swap3A_895] {strides = array<i32>} : memref<8x128xf32, #tpu.memory_space<vmem>>, vector<16xf32>,
        tpu.vector_store %arg19[%swap3A_894, %swap3A_895], %scan3A_883#3 {strides = array<i32>} : memref<8x128xf32, #tpu.memory_space<vmem>>, vector<16xf32>,
        %swap3A_897 = arith.index_cast %scan3A_859 : i32 to index
        %swap3A_898 = arith.constant 64 : index
        %swap3A_899 = tpu.vector_load %arg19[%swap3A_897, %swap3A_898] {strides = array<i32>} : memref<8x128xf32, #tpu.memory_space<vmem>>, vector<16xf32>,
        tpu.vector_store %arg19[%swap3A_897, %swap3A_898], %scan3A_883#4 {strides = array<i32>} : memref<8x128xf32, #tpu.memory_space<vmem>>, vector<16xf32>,
        %swap3A_900 = arith.index_cast %scan3A_859 : i32 to index
        %swap3A_901 = arith.constant 80 : index
        %swap3A_902 = tpu.vector_load %arg19[%swap3A_900, %swap3A_901] {strides = array<i32>} : memref<8x128xf32, #tpu.memory_space<vmem>>, vector<16xf32>,
        tpu.vector_store %arg19[%swap3A_900, %swap3A_901], %scan3A_883#5 {strides = array<i32>} : memref<8x128xf32, #tpu.memory_space<vmem>>, vector<16xf32>,
        %swap3A_903 = arith.index_cast %scan3A_859 : i32 to index
        %swap3A_904 = arith.constant 96 : index
        %swap3A_905 = tpu.vector_load %arg19[%swap3A_903, %swap3A_904] {strides = array<i32>} : memref<8x128xf32, #tpu.memory_space<vmem>>, vector<16xf32>,
        tpu.vector_store %arg19[%swap3A_903, %swap3A_904], %scan3A_883#6 {strides = array<i32>} : memref<8x128xf32, #tpu.memory_space<vmem>>, vector<16xf32>,
        %swap3A_906 = arith.index_cast %scan3A_859 : i32 to index
        %swap3A_907 = arith.constant 112 : index
        %swap3A_908 = tpu.vector_load %arg19[%swap3A_906, %swap3A_907] {strides = array<i32>} : memref<8x128xf32, #tpu.memory_space<vmem>>, vector<16xf32>,
        tpu.vector_store %arg19[%swap3A_906, %swap3A_907], %scan3A_883#7 {strides = array<i32>} : memref<8x128xf32, #tpu.memory_space<vmem>>, vector<16xf32>,
        %scan3A_909 = arith.constant 0 : i32
        scf.yield %scan3A_909 : i32
      }
      %scan3A_798 = arith.constant 8 : i32
      %shift_right_logical3A_799 = arith.constant 2 : i32
      %shift_right_logical3A_800 = arith.shrui %add3A_773, %shift_right_logical3A_799 : i32
      %mul3A_801 = arith.constant 1024 : i32
      %mul3A_802 = arith.muli %shift_right_logical3A_800, %mul3A_801 : i32
      %add3A_803 = arith.addi %mul3A_802, %multiple_of3A : i32
      %and3A_804 = arith.constant 3 : i32
      %and3A_805 = arith.andi %add3A_773, %and3A_804 : i32
      %shift_left3A_806 = arith.constant 3 : i32
      %shift_left3A_807 = arith.shli %and3A_805, %shift_left3A_806 : i32
      %add3A_808 = arith.addi %add3A_803, %shift_left3A_807 : i32
      %multiple_of3A_809 = tpu.assume_multiple %add3A_808, 8 : i32
      %dma_start3A_810 = arith.constant 0 : i32
      %dma_start3A_811 = tpu.memref_slice %arg7[%multiple_of3A_809, %dma_start3A_810] : memref<10240x128xf32, #tpu.memory_space<hbm>> -> memref<8x128xf32, #tpu.memory_space<hbm>>
      %dma_start3A_812 = arith.constant 0 : i32
      %dma_start3A_813 = tpu.memref_slice %arg7[%multiple_of3A_809, %dma_start3A_812] : memref<10240x128xf32, #tpu.memory_space<hbm>> -> memref<8x128xf32, #tpu.memory_space<hbm>>
      tpu.enqueue_dma source(%arg19 : memref<8x128xf32, #tpu.memory_space<vmem>>) target(%dma_start3A_813 : memref<8x128xf32, #tpu.memory_space<hbm>>) target_semaphore(%arg26 : memref<!tpu.dma_semaphore, #tpu.memory_space<semaphore_mem>>)
      %mul3A_814 = arith.constant 4 : i32
      %mul3A_815 = arith.muli %scan3A_685, %mul3A_814 : i32
      %add3A_816 = arith.constant 3 : i32
      %add3A_817 = arith.addi %mul3A_815, %add3A_816 : i32
      %add3A_818 = arith.constant 3 : i32
      %add3A_819 = arith.addi %add3A_817, %add3A_818 : i32
      %lt3A_820 = arith.constant 40 : i32
      %lt3A_821 = arith.cmpi slt, %add3A_819, %lt3A_820 : i32
      %convert_element_type3A_822 = arith.extui %lt3A_821 : i1 to i32
      %cond3A_823 = arith.constant 0 : i32
      %cond3A_824 = arith.cmpi ne, %convert_element_type3A_822, %cond3A_823 : i32
      scf.if %cond3A_824 {
        %add3A_859 = arith.constant 3 : i32
        %add3A_860 = arith.addi %add3A_817, %add3A_859 : i32
        %mul3A_861 = arith.constant 200 : i32
        %mul3A_862 = arith.muli %add3A_860, %mul3A_861 : i32
        %add3A_863 = arith.constant 0 : i32
        %add3A_864 = arith.addi %mul3A_862, %add3A_863 : i32
        %multiple_of3A_865 = tpu.assume_multiple %add3A_864, 8 : i32
        %dma_start3A_866 = arith.constant 0 : i32
        %dma_start3A_867 = arith.constant 0 : i32
        %dma_start3A_868 = tpu.memref_slice %arg17[%dma_start3A_866, %dma_start3A_867] : memref<200x128xf32, #tpu.memory_space<vmem>> -> memref<64x128xf32, #tpu.memory_space<vmem>>
        %dma_start3A_869 = tpu.memref_slice %arg14[%multiple_of3A_865] : memref<8000xi32, #tpu.memory_space<vmem>> -> memref<64xi32, #tpu.memory_space<vmem>>
        %dma_start3A_870 = arith.constant 0 : i32
        %dma_start3A_871 = arith.constant 0 : i32
        %dma_start3A_872 = tpu.memref_slice %arg2[%dma_start3A_870, %dma_start3A_871] : memref<50000x128xf32, #tpu.memory_space<hbm>> -> memref<50000x128xf32, #tpu.memory_space<hbm>>
        tpu.enqueue_indirect_dma source(%dma_start3A_872 : memref<50000x128xf32, #tpu.memory_space<hbm>>) target(%dma_start3A_868 : memref<64x128xf32, #tpu.memory_space<vmem>>) offsets(%dma_start3A_869 : memref<64xi32, #tpu.memory_space<vmem>>) semaphore(%arg24 : memref<!tpu.dma_semaphore, #tpu.memory_space<semaphore_mem>>)
        %mul3A_873 = arith.constant 200 : i32
        %mul3A_874 = arith.muli %add3A_860, %mul3A_873 : i32
        %add3A_875 = arith.constant 64 : i32
        %add3A_876 = arith.addi %mul3A_874, %add3A_875 : i32
        %multiple_of3A_877 = tpu.assume_multiple %add3A_876, 8 : i32
        %dma_start3A_878 = arith.constant 64 : i32
        %dma_start3A_879 = arith.constant 0 : i32
        %dma_start3A_880 = tpu.memref_slice %arg17[%dma_start3A_878, %dma_start3A_879] : memref<200x128xf32, #tpu.memory_space<vmem>> -> memref<64x128xf32, #tpu.memory_space<vmem>>
        %dma_start3A_881 = tpu.memref_slice %arg14[%multiple_of3A_877] : memref<8000xi32, #tpu.memory_space<vmem>> -> memref<64xi32, #tpu.memory_space<vmem>>
        %dma_start3A_882 = arith.constant 0 : i32
        %dma_start3A_883 = arith.constant 0 : i32
        %dma_start3A_884 = tpu.memref_slice %arg2[%dma_start3A_882, %dma_start3A_883] : memref<50000x128xf32, #tpu.memory_space<hbm>> -> memref<50000x128xf32, #tpu.memory_space<hbm>>
        tpu.enqueue_indirect_dma source(%dma_start3A_884 : memref<50000x128xf32, #tpu.memory_space<hbm>>) target(%dma_start3A_880 : memref<64x128xf32, #tpu.memory_space<vmem>>) offsets(%dma_start3A_881 : memref<64xi32, #tpu.memory_space<vmem>>) semaphore(%arg24 : memref<!tpu.dma_semaphore, #tpu.memory_space<semaphore_mem>>)
        %mul3A_885 = arith.constant 200 : i32
        %mul3A_886 = arith.muli %add3A_860, %mul3A_885 : i32
        %add3A_887 = arith.constant 128 : i32
        %add3A_888 = arith.addi %mul3A_886, %add3A_887 : i32
        %multiple_of3A_889 = tpu.assume_multiple %add3A_888, 8 : i32
        %dma_start3A_890 = arith.constant 128 : i32
        %dma_start3A_891 = arith.constant 0 : i32
        %dma_start3A_892 = tpu.memref_slice %arg17[%dma_start3A_890, %dma_start3A_891] : memref<200x128xf32, #tpu.memory_space<vmem>> -> memref<72x128xf32, #tpu.memory_space<vmem>>
        %dma_start3A_893 = tpu.memref_slice %arg14[%multiple_of3A_889] : memref<8000xi32, #tpu.memory_space<vmem>> -> memref<72xi32, #tpu.memory_space<vmem>>
        %dma_start3A_894 = arith.constant 0 : i32
        %dma_start3A_895 = arith.constant 0 : i32
        %dma_start3A_896 = tpu.memref_slice %arg2[%dma_start3A_894, %dma_start3A_895] : memref<50000x128xf32, #tpu.memory_space<hbm>> -> memref<50000x128xf32, #tpu.memory_space<hbm>>
        tpu.enqueue_indirect_dma source(%dma_start3A_896 : memref<50000x128xf32, #tpu.memory_space<hbm>>) target(%dma_start3A_892 : memref<72x128xf32, #tpu.memory_space<vmem>>) offsets(%dma_start3A_893 : memref<72xi32, #tpu.memory_space<vmem>>) semaphore(%arg24 : memref<!tpu.dma_semaphore, #tpu.memory_space<semaphore_mem>>)
      } else {
      }
      %dma_wait3A_825 = arith.constant 0 : i32
      %dma_wait3A_826 = arith.constant 0 : i32
      %dma_wait3A_827 = tpu.memref_slice %arg2[%dma_wait3A_825, %dma_wait3A_826] : memref<50000x128xf32, #tpu.memory_space<hbm>> -> memref<200x128xf32, #tpu.memory_space<hbm>>
      %dma_wait3A_828 = arith.constant 0 : i32
      %dma_wait3A_829 = arith.constant 0 : i32
      %dma_wait3A_830 = tpu.memref_slice %arg2[%dma_wait3A_828, %dma_wait3A_829] : memref<50000x128xf32, #tpu.memory_space<hbm>> -> memref<200x128xf32, #tpu.memory_space<hbm>>
      tpu.wait_dma2 semaphore(%arg25 : memref<!tpu.dma_semaphore, #tpu.memory_space<semaphore_mem>>) src(%dma_wait3A_830 : memref<200x128xf32, #tpu.memory_space<hbm>>) dst(%arg18 : memref<200x128xf32, #tpu.memory_space<vmem>>)
      %ge3A_831 = arith.constant 2 : i32
      %ge3A_832 = arith.cmpi sge, %add3A_817, %ge3A_831 : i32
      %convert_element_type3A_833 = arith.extui %ge3A_832 : i1 to i32
      %cond3A_834 = arith.constant 0 : i32
      %cond3A_835 = arith.cmpi ne, %convert_element_type3A_833, %cond3A_834 : i32
      scf.if %cond3A_835 {
        %dma_wait3A_859 = arith.constant 0 : i32
        %dma_wait3A_860 = arith.constant 0 : i32
        %dma_wait3A_861 = tpu.memref_slice %arg7[%dma_wait3A_859, %dma_wait3A_860] : memref<10240x128xf32, #tpu.memory_space<hbm>> -> memref<8x128xf32, #tpu.memory_space<hbm>>
        %dma_wait3A_862 = arith.constant 0 : i32
        %dma_wait3A_863 = arith.constant 0 : i32
        %dma_wait3A_864 = tpu.memref_slice %arg7[%dma_wait3A_862, %dma_wait3A_863] : memref<10240x128xf32, #tpu.memory_space<hbm>> -> memref<8x128xf32, #tpu.memory_space<hbm>>
        tpu.wait_dma2 semaphore(%arg27 : memref<!tpu.dma_semaphore, #tpu.memory_space<semaphore_mem>>) src(%arg20 : memref<8x128xf32, #tpu.memory_space<vmem>>) dst(%dma_wait3A_864 : memref<8x128xf32, #tpu.memory_space<hbm>>)
      } else {
      }
      %scan3A_836 = arith.constant 0 : i32
      %scan3A_837 = arith.constant 0 : i32
      %scan3A_838 = arith.constant 8 : i32
      %scan3A_839 = arith.addi %scan3A_837, %scan3A_838 : i32
      %scan3A_840 = arith.constant 1 : i32
      %scan3A_841 = scf.for %scan3A_859 = %scan3A_837 to %scan3A_839 step %scan3A_840 iter_args(%scan3A_860 = %scan3A_836) -> (i32)  : i32 {
        %mul3A_861 = arith.constant 25 : i32
        %mul3A_862 = arith.muli %scan3A_859, %mul3A_861 : i32
        %broadcast_in_dim3A_863 = arith.constant 0.000000e+00 : f32
        %broadcast_in_dim3A_864 = vector.broadcast %broadcast_in_dim3A_863 : f32 to vector<16xf32>
        %broadcast_in_dim3A_865 = arith.constant 0.000000e+00 : f32
        %broadcast_in_dim3A_866 = vector.broadcast %broadcast_in_dim3A_865 : f32 to vector<16xf32>
        %broadcast_in_dim3A_867 = arith.constant 0.000000e+00 : f32
        %broadcast_in_dim3A_868 = vector.broadcast %broadcast_in_dim3A_867 : f32 to vector<16xf32>
        %broadcast_in_dim3A_869 = arith.constant 0.000000e+00 : f32
        %broadcast_in_dim3A_870 = vector.broadcast %broadcast_in_dim3A_869 : f32 to vector<16xf32>
        %broadcast_in_dim3A_871 = arith.constant 0.000000e+00 : f32
        %broadcast_in_dim3A_872 = vector.broadcast %broadcast_in_dim3A_871 : f32 to vector<16xf32>
        %broadcast_in_dim3A_873 = arith.constant 0.000000e+00 : f32
        %broadcast_in_dim3A_874 = vector.broadcast %broadcast_in_dim3A_873 : f32 to vector<16xf32>
        %broadcast_in_dim3A_875 = arith.constant 0.000000e+00 : f32
        %broadcast_in_dim3A_876 = vector.broadcast %broadcast_in_dim3A_875 : f32 to vector<16xf32>
        %broadcast_in_dim3A_877 = arith.constant 0.000000e+00 : f32
        %broadcast_in_dim3A_878 = vector.broadcast %broadcast_in_dim3A_877 : f32 to vector<16xf32>
        %scan3A_879 = arith.constant 0 : i32
        %scan3A_880 = arith.constant 5 : i32
        %scan3A_881 = arith.addi %scan3A_879, %scan3A_880 : i32
        %scan3A_882 = arith.constant 1 : i32
        %scan3A_883:8 = scf.for %scan3A_910 = %scan3A_879 to %scan3A_881 step %scan3A_882 iter_args(%scan3A_911 = %broadcast_in_dim3A_864, %scan3A_912 = %broadcast_in_dim3A_866, %scan3A_913 = %broadcast_in_dim3A_868, %scan3A_914 = %broadcast_in_dim3A_870, %scan3A_915 = %broadcast_in_dim3A_872, %scan3A_916 = %broadcast_in_dim3A_874, %scan3A_917 = %broadcast_in_dim3A_876, %scan3A_918 = %broadcast_in_dim3A_878) -> (vector<16xf32>, vector<16xf32>, vector<16xf32>, vector<16xf32>, vector<16xf32>, vector<16xf32>, vector<16xf32>, vector<16xf32>)  : i32 {
          %mul3A_919 = arith.constant 5 : i32
          %mul3A_920 = arith.muli %scan3A_910, %mul3A_919 : i32
          %add3A_921 = arith.addi %mul3A_862, %mul3A_920 : i32
          %add3A_922 = arith.constant 0 : i32
          %add3A_923 = arith.addi %add3A_921, %add3A_922 : i32
          %get3A = arith.index_cast %add3A_923 : i32 to index
          %get3A_924 = arith.constant 0 : index
          %get3A_925 = tpu.vector_load %arg18[%get3A, %get3A_924] {strides = array<i32>} : memref<200x128xf32, #tpu.memory_space<vmem>>, vector<16xf32>,
          %add3A_926 = arith.addf %scan3A_911, %get3A_925 : vector<16xf32>
          %add3A_927 = arith.constant 0 : i32
          %add3A_928 = arith.addi %add3A_921, %add3A_927 : i32
          %get3A_929 = arith.index_cast %add3A_928 : i32 to index
          %get3A_930 = arith.constant 16 : index
          %get3A_931 = tpu.vector_load %arg18[%get3A_929, %get3A_930] {strides = array<i32>} : memref<200x128xf32, #tpu.memory_space<vmem>>, vector<16xf32>,
          %add3A_932 = arith.addf %scan3A_912, %get3A_931 : vector<16xf32>
          %add3A_933 = arith.constant 0 : i32
          %add3A_934 = arith.addi %add3A_921, %add3A_933 : i32
          %get3A_935 = arith.index_cast %add3A_934 : i32 to index
          %get3A_936 = arith.constant 32 : index
          %get3A_937 = tpu.vector_load %arg18[%get3A_935, %get3A_936] {strides = array<i32>} : memref<200x128xf32, #tpu.memory_space<vmem>>, vector<16xf32>,
          %add3A_938 = arith.addf %scan3A_913, %get3A_937 : vector<16xf32>
          %add3A_939 = arith.constant 0 : i32
          %add3A_940 = arith.addi %add3A_921, %add3A_939 : i32
          %get3A_941 = arith.index_cast %add3A_940 : i32 to index
          %get3A_942 = arith.constant 48 : index
          %get3A_943 = tpu.vector_load %arg18[%get3A_941, %get3A_942] {strides = array<i32>} : memref<200x128xf32, #tpu.memory_space<vmem>>, vector<16xf32>,
          %add3A_944 = arith.addf %scan3A_914, %get3A_943 : vector<16xf32>
          %add3A_945 = arith.constant 0 : i32
          %add3A_946 = arith.addi %add3A_921, %add3A_945 : i32
          %get3A_947 = arith.index_cast %add3A_946 : i32 to index
          %get3A_948 = arith.constant 64 : index
          %get3A_949 = tpu.vector_load %arg18[%get3A_947, %get3A_948] {strides = array<i32>} : memref<200x128xf32, #tpu.memory_space<vmem>>, vector<16xf32>,
          %add3A_950 = arith.addf %scan3A_915, %get3A_949 : vector<16xf32>
          %add3A_951 = arith.constant 0 : i32
          %add3A_952 = arith.addi %add3A_921, %add3A_951 : i32
          %get3A_953 = arith.index_cast %add3A_952 : i32 to index
          %get3A_954 = arith.constant 80 : index
          %get3A_955 = tpu.vector_load %arg18[%get3A_953, %get3A_954] {strides = array<i32>} : memref<200x128xf32, #tpu.memory_space<vmem>>, vector<16xf32>,
          %add3A_956 = arith.addf %scan3A_916, %get3A_955 : vector<16xf32>
          %add3A_957 = arith.constant 0 : i32
          %add3A_958 = arith.addi %add3A_921, %add3A_957 : i32
          %get3A_959 = arith.index_cast %add3A_958 : i32 to index
          %get3A_960 = arith.constant 96 : index
          %get3A_961 = tpu.vector_load %arg18[%get3A_959, %get3A_960] {strides = array<i32>} : memref<200x128xf32, #tpu.memory_space<vmem>>, vector<16xf32>,
          %add3A_962 = arith.addf %scan3A_917, %get3A_961 : vector<16xf32>
          %add3A_963 = arith.constant 0 : i32
          %add3A_964 = arith.addi %add3A_921, %add3A_963 : i32
          %get3A_965 = arith.index_cast %add3A_964 : i32 to index
          %get3A_966 = arith.constant 112 : index
          %get3A_967 = tpu.vector_load %arg18[%get3A_965, %get3A_966] {strides = array<i32>} : memref<200x128xf32, #tpu.memory_space<vmem>>, vector<16xf32>,
          %add3A_968 = arith.addf %scan3A_918, %get3A_967 : vector<16xf32>
          %add3A_969 = arith.constant 1 : i32
          %add3A_970 = arith.addi %add3A_921, %add3A_969 : i32
          %get3A_971 = arith.index_cast %add3A_970 : i32 to index
          %get3A_972 = arith.constant 0 : index
          %get3A_973 = tpu.vector_load %arg18[%get3A_971, %get3A_972] {strides = array<i32>} : memref<200x128xf32, #tpu.memory_space<vmem>>, vector<16xf32>,
          %add3A_974 = arith.addf %add3A_926, %get3A_973 : vector<16xf32>
          %add3A_975 = arith.constant 1 : i32
          %add3A_976 = arith.addi %add3A_921, %add3A_975 : i32
          %get3A_977 = arith.index_cast %add3A_976 : i32 to index
          %get3A_978 = arith.constant 16 : index
          %get3A_979 = tpu.vector_load %arg18[%get3A_977, %get3A_978] {strides = array<i32>} : memref<200x128xf32, #tpu.memory_space<vmem>>, vector<16xf32>,
          %add3A_980 = arith.addf %add3A_932, %get3A_979 : vector<16xf32>
          %add3A_981 = arith.constant 1 : i32
          %add3A_982 = arith.addi %add3A_921, %add3A_981 : i32
          %get3A_983 = arith.index_cast %add3A_982 : i32 to index
          %get3A_984 = arith.constant 32 : index
          %get3A_985 = tpu.vector_load %arg18[%get3A_983, %get3A_984] {strides = array<i32>} : memref<200x128xf32, #tpu.memory_space<vmem>>, vector<16xf32>,
          %add3A_986 = arith.addf %add3A_938, %get3A_985 : vector<16xf32>
          %add3A_987 = arith.constant 1 : i32
          %add3A_988 = arith.addi %add3A_921, %add3A_987 : i32
          %get3A_989 = arith.index_cast %add3A_988 : i32 to index
          %get3A_990 = arith.constant 48 : index
          %get3A_991 = tpu.vector_load %arg18[%get3A_989, %get3A_990] {strides = array<i32>} : memref<200x128xf32, #tpu.memory_space<vmem>>, vector<16xf32>,
          %add3A_992 = arith.addf %add3A_944, %get3A_991 : vector<16xf32>
          %add3A_993 = arith.constant 1 : i32
          %add3A_994 = arith.addi %add3A_921, %add3A_993 : i32
          %get3A_995 = arith.index_cast %add3A_994 : i32 to index
          %get3A_996 = arith.constant 64 : index
          %get3A_997 = tpu.vector_load %arg18[%get3A_995, %get3A_996] {strides = array<i32>} : memref<200x128xf32, #tpu.memory_space<vmem>>, vector<16xf32>,
          %add3A_998 = arith.addf %add3A_950, %get3A_997 : vector<16xf32>
          %add3A_999 = arith.constant 1 : i32
          %add3A_1000 = arith.addi %add3A_921, %add3A_999 : i32
          %get3A_1001 = arith.index_cast %add3A_1000 : i32 to index
          %get3A_1002 = arith.constant 80 : index
          %get3A_1003 = tpu.vector_load %arg18[%get3A_1001, %get3A_1002] {strides = array<i32>} : memref<200x128xf32, #tpu.memory_space<vmem>>, vector<16xf32>,
          %add3A_1004 = arith.addf %add3A_956, %get3A_1003 : vector<16xf32>
          %add3A_1005 = arith.constant 1 : i32
          %add3A_1006 = arith.addi %add3A_921, %add3A_1005 : i32
          %get3A_1007 = arith.index_cast %add3A_1006 : i32 to index
          %get3A_1008 = arith.constant 96 : index
          %get3A_1009 = tpu.vector_load %arg18[%get3A_1007, %get3A_1008] {strides = array<i32>} : memref<200x128xf32, #tpu.memory_space<vmem>>, vector<16xf32>,
          %add3A_1010 = arith.addf %add3A_962, %get3A_1009 : vector<16xf32>
          %add3A_1011 = arith.constant 1 : i32
          %add3A_1012 = arith.addi %add3A_921, %add3A_1011 : i32
          %get3A_1013 = arith.index_cast %add3A_1012 : i32 to index
          %get3A_1014 = arith.constant 112 : index
          %get3A_1015 = tpu.vector_load %arg18[%get3A_1013, %get3A_1014] {strides = array<i32>} : memref<200x128xf32, #tpu.memory_space<vmem>>, vector<16xf32>,
          %add3A_1016 = arith.addf %add3A_968, %get3A_1015 : vector<16xf32>
          %add3A_1017 = arith.constant 2 : i32
          %add3A_1018 = arith.addi %add3A_921, %add3A_1017 : i32
          %get3A_1019 = arith.index_cast %add3A_1018 : i32 to index
          %get3A_1020 = arith.constant 0 : index
          %get3A_1021 = tpu.vector_load %arg18[%get3A_1019, %get3A_1020] {strides = array<i32>} : memref<200x128xf32, #tpu.memory_space<vmem>>, vector<16xf32>,
          %add3A_1022 = arith.addf %add3A_974, %get3A_1021 : vector<16xf32>
          %add3A_1023 = arith.constant 2 : i32
          %add3A_1024 = arith.addi %add3A_921, %add3A_1023 : i32
          %get3A_1025 = arith.index_cast %add3A_1024 : i32 to index
          %get3A_1026 = arith.constant 16 : index
          %get3A_1027 = tpu.vector_load %arg18[%get3A_1025, %get3A_1026] {strides = array<i32>} : memref<200x128xf32, #tpu.memory_space<vmem>>, vector<16xf32>,
          %add3A_1028 = arith.addf %add3A_980, %get3A_1027 : vector<16xf32>
          %add3A_1029 = arith.constant 2 : i32
          %add3A_1030 = arith.addi %add3A_921, %add3A_1029 : i32
          %get3A_1031 = arith.index_cast %add3A_1030 : i32 to index
          %get3A_1032 = arith.constant 32 : index
          %get3A_1033 = tpu.vector_load %arg18[%get3A_1031, %get3A_1032] {strides = array<i32>} : memref<200x128xf32, #tpu.memory_space<vmem>>, vector<16xf32>,
          %add3A_1034 = arith.addf %add3A_986, %get3A_1033 : vector<16xf32>
          %add3A_1035 = arith.constant 2 : i32
          %add3A_1036 = arith.addi %add3A_921, %add3A_1035 : i32
          %get3A_1037 = arith.index_cast %add3A_1036 : i32 to index
          %get3A_1038 = arith.constant 48 : index
          %get3A_1039 = tpu.vector_load %arg18[%get3A_1037, %get3A_1038] {strides = array<i32>} : memref<200x128xf32, #tpu.memory_space<vmem>>, vector<16xf32>,
          %add3A_1040 = arith.addf %add3A_992, %get3A_1039 : vector<16xf32>
          %add3A_1041 = arith.constant 2 : i32
          %add3A_1042 = arith.addi %add3A_921, %add3A_1041 : i32
          %get3A_1043 = arith.index_cast %add3A_1042 : i32 to index
          %get3A_1044 = arith.constant 64 : index
          %get3A_1045 = tpu.vector_load %arg18[%get3A_1043, %get3A_1044] {strides = array<i32>} : memref<200x128xf32, #tpu.memory_space<vmem>>, vector<16xf32>,
          %add3A_1046 = arith.addf %add3A_998, %get3A_1045 : vector<16xf32>
          %add3A_1047 = arith.constant 2 : i32
          %add3A_1048 = arith.addi %add3A_921, %add3A_1047 : i32
          %get3A_1049 = arith.index_cast %add3A_1048 : i32 to index
          %get3A_1050 = arith.constant 80 : index
          %get3A_1051 = tpu.vector_load %arg18[%get3A_1049, %get3A_1050] {strides = array<i32>} : memref<200x128xf32, #tpu.memory_space<vmem>>, vector<16xf32>,
          %add3A_1052 = arith.addf %add3A_1004, %get3A_1051 : vector<16xf32>
          %add3A_1053 = arith.constant 2 : i32
          %add3A_1054 = arith.addi %add3A_921, %add3A_1053 : i32
          %get3A_1055 = arith.index_cast %add3A_1054 : i32 to index
          %get3A_1056 = arith.constant 96 : index
          %get3A_1057 = tpu.vector_load %arg18[%get3A_1055, %get3A_1056] {strides = array<i32>} : memref<200x128xf32, #tpu.memory_space<vmem>>, vector<16xf32>,
          %add3A_1058 = arith.addf %add3A_1010, %get3A_1057 : vector<16xf32>
          %add3A_1059 = arith.constant 2 : i32
          %add3A_1060 = arith.addi %add3A_921, %add3A_1059 : i32
          %get3A_1061 = arith.index_cast %add3A_1060 : i32 to index
          %get3A_1062 = arith.constant 112 : index
          %get3A_1063 = tpu.vector_load %arg18[%get3A_1061, %get3A_1062] {strides = array<i32>} : memref<200x128xf32, #tpu.memory_space<vmem>>, vector<16xf32>,
          %add3A_1064 = arith.addf %add3A_1016, %get3A_1063 : vector<16xf32>
          %add3A_1065 = arith.constant 3 : i32
          %add3A_1066 = arith.addi %add3A_921, %add3A_1065 : i32
          %get3A_1067 = arith.index_cast %add3A_1066 : i32 to index
          %get3A_1068 = arith.constant 0 : index
          %get3A_1069 = tpu.vector_load %arg18[%get3A_1067, %get3A_1068] {strides = array<i32>} : memref<200x128xf32, #tpu.memory_space<vmem>>, vector<16xf32>,
          %add3A_1070 = arith.addf %add3A_1022, %get3A_1069 : vector<16xf32>
          %add3A_1071 = arith.constant 3 : i32
          %add3A_1072 = arith.addi %add3A_921, %add3A_1071 : i32
          %get3A_1073 = arith.index_cast %add3A_1072 : i32 to index
          %get3A_1074 = arith.constant 16 : index
          %get3A_1075 = tpu.vector_load %arg18[%get3A_1073, %get3A_1074] {strides = array<i32>} : memref<200x128xf32, #tpu.memory_space<vmem>>, vector<16xf32>,
          %add3A_1076 = arith.addf %add3A_1028, %get3A_1075 : vector<16xf32>
          %add3A_1077 = arith.constant 3 : i32
          %add3A_1078 = arith.addi %add3A_921, %add3A_1077 : i32
          %get3A_1079 = arith.index_cast %add3A_1078 : i32 to index
          %get3A_1080 = arith.constant 32 : index
          %get3A_1081 = tpu.vector_load %arg18[%get3A_1079, %get3A_1080] {strides = array<i32>} : memref<200x128xf32, #tpu.memory_space<vmem>>, vector<16xf32>,
          %add3A_1082 = arith.addf %add3A_1034, %get3A_1081 : vector<16xf32>
          %add3A_1083 = arith.constant 3 : i32
          %add3A_1084 = arith.addi %add3A_921, %add3A_1083 : i32
          %get3A_1085 = arith.index_cast %add3A_1084 : i32 to index
          %get3A_1086 = arith.constant 48 : index
          %get3A_1087 = tpu.vector_load %arg18[%get3A_1085, %get3A_1086] {strides = array<i32>} : memref<200x128xf32, #tpu.memory_space<vmem>>, vector<16xf32>,
          %add3A_1088 = arith.addf %add3A_1040, %get3A_1087 : vector<16xf32>
          %add3A_1089 = arith.constant 3 : i32
          %add3A_1090 = arith.addi %add3A_921, %add3A_1089 : i32
          %get3A_1091 = arith.index_cast %add3A_1090 : i32 to index
          %get3A_1092 = arith.constant 64 : index
          %get3A_1093 = tpu.vector_load %arg18[%get3A_1091, %get3A_1092] {strides = array<i32>} : memref<200x128xf32, #tpu.memory_space<vmem>>, vector<16xf32>,
          %add3A_1094 = arith.addf %add3A_1046, %get3A_1093 : vector<16xf32>
          %add3A_1095 = arith.constant 3 : i32
          %add3A_1096 = arith.addi %add3A_921, %add3A_1095 : i32
          %get3A_1097 = arith.index_cast %add3A_1096 : i32 to index
          %get3A_1098 = arith.constant 80 : index
          %get3A_1099 = tpu.vector_load %arg18[%get3A_1097, %get3A_1098] {strides = array<i32>} : memref<200x128xf32, #tpu.memory_space<vmem>>, vector<16xf32>,
          %add3A_1100 = arith.addf %add3A_1052, %get3A_1099 : vector<16xf32>
          %add3A_1101 = arith.constant 3 : i32
          %add3A_1102 = arith.addi %add3A_921, %add3A_1101 : i32
          %get3A_1103 = arith.index_cast %add3A_1102 : i32 to index
          %get3A_1104 = arith.constant 96 : index
          %get3A_1105 = tpu.vector_load %arg18[%get3A_1103, %get3A_1104] {strides = array<i32>} : memref<200x128xf32, #tpu.memory_space<vmem>>, vector<16xf32>,
          %add3A_1106 = arith.addf %add3A_1058, %get3A_1105 : vector<16xf32>
          %add3A_1107 = arith.constant 3 : i32
          %add3A_1108 = arith.addi %add3A_921, %add3A_1107 : i32
          %get3A_1109 = arith.index_cast %add3A_1108 : i32 to index
          %get3A_1110 = arith.constant 112 : index
          %get3A_1111 = tpu.vector_load %arg18[%get3A_1109, %get3A_1110] {strides = array<i32>} : memref<200x128xf32, #tpu.memory_space<vmem>>, vector<16xf32>,
          %add3A_1112 = arith.addf %add3A_1064, %get3A_1111 : vector<16xf32>
          %add3A_1113 = arith.constant 4 : i32
          %add3A_1114 = arith.addi %add3A_921, %add3A_1113 : i32
          %get3A_1115 = arith.index_cast %add3A_1114 : i32 to index
          %get3A_1116 = arith.constant 0 : index
          %get3A_1117 = tpu.vector_load %arg18[%get3A_1115, %get3A_1116] {strides = array<i32>} : memref<200x128xf32, #tpu.memory_space<vmem>>, vector<16xf32>,
          %add3A_1118 = arith.addf %add3A_1070, %get3A_1117 : vector<16xf32>
          %add3A_1119 = arith.constant 4 : i32
          %add3A_1120 = arith.addi %add3A_921, %add3A_1119 : i32
          %get3A_1121 = arith.index_cast %add3A_1120 : i32 to index
          %get3A_1122 = arith.constant 16 : index
          %get3A_1123 = tpu.vector_load %arg18[%get3A_1121, %get3A_1122] {strides = array<i32>} : memref<200x128xf32, #tpu.memory_space<vmem>>, vector<16xf32>,
          %add3A_1124 = arith.addf %add3A_1076, %get3A_1123 : vector<16xf32>
          %add3A_1125 = arith.constant 4 : i32
          %add3A_1126 = arith.addi %add3A_921, %add3A_1125 : i32
          %get3A_1127 = arith.index_cast %add3A_1126 : i32 to index
          %get3A_1128 = arith.constant 32 : index
          %get3A_1129 = tpu.vector_load %arg18[%get3A_1127, %get3A_1128] {strides = array<i32>} : memref<200x128xf32, #tpu.memory_space<vmem>>, vector<16xf32>,
          %add3A_1130 = arith.addf %add3A_1082, %get3A_1129 : vector<16xf32>
          %add3A_1131 = arith.constant 4 : i32
          %add3A_1132 = arith.addi %add3A_921, %add3A_1131 : i32
          %get3A_1133 = arith.index_cast %add3A_1132 : i32 to index
          %get3A_1134 = arith.constant 48 : index
          %get3A_1135 = tpu.vector_load %arg18[%get3A_1133, %get3A_1134] {strides = array<i32>} : memref<200x128xf32, #tpu.memory_space<vmem>>, vector<16xf32>,
          %add3A_1136 = arith.addf %add3A_1088, %get3A_1135 : vector<16xf32>
          %add3A_1137 = arith.constant 4 : i32
          %add3A_1138 = arith.addi %add3A_921, %add3A_1137 : i32
          %get3A_1139 = arith.index_cast %add3A_1138 : i32 to index
          %get3A_1140 = arith.constant 64 : index
          %get3A_1141 = tpu.vector_load %arg18[%get3A_1139, %get3A_1140] {strides = array<i32>} : memref<200x128xf32, #tpu.memory_space<vmem>>, vector<16xf32>,
          %add3A_1142 = arith.addf %add3A_1094, %get3A_1141 : vector<16xf32>
          %add3A_1143 = arith.constant 4 : i32
          %add3A_1144 = arith.addi %add3A_921, %add3A_1143 : i32
          %get3A_1145 = arith.index_cast %add3A_1144 : i32 to index
          %get3A_1146 = arith.constant 80 : index
          %get3A_1147 = tpu.vector_load %arg18[%get3A_1145, %get3A_1146] {strides = array<i32>} : memref<200x128xf32, #tpu.memory_space<vmem>>, vector<16xf32>,
          %add3A_1148 = arith.addf %add3A_1100, %get3A_1147 : vector<16xf32>
          %add3A_1149 = arith.constant 4 : i32
          %add3A_1150 = arith.addi %add3A_921, %add3A_1149 : i32
          %get3A_1151 = arith.index_cast %add3A_1150 : i32 to index
          %get3A_1152 = arith.constant 96 : index
          %get3A_1153 = tpu.vector_load %arg18[%get3A_1151, %get3A_1152] {strides = array<i32>} : memref<200x128xf32, #tpu.memory_space<vmem>>, vector<16xf32>,
          %add3A_1154 = arith.addf %add3A_1106, %get3A_1153 : vector<16xf32>
          %add3A_1155 = arith.constant 4 : i32
          %add3A_1156 = arith.addi %add3A_921, %add3A_1155 : i32
          %get3A_1157 = arith.index_cast %add3A_1156 : i32 to index
          %get3A_1158 = arith.constant 112 : index
          %get3A_1159 = tpu.vector_load %arg18[%get3A_1157, %get3A_1158] {strides = array<i32>} : memref<200x128xf32, #tpu.memory_space<vmem>>, vector<16xf32>,
          %add3A_1160 = arith.addf %add3A_1112, %get3A_1159 : vector<16xf32>
          scf.yield %add3A_1118, %add3A_1124, %add3A_1130, %add3A_1136, %add3A_1142, %add3A_1148, %add3A_1154, %add3A_1160 : vector<16xf32>, vector<16xf32>, vector<16xf32>, vector<16xf32>, vector<16xf32>, vector<16xf32>, vector<16xf32>, vector<16xf32>
        }
        %scan3A_884 = arith.constant 5 : i32
        %swap3A_885 = arith.index_cast %scan3A_859 : i32 to index
        %swap3A_886 = arith.constant 0 : index
        %swap3A_887 = tpu.vector_load %arg20[%swap3A_885, %swap3A_886] {strides = array<i32>} : memref<8x128xf32, #tpu.memory_space<vmem>>, vector<16xf32>,
        tpu.vector_store %arg20[%swap3A_885, %swap3A_886], %scan3A_883#0 {strides = array<i32>} : memref<8x128xf32, #tpu.memory_space<vmem>>, vector<16xf32>,
        %swap3A_888 = arith.index_cast %scan3A_859 : i32 to index
        %swap3A_889 = arith.constant 16 : index
        %swap3A_890 = tpu.vector_load %arg20[%swap3A_888, %swap3A_889] {strides = array<i32>} : memref<8x128xf32, #tpu.memory_space<vmem>>, vector<16xf32>,
        tpu.vector_store %arg20[%swap3A_888, %swap3A_889], %scan3A_883#1 {strides = array<i32>} : memref<8x128xf32, #tpu.memory_space<vmem>>, vector<16xf32>,
        %swap3A_891 = arith.index_cast %scan3A_859 : i32 to index
        %swap3A_892 = arith.constant 32 : index
        %swap3A_893 = tpu.vector_load %arg20[%swap3A_891, %swap3A_892] {strides = array<i32>} : memref<8x128xf32, #tpu.memory_space<vmem>>, vector<16xf32>,
        tpu.vector_store %arg20[%swap3A_891, %swap3A_892], %scan3A_883#2 {strides = array<i32>} : memref<8x128xf32, #tpu.memory_space<vmem>>, vector<16xf32>,
        %swap3A_894 = arith.index_cast %scan3A_859 : i32 to index
        %swap3A_895 = arith.constant 48 : index
        %swap3A_896 = tpu.vector_load %arg20[%swap3A_894, %swap3A_895] {strides = array<i32>} : memref<8x128xf32, #tpu.memory_space<vmem>>, vector<16xf32>,
        tpu.vector_store %arg20[%swap3A_894, %swap3A_895], %scan3A_883#3 {strides = array<i32>} : memref<8x128xf32, #tpu.memory_space<vmem>>, vector<16xf32>,
        %swap3A_897 = arith.index_cast %scan3A_859 : i32 to index
        %swap3A_898 = arith.constant 64 : index
        %swap3A_899 = tpu.vector_load %arg20[%swap3A_897, %swap3A_898] {strides = array<i32>} : memref<8x128xf32, #tpu.memory_space<vmem>>, vector<16xf32>,
        tpu.vector_store %arg20[%swap3A_897, %swap3A_898], %scan3A_883#4 {strides = array<i32>} : memref<8x128xf32, #tpu.memory_space<vmem>>, vector<16xf32>,
        %swap3A_900 = arith.index_cast %scan3A_859 : i32 to index
        %swap3A_901 = arith.constant 80 : index
        %swap3A_902 = tpu.vector_load %arg20[%swap3A_900, %swap3A_901] {strides = array<i32>} : memref<8x128xf32, #tpu.memory_space<vmem>>, vector<16xf32>,
        tpu.vector_store %arg20[%swap3A_900, %swap3A_901], %scan3A_883#5 {strides = array<i32>} : memref<8x128xf32, #tpu.memory_space<vmem>>, vector<16xf32>,
        %swap3A_903 = arith.index_cast %scan3A_859 : i32 to index
        %swap3A_904 = arith.constant 96 : index
        %swap3A_905 = tpu.vector_load %arg20[%swap3A_903, %swap3A_904] {strides = array<i32>} : memref<8x128xf32, #tpu.memory_space<vmem>>, vector<16xf32>,
        tpu.vector_store %arg20[%swap3A_903, %swap3A_904], %scan3A_883#6 {strides = array<i32>} : memref<8x128xf32, #tpu.memory_space<vmem>>, vector<16xf32>,
        %swap3A_906 = arith.index_cast %scan3A_859 : i32 to index
        %swap3A_907 = arith.constant 112 : index
        %swap3A_908 = tpu.vector_load %arg20[%swap3A_906, %swap3A_907] {strides = array<i32>} : memref<8x128xf32, #tpu.memory_space<vmem>>, vector<16xf32>,
        tpu.vector_store %arg20[%swap3A_906, %swap3A_907], %scan3A_883#7 {strides = array<i32>} : memref<8x128xf32, #tpu.memory_space<vmem>>, vector<16xf32>,
        %scan3A_909 = arith.constant 0 : i32
        scf.yield %scan3A_909 : i32
      }
      %scan3A_842 = arith.constant 8 : i32
      %shift_right_logical3A_843 = arith.constant 2 : i32
      %shift_right_logical3A_844 = arith.shrui %add3A_817, %shift_right_logical3A_843 : i32
      %mul3A_845 = arith.constant 1024 : i32
      %mul3A_846 = arith.muli %shift_right_logical3A_844, %mul3A_845 : i32
      %add3A_847 = arith.addi %mul3A_846, %multiple_of3A : i32
      %and3A_848 = arith.constant 3 : i32
      %and3A_849 = arith.andi %add3A_817, %and3A_848 : i32
      %shift_left3A_850 = arith.constant 3 : i32
      %shift_left3A_851 = arith.shli %and3A_849, %shift_left3A_850 : i32
      %add3A_852 = arith.addi %add3A_847, %shift_left3A_851 : i32
      %multiple_of3A_853 = tpu.assume_multiple %add3A_852, 8 : i32
      %dma_start3A_854 = arith.constant 0 : i32
      %dma_start3A_855 = tpu.memref_slice %arg7[%multiple_of3A_853, %dma_start3A_854] : memref<10240x128xf32, #tpu.memory_space<hbm>> -> memref<8x128xf32, #tpu.memory_space<hbm>>
      %dma_start3A_856 = arith.constant 0 : i32
      %dma_start3A_857 = tpu.memref_slice %arg7[%multiple_of3A_853, %dma_start3A_856] : memref<10240x128xf32, #tpu.memory_space<hbm>> -> memref<8x128xf32, #tpu.memory_space<hbm>>
      tpu.enqueue_dma source(%arg20 : memref<8x128xf32, #tpu.memory_space<vmem>>) target(%dma_start3A_857 : memref<8x128xf32, #tpu.memory_space<hbm>>) target_semaphore(%arg27 : memref<!tpu.dma_semaphore, #tpu.memory_space<semaphore_mem>>)
      %scan3A_858 = arith.constant 0 : i32
      scf.yield %scan3A_858 : i32
    }
    %scan3A_672 = arith.constant 10 : i32
    %dma_wait3A_673 = arith.constant 0 : i32
    %dma_wait3A_674 = arith.constant 0 : i32
    %dma_wait3A_675 = tpu.memref_slice %arg7[%dma_wait3A_673, %dma_wait3A_674] : memref<10240x128xf32, #tpu.memory_space<hbm>> -> memref<8x128xf32, #tpu.memory_space<hbm>>
    %dma_wait3A_676 = arith.constant 0 : i32
    %dma_wait3A_677 = arith.constant 0 : i32
    %dma_wait3A_678 = tpu.memref_slice %arg7[%dma_wait3A_676, %dma_wait3A_677] : memref<10240x128xf32, #tpu.memory_space<hbm>> -> memref<8x128xf32, #tpu.memory_space<hbm>>
    tpu.wait_dma2 semaphore(%arg26 : memref<!tpu.dma_semaphore, #tpu.memory_space<semaphore_mem>>) src(%arg19 : memref<8x128xf32, #tpu.memory_space<vmem>>) dst(%dma_wait3A_678 : memref<8x128xf32, #tpu.memory_space<hbm>>)
    %dma_wait3A_679 = arith.constant 0 : i32
    %dma_wait3A_680 = arith.constant 0 : i32
    %dma_wait3A_681 = tpu.memref_slice %arg7[%dma_wait3A_679, %dma_wait3A_680] : memref<10240x128xf32, #tpu.memory_space<hbm>> -> memref<8x128xf32, #tpu.memory_space<hbm>>
    %dma_wait3A_682 = arith.constant 0 : i32
    %dma_wait3A_683 = arith.constant 0 : i32
    %dma_wait3A_684 = tpu.memref_slice %arg7[%dma_wait3A_682, %dma_wait3A_683] : memref<10240x128xf32, #tpu.memory_space<hbm>> -> memref<8x128xf32, #tpu.memory_space<hbm>>
    tpu.wait_dma2 semaphore(%arg27 : memref<!tpu.dma_semaphore, #tpu.memory_space<semaphore_mem>>) src(%arg20 : memref<8x128xf32, #tpu.memory_space<vmem>>) dst(%dma_wait3A_684 : memref<8x128xf32, #tpu.memory_space<hbm>>)
    return
  }
}

module attributes {stable_mosaic.version = 14 : i64} {
  func.func @_tc_body(%arg0: memref<1024x128xf32, #tpu.memory_space<vmem>>, %arg1: memref<10240x128xf32, #tpu.memory_space<vmem>>, %arg2: memref<10240x128xf32, #tpu.memory_space<vmem>>, %arg3: memref<128x128xf32, #tpu.memory_space<vmem>>, %arg4: memref<128x128xf32, #tpu.memory_space<vmem>>, %arg5: memref<256x128xf32, #tpu.memory_space<vmem>>, %arg6: memref<256x128xf32, #tpu.memory_space<vmem>>, %arg7: memref<1024x256xf32, #tpu.memory_space<vmem>>) attributes {dimension_semantics = [], scalar_prefetch = 0 : i64, scratch_operands = 0 : i64, tpu.core_type = #tpu.core_type<tc>} {
    %get3A = arith.constant 0 : index
    %get3A_0 = arith.constant 0 : index
    %get3A_1 = vector.load %arg3[%get3A, %get3A_0] : memref<128x128xf32, #tpu.memory_space<vmem>>, vector<128x128xf32>
    %get3A_2 = arith.constant 0 : index
    %get3A_3 = arith.constant 0 : index
    %get3A_4 = vector.load %arg4[%get3A_2, %get3A_3] : memref<128x128xf32, #tpu.memory_space<vmem>>, vector<128x128xf32>
    %get3A_5 = arith.constant 0 : index
    %get3A_6 = arith.constant 0 : index
    %get3A_7 = vector.load %arg0[%get3A_5, %get3A_6] : memref<1024x128xf32, #tpu.memory_space<vmem>>, vector<1024x128xf32>
    %get3A_8 = arith.constant 0 : index
    %get3A_9 = arith.constant 0 : index
    %get3A_10 = vector.load %arg1[%get3A_8, %get3A_9] : memref<10240x128xf32, #tpu.memory_space<vmem>>, vector<10240x128xf32>
    %slice3A = vector.extract_strided_slice %get3A_10 {offsets = [0, 0], sizes = [1024, 128], strides = [1, 1]} : vector<10240x128xf32> to vector<1024x128xf32>
    %slice3A_11 = vector.extract_strided_slice %get3A_10 {offsets = [1024, 0], sizes = [1024, 128], strides = [1, 1]} : vector<10240x128xf32> to vector<1024x128xf32>
    %add3A = arith.addf %slice3A, %slice3A_11 : vector<1024x128xf32>
    %slice3A_12 = vector.extract_strided_slice %get3A_10 {offsets = [2048, 0], sizes = [1024, 128], strides = [1, 1]} : vector<10240x128xf32> to vector<1024x128xf32>
    %add3A_13 = arith.addf %add3A, %slice3A_12 : vector<1024x128xf32>
    %slice3A_14 = vector.extract_strided_slice %get3A_10 {offsets = [3072, 0], sizes = [1024, 128], strides = [1, 1]} : vector<10240x128xf32> to vector<1024x128xf32>
    %add3A_15 = arith.addf %add3A_13, %slice3A_14 : vector<1024x128xf32>
    %slice3A_16 = vector.extract_strided_slice %get3A_10 {offsets = [4096, 0], sizes = [1024, 128], strides = [1, 1]} : vector<10240x128xf32> to vector<1024x128xf32>
    %add3A_17 = arith.addf %add3A_15, %slice3A_16 : vector<1024x128xf32>
    %slice3A_18 = vector.extract_strided_slice %get3A_10 {offsets = [5120, 0], sizes = [1024, 128], strides = [1, 1]} : vector<10240x128xf32> to vector<1024x128xf32>
    %add3A_19 = arith.addf %add3A_17, %slice3A_18 : vector<1024x128xf32>
    %slice3A_20 = vector.extract_strided_slice %get3A_10 {offsets = [6144, 0], sizes = [1024, 128], strides = [1, 1]} : vector<10240x128xf32> to vector<1024x128xf32>
    %add3A_21 = arith.addf %add3A_19, %slice3A_20 : vector<1024x128xf32>
    %slice3A_22 = vector.extract_strided_slice %get3A_10 {offsets = [7168, 0], sizes = [1024, 128], strides = [1, 1]} : vector<10240x128xf32> to vector<1024x128xf32>
    %add3A_23 = arith.addf %add3A_21, %slice3A_22 : vector<1024x128xf32>
    %slice3A_24 = vector.extract_strided_slice %get3A_10 {offsets = [8192, 0], sizes = [1024, 128], strides = [1, 1]} : vector<10240x128xf32> to vector<1024x128xf32>
    %add3A_25 = arith.addf %add3A_23, %slice3A_24 : vector<1024x128xf32>
    %slice3A_26 = vector.extract_strided_slice %get3A_10 {offsets = [9216, 0], sizes = [1024, 128], strides = [1, 1]} : vector<10240x128xf32> to vector<1024x128xf32>
    %add3A_27 = arith.addf %add3A_25, %slice3A_26 : vector<1024x128xf32>
    %mul3A = arith.constant 1.000000e-01 : f32
    %mul3A_28 = vector.broadcast %mul3A : f32 to vector<1024x128xf32>
    %mul3A_29 = arith.mulf %add3A_27, %mul3A_28 : vector<1024x128xf32>
    %dot_general3A = arith.constant dense<0.000000e+00> : vector<1024x128xf32>
    %dot_general3A_30 = tpu.matmul %get3A_7, %get3A_1, %dot_general3A {dimension_numbers = #tpu.dot_dimension_numbers<[1], [0], [0], [1], [0, 0, 1, 1], [], []>, transpose_lhs_hint = false} : vector<1024x128xf32>, vector<128x128xf32>, vector<1024x128xf32> -> vector<1024x128xf32>
    %max3A = arith.constant 0.000000e+00 : f32
    %max3A_31 = vector.broadcast %max3A : f32 to vector<1024x128xf32>
    %max3A_32 = arith.maximumf %dot_general3A_30, %max3A_31 : vector<1024x128xf32>
    %dot_general3A_33 = arith.constant dense<0.000000e+00> : vector<1024x128xf32>
    %dot_general3A_34 = tpu.matmul %mul3A_29, %get3A_4, %dot_general3A_33 {dimension_numbers = #tpu.dot_dimension_numbers<[1], [0], [0], [1], [0, 0, 1, 1], [], []>, transpose_lhs_hint = false} : vector<1024x128xf32>, vector<128x128xf32>, vector<1024x128xf32> -> vector<1024x128xf32>
    %max3A_35 = arith.constant 0.000000e+00 : f32
    %max3A_36 = vector.broadcast %max3A_35 : f32 to vector<1024x128xf32>
    %max3A_37 = arith.maximumf %dot_general3A_34, %max3A_36 : vector<1024x128xf32>
    %get3A_38 = arith.constant 0 : index
    %get3A_39 = arith.constant 0 : index
    %get3A_40 = vector.load %arg2[%get3A_38, %get3A_39] : memref<10240x128xf32, #tpu.memory_space<vmem>>, vector<10240x128xf32>
    %mul3A_41 = arith.constant 4.000000e-02 : f32
    %mul3A_42 = vector.broadcast %mul3A_41 : f32 to vector<10240x128xf32>
    %mul3A_43 = arith.mulf %get3A_40, %mul3A_42 : vector<10240x128xf32>
    %dot_general3A_44 = arith.constant dense<0.000000e+00> : vector<10240x128xf32>
    %dot_general3A_45 = tpu.matmul %get3A_10, %get3A_1, %dot_general3A_44 {dimension_numbers = #tpu.dot_dimension_numbers<[1], [0], [0], [1], [0, 0, 1, 1], [], []>, transpose_lhs_hint = false} : vector<10240x128xf32>, vector<128x128xf32>, vector<10240x128xf32> -> vector<10240x128xf32>
    %max3A_46 = arith.constant 0.000000e+00 : f32
    %max3A_47 = vector.broadcast %max3A_46 : f32 to vector<10240x128xf32>
    %max3A_48 = arith.maximumf %dot_general3A_45, %max3A_47 : vector<10240x128xf32>
    %dot_general3A_49 = arith.constant dense<0.000000e+00> : vector<10240x128xf32>
    %dot_general3A_50 = tpu.matmul %mul3A_43, %get3A_4, %dot_general3A_49 {dimension_numbers = #tpu.dot_dimension_numbers<[1], [0], [0], [1], [0, 0, 1, 1], [], []>, transpose_lhs_hint = false} : vector<10240x128xf32>, vector<128x128xf32>, vector<10240x128xf32> -> vector<10240x128xf32>
    %max3A_51 = arith.constant 0.000000e+00 : f32
    %max3A_52 = vector.broadcast %max3A_51 : f32 to vector<10240x128xf32>
    %max3A_53 = arith.maximumf %dot_general3A_50, %max3A_52 : vector<10240x128xf32>
    %slice3A_54 = vector.extract_strided_slice %max3A_48 {offsets = [0, 0], sizes = [1024, 128], strides = [1, 1]} : vector<10240x128xf32> to vector<1024x128xf32>
    %slice3A_55 = vector.extract_strided_slice %max3A_53 {offsets = [0, 0], sizes = [1024, 128], strides = [1, 1]} : vector<10240x128xf32> to vector<1024x128xf32>
    %slice3A_56 = vector.extract_strided_slice %max3A_48 {offsets = [1024, 0], sizes = [1024, 128], strides = [1, 1]} : vector<10240x128xf32> to vector<1024x128xf32>
    %add3A_57 = arith.addf %slice3A_54, %slice3A_56 : vector<1024x128xf32>
    %slice3A_58 = vector.extract_strided_slice %max3A_53 {offsets = [1024, 0], sizes = [1024, 128], strides = [1, 1]} : vector<10240x128xf32> to vector<1024x128xf32>
    %add3A_59 = arith.addf %slice3A_55, %slice3A_58 : vector<1024x128xf32>
    %slice3A_60 = vector.extract_strided_slice %max3A_48 {offsets = [2048, 0], sizes = [1024, 128], strides = [1, 1]} : vector<10240x128xf32> to vector<1024x128xf32>
    %add3A_61 = arith.addf %add3A_57, %slice3A_60 : vector<1024x128xf32>
    %slice3A_62 = vector.extract_strided_slice %max3A_53 {offsets = [2048, 0], sizes = [1024, 128], strides = [1, 1]} : vector<10240x128xf32> to vector<1024x128xf32>
    %add3A_63 = arith.addf %add3A_59, %slice3A_62 : vector<1024x128xf32>
    %slice3A_64 = vector.extract_strided_slice %max3A_48 {offsets = [3072, 0], sizes = [1024, 128], strides = [1, 1]} : vector<10240x128xf32> to vector<1024x128xf32>
    %add3A_65 = arith.addf %add3A_61, %slice3A_64 : vector<1024x128xf32>
    %slice3A_66 = vector.extract_strided_slice %max3A_53 {offsets = [3072, 0], sizes = [1024, 128], strides = [1, 1]} : vector<10240x128xf32> to vector<1024x128xf32>
    %add3A_67 = arith.addf %add3A_63, %slice3A_66 : vector<1024x128xf32>
    %slice3A_68 = vector.extract_strided_slice %max3A_48 {offsets = [4096, 0], sizes = [1024, 128], strides = [1, 1]} : vector<10240x128xf32> to vector<1024x128xf32>
    %add3A_69 = arith.addf %add3A_65, %slice3A_68 : vector<1024x128xf32>
    %slice3A_70 = vector.extract_strided_slice %max3A_53 {offsets = [4096, 0], sizes = [1024, 128], strides = [1, 1]} : vector<10240x128xf32> to vector<1024x128xf32>
    %add3A_71 = arith.addf %add3A_67, %slice3A_70 : vector<1024x128xf32>
    %slice3A_72 = vector.extract_strided_slice %max3A_48 {offsets = [5120, 0], sizes = [1024, 128], strides = [1, 1]} : vector<10240x128xf32> to vector<1024x128xf32>
    %add3A_73 = arith.addf %add3A_69, %slice3A_72 : vector<1024x128xf32>
    %slice3A_74 = vector.extract_strided_slice %max3A_53 {offsets = [5120, 0], sizes = [1024, 128], strides = [1, 1]} : vector<10240x128xf32> to vector<1024x128xf32>
    %add3A_75 = arith.addf %add3A_71, %slice3A_74 : vector<1024x128xf32>
    %slice3A_76 = vector.extract_strided_slice %max3A_48 {offsets = [6144, 0], sizes = [1024, 128], strides = [1, 1]} : vector<10240x128xf32> to vector<1024x128xf32>
    %add3A_77 = arith.addf %add3A_73, %slice3A_76 : vector<1024x128xf32>
    %slice3A_78 = vector.extract_strided_slice %max3A_53 {offsets = [6144, 0], sizes = [1024, 128], strides = [1, 1]} : vector<10240x128xf32> to vector<1024x128xf32>
    %add3A_79 = arith.addf %add3A_75, %slice3A_78 : vector<1024x128xf32>
    %slice3A_80 = vector.extract_strided_slice %max3A_48 {offsets = [7168, 0], sizes = [1024, 128], strides = [1, 1]} : vector<10240x128xf32> to vector<1024x128xf32>
    %add3A_81 = arith.addf %add3A_77, %slice3A_80 : vector<1024x128xf32>
    %slice3A_82 = vector.extract_strided_slice %max3A_53 {offsets = [7168, 0], sizes = [1024, 128], strides = [1, 1]} : vector<10240x128xf32> to vector<1024x128xf32>
    %add3A_83 = arith.addf %add3A_79, %slice3A_82 : vector<1024x128xf32>
    %slice3A_84 = vector.extract_strided_slice %max3A_48 {offsets = [8192, 0], sizes = [1024, 128], strides = [1, 1]} : vector<10240x128xf32> to vector<1024x128xf32>
    %add3A_85 = arith.addf %add3A_81, %slice3A_84 : vector<1024x128xf32>
    %slice3A_86 = vector.extract_strided_slice %max3A_53 {offsets = [8192, 0], sizes = [1024, 128], strides = [1, 1]} : vector<10240x128xf32> to vector<1024x128xf32>
    %add3A_87 = arith.addf %add3A_83, %slice3A_86 : vector<1024x128xf32>
    %slice3A_88 = vector.extract_strided_slice %max3A_48 {offsets = [9216, 0], sizes = [1024, 128], strides = [1, 1]} : vector<10240x128xf32> to vector<1024x128xf32>
    %add3A_89 = arith.addf %add3A_85, %slice3A_88 : vector<1024x128xf32>
    %slice3A_90 = vector.extract_strided_slice %max3A_53 {offsets = [9216, 0], sizes = [1024, 128], strides = [1, 1]} : vector<10240x128xf32> to vector<1024x128xf32>
    %add3A_91 = arith.addf %add3A_87, %slice3A_90 : vector<1024x128xf32>
    %mul3A_92 = arith.constant 1.000000e-01 : f32
    %mul3A_93 = vector.broadcast %mul3A_92 : f32 to vector<1024x128xf32>
    %mul3A_94 = arith.mulf %add3A_89, %mul3A_93 : vector<1024x128xf32>
    %mul3A_95 = arith.constant 1.000000e-01 : f32
    %mul3A_96 = vector.broadcast %mul3A_95 : f32 to vector<1024x128xf32>
    %mul3A_97 = arith.mulf %add3A_91, %mul3A_96 : vector<1024x128xf32>
    %get3A_98 = arith.constant 0 : index
    %get3A_99 = arith.constant 0 : index
    %get3A_100 = vector.load %arg5[%get3A_98, %get3A_99] : memref<256x128xf32, #tpu.memory_space<vmem>>, vector<256x128xf32>
    %get3A_101 = arith.constant 0 : index
    %get3A_102 = arith.constant 0 : index
    %get3A_103 = vector.load %arg6[%get3A_101, %get3A_102] : memref<256x128xf32, #tpu.memory_space<vmem>>, vector<256x128xf32>
    %slice3A_104 = vector.extract_strided_slice %get3A_100 {offsets = [0, 0], sizes = [128, 128], strides = [1, 1]} : vector<256x128xf32> to vector<128x128xf32>
    %dot_general3A_105 = arith.constant dense<0.000000e+00> : vector<1024x128xf32>
    %dot_general3A_106 = tpu.matmul %max3A_32, %slice3A_104, %dot_general3A_105 {dimension_numbers = #tpu.dot_dimension_numbers<[1], [0], [0], [1], [0, 0, 1, 1], [], []>, transpose_lhs_hint = false} : vector<1024x128xf32>, vector<128x128xf32>, vector<1024x128xf32> -> vector<1024x128xf32>
    %slice3A_107 = vector.extract_strided_slice %get3A_100 {offsets = [128, 0], sizes = [128, 128], strides = [1, 1]} : vector<256x128xf32> to vector<128x128xf32>
    %dot_general3A_108 = arith.constant dense<0.000000e+00> : vector<1024x128xf32>
    %dot_general3A_109 = tpu.matmul %max3A_37, %slice3A_107, %dot_general3A_108 {dimension_numbers = #tpu.dot_dimension_numbers<[1], [0], [0], [1], [0, 0, 1, 1], [], []>, transpose_lhs_hint = false} : vector<1024x128xf32>, vector<128x128xf32>, vector<1024x128xf32> -> vector<1024x128xf32>
    %add3A_110 = arith.addf %dot_general3A_106, %dot_general3A_109 : vector<1024x128xf32>
    %slice3A_111 = vector.extract_strided_slice %get3A_103 {offsets = [0, 0], sizes = [128, 128], strides = [1, 1]} : vector<256x128xf32> to vector<128x128xf32>
    %dot_general3A_112 = arith.constant dense<0.000000e+00> : vector<1024x128xf32>
    %dot_general3A_113 = tpu.matmul %mul3A_94, %slice3A_111, %dot_general3A_112 {dimension_numbers = #tpu.dot_dimension_numbers<[1], [0], [0], [1], [0, 0, 1, 1], [], []>, transpose_lhs_hint = false} : vector<1024x128xf32>, vector<128x128xf32>, vector<1024x128xf32> -> vector<1024x128xf32>
    %slice3A_114 = vector.extract_strided_slice %get3A_103 {offsets = [128, 0], sizes = [128, 128], strides = [1, 1]} : vector<256x128xf32> to vector<128x128xf32>
    %dot_general3A_115 = arith.constant dense<0.000000e+00> : vector<1024x128xf32>
    %dot_general3A_116 = tpu.matmul %mul3A_97, %slice3A_114, %dot_general3A_115 {dimension_numbers = #tpu.dot_dimension_numbers<[1], [0], [0], [1], [0, 0, 1, 1], [], []>, transpose_lhs_hint = false} : vector<1024x128xf32>, vector<128x128xf32>, vector<1024x128xf32> -> vector<1024x128xf32>
    %add3A_117 = arith.addf %dot_general3A_113, %dot_general3A_116 : vector<1024x128xf32>
    %concatenate3A = tpu.concatenate %add3A_110, %add3A_117 in 1 : vector<1024x128xf32>, vector<1024x128xf32> -> vector<1024x256xf32>
    %mul3A_118 = arith.mulf %concatenate3A, %concatenate3A : vector<1024x256xf32>
    %reduce_sum3A = arith.constant dense<0.000000e+00> : vector<1024xf32>
    %reduce_sum3A_119 = vector.multi_reduction <add>, %mul3A_118, %reduce_sum3A [1] : vector<1024x256xf32> to vector<1024xf32>
    %broadcast_in_dim3A = vector.shape_cast %reduce_sum3A_119 : vector<1024xf32> to vector<1024x1xf32>
    %max3A_120 = arith.constant 1.000000e-24 : f32
    %max3A_121 = vector.broadcast %max3A_120 : f32 to vector<1024x1xf32>
    %max3A_122 = arith.maximumf %broadcast_in_dim3A, %max3A_121 : vector<1024x1xf32>
    %rsqrt3A = math.rsqrt %max3A_122 : vector<1024x1xf32>
    %mul3A_123 = vector.broadcast %rsqrt3A : vector<1024x1xf32> to vector<1024x256xf32>
    %mul3A_124 = arith.mulf %concatenate3A, %mul3A_123 : vector<1024x256xf32>
    %swap3A = arith.constant 0 : index
    %swap3A_125 = arith.constant 0 : index
    %swap3A_126 = vector.load %arg7[%swap3A, %swap3A_125] : memref<1024x256xf32, #tpu.memory_space<vmem>>, vector<1024x256xf32>
    tpu.vector_store %arg7[%swap3A, %swap3A_125], %mul3A_124 {strides = array<i32>} : memref<1024x256xf32, #tpu.memory_space<vmem>>, vector<1024x256xf32>,
    return
  }
}

</mosaic_0001>

<sc_bundles>
// kernel: kernel.4.cloned.1.call-start
scs
__scs_entry_jumppad:
0x0: {  	(pc) =	sbr.rel $0x88, $3  }
0x1: {  	(tag) =	ssettag $0x0;
	lr =	simm.s32 $0x1  }
0x2: {  	[smem:$0x3F9A] =	sst lr;
	_ =	strace $0xD0000000  }
0x3: {  	_ = 	snop  }
0x4: {  	_ = 	snop  }
0x5: {  	_ = 	snop  }
0x6: {  	_ = 	snop  }
0x7: {  	_ = 	snop  }
__scs_overlays_trampoline_lowered:
0x8: {  	[smem:$0x3FA9] =	sst s0  }
0x9: {  	[smem:$0x3FAA] =	sst s1  }
0xa: {  	[smem:$0x3FAB] =	sst s2  }
0xb: {  	[smem:$0x3FAC] =	sst s3  }
0xc: {  	[smem:$0x3FAD] =	sst s4  }
0xd: {  	[smem:$0x3FAE] =	sst s5  }
0xe: {  	[smem:$0x3FAF] =	sst s6  }
0xf: {  	[smem:$0x3FB0] =	sst s7  }
0x10: {  	[smem:$0x3FB1] =	sst s8  }
0x11: {  	[smem:$0x3FB2] =	sst s9;
	s0 =	simm.s32 @!p0 $0x0  }
0x12: {  	s1 =	sld [smem:$0x3F98];
	s0 =	simm.s32 @p0 $0x1  }
0x13: {  	[smem:$0x3FB3] =	sst s0;
	s0 =	simm.s32 @!p1 $0x0  }
0x14: {  	s2 =	sld [smem:$0x3F97];
	s0 =	simm.s32 @p1 $0x1  }
0x15: {  	[smem:$0x3FB4] =	sst s0;
	s0 =	simm.s32 @!p2 $0x0  }
0x16: {  	s3 =	sld [smem:$0x3FDB];
	s0 =	simm.s32 @p2 $0x1  }
0x17: {  	s4 =	simm.s32 $0x1BF5;
	[smem:$0x3FB6] =	sst s0  }
0x18: {  	s0 =	sld [smem:$0x3F99];
	_ =	swait.ge [sflag:s4], $0x0  }
0x19: {  	s7 =	sld [smem:$0x3F9A]  }
0x1a: {  	s8 =	sadd.s32 $0xFFFFE003, lr  }
0x1b: {  	s9 =	sadd.s32 $0xFFFFFEF7, lr;
	s5 =	simm.s32 $0xFFFFFFFF;
	p2 =	slt.u32 s8, $0xFFFFF086  }
0x1c: {  	p1 =	slt.u32 s9, $0xF7A;
	s5 =	simm.s32 @!p2 $0x0  }
0x1d: {  	s5 =	simm.s32 @p1 $0x1;
	p0 =	seq.s32 s7, s2  }
0x1e: {  	s7 =	smul.u32 @!p0 $0xF7A, s2;
	p2 =	seq.s32 @!p0 s5, $0x0  }
0x1f: {  	s9 =	smul.u32 $0xF7A, s1;
	s8 =	simm.s32 @!p0 $0x1BF5;
	p2 =	por !p2, p0  }
0x20: {  	[sflag:s8] =	ssyncset.s32 @!p0 $0xFFFFF086;
	s6 =	sadd.s32 @!p0 s3, s7;
	s7 =	simm.s32 @!p0 $0x108  }
0x21: {  	s3 =	sadd.s32 s3, s9;
	s6 =	sadd.s32 @!p0 $0x88, s6;
	s7 =	simm.s32 @p2 $0x1082  }
0x22: {  	[simem:s7], [sflag:s8] =	dma.local @!p0 [hbm:s6], $0xF7A  }
0x23: {  	s9 =	sor.u32 $0xD0000000, s2;
	s6 =	simm.s32 $0x108;
	_ =	swait.ge @!p0 [sflag:s8], $0x0  }
0x24: {  	s3 =	sadd.s32 $0x88, s3;
	s6 =	simm.s32 @!p1 $0x1082;
	[sflag:s4] =	ssyncset.s32 $0xFFFFF086  }
0x25: {  	[simem:s6], [sflag:s4] =	dma.local [hbm:s3], $0xF7A  }
0x26: {  	[smem:$0x3F9A] =	sst s1;
	(tag) =	ssettag s2;
	_ =	strace s9  }
0x27: {  	s1 =	sld [smem:$0x3FAA]  }
0x28: {  	s2 =	sld [smem:$0x3FAB]  }
0x29: {  	s4 =	sld [smem:$0x3FAD]  }
0x2a: {  	p0 =	seq.s32 s5, $0x0;
	s5 =	sld [smem:$0x3FAE]  }
0x2b: {  	s6 =	sld [smem:$0x3FAF]  }
0x2c: {  	s7 =	sld [smem:$0x3FB0]  }
0x2d: {  	s3 =	simm.s32 $0x108;
	s8 =	sld [smem:$0x3FB1]  }
0x2e: {  	s3 =	simm.s32 @!p0 $0x1082;
	s9 =	sld [smem:$0x3FB2]  }
0x2f: {  	lr =	sadd.s32 s0, s3;
	s0 =	sld [smem:$0x3FA9]  }
0x30: {  	s3 =	sld [smem:$0x3FAC]  }
0x31: {  	[smem:$0x3FB5] =	sst s10  }
0x32: {  	s10 =	sld [smem:$0x3FB3];
	_ =	sdelay $0x3  }
0x33: {  	p0 =	seq.s32 s10, $0x1;
	s10 =	sld [smem:$0x3FB5];
	_ =	sdelay $0x3  }
0x34: {  	[smem:$0x3FB5] =	sst s10  }
0x35: {  	s10 =	sld [smem:$0x3FB4];
	_ =	sdelay $0x3  }
0x36: {  	p1 =	seq.s32 s10, $0x1;
	s10 =	sld [smem:$0x3FB5];
	_ =	sdelay $0x3  }
0x37: {  	[smem:$0x3FB5] =	sst s10  }
0x38: {  	s10 =	sld [smem:$0x3FB6]  }
0x39: {  	_ = 	snop;
	(pc) =	sbr.ind lr, $3  }
0x3a: {  	_ = 	snop  }
0x3b: {  	_ = 	snop  }
0x3c: {  	p2 =	seq.s32 s10, $0x1;
	s10 =	sld [smem:$0x3FB5]  }
0x3d: {  	_ =	shalt  }
0x3e: {  	_ =	shalt  }
0x3f: {  	_ =	shalt  }
0x40: {  	_ =	shalt  }
0x41: {  	_ =	shalt  }
0x42: {  	_ =	shalt  }
0x43: {  	_ =	shalt  }
0x44: {  	_ =	shalt  }
0x45: {  	_ =	shalt  }
0x46: {  	_ =	shalt  }
0x47: {  	_ =	shalt  }
0x48: {  	_ =	shalt  }
0x49: {  	_ =	shalt  }
0x4a: {  	_ =	shalt  }
0x4b: {  	_ =	shalt  }
0x4c: {  	_ =	shalt  }
0x4d: {  	_ =	shalt  }
0x4e: {  	_ =	shalt  }
0x4f: {  	_ =	shalt  }
0x50: {  	_ =	shalt  }
0x51: {  	_ =	shalt  }
0x52: {  	_ =	shalt  }
0x53: {  	_ =	shalt  }
0x54: {  	_ =	shalt  }
0x55: {  	_ =	shalt  }
0x56: {  	_ =	shalt  }
0x57: {  	_ =	shalt  }
0x58: {  	_ =	shalt  }
0x59: {  	_ =	shalt  }
0x5a: {  	_ =	shalt  }
0x5b: {  	_ =	shalt  }
0x5c: {  	_ =	shalt  }
0x5d: {  	_ =	shalt  }
0x5e: {  	_ =	shalt  }
0x5f: {  	_ =	shalt  }
0x60: {  	_ =	shalt  }
0x61: {  	_ =	shalt  }
0x62: {  	_ =	shalt  }
0x63: {  	_ =	shalt  }
0x64: {  	_ =	shalt  }
0x65: {  	_ =	shalt  }
0x66: {  	_ =	shalt  }
0x67: {  	_ =	shalt  }
0x68: {  	_ =	shalt  }
0x69: {  	_ =	shalt  }
0x6a: {  	_ =	shalt  }
0x6b: {  	_ =	shalt  }
0x6c: {  	_ =	shalt  }
0x6d: {  	_ =	shalt  }
0x6e: {  	_ =	shalt  }
0x6f: {  	_ =	shalt  }
0x70: {  	_ =	shalt  }
0x71: {  	_ =	shalt  }
0x72: {  	_ =	shalt  }
0x73: {  	_ =	shalt  }
0x74: {  	_ =	shalt  }
0x75: {  	_ =	shalt  }
0x76: {  	_ =	shalt  }
0x77: {  	_ =	shalt  }
0x78: {  	_ =	shalt  }
0x79: {  	_ =	shalt  }
0x7a: {  	_ =	shalt  }
0x7b: {  	_ =	shalt  }
0x7c: {  	_ =	shalt  }
0x7d: {  	_ =	shalt  }
0x7e: {  	_ =	shalt  }
0x7f: {  	_ =	shalt  }
0x80: {  	_ =	shalt  }
0x81: {  	_ =	shalt  }
0x82: {  	_ =	shalt  }
0x83: {  	_ =	shalt  }
0x84: {  	_ =	shalt  }
0x85: {  	_ =	shalt  }
0x86: {  	_ =	shalt  }
0x87: {  	_ =	shalt  }
.Lfunc_end0:
.L_simem_size_0:
called_computation_lowered:
.L_overlay_start_0:
0x88: {  	s2 =	sld [smem:$0x3FD9]  }
0x89: {  	s3 =	sld [smem:$0x3FFE];
	_ =	sdelay $0x1  }
0x8a: {  	s1 =	srdreg.scid  }
0x8b: {  	s0 =	sand.u32 $0x1, s1  }
0x8c: {  	s17 =	sshll.u32 s0, $0xA;
	s2 =	sadd.s32 s3, s2  }
0x8d: {  	s2 =	sadd.s32 s2, s17  }
0x8e: {  	[smem:$0x3FC1] =	sst s2  }
0x8f: {  	_ = 	snop  }
0x90: {  	s2 =	sld [smem:$0x3FC9]  }
0x91: {  	s18 =	sld [smem:$0x3FC7]  }
0x92: {  	s4 =	sld [smem:$0x3FD0];
	(tm) =	ssettm $0x1  }
0x93: {  	s5 =	sld [smem:$0x3FFB];
	_ =	sdelay $0x3  }
0x94: {  	_ =	strace s5  }
0x95: {  	s5 =	sld [smem:$0x3FFC];
	_ =	sdelay $0x3  }
0x96: {  	_ =	strace s5  }
0x97: {  	s5 =	sld [smem:$0x3FFD];
	_ =	sdelay $0x3  }
0x98: {  	_ =	strace s5  }
0x99: {  	_ =	strace $0x8FFFFFFF  }
0x9a: {  	s19 =	sld [smem:$0x3FDB];
	_ =	sdelay $0x1  }
0x9b: {  	s6 =	simm.s32 $_scs_section_size  }
0x9c: {  	s7 =	simm.s32 $_size__tile_overlayer_lowered;
	s8 =	simm.s32 $_tile_overlayer_lowered  }
0x9d: {  	s22 =	simm.s32 $0x1BFF;
	s21 =	sshll.u32 s8, $0x1;
	s5 =	sadd.s32 s6, s19  }
0x9e: {  	s9 =	simm.s32 $0x0;
	s20 =	sshll.u32 s7, $0x1;
	s7 =	sadd.s32 s21, s5  }
0x9f: {  	[timem:s9], [sflag:s22] =	dma.local [hbm:s7], s20  }
0xa0: {  	_ =	swait.ge [sflag:s22], s20  }
0xa1: {  	s6 =	ssub.s32 $0x0, s20;
	[sflag:s22] =	ssyncset.done $0x0  }
0xa2: {  	[sflag:s22] =	ssyncadd.s32 s6;
	_ =	sdelay $0x1  }
0xa3: {  	s23 =	simm.s32 $0x1B8B  }
0xa4: {  	_ =	swait.ge [sflag:s23], $0x1  }
0xa5: {  	[sflag:s23] =	ssyncset.done $0x0  }
0xa6: {  	s25 =	simm.s32 $0x1B8E;
	s24 =	sld [smem:$0x3FFE];
	[sflag:s23] =	ssyncadd.s32 $0xFFFFFFFF  }
0xa7: {  	s26 =	simm.s32 $execute0_lowered;
	[smem:$0x3FD2] =	sst s25  }
0xa8: {  	s7 =	sshll.u32 s26, $0x1;
	_ =	strace $0x80000046;
	[dreg:$0x1] =	wrdreg $0xFFFFFFFF  }
0xa9: {  	s28 =	simm.s32 $_size_execute0_lowered;
	s5 =	sadd.s32 s5, s7;
	[dreg:$0x0] =	wrdreg $0x0  }
0xaa: {  	s7 =	sshll.u32 s28, $0x1;
	[dreg:$0x2] =	wrdreg s5  }
0xab: {  	[dreg:$0x3] =	wrdreg s7  }
0xac: {  	[dreg:$0x4] =	wrdreg $0xC0  }
0xad: {  	_ =	task [dreg:s9], $0x5FFFF  }
0xae: {  	[dreg:$0x1] =	wrdreg $0xFFFFFFFF  }
0xaf: {  	[dreg:$0x0] =	wrdreg $0x60  }
0xb0: {  	[dreg:$0x2] =	wrdreg s2  }
0xb1: {  	[dreg:$0x3] =	wrdreg s24  }
0xb2: {  	[dreg:$0x4] =	wrdreg s18  }
0xb3: {  	[dreg:$0x5] =	wrdreg s4  }
0xb4: {  	[dreg:$0x6] =	wrdreg $0x9  }
0xb5: {  	_ =	task.clear_ibuf [dreg:s9], $0x7FFFF;
	_ =	strace $0x90000046  }
0xb6: {  	s29 =	simm.s32 $0x9;
	_ =	strace $0x80000048  }
0xb7: {  	_ =	swait.ge [sflag:s29], $0x1  }
0xb8: {  	[sflag:s29] =	ssyncadd.s32 $0xFFFFFFFF  }
0xb9: {  	_ =	strace $0x90000048  }
0xba: {  	_ =	sfence  }
0xbb: {  	s30 =	sld [smem:$0x0];
	_ =	sdelay $0x2  }
0xbc: {  	s31 =	sshll.u32 s1, $0xD;
	s1 =	sshrl.u32 s1, $0x2  }
0xbd: {  	s3 =	sand.u32 $0x4000, s31;
	s1 =	sadd.s32 s1, s30  }
0xbe: {  	s0 =	sor.u32 s3, s0;
	s1 =	sshll.u32 s1, $0x11  }
0xbf: {  	s0 =	sor.u32 s1, s0  }
0xc0: {  	s0 =	sadd.s32 $0x8F2B, s0  }
0xc1: {  	[sflag:s0] =	ssyncadd.remote.s32 $0x1  }
0xc2: {  	_ =	sfence.sel $0xFFFF  }
0xc3: {  	[dreg:$0x0] =	wrdreg $0xFFFFFFFF;
	(pc) =	sbr.abs _section_cstart, $3  }
0xc4: {  	[dreg:$0x1] =	wrdreg $0xFFFFFFFF  }
0xc5: {  	_ =	task.clear_ibuf [dreg:s9], $0x2FFFF;
	_ =	strace $0x9FFFFFFF  }
0xc6: {  	(tm) =	ssettm $0x7FFFFFFF  }
0xc7: {  	_ =	shalt  }
tec
execute0_lowered:
.L_overlay_start_1:
0x0: {  	(tag) =	ssettag $0x1  }
0x1: {  	s1 =	rddreg [dreg:$0x0]  }
0x2: {  	s0 =	rddreg [dreg:$0x1]  }
0x3: {  	s2 =	rddreg [dreg:$0x2]  }
0x4: {  	s4 =	rddreg [dreg:$0x3];
	s5 =	srdreg.scid;
	s3 =	simm.s32 $0x0  }
0x5: {  	s7 =	stileid.u32;
	s31 =	simm.s32 $0x40;
	s6 =	sand.u32 $0x1, s5  }
0x6: {  	[smem:$0x7FF] =	sst s3;
	s14 =	sshll.u32 s7, $0x6;
	s15 =	sshll.u32 s6, $0x5  }
0x7: {  	s23 =	sadd.s32 $0x1600, s0;
	_ =	strace $0x80000047;
	s7 =	sor.u32 s15, s14  }
0x8: {  	s8 =	ssub.s32 $0x2, s6;
	s5 =	sshll.u32 s7, $0x4;
	s7 =	sshrl.u32 s7, $0x3  }
0x9: {  	[dreg:$0x5] =	wrdreg s23;
	s10 =	sshrl.u32 s8, $0x1;
	s2 =	sadd.s32 s2, s7  }
0xa: {  	s8 =	ssub.s32 s8, s10;
	s16 =	sadd.s32 s4, s5;
	[dreg:$0x6] =	wrdreg s2  }
0xb: {  	s9 =	sadd.s32 s5, s0;
	s30 =	smax.u32 s8, $0x1;
	[dreg:$0x7] =	wrdreg s16  }
0xc: {  	s29 =	simm.s32 $0x1560;
	s17 =	sadd.s32 $0x32400, s9;
	[dreg:$0x12] =	wrdreg s30  }
0xd: {  	s11 =	simm.s32 $0x3;
	s18 =	sadd.s32 $0x36400, s9;
	[dreg:$0x8] =	wrdreg s17  }
0xe: {  	s13 =	simm.s32 $0x48;
	s19 =	sadd.s32 $0x3A400, s9;
	[dreg:$0x9] =	wrdreg s18  }
0xf: {  	s12 =	simm.s32 $0x6;
	s20 =	sadd.s32 $0x3E400, s9;
	[dreg:$0xa] =	wrdreg s19  }
0x10: {  	v0 =	vlaneseq.u32;
	s6 =	sadd.s32 $0x5A400, s0;
	s21 =	sadd.s32 $0x42400, s9;
	[dreg:$0xb] =	wrdreg s20  }
0x11: {  	v1 =	vmul.u32 $0x20, v0;
	s14 =	simm.s32 $0x174A0;
	s22 =	sadd.s32 $0x46400, s9;
	[dreg:$0xc] =	wrdreg s21  }
0x12: {  	s15 =	simm.s32 $0x194A0;
	s24 =	sadd.s32 $0x4A400, s9;
	[dreg:$0xd] =	wrdreg s22  }
0x13: {  	v2 =	vor.u32 $0x200, v1;
	s10 =	simm.s32 $0x2;
	s25 =	sadd.s32 $0x4E400, s9;
	[dreg:$0xe] =	wrdreg s24  }
0x14: {  	v3 =	vor.u32 $0x1, v1;
	v4 =	vor.u32 $0x201, v1;
	v5 =	vor.u32 $0x2, v1;
	s8 =	simm.s32 $0x7;
	s26 =	sadd.s32 $0x52400, s9;
	[dreg:$0xf] =	wrdreg s25  }
0x15: {  	v6 =	vor.u32 $0x202, v1;
	v7 =	vor.u32 $0x3, v1;
	v8 =	vor.u32 $0x203, v1;
	s28 =	sadd.s32 $0x56400, s9;
	s9 =	simm.s32 $0x1F60;
	[dreg:$0x10] =	wrdreg s26  }
0x16: {  	v9 =	vor.u32 $0x4, v1;
	v10 =	vor.u32 $0x204, v1;
	v11 =	vor.u32 $0x5, v1;
	s16 =	simm.s32 $0x1B4A0;
	s2 =	simm.s32 $0x0;
	[dreg:$0x11] =	wrdreg s28  }
0x17: {  	v12 =	vor.u32 $0x205, v1;
	v13 =	vor.u32 $0x6, v1;
	v14 =	vor.u32 $0x206, v1;
	s19 =	sadd.s32 $0x5A480, s0;
	s20 =	sadd.s32 $0x5A500, s0;
	s21 =	sadd.s32 $0x5A580, s0  }
0x18: {  	v15 =	vor.u32 $0x7, v1;
	v16 =	vor.u32 $0x207, v1;
	v17 =	vor.u32 $0x8, v1;
	s25 =	simm.s32 $0x1020;
	s26 =	simm.s32 $0x1;
	s17 =	simm.s32 $0x1D8A0  }
0x19: {  	v18 =	vor.u32 $0x208, v1;
	v19 =	vor.u32 $0x9, v1;
	v20 =	vor.u32 $0x209, v1;
	s18 =	simm.s32 $0x1DCA0;
	s22 =	simm.s32 $0x4;
	s24 =	simm.s32 $0x5  }
.LBB2_1:
0x1a: {  	[dreg:$0x13] =	wrdreg s2  }
0x1b: {  	s0 =	rddreg [dreg:$0x6];
	s28 =	simm.s32 $0x8  }
0x1c: {  	[tilespmem:s3], [sflag:$0x8] =	stream.linear.gather [hbm4b:s0+s3], $0x20, $0x38;
	[tilespmem:$0x1E0A0] =	vst v63  }
0x1d: {  	_ =	swait.ge [sflag:s28], $0x20  }
0x1e: {  	[sflag:s28] =	ssyncset.done $0x0  }
0x1f: {  	s4 =	simm.s32 $0x20;
	[sflag:s28] =	ssyncadd.s32 $0xFFFFFFE0  }
0x20: {  	[tilespmem:s25], [sflag:$0x1] =	stream.indirect.gather [hbm4b:s23+s4], $0x20, s3, s4, $0xb8;
	[tilespmem:$0x1E0A0] =	vst v63  }
0x21: {  	_ = 	snop  }
0x22: {  	[tilespmem:s4], [sflag:$0x1] =	stream.indirect.gather [hbm4b:s1+s4], $0x80, s3, s4, $0xb8;
	[tilespmem:$0x1E0A0] =	vst v63  }
0x23: {  	_ =	swait.ge [sflag:s26], $0x400  }
0x24: {  	[sflag:s26] =	ssyncset.done $0x0  }
0x25: {  	[sflag:s26] =	ssyncadd.s32 $0xFFFFFC00  }
0x26: {  	_ =	swait.ge [sflag:s26], $0x1000  }
0x27: {  	[sflag:s26] =	ssyncset.done $0x0  }
0x28: {  	s30 =	rddreg [dreg:$0x7];
	[sflag:s26] =	ssyncadd.s32 $0xFFFFF000  }
0x29: {  	[hbm4b:s30+s3] =	stream.linear.scatter [tilespmem:s4], [sflag:$0x8], $0x1000, $0x38;
	[tilespmem:$0x1E0A0] =	vst v63  }
0x2a: {  	_ =	swait.ge [sflag:s28], $0x1000  }
0x2b: {  	[sflag:s28] =	ssyncset.done $0x0  }
0x2c: {  	[sflag:s28] =	ssyncadd.s32 $0xFFFFF000  }
0x2d: {  	v21 =	vld.idx.msk [tilespmem:v1+s25+$0x0], $0xffff;
	_ =	sdelay $0x4  }
0x2e: {  	[tilespmem:$0x1420] =	vst v21  }
0x2f: {  	v21 =	vld.idx.msk [tilespmem:v2+s25+$0x0], $0xffff;
	_ =	sdelay $0x4  }
0x30: {  	[tilespmem:$0x1430] =	vst v21  }
0x31: {  	v21 =	vld.idx.msk [tilespmem:v3+s25+$0x0], $0xffff;
	_ =	sdelay $0x4  }
0x32: {  	[tilespmem:$0x1440] =	vst v21  }
0x33: {  	v21 =	vld.idx.msk [tilespmem:v4+s25+$0x0], $0xffff;
	_ =	sdelay $0x4  }
0x34: {  	[tilespmem:$0x1450] =	vst v21  }
0x35: {  	v21 =	vld.idx.msk [tilespmem:v5+s25+$0x0], $0xffff;
	_ =	sdelay $0x4  }
0x36: {  	[tilespmem:$0x1460] =	vst v21  }
0x37: {  	v21 =	vld.idx.msk [tilespmem:v6+s25+$0x0], $0xffff;
	_ =	sdelay $0x4  }
0x38: {  	[tilespmem:$0x1470] =	vst v21  }
0x39: {  	v21 =	vld.idx.msk [tilespmem:v7+s25+$0x0], $0xffff;
	_ =	sdelay $0x4  }
0x3a: {  	[tilespmem:$0x1480] =	vst v21  }
0x3b: {  	v21 =	vld.idx.msk [tilespmem:v8+s25+$0x0], $0xffff;
	_ =	sdelay $0x4  }
0x3c: {  	[tilespmem:$0x1490] =	vst v21  }
0x3d: {  	v21 =	vld.idx.msk [tilespmem:v9+s25+$0x0], $0xffff;
	_ =	sdelay $0x4  }
0x3e: {  	[tilespmem:$0x14A0] =	vst v21  }
0x3f: {  	v21 =	vld.idx.msk [tilespmem:v10+s25+$0x0], $0xffff;
	_ =	sdelay $0x4  }
0x40: {  	[tilespmem:$0x14B0] =	vst v21  }
0x41: {  	v21 =	vld.idx.msk [tilespmem:v11+s25+$0x0], $0xffff;
	_ =	sdelay $0x4  }
0x42: {  	[tilespmem:$0x14C0] =	vst v21  }
0x43: {  	v21 =	vld.idx.msk [tilespmem:v12+s25+$0x0], $0xffff;
	_ =	sdelay $0x4  }
0x44: {  	[tilespmem:$0x14D0] =	vst v21  }
0x45: {  	v21 =	vld.idx.msk [tilespmem:v13+s25+$0x0], $0xffff;
	_ =	sdelay $0x4  }
0x46: {  	[tilespmem:$0x14E0] =	vst v21  }
0x47: {  	v21 =	vld.idx.msk [tilespmem:v14+s25+$0x0], $0xffff;
	_ =	sdelay $0x4  }
0x48: {  	[tilespmem:$0x14F0] =	vst v21  }
0x49: {  	v21 =	vld.idx.msk [tilespmem:v15+s25+$0x0], $0xffff;
	_ =	sdelay $0x4  }
0x4a: {  	[tilespmem:$0x1500] =	vst v21  }
0x4b: {  	v21 =	vld.idx.msk [tilespmem:v16+s25+$0x0], $0xffff;
	_ =	sdelay $0x4  }
0x4c: {  	[tilespmem:$0x1510] =	vst v21  }
0x4d: {  	v21 =	vld.idx.msk [tilespmem:v17+s25+$0x0], $0xffff;
	_ =	sdelay $0x4  }
0x4e: {  	[tilespmem:$0x1520] =	vst v21  }
0x4f: {  	v21 =	vld.idx.msk [tilespmem:v18+s25+$0x0], $0xffff;
	_ =	sdelay $0x4  }
0x50: {  	[tilespmem:$0x1530] =	vst v21  }
0x51: {  	v21 =	vld.idx.msk [tilespmem:v19+s25+$0x0], $0xffff;
	_ =	sdelay $0x4  }
0x52: {  	[tilespmem:$0x1540] =	vst v21  }
0x53: {  	v21 =	vld.idx.msk [tilespmem:v20+s25+$0x0], $0xffff;
	_ =	sdelay $0x4  }
0x54: {  	s2 =	simm.s32 $0x1420;
	s0 =	simm.s32 $0x80;
	s4 =	simm.s32 $0x48A0;
	[tilespmem:$0x1550] =	vst v21  }
0x55: {  	[tilespmem:s4], [sflag:$0x1] =	stream.indirect.gather [hbm4b:s1+s0], $0x80, s2, s0, $0xb8;
	[tilespmem:$0x1E0A0] =	vst v63  }
0x56: {  	s7 =	simm.s32 $0x14A0;
	s28 =	simm.s32 $0x88A0  }
0x57: {  	[tilespmem:s28], [sflag:$0x1] =	stream.indirect.gather [hbm4b:s1+s31], $0x80, s7, s31, $0xb8;
	[tilespmem:$0x1E0A0] =	vst v63  }
0x58: {  	s30 =	simm.s32 $0xACA0;
	s7 =	simm.s32 $0x14E0  }
0x59: {  	[tilespmem:s30], [sflag:$0x1] =	stream.indirect.gather [hbm4b:s1+s0], $0x80, s7, s0, $0xb8;
	[tilespmem:$0x1E0A0] =	vst v63  }
0x5a: {  	s7 =	simm.s32 $0x50  }
0x5b: {  	[tilespmem:s29], [sflag:$0x2] =	stream.indirect.gather [hbm4b:s23+s7], $0x20, s2, s7, $0xb8;
	[tilespmem:$0x1E0A0] =	vst v63  }
0x5c: {  	_ =	swait.ge [sflag:s26], $0x4000  }
0x5d: {  	[sflag:s26] =	ssyncset.done $0x0  }
0x5e: {  	[sflag:s26] =	ssyncadd.s32 $0xFFFFC000  }
0x5f: {  	_ =	swait.ge [sflag:s26], $0x2000  }
0x60: {  	[sflag:s26] =	ssyncset.done $0x0  }
0x61: {  	[sflag:s26] =	ssyncadd.s32 $0xFFFFE000  }
0x62: {  	_ =	swait.ge [sflag:s26], $0x4000  }
0x63: {  	[sflag:s26] =	ssyncset.done $0x0  }
0x64: {  	s2 =	rddreg [dreg:$0x8];
	[sflag:s26] =	ssyncadd.s32 $0xFFFFC000  }
0x65: {  	[hbm4b:s2+s3] =	stream.linear.scatter [tilespmem:s4], [sflag:$0x1], $0x1000, $0x38;
	[tilespmem:$0x1E0A0] =	vst v63  }
0x66: {  	s2 =	rddreg [dreg:$0x9];
	s4 =	simm.s32 $0x58A0  }
0x67: {  	[hbm4b:s2+s3] =	stream.linear.scatter [tilespmem:s4], [sflag:$0x1], $0x1000, $0x38;
	[tilespmem:$0x1E0A0] =	vst v63  }
0x68: {  	s2 =	rddreg [dreg:$0xa];
	s4 =	simm.s32 $0x68A0  }
0x69: {  	[hbm4b:s2+s3] =	stream.linear.scatter [tilespmem:s4], [sflag:$0x1], $0x1000, $0x38;
	[tilespmem:$0x1E0A0] =	vst v63  }
0x6a: {  	s2 =	rddreg [dreg:$0xb];
	s4 =	simm.s32 $0x78A0  }
0x6b: {  	[hbm4b:s2+s3] =	stream.linear.scatter [tilespmem:s4], [sflag:$0x1], $0x1000, $0x38;
	[tilespmem:$0x1E0A0] =	vst v63  }
0x6c: {  	s4 =	rddreg [dreg:$0xc]  }
0x6d: {  	[hbm4b:s4+s3] =	stream.linear.scatter [tilespmem:s28], [sflag:$0x1], $0x1000, $0x38;
	[tilespmem:$0x1E0A0] =	vst v63  }
0x6e: {  	s2 =	rddreg [dreg:$0xd];
	s4 =	simm.s32 $0x98A0  }
0x6f: {  	v21 =	vor.u32 s3, v0;
	[hbm4b:s2+s3] =	stream.linear.scatter [tilespmem:s4], [sflag:$0x1], $0x1000, $0x38;
	[tilespmem:$0x1E0A0] =	vst v63  }
0x70: {  	v22 =	vmulhi.u32 $0x51EB851F, v21;
	s28 =	rddreg [dreg:$0xe]  }
0x71: {  	[hbm4b:s28+s3] =	stream.linear.scatter [tilespmem:s30], [sflag:$0x1], $0x1000, $0x38;
	[tilespmem:$0x1E0A0] =	vst v63  }
0x72: {  	v22 =	vshrl.u32 v22, $0x3;
	s2 =	rddreg [dreg:$0xf];
	s28 =	simm.s32 $0xBCA0  }
0x73: {  	v23 =	vmul.u32 $0xFFFFFFE7, v22;
	[hbm4b:s2+s3] =	stream.linear.scatter [tilespmem:s28], [sflag:$0x1], $0x1000, $0x38;
	[tilespmem:$0x1E0A0] =	vst v63  }
0x74: {  	s0 =	simm.s32 $0x10;
	s30 =	simm.s32 $0xCCA0;
	s2 =	rddreg [dreg:$0x10]  }
0x75: {  	v21 =	vadd.s32 v21, v23;
	v23 =	vor.u32 s0, v0;
	[hbm4b:s2+s3] =	stream.linear.scatter [tilespmem:s30], [sflag:$0x1], $0x1000, $0x38;
	[tilespmem:$0x1E0A0] =	vst v63  }
0x76: {  	v22 =	vshll.u32 v22, $0x5;
	v24 =	vand.u32 $0xFFFFFFF8, v21;
	v25 =	vmulhi.u32 $0x51EB851F, v23;
	s28 =	simm.s32 $0xDCA0;
	s2 =	rddreg [dreg:$0x11]  }
0x77: {  	v21 =	vand.u32 $0x7, v21;
	v22 =	vadd.s32 v22, v24;
	[hbm4b:s2+s3] =	stream.linear.scatter [tilespmem:s28], [sflag:$0x1], $0x1000, $0x38;
	[tilespmem:$0x1E0A0] =	vst v63  }
0x78: {  	v21 =	vor.u32 v21, v22;
	v22 =	vshrl.u32 v25, $0x3;
	s30 =	simm.s32 $0x1470  }
0x79: {  	v24 =	vmul.u32 $0xFFFFFFE7, v22;
	[tilespmem:s9], [sflag:$0x3] =	stream.indirect.gather [hbm4b:s23+s7], $0x20, s30, s7, $0xb8;
	[tilespmem:$0x1E0A0] =	vst v63  }
0x7a: {  	_ =	swait.ge [sflag:s10], $0xA00  }
0x7b: {  	v23 =	vadd.s32 v23, v24;
	s2 =	simm.s32 $0x20;
	[sflag:s10] =	ssyncset.done $0x0  }
0x7c: {  	v22 =	vshll.u32 v22, $0x5;
	v25 =	vand.u32 $0xFFFFFFF8, v23;
	v24 =	vor.u32 s2, v0;
	[sflag:s10] =	ssyncadd.s32 $0xFFFFF600  }
0x7d: {  	v23 =	vand.u32 $0x7, v23;
	v22 =	vadd.s32 v22, v25;
	v26 =	vmulhi.u32 $0x51EB851F, v24;
	v21 =	vld.idx.msk [tilespmem:v21+s29+$0x0], $0xffff  }
0x7e: {  	v22 =	vor.u32 v23, v22  }
0x7f: {  	v25 =	vshrl.u32 v26, $0x3  }
0x80: {  	v23 =	vmul.u32 $0xFFFFFFE7, v25  }
0x81: {  	s30 =	simm.s32 $0x2960  }
0x82: {  	s28 =	simm.s32 $0x30;
	v23 =	vadd.s32 v24, v23;
	[tilespmem:s30+$0x0] =	vst v21  }
0x83: {  	s0 =	simm.s32 $0x2960;
	s4 =	simm.s32 $0xACA0;
	s2 =	simm.s32 $0x40;
	v25 =	vshll.u32 v25, $0x5;
	v24 =	vand.u32 $0xFFFFFFF8, v23;
	v21 =	vor.u32 s28, v0;
	v22 =	vld.idx.msk [tilespmem:v22+s29+$0x0], $0xffff  }
.LBB2_2:
0x84: {  	p0 =	sne.s32 s2, $0x7C0;
	v26 =	vmulhi.u32 $0x51EB851F, v21;
	v23 =	vand.u32 $0x7, v23;
	v24 =	vadd.s32 v25, v24  }
0x85: {  	v27 =	vor.u32 v23, v24  }
.Ltmp0:
0x86: {  	v25 =	vshrl.u32 v26, $0x3;
	(pc) =	sbr.rel @p0 .LBB2_2-.Ltmp0, $4  }
0x87: {  	v23 =	vmul.u32 $0xFFFFFFE7, v25  }
0x88: {  	s0 =	sadd.s32 $0x10, s0  }
0x89: {  	v23 =	vadd.s32 v21, v23;
	[tilespmem:s0+$0x0] =	vst v22  }
0x8a: {  	v25 =	vshll.u32 v25, $0x5;
	v21 =	vor.u32 s2, v0;
	s2 =	sadd.s32 $0x10, s2;
	v24 =	vand.u32 $0xFFFFFFF8, v23;
	v22 =	vld.idx.msk [tilespmem:v27+s29+$0x0], $0xffff  }
0x8b: {  	v26 =	vmulhi.u32 $0x51EB851F, v21  }
0x8c: {  	v23 =	vand.u32 $0x7, v23;
	v24 =	vadd.s32 v25, v24  }
0x8d: {  	v23 =	vor.u32 v23, v24;
	v24 =	vshrl.u32 v26, $0x3  }
0x8e: {  	v25 =	vmul.u32 $0xFFFFFFE7, v24;
	_ =	sdelay $0x1  }
0x8f: {  	s0 =	sadd.s32 $0x10, s0;
	v21 =	vadd.s32 v21, v25  }
0x90: {  	v24 =	vshll.u32 v24, $0x5;
	[tilespmem:s0+$0x0] =	vst v22;
	v22 =	vand.u32 $0xFFFFFFF8, v21  }
0x91: {  	v23 =	vld.idx.msk [tilespmem:v23+s29+$0x0], $0xffff;
	v21 =	vand.u32 $0x7, v21;
	v22 =	vadd.s32 v24, v22  }
0x92: {  	s2 =	simm.s32 $0x0;
	v21 =	vor.u32 v21, v22  }
0x93: {  	v22 =	vor.u32 s2, v0  }
0x94: {  	v24 =	vmulhi.u32 $0x51EB851F, v22  }
0x95: {  	s0 =	sadd.s32 $0x10, s0  }
0x96: {  	[tilespmem:s0+$0x0] =	vst v23;
	v23 =	vshrl.u32 v24, $0x3  }
0x97: {  	v24 =	vmul.u32 $0xFFFFFFE7, v23;
	v21 =	vld.idx.msk [tilespmem:v21+s29+$0x0], $0xffff  }
0x98: {  	s30 =	simm.s32 $0x10  }
0x99: {  	v22 =	vadd.s32 v22, v24;
	v24 =	vor.u32 s30, v0  }
0x9a: {  	v23 =	vshll.u32 v23, $0x5;
	v25 =	vand.u32 $0xFFFFFFF8, v22;
	v26 =	vmulhi.u32 $0x51EB851F, v24  }
0x9b: {  	s0 =	sadd.s32 $0x10, s0;
	v22 =	vand.u32 $0x7, v22;
	v23 =	vadd.s32 v23, v25  }
0x9c: {  	s2 =	simm.s32 $0x14C0;
	[tilespmem:s0+$0x0] =	vst v21;
	v21 =	vor.u32 v22, v23;
	v22 =	vshrl.u32 v26, $0x3  }
0x9d: {  	[tilespmem:s29], [sflag:$0x2] =	stream.indirect.gather [hbm4b:s23+s7], $0x20, s2, s7, $0xb8;
	v23 =	vmul.u32 $0xFFFFFFE7, v22;
	[tilespmem:$0x1E0A0] =	vst v63  }
0x9e: {  	_ =	swait.ge [sflag:s11], $0xA00  }
0x9f: {  	s28 =	simm.s32 $0x20;
	[sflag:s11] =	ssyncset.done $0x0;
	v23 =	vadd.s32 v24, v23  }
0xa0: {  	v22 =	vshll.u32 v22, $0x5;
	v24 =	vor.u32 s28, v0;
	[sflag:s11] =	ssyncadd.s32 $0xFFFFF600;
	v25 =	vand.u32 $0xFFFFFFF8, v23  }
0xa1: {  	v26 =	vmulhi.u32 $0x51EB851F, v24;
	v23 =	vand.u32 $0x7, v23;
	v21 =	vld.idx.msk [tilespmem:v21+s9+$0x0], $0xffff;
	v22 =	vadd.s32 v22, v25  }
0xa2: {  	v22 =	vor.u32 v23, v22  }
0xa3: {  	v25 =	vshrl.u32 v26, $0x3  }
0xa4: {  	v23 =	vmul.u32 $0xFFFFFFE7, v25  }
0xa5: {  	s0 =	simm.s32 $0x3130  }
0xa6: {  	s30 =	simm.s32 $0x30;
	v23 =	vadd.s32 v24, v23;
	[tilespmem:s0+$0x0] =	vst v21  }
0xa7: {  	s2 =	simm.s32 $0x40;
	v25 =	vshll.u32 v25, $0x5;
	v21 =	vor.u32 s30, v0;
	v24 =	vand.u32 $0xFFFFFFF8, v23;
	v22 =	vld.idx.msk [tilespmem:v22+s9+$0x0], $0xffff  }
.LBB2_4:
0xa8: {  	p0 =	sne.s32 s2, $0x7C0;
	v26 =	vmulhi.u32 $0x51EB851F, v21;
	v23 =	vand.u32 $0x7, v23;
	v24 =	vadd.s32 v25, v24  }
0xa9: {  	v27 =	vor.u32 v23, v24  }
.Ltmp1:
0xaa: {  	v25 =	vshrl.u32 v26, $0x3;
	(pc) =	sbr.rel @p0 .LBB2_4-.Ltmp1, $4  }
0xab: {  	v23 =	vmul.u32 $0xFFFFFFE7, v25  }
0xac: {  	s0 =	sadd.s32 $0x10, s0  }
0xad: {  	v23 =	vadd.s32 v21, v23;
	[tilespmem:s0+$0x0] =	vst v22  }
0xae: {  	v25 =	vshll.u32 v25, $0x5;
	v21 =	vor.u32 s2, v0;
	s2 =	sadd.s32 $0x10, s2;
	v24 =	vand.u32 $0xFFFFFFF8, v23;
	v22 =	vld.idx.msk [tilespmem:v27+s9+$0x0], $0xffff  }
0xaf: {  	v26 =	vmulhi.u32 $0x51EB851F, v21  }
0xb0: {  	v23 =	vand.u32 $0x7, v23;
	v24 =	vadd.s32 v25, v24  }
0xb1: {  	v23 =	vor.u32 v23, v24;
	v24 =	vshrl.u32 v26, $0x3  }
0xb2: {  	v25 =	vmul.u32 $0xFFFFFFE7, v24;
	_ =	sdelay $0x1  }
0xb3: {  	s0 =	sadd.s32 $0x10, s0;
	v21 =	vadd.s32 v21, v25  }
0xb4: {  	v24 =	vshll.u32 v24, $0x5;
	[tilespmem:s0+$0x0] =	vst v22;
	v22 =	vand.u32 $0xFFFFFFF8, v21  }
0xb5: {  	v23 =	vld.idx.msk [tilespmem:v23+s9+$0x0], $0xffff;
	v21 =	vand.u32 $0x7, v21;
	v22 =	vadd.s32 v24, v22  }
0xb6: {  	s2 =	simm.s32 $0x0;
	v21 =	vor.u32 v21, v22  }
0xb7: {  	v22 =	vor.u32 s2, v0  }
0xb8: {  	v24 =	vmulhi.u32 $0x51EB851F, v22  }
0xb9: {  	s0 =	sadd.s32 $0x10, s0  }
0xba: {  	[tilespmem:s0+$0x0] =	vst v23;
	v23 =	vshrl.u32 v24, $0x3  }
0xbb: {  	v24 =	vmul.u32 $0xFFFFFFE7, v23;
	v21 =	vld.idx.msk [tilespmem:v21+s9+$0x0], $0xffff  }
0xbc: {  	s30 =	simm.s32 $0x10  }
0xbd: {  	v22 =	vadd.s32 v22, v24;
	v24 =	vor.u32 s30, v0  }
0xbe: {  	v23 =	vshll.u32 v23, $0x5;
	v25 =	vand.u32 $0xFFFFFFF8, v22;
	v26 =	vmulhi.u32 $0x51EB851F, v24  }
0xbf: {  	s0 =	sadd.s32 $0x10, s0;
	v22 =	vand.u32 $0x7, v22;
	v23 =	vadd.s32 v23, v25  }
0xc0: {  	s2 =	simm.s32 $0x1510;
	[tilespmem:s0+$0x0] =	vst v21;
	v21 =	vor.u32 v22, v23;
	v22 =	vshrl.u32 v26, $0x3  }
0xc1: {  	[tilespmem:s9], [sflag:$0x3] =	stream.indirect.gather [hbm4b:s23+s7], $0x20, s2, s7, $0xb8;
	v23 =	vmul.u32 $0xFFFFFFE7, v22;
	[tilespmem:$0x1E0A0] =	vst v63  }
0xc2: {  	_ =	swait.ge [sflag:s10], $0xA00  }
0xc3: {  	s28 =	simm.s32 $0x20;
	[sflag:s10] =	ssyncset.done $0x0;
	v23 =	vadd.s32 v24, v23  }
0xc4: {  	v22 =	vshll.u32 v22, $0x5;
	v24 =	vor.u32 s28, v0;
	[sflag:s10] =	ssyncadd.s32 $0xFFFFF600;
	v25 =	vand.u32 $0xFFFFFFF8, v23  }
0xc5: {  	v26 =	vmulhi.u32 $0x51EB851F, v24;
	v23 =	vand.u32 $0x7, v23;
	v21 =	vld.idx.msk [tilespmem:v21+s29+$0x0], $0xffff;
	v22 =	vadd.s32 v22, v25  }
0xc6: {  	v22 =	vor.u32 v23, v22  }
0xc7: {  	v25 =	vshrl.u32 v26, $0x3  }
0xc8: {  	v23 =	vmul.u32 $0xFFFFFFE7, v25  }
0xc9: {  	s0 =	simm.s32 $0x3900  }
0xca: {  	s30 =	simm.s32 $0x30;
	v23 =	vadd.s32 v24, v23;
	[tilespmem:s0+$0x0] =	vst v21  }
0xcb: {  	s2 =	simm.s32 $0x40;
	v25 =	vshll.u32 v25, $0x5;
	v21 =	vor.u32 s30, v0;
	v24 =	vand.u32 $0xFFFFFFF8, v23;
	v22 =	vld.idx.msk [tilespmem:v22+s29+$0x0], $0xffff  }
.LBB2_6:
0xcc: {  	p0 =	sne.s32 s2, $0x7C0;
	v26 =	vmulhi.u32 $0x51EB851F, v21;
	v23 =	vand.u32 $0x7, v23;
	v24 =	vadd.s32 v25, v24  }
0xcd: {  	v27 =	vor.u32 v23, v24  }
.Ltmp2:
0xce: {  	v25 =	vshrl.u32 v26, $0x3;
	(pc) =	sbr.rel @p0 .LBB2_6-.Ltmp2, $4  }
0xcf: {  	v23 =	vmul.u32 $0xFFFFFFE7, v25  }
0xd0: {  	s0 =	sadd.s32 $0x10, s0  }
0xd1: {  	v23 =	vadd.s32 v21, v23;
	[tilespmem:s0+$0x0] =	vst v22  }
0xd2: {  	v25 =	vshll.u32 v25, $0x5;
	v21 =	vor.u32 s2, v0;
	s2 =	sadd.s32 $0x10, s2;
	v24 =	vand.u32 $0xFFFFFFF8, v23;
	v22 =	vld.idx.msk [tilespmem:v27+s29+$0x0], $0xffff  }
0xd3: {  	v26 =	vmulhi.u32 $0x51EB851F, v21  }
0xd4: {  	v23 =	vand.u32 $0x7, v23;
	v24 =	vadd.s32 v25, v24  }
0xd5: {  	v23 =	vor.u32 v23, v24;
	v24 =	vshrl.u32 v26, $0x3  }
0xd6: {  	v25 =	vmul.u32 $0xFFFFFFE7, v24;
	_ =	sdelay $0x1  }
0xd7: {  	s0 =	sadd.s32 $0x10, s0;
	v21 =	vadd.s32 v21, v25  }
0xd8: {  	v24 =	vshll.u32 v24, $0x5;
	[tilespmem:s0+$0x0] =	vst v22;
	v22 =	vand.u32 $0xFFFFFFF8, v21  }
0xd9: {  	s2 =	simm.s32 $0x0;
	v23 =	vld.idx.msk [tilespmem:v23+s29+$0x0], $0xffff;
	v21 =	vand.u32 $0x7, v21;
	v22 =	vadd.s32 v24, v22  }
0xda: {  	v21 =	vor.u32 v21, v22;
	v22 =	vor.u32 s2, v0  }
0xdb: {  	v24 =	vmulhi.u32 $0x51EB851F, v22;
	_ =	sdelay $0x1  }
0xdc: {  	s0 =	sadd.s32 $0x10, s0;
	v24 =	vshrl.u32 v24, $0x3  }
0xdd: {  	[tilespmem:s0+$0x0] =	vst v23;
	v23 =	vmul.u32 $0xFFFFFFE7, v24  }
0xde: {  	s23 =	simm.s32 $0x10;
	v21 =	vld.idx.msk [tilespmem:v21+s29+$0x0], $0xffff  }
0xdf: {  	v22 =	vadd.s32 v22, v23;
	v23 =	vor.u32 s23, v0  }
0xe0: {  	v24 =	vshll.u32 v24, $0x5;
	v25 =	vand.u32 $0xFFFFFFF8, v22;
	v26 =	vmulhi.u32 $0x51EB851F, v23  }
0xe1: {  	v22 =	vand.u32 $0x7, v22;
	v24 =	vadd.s32 v24, v25  }
0xe2: {  	s0 =	sadd.s32 $0x10, s0;
	v22 =	vor.u32 v22, v24;
	v24 =	vshrl.u32 v26, $0x3  }
0xe3: {  	[tilespmem:s0+$0x0] =	vst v21;
	v21 =	vmul.u32 $0xFFFFFFE7, v24  }
0xe4: {  	_ =	swait.ge [sflag:s11], $0xA00  }
0xe5: {  	s28 =	simm.s32 $0x20;
	[sflag:s11] =	ssyncset.done $0x0;
	v21 =	vadd.s32 v23, v21  }
0xe6: {  	v24 =	vshll.u32 v24, $0x5;
	v23 =	vor.u32 s28, v0;
	[sflag:s11] =	ssyncadd.s32 $0xFFFFF600;
	v25 =	vand.u32 $0xFFFFFFF8, v21  }
0xe7: {  	v26 =	vmulhi.u32 $0x51EB851F, v23;
	v21 =	vand.u32 $0x7, v21;
	v22 =	vld.idx.msk [tilespmem:v22+s9+$0x0], $0xffff;
	v24 =	vadd.s32 v24, v25  }
0xe8: {  	v27 =	vor.u32 v21, v24  }
0xe9: {  	v25 =	vshrl.u32 v26, $0x3  }
0xea: {  	v21 =	vmul.u32 $0xFFFFFFE7, v25  }
0xeb: {  	s0 =	simm.s32 $0x40D0  }
0xec: {  	s30 =	simm.s32 $0x30;
	v23 =	vadd.s32 v23, v21;
	[tilespmem:s0+$0x0] =	vst v22  }
0xed: {  	s2 =	simm.s32 $0x40;
	v25 =	vshll.u32 v25, $0x5;
	v21 =	vor.u32 s30, v0;
	v24 =	vand.u32 $0xFFFFFFF8, v23;
	v22 =	vld.idx.msk [tilespmem:v27+s9+$0x0], $0xffff  }
.LBB2_8:
0xee: {  	p0 =	sne.s32 s2, $0x7C0;
	v26 =	vmulhi.u32 $0x51EB851F, v21;
	v23 =	vand.u32 $0x7, v23;
	v24 =	vadd.s32 v25, v24  }
0xef: {  	v27 =	vor.u32 v23, v24  }
.Ltmp3:
0xf0: {  	v25 =	vshrl.u32 v26, $0x3;
	(pc) =	sbr.rel @p0 .LBB2_8-.Ltmp3, $4  }
0xf1: {  	v23 =	vmul.u32 $0xFFFFFFE7, v25  }
0xf2: {  	s0 =	sadd.s32 $0x10, s0  }
0xf3: {  	v23 =	vadd.s32 v21, v23;
	[tilespmem:s0+$0x0] =	vst v22  }
0xf4: {  	v25 =	vshll.u32 v25, $0x5;
	v21 =	vor.u32 s2, v0;
	s2 =	sadd.s32 $0x10, s2;
	v24 =	vand.u32 $0xFFFFFFF8, v23;
	v22 =	vld.idx.msk [tilespmem:v27+s9+$0x0], $0xffff  }
0xf5: {  	v26 =	vmulhi.u32 $0x51EB851F, v21  }
0xf6: {  	v23 =	vand.u32 $0x7, v23;
	v24 =	vadd.s32 v25, v24  }
0xf7: {  	v23 =	vor.u32 v23, v24;
	v62 =	vshrl.u32 v26, $0x3  }
0xf8: {  	v63 =	vmul.u32 $0xFFFFFFE7, v62;
	_ =	sdelay $0x1  }
0xf9: {  	s0 =	sadd.s32 $0x10, s0;
	v21 =	vadd.s32 v21, v63  }
0xfa: {  	v24 =	vshll.u32 v62, $0x5;
	[tilespmem:s0+$0x0] =	vst v22;
	v22 =	vand.u32 $0xFFFFFFF8, v21  }
0xfb: {  	v23 =	vld.idx.msk [tilespmem:v23+s9+$0x0], $0xffff;
	v21 =	vand.u32 $0x7, v21;
	v22 =	vadd.s32 v24, v22  }
0xfc: {  	v21 =	vor.u32 v21, v22;
	_ =	sdelay $0x2  }
0xfd: {  	s0 =	sadd.s32 $0x10, s0  }
0xfe: {  	[tilespmem:s0+$0x0] =	vst v23  }
0xff: {  	v21 =	vld.idx.msk [tilespmem:v21+s9+$0x0], $0xffff;
	_ =	sdelay $0x3  }
0x100: {  	s0 =	sadd.s32 $0x10, s0  }
0x101: {  	[tilespmem:s0+$0x0] =	vst v21  }
0x102: {  	_ =	swait.ge [sflag:s26], $0x1000  }
0x103: {  	[sflag:s26] =	ssyncset.done $0x0  }
0x104: {  	[sflag:s26] =	ssyncadd.s32 $0xFFFFF000  }
0x105: {  	_ =	swait.ge [sflag:s26], $0x1000  }
0x106: {  	[sflag:s26] =	ssyncset.done $0x0  }
0x107: {  	[sflag:s26] =	ssyncadd.s32 $0xFFFFF000  }
0x108: {  	_ =	swait.ge [sflag:s26], $0x1000  }
0x109: {  	[sflag:s26] =	ssyncset.done $0x0  }
0x10a: {  	[sflag:s26] =	ssyncadd.s32 $0xFFFFF000  }
0x10b: {  	_ =	swait.ge [sflag:s26], $0x1000  }
0x10c: {  	[sflag:s26] =	ssyncset.done $0x0  }
0x10d: {  	[sflag:s26] =	ssyncadd.s32 $0xFFFFF000  }
0x10e: {  	_ =	swait.ge [sflag:s26], $0x1000  }
0x10f: {  	[sflag:s26] =	ssyncset.done $0x0  }
0x110: {  	[sflag:s26] =	ssyncadd.s32 $0xFFFFF000  }
0x111: {  	_ =	swait.ge [sflag:s26], $0x1000  }
0x112: {  	[sflag:s26] =	ssyncset.done $0x0  }
0x113: {  	[sflag:s26] =	ssyncadd.s32 $0xFFFFF000  }
0x114: {  	_ =	swait.ge [sflag:s26], $0x1000  }
0x115: {  	[sflag:s26] =	ssyncset.done $0x0  }
0x116: {  	[sflag:s26] =	ssyncadd.s32 $0xFFFFF000  }
0x117: {  	_ =	swait.ge [sflag:s26], $0x1000  }
0x118: {  	[sflag:s26] =	ssyncset.done $0x0  }
0x119: {  	[sflag:s26] =	ssyncadd.s32 $0xFFFFF000  }
0x11a: {  	_ =	swait.ge [sflag:s26], $0x1000  }
0x11b: {  	[sflag:s26] =	ssyncset.done $0x0  }
0x11c: {  	[sflag:s26] =	ssyncadd.s32 $0xFFFFF000  }
0x11d: {  	_ =	swait.ge [sflag:s26], $0x1000  }
0x11e: {  	[sflag:s26] =	ssyncset.done $0x0  }
0x11f: {  	s30 =	simm.s32 $0x48A0;
	s2 =	simm.s32 $0x2960;
	[sflag:s26] =	ssyncadd.s32 $0xFFFFF000  }
0x120: {  	[tilespmem:s30], [sflag:$0x2] =	stream.indirect.gather [hbm4b:s1+s31], $0x80, s2, s31, $0xb8;
	[tilespmem:$0x1E0A0] =	vst v63  }
0x121: {  	s7 =	simm.s32 $0x29A0;
	s2 =	simm.s32 $0x68A0  }
0x122: {  	[tilespmem:s2], [sflag:$0x2] =	stream.indirect.gather [hbm4b:s1+s31], $0x80, s7, s31, $0xb8;
	[tilespmem:$0x1E0A0] =	vst v63  }
0x123: {  	s23 =	simm.s32 $0x88A0;
	s30 =	simm.s32 $0x29E0  }
0x124: {  	[tilespmem:s23], [sflag:$0x2] =	stream.indirect.gather [hbm4b:s1+s13], $0x80, s30, s13, $0xb8;
	[tilespmem:$0x1E0A0] =	vst v63  }
0x125: {  	s7 =	simm.s32 $0x2A28  }
0x126: {  	[tilespmem:s4], [sflag:$0x3] =	stream.indirect.gather [hbm4b:s1+s31], $0x80, s7, s31, $0xb8;
	[tilespmem:$0x1E0A0] =	vst v63  }
0x127: {  	s23 =	simm.s32 $0xCCA0;
	s30 =	simm.s32 $0x2A68  }
0x128: {  	[tilespmem:s23], [sflag:$0x3] =	stream.indirect.gather [hbm4b:s1+s31], $0x80, s30, s31, $0xb8;
	[tilespmem:$0x1E0A0] =	vst v63  }
0x129: {  	s4 =	simm.s32 $0x2AA8;
	s7 =	simm.s32 $0xECA0  }
0x12a: {  	[tilespmem:s7], [sflag:$0x3] =	stream.indirect.gather [hbm4b:s1+s13], $0x80, s4, s13, $0xb8;
	[tilespmem:$0x1E0A0] =	vst v63  }
0x12b: {  	s23 =	simm.s32 $0x2AF0;
	s30 =	simm.s32 $0x110A0  }
0x12c: {  	[tilespmem:s30], [sflag:$0x4] =	stream.indirect.gather [hbm4b:s1+s31], $0x80, s23, s31, $0xb8;
	[tilespmem:$0x1E0A0] =	vst v63  }
0x12d: {  	s4 =	simm.s32 $0x2B30;
	s7 =	simm.s32 $0x130A0  }
0x12e: {  	[tilespmem:s7], [sflag:$0x4] =	stream.indirect.gather [hbm4b:s1+s31], $0x80, s4, s31, $0xb8;
	[tilespmem:$0x1E0A0] =	vst v63  }
0x12f: {  	s28 =	simm.s32 $0x0;
	s23 =	simm.s32 $0x2B70;
	s30 =	simm.s32 $0x150A0  }
0x130: {  	[tilespmem:s30], [sflag:$0x4] =	stream.indirect.gather [hbm4b:s1+s13], $0x80, s23, s13, $0xb8;
	[tilespmem:$0x1E0A0] =	vst v63  }
.LBB2_10:
0x131: {  	s0 =	smul.u32 $0xC80, s28;
	_ =	sdelay $0x1  }
0x132: {  	s23 =	sshra.s32 s0, $0x2  }
0x133: {  	s0 =	sadd.s32 $0x2BB8, s23  }
0x134: {  	[tilespmem:s14], [sflag:$0x5] =	stream.indirect.gather [hbm4b:s1+s31], $0x80, s0, s31, $0xb8;
	[tilespmem:$0x1E0A0] =	vst v63  }
0x135: {  	s7 =	sadd.s32 $0x2BF8, s23  }
0x136: {  	[tilespmem:s15], [sflag:$0x5] =	stream.indirect.gather [hbm4b:s1+s31], $0x80, s7, s31, $0xb8;
	[tilespmem:$0x1E0A0] =	vst v63  }
0x137: {  	s30 =	sadd.s32 $0x2C38, s23  }
0x138: {  	[tilespmem:s16], [sflag:$0x5] =	stream.indirect.gather [hbm4b:s1+s13], $0x80, s30, s13, $0xb8;
	[tilespmem:$0x1E0A0] =	vst v63  }
0x139: {  	_ =	swait.ge [sflag:s10], $0x6400  }
0x13a: {  	p0 =	seq.s32 s28, $0x0;
	[sflag:s10] =	ssyncset.done $0x0  }
0x13b: {  	s0 =	simm.s32 @!p0 $0x6;
	[sflag:s10] =	ssyncadd.s32 $0xFFFF9C00  }
0x13c: {  	_ =	swait.ge @!p0 [sflag:s0], $0x400  }
0x13d: {  	[sflag:s0] =	ssyncset.done @!p0 $0x0  }
0x13e: {  	s4 =	simm.s32 $0x49E0;
	[sflag:s0] =	ssyncadd.s32 @!p0 $0xFFFFFC00;
	s0 =	simm.s32 $0x0  }
.LBB2_11:
0x13f: {  	v23 =	vmov s4;
	_ =	sdelay $0x3  }
0x140: {  	s7 =	simm.s32 $0x0  }
0x141: {  	v26 =	vld.idx.msk [tilespmem:v23+s7+$0xC0 ss:$0x1], $0xffff  }
0x142: {  	v27 =	vld.idx.msk [tilespmem:v23+s7+$0xD0 ss:$0x1], $0xffff  }
0x143: {  	v28 =	vld.idx.msk [tilespmem:v23+s7+$0xE0 ss:$0x1], $0xffff  }
0x144: {  	v29 =	vld.idx.msk [tilespmem:v23+s7+$0xF0 ss:$0x1], $0xffff  }
0x145: {  	v22 =	vld.idx.msk [tilespmem:v23+s7+$0x100 ss:$0x1], $0xffff  }
0x146: {  	v21 =	vld.idx.msk [tilespmem:v23+s7+$0x110 ss:$0x1], $0xffff  }
0x147: {  	v33 =	vld.idx.msk [tilespmem:v23+s7+$0x40 ss:$0x1], $0xffff  }
0x148: {  	v37 =	vld.idx.msk [tilespmem:v23+s7+$0x50 ss:$0x1], $0xffff  }
0x149: {  	v32 =	vld.idx.msk [tilespmem:v23+s7+$0x60 ss:$0x1], $0xffff  }
0x14a: {  	v34 =	vld.idx.msk [tilespmem:v23+s7+$0x70 ss:$0x1], $0xffff  }
0x14b: {  	v25 =	vld.idx.msk [tilespmem:v23+s7+$0x80 ss:$0x1], $0xffff  }
0x14c: {  	v24 =	vld.idx.msk [tilespmem:v23+s7+$0x90 ss:$0x1], $0xffff  }
0x14d: {  	v35 =	vld.idx.msk [tilespmem:v23+s7+$0xFFFFFFC0 ss:$0x1], $0xffff  }
0x14e: {  	v38 =	vld.idx.msk [tilespmem:v23+s7+$0xFFFFFFD0 ss:$0x1], $0xffff  }
0x14f: {  	v42 =	vld.idx.msk [tilespmem:v23+s7+$0xFFFFFFE0 ss:$0x1], $0xffff  }
0x150: {  	v43 =	vld.idx.msk [tilespmem:v23+s7+$0xFFFFFFF0 ss:$0x1], $0xffff  }
0x151: {  	v39 =	vld.idx.msk [tilespmem:v23+s7+$0xFFFFFF40 ss:$0x1], $0xffff  }
0x152: {  	v44 =	vld.idx.msk [tilespmem:v23+s7+$0xFFFFFF50 ss:$0x1], $0xffff  }
0x153: {  	v40 =	vld.idx.msk [tilespmem:v23+s7+$0xFFFFFEC0 ss:$0x1], $0xffff  }
0x154: {  	v41 =	vld.idx.msk [tilespmem:v23+s7+$0xFFFFFED0 ss:$0x1], $0xffff  }
0x155: {  	v45 =	vld.idx.msk [tilespmem:v23+s7+$0xFFFFFEE0 ss:$0x1], $0xffff  }
0x156: {  	v46 =	vld.idx.msk [tilespmem:v23+s7+$0xFFFFFEF0 ss:$0x1], $0xffff  }
0x157: {  	v47 =	vld.idx.msk [tilespmem:v23+s7+$0xFFFFFF60 ss:$0x1], $0xffff  }
0x158: {  	v48 =	vld.idx.msk [tilespmem:v23+s7+$0xFFFFFF70 ss:$0x1], $0xffff  }
0x159: {  	v30 =	vimm.f32 $0.0e+00;
	v36 =	vld.idx.msk [tilespmem:v23+s7+$0x0 ss:$0x1], $0xffff  }
0x15a: {  	v31 =	vld.idx.msk [tilespmem:v23+s7+$0x10 ss:$0x1], $0xffff;
	v49 =	vadd.f32 v40, v30;
	v50 =	vadd.f32 v41, v30  }
0x15b: {  	v40 =	vld.idx.msk [tilespmem:v23+s7+$0xFFFFFF80 ss:$0x1], $0xffff;
	v45 =	vadd.f32 v45, v30;
	v46 =	vadd.f32 v46, v30  }
0x15c: {  	v41 =	vld.idx.msk [tilespmem:v23+s7+$0xFFFFFF90 ss:$0x1], $0xffff;
	v39 =	vadd.f32 v39, v49;
	v50 =	vadd.f32 v44, v50  }
0x15d: {  	v44 =	vld.idx.msk [tilespmem:v23+s7+$0xFFFFFF00 ss:$0x1], $0xffff;
	v47 =	vadd.f32 v47, v45;
	v48 =	vadd.f32 v48, v46  }
0x15e: {  	v45 =	vld.idx.msk [tilespmem:v23+s7+$0xFFFFFF10 ss:$0x1], $0xffff;
	v49 =	vadd.f32 v35, v39;
	v50 =	vadd.f32 v38, v50  }
0x15f: {  	s30 =	simm.s32 $0xA00;
	v46 =	vld.idx.msk [tilespmem:v23+s7+$0xFFFFFF20 ss:$0x1], $0xffff;
	v39 =	vimm.f32 $0.0e+00;
	v38 =	vimm.f32 $0.0e+00;
	v35 =	vimm.f32 $0.0e+00  }
.LBB2_12:
0x160: {  	p1 =	sne.s32 s30, $0x2800;
	v51 =	vld.idx.msk [tilespmem:v23+s7+$0xFFFFFF30 ss:$0x1], $0xffff;
	v42 =	vadd.f32 v42, v47;
	v43 =	vadd.f32 v43, v48  }
0x161: {  	v47 =	vld.idx.msk [tilespmem:v23+s7+$0xFFFFFFA0 ss:$0x1], $0xffff;
	v33 =	vadd.f32 v33, v49;
	v37 =	vadd.f32 v37, v50  }
0x162: {  	v48 =	vld.idx.msk [tilespmem:v23+s7+$0xFFFFFFB0 ss:$0x1], $0xffff;
	v32 =	vadd.f32 v32, v42;
	v34 =	vadd.f32 v34, v43  }
0x163: {  	v42 =	vld.idx.msk [tilespmem:v23+s7+$0x20 ss:$0x1], $0xffff;
	v49 =	vadd.f32 v26, v33;
	v50 =	vadd.f32 v27, v37  }
0x164: {  	v33 =	vld.idx.msk [tilespmem:v23+s7+$0x30 ss:$0x1], $0xffff;
	v52 =	vadd.f32 v28, v32;
	v53 =	vadd.f32 v29, v34  }
0x165: {  	v26 =	vadd.f32 v44, v30;
	v27 =	vadd.f32 v45, v39;
	v30 =	vld.idx.msk [tilespmem:v23+s7+$0xA0 ss:$0x1], $0xffff  }
0x166: {  	v28 =	vadd.f32 v46, v38;
	v29 =	vadd.f32 v51, v35;
	v32 =	vld.idx.msk [tilespmem:v23+s7+$0xB0 ss:$0x1], $0xffff  }
0x167: {  	v34 =	vadd.f32 v40, v26;
	v27 =	vadd.f32 v41, v27;
	v35 =	vld.idx.msk [tilespmem:v23+s7+$0x120 ss:$0x1], $0xffff  }
0x168: {  	v28 =	vadd.f32 v47, v28;
	v29 =	vadd.f32 v48, v29;
	v37 =	vld.idx.msk [tilespmem:v23+s7+$0x130 ss:$0x1], $0xffff;
	s7 =	sshra.s32 s30, $0x2  }
0x169: {  	v34 =	vadd.f32 v36, v34;
	v31 =	vadd.f32 v31, v27;
	v26 =	vld.idx.msk [tilespmem:v23+s7+$0xC0 ss:$0x1], $0xffff  }
0x16a: {  	v36 =	vadd.f32 v42, v28;
	v33 =	vadd.f32 v33, v29;
	v27 =	vld.idx.msk [tilespmem:v23+s7+$0xD0 ss:$0x1], $0xffff  }
0x16b: {  	v25 =	vadd.f32 v25, v34;
	v24 =	vadd.f32 v24, v31;
	v28 =	vld.idx.msk [tilespmem:v23+s7+$0xE0 ss:$0x1], $0xffff  }
0x16c: {  	v31 =	vadd.f32 v30, v36;
	v32 =	vadd.f32 v32, v33;
	v29 =	vld.idx.msk [tilespmem:v23+s7+$0xF0 ss:$0x1], $0xffff  }
0x16d: {  	v30 =	vadd.f32 v22, v25;
	v39 =	vadd.f32 v21, v24;
	v22 =	vld.idx.msk [tilespmem:v23+s7+$0x100 ss:$0x1], $0xffff  }
0x16e: {  	v38 =	vadd.f32 v35, v31;
	v35 =	vadd.f32 v37, v32;
	v21 =	vld.idx.msk [tilespmem:v23+s7+$0x110 ss:$0x1], $0xffff  }
0x16f: {  	v33 =	vld.idx.msk [tilespmem:v23+s7+$0x40 ss:$0x1], $0xffff  }
0x170: {  	v37 =	vld.idx.msk [tilespmem:v23+s7+$0x50 ss:$0x1], $0xffff  }
0x171: {  	v32 =	vld.idx.msk [tilespmem:v23+s7+$0x60 ss:$0x1], $0xffff  }
0x172: {  	v34 =	vld.idx.msk [tilespmem:v23+s7+$0x70 ss:$0x1], $0xffff  }
0x173: {  	v25 =	vld.idx.msk [tilespmem:v23+s7+$0x80 ss:$0x1], $0xffff  }
0x174: {  	v24 =	vld.idx.msk [tilespmem:v23+s7+$0x90 ss:$0x1], $0xffff  }
0x175: {  	v51 =	vld.idx.msk [tilespmem:v23+s7+$0xFFFFFFC0 ss:$0x1], $0xffff  }
0x176: {  	v54 =	vld.idx.msk [tilespmem:v23+s7+$0xFFFFFFD0 ss:$0x1], $0xffff  }
0x177: {  	v42 =	vld.idx.msk [tilespmem:v23+s7+$0xFFFFFFE0 ss:$0x1], $0xffff  }
0x178: {  	v43 =	vld.idx.msk [tilespmem:v23+s7+$0xFFFFFFF0 ss:$0x1], $0xffff  }
0x179: {  	v45 =	vld.idx.msk [tilespmem:v23+s7+$0xFFFFFF40 ss:$0x1], $0xffff  }
0x17a: {  	v46 =	vld.idx.msk [tilespmem:v23+s7+$0xFFFFFF50 ss:$0x1], $0xffff  }
0x17b: {  	v40 =	vld.idx.msk [tilespmem:v23+s7+$0xFFFFFEC0 ss:$0x1], $0xffff  }
0x17c: {  	v41 =	vld.idx.msk [tilespmem:v23+s7+$0xFFFFFED0 ss:$0x1], $0xffff  }
0x17d: {  	v44 =	vld.idx.msk [tilespmem:v23+s7+$0xFFFFFEE0 ss:$0x1], $0xffff  }
0x17e: {  	v47 =	vld.idx.msk [tilespmem:v23+s7+$0xFFFFFEF0 ss:$0x1], $0xffff  }
0x17f: {  	v48 =	vld.idx.msk [tilespmem:v23+s7+$0xFFFFFF60 ss:$0x1], $0xffff  }
0x180: {  	v55 =	vld.idx.msk [tilespmem:v23+s7+$0xFFFFFF70 ss:$0x1], $0xffff  }
0x181: {  	v36 =	vld.idx.msk [tilespmem:v23+s7+$0x0 ss:$0x1], $0xffff  }
0x182: {  	v31 =	vld.idx.msk [tilespmem:v23+s7+$0x10 ss:$0x1], $0xffff  }
.Ltmp4:
0x183: {  	v49 =	vadd.f32 v40, v49;
	v50 =	vadd.f32 v41, v50;
	v40 =	vld.idx.msk [tilespmem:v23+s7+$0xFFFFFF80 ss:$0x1], $0xffff;
	(pc) =	sbr.rel @p1 .LBB2_12-.Ltmp4, $4  }
0x184: {  	v52 =	vadd.f32 v44, v52;
	v53 =	vadd.f32 v47, v53;
	v41 =	vld.idx.msk [tilespmem:v23+s7+$0xFFFFFF90 ss:$0x1], $0xffff  }
0x185: {  	v49 =	vadd.f32 v45, v49;
	v50 =	vadd.f32 v46, v50;
	v44 =	vld.idx.msk [tilespmem:v23+s7+$0xFFFFFF00 ss:$0x1], $0xffff  }
0x186: {  	v47 =	vadd.f32 v48, v52;
	v48 =	vadd.f32 v55, v53;
	v45 =	vld.idx.msk [tilespmem:v23+s7+$0xFFFFFF10 ss:$0x1], $0xffff  }
0x187: {  	s30 =	sadd.s32 $0xA00, s30;
	v49 =	vadd.f32 v51, v49;
	v50 =	vadd.f32 v54, v50;
	v46 =	vld.idx.msk [tilespmem:v23+s7+$0xFFFFFF20 ss:$0x1], $0xffff  }
0x188: {  	_ =	sdelay $0x1  }
0x189: {  	v42 =	vadd.f32 v42, v47;
	v43 =	vadd.f32 v43, v48  }
0x18a: {  	v33 =	vadd.f32 v33, v49;
	v37 =	vadd.f32 v37, v50  }
0x18b: {  	v63 =	vld.idx.msk [tilespmem:v23+s7+$0xFFFFFF30 ss:$0x1], $0xffff;
	v32 =	vadd.f32 v32, v42;
	v34 =	vadd.f32 v34, v43  }
0x18c: {  	v52 =	vld.idx.msk [tilespmem:v23+s7+$0xFFFFFFA0 ss:$0x1], $0xffff;
	v30 =	vadd.f32 v44, v30;
	v26 =	vadd.f32 v26, v33  }
0x18d: {  	v53 =	vld.idx.msk [tilespmem:v23+s7+$0xFFFFFFB0 ss:$0x1], $0xffff;
	v27 =	vadd.f32 v27, v37;
	v56 =	vadd.f32 v45, v39  }
0x18e: {  	v54 =	vld.idx.msk [tilespmem:v23+s7+$0x20 ss:$0x1], $0xffff;
	v28 =	vadd.f32 v28, v32;
	v29 =	vadd.f32 v29, v34  }
0x18f: {  	v55 =	vld.idx.msk [tilespmem:v23+s7+$0x30 ss:$0x1], $0xffff;
	v38 =	vadd.f32 v46, v38;
	v30 =	vadd.f32 v40, v30  }
0x190: {  	v57 =	vld.idx.msk [tilespmem:v23+s7+$0xA0 ss:$0x1], $0xffff;
	v35 =	vadd.f32 v63, v35;
	v34 =	vadd.f32 v41, v56  }
0x191: {  	v58 =	vld.idx.msk [tilespmem:v23+s7+$0xB0 ss:$0x1], $0xffff;
	s2 =	sshll.u32 s0, $0x7;
	v38 =	vadd.f32 v52, v38;
	v30 =	vadd.f32 v36, v30  }
0x192: {  	v59 =	vld.idx.msk [tilespmem:v23+s7+$0x120 ss:$0x1], $0xffff;
	s2 =	sand.u32 $0x3FFFFF80, s2;
	v35 =	vadd.f32 v53, v35;
	v31 =	vadd.f32 v31, v34  }
0x193: {  	v23 =	vld.idx.msk [tilespmem:v23+s7+$0x130 ss:$0x1], $0xffff;
	[tilespmem:s2+$0x1D8A0] =	vst v26;
	v33 =	vadd.f32 v54, v38;
	v25 =	vadd.f32 v25, v30  }
0x194: {  	s0 =	sadd.s32 $0x1, s0;
	[tilespmem:s2+$0x1D8B0] =	vst v27;
	v60 =	vadd.f32 v55, v35;
	v24 =	vadd.f32 v24, v31  }
0x195: {  	p1 =	sne.s32 s0, $0x8;
	[tilespmem:s2+$0x1D8C0] =	vst v28;
	v61 =	vadd.f32 v57, v33;
	v22 =	vadd.f32 v22, v25  }
.Ltmp5:
0x196: {  	[tilespmem:s2+$0x1D8D0] =	vst v29;
	v62 =	vadd.f32 v58, v60;
	v21 =	vadd.f32 v21, v24;
	(pc) =	sbr.rel @p1 .LBB2_11-.Ltmp5, $4  }
0x197: {  	v63 =	vadd.f32 v59, v61;
	[tilespmem:s2+$0x1D8E0] =	vst v22  }
0x198: {  	v22 =	vadd.f32 v23, v62;
	[tilespmem:s2+$0x1D8F0] =	vst v21  }
0x199: {  	[tilespmem:s2+$0x1D900] =	vst v63  }
0x19a: {  	s4 =	sadd.s32 $0xC80, s4;
	[tilespmem:s2+$0x1D910] =	vst v22  }
0x19b: {  	p1 =	sne.s32 s28, $0x9  }
.Ltmp6:
0x19c: {  	_ = 	snop;
	(pc) =	sbr.rel @p1 .LBB2_16-.Ltmp6, $4  }
0x19d: {  	s0 =	sshll.u32 s28, $0xE  }
0x19e: {  	s4 =	sor.u32 s5, s0  }
0x19f: {  	s0 =	sadd.s32 s6, s4  }
0x1a0: {  	[hbm4b:s0+s3] =	stream.linear.scatter [tilespmem:s17], [sflag:$0x6], $0x400, $0x38;
	[tilespmem:$0x1E0A0] =	vst v63  }
.Ltmp7:
0x1a1: {  	(pc) =	sbr.rel .LBB2_17-.Ltmp7, $4  }
0x1a2: {  	_ = 	snop  }
0x1a3: {  	_ =	swait.ge [sflag:s11], $0x6400  }
0x1a4: {  	[sflag:s11] =	ssyncset.done $0x0  }
0x1a5: {  	[sflag:s11] =	ssyncadd.s32 $0xFFFF9C00  }
.LBB2_16:
0x1a6: {  	s0 =	sadd.s32 $0x2C80, s23;
	s2 =	simm.s32 $0x48A0  }
0x1a7: {  	[tilespmem:s2], [sflag:$0x2] =	stream.indirect.gather [hbm4b:s1+s31], $0x80, s0, s31, $0xb8;
	[tilespmem:$0x1E0A0] =	vst v63  }
0x1a8: {  	s7 =	sadd.s32 $0x2CC0, s23;
	s30 =	simm.s32 $0x68A0  }
0x1a9: {  	[tilespmem:s30], [sflag:$0x2] =	stream.indirect.gather [hbm4b:s1+s31], $0x80, s7, s31, $0xb8;
	[tilespmem:$0x1E0A0] =	vst v63  }
.Ltmp8:
0x1aa: {  	s7 =	sadd.s32 $0x2D00, s23;
	s30 =	simm.s32 $0x88A0;
	(pc) =	sbr.rel @p0 .LBB2_18-.Ltmp8, $4  }
0x1ab: {  	[tilespmem:s30], [sflag:$0x2] =	stream.indirect.gather [hbm4b:s1+s13], $0x80, s7, s13, $0xb8;
	[tilespmem:$0x1E0A0] =	vst v63  }
0x1ac: {  	_ =	swait.ge [sflag:s11], $0x6400  }
0x1ad: {  	[sflag:s11] =	ssyncset.done $0x0  }
0x1ae: {  	[sflag:s11] =	ssyncadd.s32 $0xFFFF9C00  }
.LBB2_17:
0x1af: {  	_ =	swait.ge [sflag:s8], $0x400  }
0x1b0: {  	[sflag:s8] =	ssyncset.done $0x0  }
0x1b1: {  	[sflag:s8] =	ssyncadd.s32 $0xFFFFFC00  }
.LBB2_18:
0x1b2: {  	s0 =	simm.s32 $0x0;
	s7 =	simm.s32 $0xADE0  }
.LBB2_19:
0x1b3: {  	v23 =	vmov s7;
	_ =	sdelay $0x3  }
0x1b4: {  	s30 =	simm.s32 $0x0  }
0x1b5: {  	v26 =	vld.idx.msk [tilespmem:v23+s30+$0xC0 ss:$0x1], $0xffff  }
0x1b6: {  	v27 =	vld.idx.msk [tilespmem:v23+s30+$0xD0 ss:$0x1], $0xffff  }
0x1b7: {  	v28 =	vld.idx.msk [tilespmem:v23+s30+$0xE0 ss:$0x1], $0xffff  }
0x1b8: {  	v29 =	vld.idx.msk [tilespmem:v23+s30+$0xF0 ss:$0x1], $0xffff  }
0x1b9: {  	v22 =	vld.idx.msk [tilespmem:v23+s30+$0x100 ss:$0x1], $0xffff  }
0x1ba: {  	v21 =	vld.idx.msk [tilespmem:v23+s30+$0x110 ss:$0x1], $0xffff  }
0x1bb: {  	v33 =	vld.idx.msk [tilespmem:v23+s30+$0x40 ss:$0x1], $0xffff  }
0x1bc: {  	v37 =	vld.idx.msk [tilespmem:v23+s30+$0x50 ss:$0x1], $0xffff  }
0x1bd: {  	v32 =	vld.idx.msk [tilespmem:v23+s30+$0x60 ss:$0x1], $0xffff  }
0x1be: {  	v34 =	vld.idx.msk [tilespmem:v23+s30+$0x70 ss:$0x1], $0xffff  }
0x1bf: {  	v25 =	vld.idx.msk [tilespmem:v23+s30+$0x80 ss:$0x1], $0xffff  }
0x1c0: {  	v24 =	vld.idx.msk [tilespmem:v23+s30+$0x90 ss:$0x1], $0xffff  }
0x1c1: {  	v35 =	vld.idx.msk [tilespmem:v23+s30+$0xFFFFFFC0 ss:$0x1], $0xffff  }
0x1c2: {  	v38 =	vld.idx.msk [tilespmem:v23+s30+$0xFFFFFFD0 ss:$0x1], $0xffff  }
0x1c3: {  	v42 =	vld.idx.msk [tilespmem:v23+s30+$0xFFFFFFE0 ss:$0x1], $0xffff  }
0x1c4: {  	v43 =	vld.idx.msk [tilespmem:v23+s30+$0xFFFFFFF0 ss:$0x1], $0xffff  }
0x1c5: {  	v39 =	vld.idx.msk [tilespmem:v23+s30+$0xFFFFFF40 ss:$0x1], $0xffff  }
0x1c6: {  	v44 =	vld.idx.msk [tilespmem:v23+s30+$0xFFFFFF50 ss:$0x1], $0xffff  }
0x1c7: {  	v40 =	vld.idx.msk [tilespmem:v23+s30+$0xFFFFFEC0 ss:$0x1], $0xffff  }
0x1c8: {  	v41 =	vld.idx.msk [tilespmem:v23+s30+$0xFFFFFED0 ss:$0x1], $0xffff  }
0x1c9: {  	v45 =	vld.idx.msk [tilespmem:v23+s30+$0xFFFFFEE0 ss:$0x1], $0xffff  }
0x1ca: {  	v46 =	vld.idx.msk [tilespmem:v23+s30+$0xFFFFFEF0 ss:$0x1], $0xffff  }
0x1cb: {  	v47 =	vld.idx.msk [tilespmem:v23+s30+$0xFFFFFF60 ss:$0x1], $0xffff  }
0x1cc: {  	v48 =	vld.idx.msk [tilespmem:v23+s30+$0xFFFFFF70 ss:$0x1], $0xffff  }
0x1cd: {  	v30 =	vimm.f32 $0.0e+00;
	v36 =	vld.idx.msk [tilespmem:v23+s30+$0x0 ss:$0x1], $0xffff  }
0x1ce: {  	v31 =	vld.idx.msk [tilespmem:v23+s30+$0x10 ss:$0x1], $0xffff;
	v49 =	vadd.f32 v40, v30;
	v50 =	vadd.f32 v41, v30  }
0x1cf: {  	v40 =	vld.idx.msk [tilespmem:v23+s30+$0xFFFFFF80 ss:$0x1], $0xffff;
	v45 =	vadd.f32 v45, v30;
	v46 =	vadd.f32 v46, v30  }
0x1d0: {  	v41 =	vld.idx.msk [tilespmem:v23+s30+$0xFFFFFF90 ss:$0x1], $0xffff;
	v39 =	vadd.f32 v39, v49;
	v50 =	vadd.f32 v44, v50  }
0x1d1: {  	v44 =	vld.idx.msk [tilespmem:v23+s30+$0xFFFFFF00 ss:$0x1], $0xffff;
	v47 =	vadd.f32 v47, v45;
	v48 =	vadd.f32 v48, v46  }
0x1d2: {  	v45 =	vld.idx.msk [tilespmem:v23+s30+$0xFFFFFF10 ss:$0x1], $0xffff;
	v49 =	vadd.f32 v35, v39;
	v50 =	vadd.f32 v38, v50  }
0x1d3: {  	s2 =	simm.s32 $0xA00;
	v46 =	vld.idx.msk [tilespmem:v23+s30+$0xFFFFFF20 ss:$0x1], $0xffff;
	v39 =	vimm.f32 $0.0e+00;
	v38 =	vimm.f32 $0.0e+00;
	v35 =	vimm.f32 $0.0e+00  }
.LBB2_20:
0x1d4: {  	p0 =	sne.s32 s2, $0x2800;
	v51 =	vld.idx.msk [tilespmem:v23+s30+$0xFFFFFF30 ss:$0x1], $0xffff;
	v42 =	vadd.f32 v42, v47;
	v43 =	vadd.f32 v43, v48  }
0x1d5: {  	v47 =	vld.idx.msk [tilespmem:v23+s30+$0xFFFFFFA0 ss:$0x1], $0xffff;
	v33 =	vadd.f32 v33, v49;
	v37 =	vadd.f32 v37, v50  }
0x1d6: {  	v48 =	vld.idx.msk [tilespmem:v23+s30+$0xFFFFFFB0 ss:$0x1], $0xffff;
	v32 =	vadd.f32 v32, v42;
	v34 =	vadd.f32 v34, v43  }
0x1d7: {  	v42 =	vld.idx.msk [tilespmem:v23+s30+$0x20 ss:$0x1], $0xffff;
	v49 =	vadd.f32 v26, v33;
	v50 =	vadd.f32 v27, v37  }
0x1d8: {  	v33 =	vld.idx.msk [tilespmem:v23+s30+$0x30 ss:$0x1], $0xffff;
	v52 =	vadd.f32 v28, v32;
	v53 =	vadd.f32 v29, v34  }
0x1d9: {  	v26 =	vadd.f32 v44, v30;
	v27 =	vadd.f32 v45, v39;
	v30 =	vld.idx.msk [tilespmem:v23+s30+$0xA0 ss:$0x1], $0xffff  }
0x1da: {  	v28 =	vadd.f32 v46, v38;
	v29 =	vadd.f32 v51, v35;
	v32 =	vld.idx.msk [tilespmem:v23+s30+$0xB0 ss:$0x1], $0xffff  }
0x1db: {  	v34 =	vadd.f32 v40, v26;
	v27 =	vadd.f32 v41, v27;
	v35 =	vld.idx.msk [tilespmem:v23+s30+$0x120 ss:$0x1], $0xffff  }
0x1dc: {  	v28 =	vadd.f32 v47, v28;
	v29 =	vadd.f32 v48, v29;
	v37 =	vld.idx.msk [tilespmem:v23+s30+$0x130 ss:$0x1], $0xffff;
	s30 =	sshra.s32 s2, $0x2  }
0x1dd: {  	v34 =	vadd.f32 v36, v34;
	v31 =	vadd.f32 v31, v27;
	v26 =	vld.idx.msk [tilespmem:v23+s30+$0xC0 ss:$0x1], $0xffff  }
0x1de: {  	v36 =	vadd.f32 v42, v28;
	v33 =	vadd.f32 v33, v29;
	v27 =	vld.idx.msk [tilespmem:v23+s30+$0xD0 ss:$0x1], $0xffff  }
0x1df: {  	v25 =	vadd.f32 v25, v34;
	v24 =	vadd.f32 v24, v31;
	v28 =	vld.idx.msk [tilespmem:v23+s30+$0xE0 ss:$0x1], $0xffff  }
0x1e0: {  	v31 =	vadd.f32 v30, v36;
	v32 =	vadd.f32 v32, v33;
	v29 =	vld.idx.msk [tilespmem:v23+s30+$0xF0 ss:$0x1], $0xffff  }
0x1e1: {  	v30 =	vadd.f32 v22, v25;
	v39 =	vadd.f32 v21, v24;
	v22 =	vld.idx.msk [tilespmem:v23+s30+$0x100 ss:$0x1], $0xffff  }
0x1e2: {  	v38 =	vadd.f32 v35, v31;
	v35 =	vadd.f32 v37, v32;
	v21 =	vld.idx.msk [tilespmem:v23+s30+$0x110 ss:$0x1], $0xffff  }
0x1e3: {  	v33 =	vld.idx.msk [tilespmem:v23+s30+$0x40 ss:$0x1], $0xffff  }
0x1e4: {  	v37 =	vld.idx.msk [tilespmem:v23+s30+$0x50 ss:$0x1], $0xffff  }
0x1e5: {  	v32 =	vld.idx.msk [tilespmem:v23+s30+$0x60 ss:$0x1], $0xffff  }
0x1e6: {  	v34 =	vld.idx.msk [tilespmem:v23+s30+$0x70 ss:$0x1], $0xffff  }
0x1e7: {  	v25 =	vld.idx.msk [tilespmem:v23+s30+$0x80 ss:$0x1], $0xffff  }
0x1e8: {  	v24 =	vld.idx.msk [tilespmem:v23+s30+$0x90 ss:$0x1], $0xffff  }
0x1e9: {  	v51 =	vld.idx.msk [tilespmem:v23+s30+$0xFFFFFFC0 ss:$0x1], $0xffff  }
0x1ea: {  	v54 =	vld.idx.msk [tilespmem:v23+s30+$0xFFFFFFD0 ss:$0x1], $0xffff  }
0x1eb: {  	v42 =	vld.idx.msk [tilespmem:v23+s30+$0xFFFFFFE0 ss:$0x1], $0xffff  }
0x1ec: {  	v43 =	vld.idx.msk [tilespmem:v23+s30+$0xFFFFFFF0 ss:$0x1], $0xffff  }
0x1ed: {  	v45 =	vld.idx.msk [tilespmem:v23+s30+$0xFFFFFF40 ss:$0x1], $0xffff  }
0x1ee: {  	v46 =	vld.idx.msk [tilespmem:v23+s30+$0xFFFFFF50 ss:$0x1], $0xffff  }
0x1ef: {  	v40 =	vld.idx.msk [tilespmem:v23+s30+$0xFFFFFEC0 ss:$0x1], $0xffff  }
0x1f0: {  	v41 =	vld.idx.msk [tilespmem:v23+s30+$0xFFFFFED0 ss:$0x1], $0xffff  }
0x1f1: {  	v44 =	vld.idx.msk [tilespmem:v23+s30+$0xFFFFFEE0 ss:$0x1], $0xffff  }
0x1f2: {  	v47 =	vld.idx.msk [tilespmem:v23+s30+$0xFFFFFEF0 ss:$0x1], $0xffff  }
0x1f3: {  	v48 =	vld.idx.msk [tilespmem:v23+s30+$0xFFFFFF60 ss:$0x1], $0xffff  }
0x1f4: {  	v55 =	vld.idx.msk [tilespmem:v23+s30+$0xFFFFFF70 ss:$0x1], $0xffff  }
0x1f5: {  	v36 =	vld.idx.msk [tilespmem:v23+s30+$0x0 ss:$0x1], $0xffff  }
0x1f6: {  	v31 =	vld.idx.msk [tilespmem:v23+s30+$0x10 ss:$0x1], $0xffff  }
.Ltmp9:
0x1f7: {  	v49 =	vadd.f32 v40, v49;
	v50 =	vadd.f32 v41, v50;
	v40 =	vld.idx.msk [tilespmem:v23+s30+$0xFFFFFF80 ss:$0x1], $0xffff;
	(pc) =	sbr.rel @p0 .LBB2_20-.Ltmp9, $4  }
0x1f8: {  	v52 =	vadd.f32 v44, v52;
	v53 =	vadd.f32 v47, v53;
	v41 =	vld.idx.msk [tilespmem:v23+s30+$0xFFFFFF90 ss:$0x1], $0xffff  }
0x1f9: {  	v49 =	vadd.f32 v45, v49;
	v50 =	vadd.f32 v46, v50;
	v44 =	vld.idx.msk [tilespmem:v23+s30+$0xFFFFFF00 ss:$0x1], $0xffff  }
0x1fa: {  	v47 =	vadd.f32 v48, v52;
	v48 =	vadd.f32 v55, v53;
	v45 =	vld.idx.msk [tilespmem:v23+s30+$0xFFFFFF10 ss:$0x1], $0xffff  }
0x1fb: {  	s2 =	sadd.s32 $0xA00, s2;
	v49 =	vadd.f32 v51, v49;
	v50 =	vadd.f32 v54, v50;
	v46 =	vld.idx.msk [tilespmem:v23+s30+$0xFFFFFF20 ss:$0x1], $0xffff  }
0x1fc: {  	_ =	sdelay $0x1  }
0x1fd: {  	v42 =	vadd.f32 v42, v47;
	v43 =	vadd.f32 v43, v48  }
0x1fe: {  	v33 =	vadd.f32 v33, v49;
	v37 =	vadd.f32 v37, v50  }
0x1ff: {  	v63 =	vld.idx.msk [tilespmem:v23+s30+$0xFFFFFF30 ss:$0x1], $0xffff;
	v32 =	vadd.f32 v32, v42;
	v34 =	vadd.f32 v34, v43  }
0x200: {  	v52 =	vld.idx.msk [tilespmem:v23+s30+$0xFFFFFFA0 ss:$0x1], $0xffff;
	v30 =	vadd.f32 v44, v30;
	v26 =	vadd.f32 v26, v33  }
0x201: {  	v53 =	vld.idx.msk [tilespmem:v23+s30+$0xFFFFFFB0 ss:$0x1], $0xffff;
	v27 =	vadd.f32 v27, v37;
	v56 =	vadd.f32 v45, v39  }
0x202: {  	v54 =	vld.idx.msk [tilespmem:v23+s30+$0x20 ss:$0x1], $0xffff;
	v28 =	vadd.f32 v28, v32;
	v29 =	vadd.f32 v29, v34  }
0x203: {  	v55 =	vld.idx.msk [tilespmem:v23+s30+$0x30 ss:$0x1], $0xffff;
	v38 =	vadd.f32 v46, v38;
	v30 =	vadd.f32 v40, v30  }
0x204: {  	v57 =	vld.idx.msk [tilespmem:v23+s30+$0xA0 ss:$0x1], $0xffff;
	v35 =	vadd.f32 v63, v35;
	v34 =	vadd.f32 v41, v56  }
0x205: {  	v58 =	vld.idx.msk [tilespmem:v23+s30+$0xB0 ss:$0x1], $0xffff;
	s2 =	sshll.u32 s0, $0x7;
	v38 =	vadd.f32 v52, v38;
	v30 =	vadd.f32 v36, v30  }
0x206: {  	v59 =	vld.idx.msk [tilespmem:v23+s30+$0x120 ss:$0x1], $0xffff;
	s2 =	sand.u32 $0x3FFFFF80, s2;
	v35 =	vadd.f32 v53, v35;
	v31 =	vadd.f32 v31, v34  }
0x207: {  	v23 =	vld.idx.msk [tilespmem:v23+s30+$0x130 ss:$0x1], $0xffff;
	[tilespmem:s2+$0x1DCA0] =	vst v26;
	v33 =	vadd.f32 v54, v38;
	v25 =	vadd.f32 v25, v30  }
0x208: {  	s0 =	sadd.s32 $0x1, s0;
	[tilespmem:s2+$0x1DCB0] =	vst v27;
	v60 =	vadd.f32 v55, v35;
	v24 =	vadd.f32 v24, v31  }
0x209: {  	p0 =	sne.s32 s0, $0x8;
	[tilespmem:s2+$0x1DCC0] =	vst v28;
	v61 =	vadd.f32 v57, v33;
	v22 =	vadd.f32 v22, v25  }
.Ltmp10:
0x20a: {  	[tilespmem:s2+$0x1DCD0] =	vst v29;
	v62 =	vadd.f32 v58, v60;
	v21 =	vadd.f32 v21, v24;
	(pc) =	sbr.rel @p0 .LBB2_19-.Ltmp10, $4  }
0x20b: {  	v63 =	vadd.f32 v59, v61;
	[tilespmem:s2+$0x1DCE0] =	vst v22  }
0x20c: {  	v22 =	vadd.f32 v23, v62;
	[tilespmem:s2+$0x1DCF0] =	vst v21  }
0x20d: {  	[tilespmem:s2+$0x1DD00] =	vst v63  }
0x20e: {  	s7 =	sadd.s32 $0xC80, s7;
	[tilespmem:s2+$0x1DD10] =	vst v22  }
0x20f: {  	p0 =	seq.s32 s28, $0x9;
	s0 =	sadd.s32 s4, s19  }
0x210: {  	[hbm4b:s0+s3] =	stream.linear.scatter [tilespmem:s18], [sflag:$0x7], $0x400, $0x38;
	[tilespmem:$0x1E0A0] =	vst v63  }
0x211: {  	s0 =	sadd.s32 @!p0 $0x2D48, s23;
	s2 =	simm.s32 @!p0 $0x40;
	s7 =	simm.s32 @!p0 $0xACA0  }
0x212: {  	[tilespmem:s7], [sflag:$0x3] =	stream.indirect.gather @!p0 [hbm4b:s1+s2], $0x80, s0, s2, $0xb8;
	[tilespmem:$0x1E0A0] =	vst v63  }
0x213: {  	s0 =	sadd.s32 @!p0 $0x2D88, s23;
	s7 =	simm.s32 @!p0 $0xCCA0  }
0x214: {  	[tilespmem:s7], [sflag:$0x3] =	stream.indirect.gather @!p0 [hbm4b:s1+s2], $0x80, s0, s2, $0xb8;
	[tilespmem:$0x1E0A0] =	vst v63  }
0x215: {  	s0 =	sadd.s32 @!p0 $0x2DC8, s23;
	s2 =	simm.s32 @!p0 $0x48;
	s7 =	simm.s32 @!p0 $0xECA0  }
0x216: {  	[tilespmem:s7], [sflag:$0x3] =	stream.indirect.gather @!p0 [hbm4b:s1+s2], $0x80, s0, s2, $0xb8;
	[tilespmem:$0x1E0A0] =	vst v63  }
0x217: {  	_ =	swait.ge [sflag:s22], $0x6400  }
0x218: {  	[sflag:s22] =	ssyncset.done $0x0  }
0x219: {  	[sflag:s22] =	ssyncadd.s32 $0xFFFF9C00  }
0x21a: {  	_ =	swait.ge [sflag:s12], $0x400  }
0x21b: {  	[sflag:s12] =	ssyncset.done $0x0  }
0x21c: {  	s0 =	simm.s32 $0x0;
	s7 =	simm.s32 $0x111E0;
	[sflag:s12] =	ssyncadd.s32 $0xFFFFFC00  }
.LBB2_23:
0x21d: {  	v23 =	vmov s7;
	_ =	sdelay $0x3  }
0x21e: {  	s30 =	simm.s32 $0x0  }
0x21f: {  	v26 =	vld.idx.msk [tilespmem:v23+s30+$0xC0 ss:$0x1], $0xffff  }
0x220: {  	v27 =	vld.idx.msk [tilespmem:v23+s30+$0xD0 ss:$0x1], $0xffff  }
0x221: {  	v28 =	vld.idx.msk [tilespmem:v23+s30+$0xE0 ss:$0x1], $0xffff  }
0x222: {  	v29 =	vld.idx.msk [tilespmem:v23+s30+$0xF0 ss:$0x1], $0xffff  }
0x223: {  	v22 =	vld.idx.msk [tilespmem:v23+s30+$0x100 ss:$0x1], $0xffff  }
0x224: {  	v21 =	vld.idx.msk [tilespmem:v23+s30+$0x110 ss:$0x1], $0xffff  }
0x225: {  	v33 =	vld.idx.msk [tilespmem:v23+s30+$0x40 ss:$0x1], $0xffff  }
0x226: {  	v37 =	vld.idx.msk [tilespmem:v23+s30+$0x50 ss:$0x1], $0xffff  }
0x227: {  	v32 =	vld.idx.msk [tilespmem:v23+s30+$0x60 ss:$0x1], $0xffff  }
0x228: {  	v34 =	vld.idx.msk [tilespmem:v23+s30+$0x70 ss:$0x1], $0xffff  }
0x229: {  	v25 =	vld.idx.msk [tilespmem:v23+s30+$0x80 ss:$0x1], $0xffff  }
0x22a: {  	v24 =	vld.idx.msk [tilespmem:v23+s30+$0x90 ss:$0x1], $0xffff  }
0x22b: {  	v35 =	vld.idx.msk [tilespmem:v23+s30+$0xFFFFFFC0 ss:$0x1], $0xffff  }
0x22c: {  	v38 =	vld.idx.msk [tilespmem:v23+s30+$0xFFFFFFD0 ss:$0x1], $0xffff  }
0x22d: {  	v42 =	vld.idx.msk [tilespmem:v23+s30+$0xFFFFFFE0 ss:$0x1], $0xffff  }
0x22e: {  	v43 =	vld.idx.msk [tilespmem:v23+s30+$0xFFFFFFF0 ss:$0x1], $0xffff  }
0x22f: {  	v39 =	vld.idx.msk [tilespmem:v23+s30+$0xFFFFFF40 ss:$0x1], $0xffff  }
0x230: {  	v44 =	vld.idx.msk [tilespmem:v23+s30+$0xFFFFFF50 ss:$0x1], $0xffff  }
0x231: {  	v40 =	vld.idx.msk [tilespmem:v23+s30+$0xFFFFFEC0 ss:$0x1], $0xffff  }
0x232: {  	v41 =	vld.idx.msk [tilespmem:v23+s30+$0xFFFFFED0 ss:$0x1], $0xffff  }
0x233: {  	v45 =	vld.idx.msk [tilespmem:v23+s30+$0xFFFFFEE0 ss:$0x1], $0xffff  }
0x234: {  	v46 =	vld.idx.msk [tilespmem:v23+s30+$0xFFFFFEF0 ss:$0x1], $0xffff  }
0x235: {  	v47 =	vld.idx.msk [tilespmem:v23+s30+$0xFFFFFF60 ss:$0x1], $0xffff  }
0x236: {  	v48 =	vld.idx.msk [tilespmem:v23+s30+$0xFFFFFF70 ss:$0x1], $0xffff  }
0x237: {  	v30 =	vimm.f32 $0.0e+00;
	v36 =	vld.idx.msk [tilespmem:v23+s30+$0x0 ss:$0x1], $0xffff  }
0x238: {  	v31 =	vld.idx.msk [tilespmem:v23+s30+$0x10 ss:$0x1], $0xffff;
	v49 =	vadd.f32 v40, v30;
	v50 =	vadd.f32 v41, v30  }
0x239: {  	v40 =	vld.idx.msk [tilespmem:v23+s30+$0xFFFFFF80 ss:$0x1], $0xffff;
	v45 =	vadd.f32 v45, v30;
	v46 =	vadd.f32 v46, v30  }
0x23a: {  	v41 =	vld.idx.msk [tilespmem:v23+s30+$0xFFFFFF90 ss:$0x1], $0xffff;
	v39 =	vadd.f32 v39, v49;
	v50 =	vadd.f32 v44, v50  }
0x23b: {  	v44 =	vld.idx.msk [tilespmem:v23+s30+$0xFFFFFF00 ss:$0x1], $0xffff;
	v47 =	vadd.f32 v47, v45;
	v48 =	vadd.f32 v48, v46  }
0x23c: {  	v45 =	vld.idx.msk [tilespmem:v23+s30+$0xFFFFFF10 ss:$0x1], $0xffff;
	v49 =	vadd.f32 v35, v39;
	v50 =	vadd.f32 v38, v50  }
0x23d: {  	s2 =	simm.s32 $0xA00;
	v46 =	vld.idx.msk [tilespmem:v23+s30+$0xFFFFFF20 ss:$0x1], $0xffff;
	v39 =	vimm.f32 $0.0e+00;
	v38 =	vimm.f32 $0.0e+00;
	v35 =	vimm.f32 $0.0e+00  }
.LBB2_24:
0x23e: {  	p1 =	sne.s32 s2, $0x2800;
	v51 =	vld.idx.msk [tilespmem:v23+s30+$0xFFFFFF30 ss:$0x1], $0xffff;
	v42 =	vadd.f32 v42, v47;
	v43 =	vadd.f32 v43, v48  }
0x23f: {  	v47 =	vld.idx.msk [tilespmem:v23+s30+$0xFFFFFFA0 ss:$0x1], $0xffff;
	v33 =	vadd.f32 v33, v49;
	v37 =	vadd.f32 v37, v50  }
0x240: {  	v48 =	vld.idx.msk [tilespmem:v23+s30+$0xFFFFFFB0 ss:$0x1], $0xffff;
	v32 =	vadd.f32 v32, v42;
	v34 =	vadd.f32 v34, v43  }
0x241: {  	v42 =	vld.idx.msk [tilespmem:v23+s30+$0x20 ss:$0x1], $0xffff;
	v49 =	vadd.f32 v26, v33;
	v50 =	vadd.f32 v27, v37  }
0x242: {  	v33 =	vld.idx.msk [tilespmem:v23+s30+$0x30 ss:$0x1], $0xffff;
	v52 =	vadd.f32 v28, v32;
	v53 =	vadd.f32 v29, v34  }
0x243: {  	v26 =	vadd.f32 v44, v30;
	v27 =	vadd.f32 v45, v39;
	v30 =	vld.idx.msk [tilespmem:v23+s30+$0xA0 ss:$0x1], $0xffff  }
0x244: {  	v28 =	vadd.f32 v46, v38;
	v29 =	vadd.f32 v51, v35;
	v32 =	vld.idx.msk [tilespmem:v23+s30+$0xB0 ss:$0x1], $0xffff  }
0x245: {  	v34 =	vadd.f32 v40, v26;
	v27 =	vadd.f32 v41, v27;
	v35 =	vld.idx.msk [tilespmem:v23+s30+$0x120 ss:$0x1], $0xffff  }
0x246: {  	v28 =	vadd.f32 v47, v28;
	v29 =	vadd.f32 v48, v29;
	v37 =	vld.idx.msk [tilespmem:v23+s30+$0x130 ss:$0x1], $0xffff;
	s30 =	sshra.s32 s2, $0x2  }
0x247: {  	v34 =	vadd.f32 v36, v34;
	v31 =	vadd.f32 v31, v27;
	v26 =	vld.idx.msk [tilespmem:v23+s30+$0xC0 ss:$0x1], $0xffff  }
0x248: {  	v36 =	vadd.f32 v42, v28;
	v33 =	vadd.f32 v33, v29;
	v27 =	vld.idx.msk [tilespmem:v23+s30+$0xD0 ss:$0x1], $0xffff  }
0x249: {  	v25 =	vadd.f32 v25, v34;
	v24 =	vadd.f32 v24, v31;
	v28 =	vld.idx.msk [tilespmem:v23+s30+$0xE0 ss:$0x1], $0xffff  }
0x24a: {  	v31 =	vadd.f32 v30, v36;
	v32 =	vadd.f32 v32, v33;
	v29 =	vld.idx.msk [tilespmem:v23+s30+$0xF0 ss:$0x1], $0xffff  }
0x24b: {  	v30 =	vadd.f32 v22, v25;
	v39 =	vadd.f32 v21, v24;
	v22 =	vld.idx.msk [tilespmem:v23+s30+$0x100 ss:$0x1], $0xffff  }
0x24c: {  	v38 =	vadd.f32 v35, v31;
	v35 =	vadd.f32 v37, v32;
	v21 =	vld.idx.msk [tilespmem:v23+s30+$0x110 ss:$0x1], $0xffff  }
0x24d: {  	v33 =	vld.idx.msk [tilespmem:v23+s30+$0x40 ss:$0x1], $0xffff  }
0x24e: {  	v37 =	vld.idx.msk [tilespmem:v23+s30+$0x50 ss:$0x1], $0xffff  }
0x24f: {  	v32 =	vld.idx.msk [tilespmem:v23+s30+$0x60 ss:$0x1], $0xffff  }
0x250: {  	v34 =	vld.idx.msk [tilespmem:v23+s30+$0x70 ss:$0x1], $0xffff  }
0x251: {  	v25 =	vld.idx.msk [tilespmem:v23+s30+$0x80 ss:$0x1], $0xffff  }
0x252: {  	v24 =	vld.idx.msk [tilespmem:v23+s30+$0x90 ss:$0x1], $0xffff  }
0x253: {  	v51 =	vld.idx.msk [tilespmem:v23+s30+$0xFFFFFFC0 ss:$0x1], $0xffff  }
0x254: {  	v54 =	vld.idx.msk [tilespmem:v23+s30+$0xFFFFFFD0 ss:$0x1], $0xffff  }
0x255: {  	v42 =	vld.idx.msk [tilespmem:v23+s30+$0xFFFFFFE0 ss:$0x1], $0xffff  }
0x256: {  	v43 =	vld.idx.msk [tilespmem:v23+s30+$0xFFFFFFF0 ss:$0x1], $0xffff  }
0x257: {  	v45 =	vld.idx.msk [tilespmem:v23+s30+$0xFFFFFF40 ss:$0x1], $0xffff  }
0x258: {  	v46 =	vld.idx.msk [tilespmem:v23+s30+$0xFFFFFF50 ss:$0x1], $0xffff  }
0x259: {  	v40 =	vld.idx.msk [tilespmem:v23+s30+$0xFFFFFEC0 ss:$0x1], $0xffff  }
0x25a: {  	v41 =	vld.idx.msk [tilespmem:v23+s30+$0xFFFFFED0 ss:$0x1], $0xffff  }
0x25b: {  	v44 =	vld.idx.msk [tilespmem:v23+s30+$0xFFFFFEE0 ss:$0x1], $0xffff  }
0x25c: {  	v47 =	vld.idx.msk [tilespmem:v23+s30+$0xFFFFFEF0 ss:$0x1], $0xffff  }
0x25d: {  	v48 =	vld.idx.msk [tilespmem:v23+s30+$0xFFFFFF60 ss:$0x1], $0xffff  }
0x25e: {  	v55 =	vld.idx.msk [tilespmem:v23+s30+$0xFFFFFF70 ss:$0x1], $0xffff  }
0x25f: {  	v36 =	vld.idx.msk [tilespmem:v23+s30+$0x0 ss:$0x1], $0xffff  }
0x260: {  	v31 =	vld.idx.msk [tilespmem:v23+s30+$0x10 ss:$0x1], $0xffff  }
.Ltmp11:
0x261: {  	v49 =	vadd.f32 v40, v49;
	v50 =	vadd.f32 v41, v50;
	v40 =	vld.idx.msk [tilespmem:v23+s30+$0xFFFFFF80 ss:$0x1], $0xffff;
	(pc) =	sbr.rel @p1 .LBB2_24-.Ltmp11, $4  }
0x262: {  	v52 =	vadd.f32 v44, v52;
	v53 =	vadd.f32 v47, v53;
	v41 =	vld.idx.msk [tilespmem:v23+s30+$0xFFFFFF90 ss:$0x1], $0xffff  }
0x263: {  	v49 =	vadd.f32 v45, v49;
	v50 =	vadd.f32 v46, v50;
	v44 =	vld.idx.msk [tilespmem:v23+s30+$0xFFFFFF00 ss:$0x1], $0xffff  }
0x264: {  	v47 =	vadd.f32 v48, v52;
	v48 =	vadd.f32 v55, v53;
	v45 =	vld.idx.msk [tilespmem:v23+s30+$0xFFFFFF10 ss:$0x1], $0xffff  }
0x265: {  	s2 =	sadd.s32 $0xA00, s2;
	v49 =	vadd.f32 v51, v49;
	v50 =	vadd.f32 v54, v50;
	v46 =	vld.idx.msk [tilespmem:v23+s30+$0xFFFFFF20 ss:$0x1], $0xffff  }
0x266: {  	_ =	sdelay $0x1  }
0x267: {  	v42 =	vadd.f32 v42, v47;
	v43 =	vadd.f32 v43, v48  }
0x268: {  	v33 =	vadd.f32 v33, v49;
	v37 =	vadd.f32 v37, v50  }
0x269: {  	v63 =	vld.idx.msk [tilespmem:v23+s30+$0xFFFFFF30 ss:$0x1], $0xffff;
	v32 =	vadd.f32 v32, v42;
	v34 =	vadd.f32 v34, v43  }
0x26a: {  	v52 =	vld.idx.msk [tilespmem:v23+s30+$0xFFFFFFA0 ss:$0x1], $0xffff;
	v30 =	vadd.f32 v44, v30;
	v26 =	vadd.f32 v26, v33  }
0x26b: {  	v53 =	vld.idx.msk [tilespmem:v23+s30+$0xFFFFFFB0 ss:$0x1], $0xffff;
	v27 =	vadd.f32 v27, v37;
	v56 =	vadd.f32 v45, v39  }
0x26c: {  	v54 =	vld.idx.msk [tilespmem:v23+s30+$0x20 ss:$0x1], $0xffff;
	v28 =	vadd.f32 v28, v32;
	v29 =	vadd.f32 v29, v34  }
0x26d: {  	v55 =	vld.idx.msk [tilespmem:v23+s30+$0x30 ss:$0x1], $0xffff;
	v38 =	vadd.f32 v46, v38;
	v30 =	vadd.f32 v40, v30  }
0x26e: {  	v57 =	vld.idx.msk [tilespmem:v23+s30+$0xA0 ss:$0x1], $0xffff;
	v35 =	vadd.f32 v63, v35;
	v34 =	vadd.f32 v41, v56  }
0x26f: {  	v58 =	vld.idx.msk [tilespmem:v23+s30+$0xB0 ss:$0x1], $0xffff;
	s2 =	sshll.u32 s0, $0x7;
	v38 =	vadd.f32 v52, v38;
	v30 =	vadd.f32 v36, v30  }
0x270: {  	v59 =	vld.idx.msk [tilespmem:v23+s30+$0x120 ss:$0x1], $0xffff;
	s2 =	sand.u32 $0x3FFFFF80, s2;
	v35 =	vadd.f32 v53, v35;
	v31 =	vadd.f32 v31, v34  }
0x271: {  	v23 =	vld.idx.msk [tilespmem:v23+s30+$0x130 ss:$0x1], $0xffff;
	[tilespmem:s2+$0x1D8A0] =	vst v26;
	v33 =	vadd.f32 v54, v38;
	v25 =	vadd.f32 v25, v30  }
0x272: {  	s0 =	sadd.s32 $0x1, s0;
	[tilespmem:s2+$0x1D8B0] =	vst v27;
	v60 =	vadd.f32 v55, v35;
	v24 =	vadd.f32 v24, v31  }
0x273: {  	p1 =	sne.s32 s0, $0x8;
	[tilespmem:s2+$0x1D8C0] =	vst v28;
	v61 =	vadd.f32 v57, v33;
	v22 =	vadd.f32 v22, v25  }
.Ltmp12:
0x274: {  	[tilespmem:s2+$0x1D8D0] =	vst v29;
	v62 =	vadd.f32 v58, v60;
	v21 =	vadd.f32 v21, v24;
	(pc) =	sbr.rel @p1 .LBB2_23-.Ltmp12, $4  }
0x275: {  	v63 =	vadd.f32 v59, v61;
	[tilespmem:s2+$0x1D8E0] =	vst v22  }
0x276: {  	v22 =	vadd.f32 v23, v62;
	[tilespmem:s2+$0x1D8F0] =	vst v21  }
0x277: {  	[tilespmem:s2+$0x1D900] =	vst v63  }
0x278: {  	s7 =	sadd.s32 $0xC80, s7;
	[tilespmem:s2+$0x1D910] =	vst v22  }
0x279: {  	s0 =	sadd.s32 s4, s20  }
0x27a: {  	[hbm4b:s0+s3] =	stream.linear.scatter [tilespmem:s17], [sflag:$0x6], $0x400, $0x38;
	[tilespmem:$0x1E0A0] =	vst v63  }
0x27b: {  	s2 =	simm.s32 @!p0 $0x40;
	s7 =	simm.s32 @!p0 $0x110A0;
	s0 =	sadd.s32 @!p0 $0x2E10, s23  }
0x27c: {  	[tilespmem:s7], [sflag:$0x4] =	stream.indirect.gather @!p0 [hbm4b:s1+s2], $0x80, s0, s2, $0xb8;
	[tilespmem:$0x1E0A0] =	vst v63  }
0x27d: {  	s0 =	sadd.s32 @!p0 $0x2E50, s23;
	s7 =	simm.s32 @!p0 $0x130A0  }
0x27e: {  	[tilespmem:s7], [sflag:$0x4] =	stream.indirect.gather @!p0 [hbm4b:s1+s2], $0x80, s0, s2, $0xb8;
	[tilespmem:$0x1E0A0] =	vst v63  }
0x27f: {  	s0 =	sadd.s32 @!p0 $0x2E90, s23;
	s2 =	simm.s32 @!p0 $0x48;
	s7 =	simm.s32 @!p0 $0x150A0  }
0x280: {  	[tilespmem:s7], [sflag:$0x4] =	stream.indirect.gather @!p0 [hbm4b:s1+s2], $0x80, s0, s2, $0xb8;
	[tilespmem:$0x1E0A0] =	vst v63  }
0x281: {  	_ =	swait.ge [sflag:s24], $0x6400  }
0x282: {  	[sflag:s24] =	ssyncset.done $0x0  }
0x283: {  	[sflag:s24] =	ssyncadd.s32 $0xFFFF9C00  }
0x284: {  	_ =	swait.ge [sflag:s8], $0x400  }
0x285: {  	[sflag:s8] =	ssyncset.done $0x0  }
0x286: {  	s0 =	simm.s32 $0x0;
	s7 =	simm.s32 $0x175E0;
	[sflag:s8] =	ssyncadd.s32 $0xFFFFFC00  }
.LBB2_27:
0x287: {  	v23 =	vmov s7;
	_ =	sdelay $0x3  }
0x288: {  	s23 =	simm.s32 $0x0  }
0x289: {  	v26 =	vld.idx.msk [tilespmem:v23+s23+$0xC0 ss:$0x1], $0xffff  }
0x28a: {  	v27 =	vld.idx.msk [tilespmem:v23+s23+$0xD0 ss:$0x1], $0xffff  }
0x28b: {  	v28 =	vld.idx.msk [tilespmem:v23+s23+$0xE0 ss:$0x1], $0xffff  }
0x28c: {  	v29 =	vld.idx.msk [tilespmem:v23+s23+$0xF0 ss:$0x1], $0xffff  }
0x28d: {  	v22 =	vld.idx.msk [tilespmem:v23+s23+$0x100 ss:$0x1], $0xffff  }
0x28e: {  	v21 =	vld.idx.msk [tilespmem:v23+s23+$0x110 ss:$0x1], $0xffff  }
0x28f: {  	v33 =	vld.idx.msk [tilespmem:v23+s23+$0x40 ss:$0x1], $0xffff  }
0x290: {  	v37 =	vld.idx.msk [tilespmem:v23+s23+$0x50 ss:$0x1], $0xffff  }
0x291: {  	v32 =	vld.idx.msk [tilespmem:v23+s23+$0x60 ss:$0x1], $0xffff  }
0x292: {  	v34 =	vld.idx.msk [tilespmem:v23+s23+$0x70 ss:$0x1], $0xffff  }
0x293: {  	v25 =	vld.idx.msk [tilespmem:v23+s23+$0x80 ss:$0x1], $0xffff  }
0x294: {  	v24 =	vld.idx.msk [tilespmem:v23+s23+$0x90 ss:$0x1], $0xffff  }
0x295: {  	v35 =	vld.idx.msk [tilespmem:v23+s23+$0xFFFFFFC0 ss:$0x1], $0xffff  }
0x296: {  	v38 =	vld.idx.msk [tilespmem:v23+s23+$0xFFFFFFD0 ss:$0x1], $0xffff  }
0x297: {  	v42 =	vld.idx.msk [tilespmem:v23+s23+$0xFFFFFFE0 ss:$0x1], $0xffff  }
0x298: {  	v43 =	vld.idx.msk [tilespmem:v23+s23+$0xFFFFFFF0 ss:$0x1], $0xffff  }
0x299: {  	v39 =	vld.idx.msk [tilespmem:v23+s23+$0xFFFFFF40 ss:$0x1], $0xffff  }
0x29a: {  	v44 =	vld.idx.msk [tilespmem:v23+s23+$0xFFFFFF50 ss:$0x1], $0xffff  }
0x29b: {  	v40 =	vld.idx.msk [tilespmem:v23+s23+$0xFFFFFEC0 ss:$0x1], $0xffff  }
0x29c: {  	v41 =	vld.idx.msk [tilespmem:v23+s23+$0xFFFFFED0 ss:$0x1], $0xffff  }
0x29d: {  	v45 =	vld.idx.msk [tilespmem:v23+s23+$0xFFFFFEE0 ss:$0x1], $0xffff  }
0x29e: {  	v46 =	vld.idx.msk [tilespmem:v23+s23+$0xFFFFFEF0 ss:$0x1], $0xffff  }
0x29f: {  	v47 =	vld.idx.msk [tilespmem:v23+s23+$0xFFFFFF60 ss:$0x1], $0xffff  }
0x2a0: {  	v48 =	vld.idx.msk [tilespmem:v23+s23+$0xFFFFFF70 ss:$0x1], $0xffff  }
0x2a1: {  	v30 =	vimm.f32 $0.0e+00;
	v36 =	vld.idx.msk [tilespmem:v23+s23+$0x0 ss:$0x1], $0xffff  }
0x2a2: {  	v31 =	vld.idx.msk [tilespmem:v23+s23+$0x10 ss:$0x1], $0xffff;
	v49 =	vadd.f32 v40, v30;
	v50 =	vadd.f32 v41, v30  }
0x2a3: {  	v40 =	vld.idx.msk [tilespmem:v23+s23+$0xFFFFFF80 ss:$0x1], $0xffff;
	v45 =	vadd.f32 v45, v30;
	v46 =	vadd.f32 v46, v30  }
0x2a4: {  	v41 =	vld.idx.msk [tilespmem:v23+s23+$0xFFFFFF90 ss:$0x1], $0xffff;
	v39 =	vadd.f32 v39, v49;
	v50 =	vadd.f32 v44, v50  }
0x2a5: {  	v44 =	vld.idx.msk [tilespmem:v23+s23+$0xFFFFFF00 ss:$0x1], $0xffff;
	v47 =	vadd.f32 v47, v45;
	v48 =	vadd.f32 v48, v46  }
0x2a6: {  	v45 =	vld.idx.msk [tilespmem:v23+s23+$0xFFFFFF10 ss:$0x1], $0xffff;
	v49 =	vadd.f32 v35, v39;
	v50 =	vadd.f32 v38, v50  }
0x2a7: {  	s2 =	simm.s32 $0xA00;
	v46 =	vld.idx.msk [tilespmem:v23+s23+$0xFFFFFF20 ss:$0x1], $0xffff;
	v39 =	vimm.f32 $0.0e+00;
	v38 =	vimm.f32 $0.0e+00;
	v35 =	vimm.f32 $0.0e+00  }
.LBB2_28:
0x2a8: {  	p0 =	sne.s32 s2, $0x2800;
	v51 =	vld.idx.msk [tilespmem:v23+s23+$0xFFFFFF30 ss:$0x1], $0xffff;
	v42 =	vadd.f32 v42, v47;
	v43 =	vadd.f32 v43, v48  }
0x2a9: {  	v47 =	vld.idx.msk [tilespmem:v23+s23+$0xFFFFFFA0 ss:$0x1], $0xffff;
	v33 =	vadd.f32 v33, v49;
	v37 =	vadd.f32 v37, v50  }
0x2aa: {  	v48 =	vld.idx.msk [tilespmem:v23+s23+$0xFFFFFFB0 ss:$0x1], $0xffff;
	v32 =	vadd.f32 v32, v42;
	v34 =	vadd.f32 v34, v43  }
0x2ab: {  	v42 =	vld.idx.msk [tilespmem:v23+s23+$0x20 ss:$0x1], $0xffff;
	v49 =	vadd.f32 v26, v33;
	v50 =	vadd.f32 v27, v37  }
0x2ac: {  	v33 =	vld.idx.msk [tilespmem:v23+s23+$0x30 ss:$0x1], $0xffff;
	v52 =	vadd.f32 v28, v32;
	v53 =	vadd.f32 v29, v34  }
0x2ad: {  	v26 =	vadd.f32 v44, v30;
	v27 =	vadd.f32 v45, v39;
	v30 =	vld.idx.msk [tilespmem:v23+s23+$0xA0 ss:$0x1], $0xffff  }
0x2ae: {  	v28 =	vadd.f32 v46, v38;
	v29 =	vadd.f32 v51, v35;
	v32 =	vld.idx.msk [tilespmem:v23+s23+$0xB0 ss:$0x1], $0xffff  }
0x2af: {  	v34 =	vadd.f32 v40, v26;
	v27 =	vadd.f32 v41, v27;
	v35 =	vld.idx.msk [tilespmem:v23+s23+$0x120 ss:$0x1], $0xffff  }
0x2b0: {  	v28 =	vadd.f32 v47, v28;
	v29 =	vadd.f32 v48, v29;
	v37 =	vld.idx.msk [tilespmem:v23+s23+$0x130 ss:$0x1], $0xffff;
	s23 =	sshra.s32 s2, $0x2  }
0x2b1: {  	v34 =	vadd.f32 v36, v34;
	v31 =	vadd.f32 v31, v27;
	v26 =	vld.idx.msk [tilespmem:v23+s23+$0xC0 ss:$0x1], $0xffff  }
0x2b2: {  	v36 =	vadd.f32 v42, v28;
	v33 =	vadd.f32 v33, v29;
	v27 =	vld.idx.msk [tilespmem:v23+s23+$0xD0 ss:$0x1], $0xffff  }
0x2b3: {  	v25 =	vadd.f32 v25, v34;
	v24 =	vadd.f32 v24, v31;
	v28 =	vld.idx.msk [tilespmem:v23+s23+$0xE0 ss:$0x1], $0xffff  }
0x2b4: {  	v31 =	vadd.f32 v30, v36;
	v32 =	vadd.f32 v32, v33;
	v29 =	vld.idx.msk [tilespmem:v23+s23+$0xF0 ss:$0x1], $0xffff  }
0x2b5: {  	v30 =	vadd.f32 v22, v25;
	v39 =	vadd.f32 v21, v24;
	v22 =	vld.idx.msk [tilespmem:v23+s23+$0x100 ss:$0x1], $0xffff  }
0x2b6: {  	v38 =	vadd.f32 v35, v31;
	v35 =	vadd.f32 v37, v32;
	v21 =	vld.idx.msk [tilespmem:v23+s23+$0x110 ss:$0x1], $0xffff  }
0x2b7: {  	v33 =	vld.idx.msk [tilespmem:v23+s23+$0x40 ss:$0x1], $0xffff  }
0x2b8: {  	v37 =	vld.idx.msk [tilespmem:v23+s23+$0x50 ss:$0x1], $0xffff  }
0x2b9: {  	v32 =	vld.idx.msk [tilespmem:v23+s23+$0x60 ss:$0x1], $0xffff  }
0x2ba: {  	v34 =	vld.idx.msk [tilespmem:v23+s23+$0x70 ss:$0x1], $0xffff  }
0x2bb: {  	v25 =	vld.idx.msk [tilespmem:v23+s23+$0x80 ss:$0x1], $0xffff  }
0x2bc: {  	v24 =	vld.idx.msk [tilespmem:v23+s23+$0x90 ss:$0x1], $0xffff  }
0x2bd: {  	v51 =	vld.idx.msk [tilespmem:v23+s23+$0xFFFFFFC0 ss:$0x1], $0xffff  }
0x2be: {  	v54 =	vld.idx.msk [tilespmem:v23+s23+$0xFFFFFFD0 ss:$0x1], $0xffff  }
0x2bf: {  	v42 =	vld.idx.msk [tilespmem:v23+s23+$0xFFFFFFE0 ss:$0x1], $0xffff  }
0x2c0: {  	v43 =	vld.idx.msk [tilespmem:v23+s23+$0xFFFFFFF0 ss:$0x1], $0xffff  }
0x2c1: {  	v45 =	vld.idx.msk [tilespmem:v23+s23+$0xFFFFFF40 ss:$0x1], $0xffff  }
0x2c2: {  	v46 =	vld.idx.msk [tilespmem:v23+s23+$0xFFFFFF50 ss:$0x1], $0xffff  }
0x2c3: {  	v40 =	vld.idx.msk [tilespmem:v23+s23+$0xFFFFFEC0 ss:$0x1], $0xffff  }
0x2c4: {  	v41 =	vld.idx.msk [tilespmem:v23+s23+$0xFFFFFED0 ss:$0x1], $0xffff  }
0x2c5: {  	v44 =	vld.idx.msk [tilespmem:v23+s23+$0xFFFFFEE0 ss:$0x1], $0xffff  }
0x2c6: {  	v47 =	vld.idx.msk [tilespmem:v23+s23+$0xFFFFFEF0 ss:$0x1], $0xffff  }
0x2c7: {  	v48 =	vld.idx.msk [tilespmem:v23+s23+$0xFFFFFF60 ss:$0x1], $0xffff  }
0x2c8: {  	v55 =	vld.idx.msk [tilespmem:v23+s23+$0xFFFFFF70 ss:$0x1], $0xffff  }
0x2c9: {  	v36 =	vld.idx.msk [tilespmem:v23+s23+$0x0 ss:$0x1], $0xffff  }
0x2ca: {  	v31 =	vld.idx.msk [tilespmem:v23+s23+$0x10 ss:$0x1], $0xffff  }
.Ltmp13:
0x2cb: {  	v49 =	vadd.f32 v40, v49;
	v50 =	vadd.f32 v41, v50;
	v40 =	vld.idx.msk [tilespmem:v23+s23+$0xFFFFFF80 ss:$0x1], $0xffff;
	(pc) =	sbr.rel @p0 .LBB2_28-.Ltmp13, $4  }
0x2cc: {  	v52 =	vadd.f32 v44, v52;
	v53 =	vadd.f32 v47, v53;
	v41 =	vld.idx.msk [tilespmem:v23+s23+$0xFFFFFF90 ss:$0x1], $0xffff  }
0x2cd: {  	v49 =	vadd.f32 v45, v49;
	v50 =	vadd.f32 v46, v50;
	v44 =	vld.idx.msk [tilespmem:v23+s23+$0xFFFFFF00 ss:$0x1], $0xffff  }
0x2ce: {  	v47 =	vadd.f32 v48, v52;
	v48 =	vadd.f32 v55, v53;
	v45 =	vld.idx.msk [tilespmem:v23+s23+$0xFFFFFF10 ss:$0x1], $0xffff  }
0x2cf: {  	s2 =	sadd.s32 $0xA00, s2;
	v49 =	vadd.f32 v51, v49;
	v50 =	vadd.f32 v54, v50;
	v46 =	vld.idx.msk [tilespmem:v23+s23+$0xFFFFFF20 ss:$0x1], $0xffff  }
0x2d0: {  	_ =	sdelay $0x1  }
0x2d1: {  	v42 =	vadd.f32 v42, v47;
	v43 =	vadd.f32 v43, v48  }
0x2d2: {  	v33 =	vadd.f32 v33, v49;
	v37 =	vadd.f32 v37, v50  }
0x2d3: {  	v63 =	vld.idx.msk [tilespmem:v23+s23+$0xFFFFFF30 ss:$0x1], $0xffff;
	v32 =	vadd.f32 v32, v42;
	v34 =	vadd.f32 v34, v43  }
0x2d4: {  	v52 =	vld.idx.msk [tilespmem:v23+s23+$0xFFFFFFA0 ss:$0x1], $0xffff;
	v30 =	vadd.f32 v44, v30;
	v26 =	vadd.f32 v26, v33  }
0x2d5: {  	v53 =	vld.idx.msk [tilespmem:v23+s23+$0xFFFFFFB0 ss:$0x1], $0xffff;
	v27 =	vadd.f32 v27, v37;
	v56 =	vadd.f32 v45, v39  }
0x2d6: {  	v54 =	vld.idx.msk [tilespmem:v23+s23+$0x20 ss:$0x1], $0xffff;
	v28 =	vadd.f32 v28, v32;
	v29 =	vadd.f32 v29, v34  }
0x2d7: {  	v55 =	vld.idx.msk [tilespmem:v23+s23+$0x30 ss:$0x1], $0xffff;
	v38 =	vadd.f32 v46, v38;
	v30 =	vadd.f32 v40, v30  }
0x2d8: {  	v57 =	vld.idx.msk [tilespmem:v23+s23+$0xA0 ss:$0x1], $0xffff;
	v35 =	vadd.f32 v63, v35;
	v34 =	vadd.f32 v41, v56  }
0x2d9: {  	v58 =	vld.idx.msk [tilespmem:v23+s23+$0xB0 ss:$0x1], $0xffff;
	s2 =	sshll.u32 s0, $0x7;
	v38 =	vadd.f32 v52, v38;
	v30 =	vadd.f32 v36, v30  }
0x2da: {  	v59 =	vld.idx.msk [tilespmem:v23+s23+$0x120 ss:$0x1], $0xffff;
	s2 =	sand.u32 $0x3FFFFF80, s2;
	v35 =	vadd.f32 v53, v35;
	v31 =	vadd.f32 v31, v34  }
0x2db: {  	v23 =	vld.idx.msk [tilespmem:v23+s23+$0x130 ss:$0x1], $0xffff;
	[tilespmem:s2+$0x1DCA0] =	vst v26;
	v33 =	vadd.f32 v54, v38;
	v25 =	vadd.f32 v25, v30  }
0x2dc: {  	s0 =	sadd.s32 $0x1, s0;
	[tilespmem:s2+$0x1DCB0] =	vst v27;
	v60 =	vadd.f32 v55, v35;
	v24 =	vadd.f32 v24, v31  }
0x2dd: {  	p0 =	sne.s32 s0, $0x8;
	[tilespmem:s2+$0x1DCC0] =	vst v28;
	v61 =	vadd.f32 v57, v33;
	v22 =	vadd.f32 v22, v25  }
.Ltmp14:
0x2de: {  	[tilespmem:s2+$0x1DCD0] =	vst v29;
	v62 =	vadd.f32 v58, v60;
	v21 =	vadd.f32 v21, v24;
	(pc) =	sbr.rel @p0 .LBB2_27-.Ltmp14, $4  }
0x2df: {  	v63 =	vadd.f32 v59, v61;
	[tilespmem:s2+$0x1DCE0] =	vst v22  }
0x2e0: {  	v22 =	vadd.f32 v23, v62;
	[tilespmem:s2+$0x1DCF0] =	vst v21  }
0x2e1: {  	[tilespmem:s2+$0x1DD00] =	vst v63  }
0x2e2: {  	s7 =	sadd.s32 $0xC80, s7;
	[tilespmem:s2+$0x1DD10] =	vst v22  }
0x2e3: {  	s28 =	sadd.s32 $0x1, s28  }
0x2e4: {  	p0 =	sne.s32 s28, $0xA  }
.Ltmp15:
0x2e5: {  	_ = 	snop;
	(pc) =	sbr.rel @p0 .LBB2_10-.Ltmp15, $3  }
0x2e6: {  	_ =	sdelay $0x1  }
0x2e7: {  	s0 =	sadd.s32 s4, s21  }
0x2e8: {  	[hbm4b:s0+s3] =	stream.linear.scatter [tilespmem:s18], [sflag:$0x7], $0x400, $0x38;
	[tilespmem:$0x1E0A0] =	vst v63  }
0x2e9: {  	_ =	swait.ge [sflag:s12], $0x400  }
0x2ea: {  	[sflag:s12] =	ssyncset.done $0x0  }
0x2eb: {  	[sflag:s12] =	ssyncadd.s32 $0xFFFFFC00  }
0x2ec: {  	_ =	swait.ge [sflag:s8], $0x400  }
0x2ed: {  	s2 =	rddreg [dreg:$0x13]  }
0x2ee: {  	s0 =	rddreg [dreg:$0x12];
	s2 =	sadd.s32 $0x1, s2  }
0x2ef: {  	p0 =	sne.s32 s2, s0  }
.Ltmp16:
0x2f0: {  	_ = 	snop;
	(pc) =	sbr.rel @p0 .LBB2_1-.Ltmp16, $3  }
0x2f1: {  	_ =	sdelay $0x1  }
0x2f2: {  	[sflag:s8] =	ssyncset.done $0x0  }
0x2f3: {  	s23 =	rddreg [dreg:$0x5];
	[sflag:s8] =	ssyncadd.s32 $0xFFFFFC00  }
0x2f4: {  	_ =	sfence.sel $0x180000  }
0x2f5: {  	[bflag:$0x0] =	sbarrier.arrive $0xFFFF  }
0x2f6: {  	_ =	strace $0x90000047  }
0x2f7: {  	s0 =	stileid.u32;
	[bflag:$0x2] =	sbarrier.arrive $0xFFFF  }
0x2f8: {  	p0 =	sne.s32 s0, $0x0;
	s0 =	rddreg [dreg:$0x4]  }
0x2f9: {  	s0 =	sadd.s32 @!p0 $0x100000, s0  }
0x2fa: {  	[sflag:s0] =	ssyncadd.tile.s32 @!p0 $0x1;
	_ =	shalt  }
.Lfunc_end2:
_tile_overlayer_lowered:
.L_overlay_start_2:
0x2fb: {  	(tag) =	ssettag $0x2  }
0x2fc: {  	s0 =	rddreg [dreg:$0x0];
	s2 =	stileid.u32  }
0x2fd: {  	s1 =	rddreg [dreg:$0x1];
	p0 =	sne.s32 s2, $0x0  }
0x2fe: {  	s3 =	rddreg [dreg:$0x2];
	[bflag:$0x3] =	sbarrier.arrive $0xFFFF;
	s2 =	simm.s32 @!p0 $0x1C08  }
0x2ff: {  	[timem:s3], [sflag:s2] =	dma.local @!p0 [hbm:s0], s1  }
0x300: {  	s0 =	simm.s32 @!p0 $0x8  }
0x301: {  	_ =	swait.ge @!p0 [sflag:s0], s1  }
0x302: {  	s1 =	ssub.s32 @!p0 $0x0, s1;
	[sflag:s0] =	ssyncset.done @!p0 $0x0  }
0x303: {  	[sflag:s0] =	ssyncadd.s32 @!p0 s1  }
0x304: {  	[bflag:$0x3] =	sbarrier.arrive $0xFFFF  }
0x305: {  	_ =	shalt  }

</sc_bundles>
